<compile_context>
chip_gen: v7x
topology: tpu7x:2x2x1
jax: 0.10.2.dev20260603
libtpu: 0.0.44.dev20260713+nightly
codegen_flags: <defaults>
</compile_context>

<pallas_src>
import functools

import jax
import jax.numpy as jnp
from jax import lax
from jax.experimental import pallas as pl
from jax.experimental.pallas import tpu as pltpu
from jax.experimental.pallas import tpu_sc as plsc

N = 3976
E = 254464
D = 128
REL = 4
IDXN = 1024

NW = 32
NP = 4096
RPS = NP // 16
ZR = RPS // 8
DH = D // 2
CP = 56
EPS = E // 16
NCHP = EPS // CP
EPW = E // NW

_MESH = plsc.VectorSubcoreMesh(core_axis_name="c", subcore_axis_name="s")
_SC_PARAMS = pltpu.CompilerParams(needs_layout_passes=False,
                                  use_tc_tiling_on_sc=False)


@functools.partial(
    pl.kernel,
    mesh=_MESH,
    compiler_params=_SC_PARAMS,
    out_type=jax.ShapeDtypeStruct((NW, NP), jnp.float32),
    scratch_types=[
        pltpu.VMEM((NP,), jnp.float32),
        pltpu.VMEM((EPW,), jnp.int32),
    ],
)
def _deg_kernel(dst_hbm, out, deg_v, dstb):
    w = lax.axis_index("s") * 2 + lax.axis_index("c")
    zero = jnp.zeros((16,), jnp.float32)

    def zbody(i, c):
        deg_v[pl.ds(i * 16, 16)] = zero
        return c

    lax.fori_loop(0, NP // 16, zbody, 0)
    pltpu.sync_copy(dst_hbm.at[pl.ds(w * EPW, EPW)], dstb)
    ones = jnp.full((16,), 1.0, jnp.float32)

    def body(v, c):
        dv = dstb[pl.ds(v * 16, 16)]
        plsc.addupdate_scatter(deg_v, [dv], ones)
        return c

    lax.fori_loop(0, EPW // 16, body, 0)
    pltpu.sync_copy(deg_v, out.at[w])


@functools.partial(
    pl.kernel,
    mesh=_MESH,
    compiler_params=_SC_PARAMS,
    out_type=[
        jax.ShapeDtypeStruct((2, NP, DH), jnp.float32),
        jax.ShapeDtypeStruct((2, NP, DH), jnp.float32),
        jax.ShapeDtypeStruct((2, NP, DH), jnp.float32),
    ],
    scratch_types=[
        pltpu.VMEM_SHARED((NP, DH), jnp.float32),
        pltpu.VMEM_SHARED((NP, DH), jnp.float32),
        pltpu.VMEM_SHARED((NP, DH), jnp.float32),
    ] + [pltpu.VMEM((3, CP), jnp.int32) for _ in range(4)]
      + [pltpu.VMEM((CP, DH), jnp.float32) for _ in range(4)]
      + [pltpu.VMEM((CP, DH), jnp.float32) for _ in range(4)]
      + [pltpu.VMEM((CP, DH), jnp.float32) for _ in range(4)]
      + [
        pltpu.VMEM((ZR, DH), jnp.float32),
    ] + [pltpu.SemaphoreType.DMA for _ in range(12)],
)
def _edge_kernel(t_hbm, y_hbm, eidx_hbm, s_out, num_out, g_out,
                 s_sh, num_sh, g_sh, i0, i1, i2, i3, t0, t1, t2, t3,
                 c0, c1, c2, c3, y0, y1, y2, y3, zb1,
                 sT0, sT1, sT2, sT3, sY0, sY1, sY2, sY3,
                 sS0, sS1, sS2, sS3):
    cid = lax.axis_index("c")
    sid = lax.axis_index("s")
    zero = jnp.zeros((16,), jnp.float32)

    def zb(i, c):
        for f in range(DH // 16):
            zb1[i, pl.ds(f * 16, 16)] = zero
        return c

    lax.fori_loop(0, ZR, zb, 0)
    rbase = sid * RPS
    for j in range(RPS // ZR):
        pltpu.sync_copy(zb1, s_sh.at[pl.ds(rbase + j * ZR, ZR)])
        pltpu.sync_copy(zb1, num_sh.at[pl.ds(rbase + j * ZR, ZR)])
        pltpu.sync_copy(zb1, g_sh.at[pl.ds(rbase + j * ZR, ZR)])
    plsc.subcore_barrier()

    t_half = t_hbm.at[cid]
    y_half = y_hbm.at[cid]
    slots = ((i0, t0, c0, y0, sT0, sY0, sS0),
             (i1, t1, c1, y1, sT1, sY1, sS1),
             (i2, t2, c2, y2, sT2, sY2, sS2),
             (i3, t3, c3, y3, sT3, sY3, sS3))

    def issue(ci, sl):
        idxb, rT, _, rY, sT, sY, _ = slots[sl]
        pltpu.sync_copy(eidx_hbm.at[sid, ci], idxb)
        pltpu.async_copy(t_half.at[idxb.at[1]], rT, sT)
        pltpu.async_copy(y_half.at[idxb.at[2]], rY, sY)

    def compute_and_fire(sl):
        idxb, rT, cb, rY, sT, sY, sS = slots[sl]
        pltpu.make_async_copy(t_half.at[idxb.at[1]], rT, sT).wait()

        def crow(r, c2):
            for f in range(DH // 16):
                t = rT[r, pl.ds(f * 16, 16)]
                e = jnp.exp(t)
                cb[r, pl.ds(f * 16, 16)] = e
                rT[r, pl.ds(f * 16, 16)] = t * e
            return c2

        lax.fori_loop(0, CP, crow, 0)
        pltpu.make_async_copy(y_half.at[idxb.at[2]], rY, sY).wait()
        pltpu.async_copy(cb, s_sh.at[idxb.at[0]], sS, add=True)
        pltpu.async_copy(rT, num_sh.at[idxb.at[0]], sS, add=True)
        pltpu.async_copy(rY, g_sh.at[idxb.at[0]], sS, add=True)

    def drain(sl):
        idxb, rT, cb, rY, sT, sY, sS = slots[sl]
        pltpu.make_async_copy(cb, s_sh.at[idxb.at[0]], sS).wait()
        pltpu.make_async_copy(rT, num_sh.at[idxb.at[0]], sS).wait()
        pltpu.make_async_copy(rY, g_sh.at[idxb.at[0]], sS).wait()

    issue(0, 0)
    issue(1, 1)

    def body(j, c):
        base = j * 4
        for k in range(4):
            ci = base + k
            compute_and_fire(k)

            @pl.when(ci >= 2)
            def _():
                drain((k - 2) % 4)

            @pl.when(ci + 2 < NCHP)
            def _():
                issue(ci + 2, (k + 2) % 4)
        return c

    lax.fori_loop(0, NCHP // 4, body, 0)
    drain(2)
    drain(3)
    plsc.subcore_barrier()

    pltpu.sync_copy(s_sh.at[pl.ds(rbase, RPS)], s_out.at[cid, pl.ds(rbase, RPS)])
    pltpu.sync_copy(num_sh.at[pl.ds(rbase, RPS)], num_out.at[cid, pl.ds(rbase, RPS)])
    pltpu.sync_copy(g_sh.at[pl.ds(rbase, RPS)], g_out.at[cid, pl.ds(rbase, RPS)])


_ROWS = IDXN // NW


@functools.partial(
    pl.kernel,
    mesh=_MESH,
    compiler_params=_SC_PARAMS,
    out_type=jax.ShapeDtypeStruct((IDXN, D), jnp.float32),
    scratch_types=[
        pltpu.VMEM((_ROWS,), jnp.int32),
        pltpu.VMEM((_ROWS, D), jnp.float32),
        pltpu.SemaphoreType.DMA,
    ],
)
def _gather_kernel(h_hbm, idx_hbm, out, idx_v, rows_v, sem):
    w = lax.axis_index("s") * 2 + lax.axis_index("c")
    base = w * _ROWS
    pltpu.sync_copy(idx_hbm.at[pl.ds(base, _ROWS)], idx_v)
    pltpu.async_copy(h_hbm.at[idx_v], rows_v, sem).wait()
    pltpu.sync_copy(rows_v, out.at[pl.ds(base, _ROWS)])


def _ln(t, g_row, b_row):
    mu = t.mean(1, keepdims=True)
    var = ((t - mu) ** 2).mean(1, keepdims=True)
    return (t - mu) * jax.lax.rsqrt(var + 1e-5) * g_row + b_row


def _dinv_col(deg_ref):
    deg = jnp.sum(deg_ref[...], axis=0)[:N]
    return jnp.where(deg > 0, jax.lax.rsqrt(jnp.maximum(deg, 1.0)), 0.0)[:, None]


def _dense_stage(x, dinv_col, w_rel, pg_w, pg_b, ng_g, ng_b, tab_o, y_o):
    g = _ln(jax.nn.relu(x @ pg_w + pg_b), ng_g, ng_b)
    y_o[...] = x * dinv_col
    ps = [jnp.dot(x, w_rel[r], preferred_element_type=jnp.float32)
          for r in range(REL)]
    m = ps[0].max(0, keepdims=True)
    for r in range(1, REL):
        m = jnp.maximum(m, ps[r].max(0, keepdims=True))
    for r in range(REL):
        tab_o[:, r, :] = ps[r] - m
    return g, m


def _pre_body(x0_ref, deg_ref, proj_w, proj_b, bn_g, bn_b,
              wi_w, wi_b, pg_w, pg_b, ng_g, ng_b, w_rel,
              g_o, y_o, tab_o, m_o):
    dinv_col = _dinv_col(deg_ref)
    hp = x0_ref[...] @ proj_w[...] + proj_b[...]
    mu = hp.mean(0, keepdims=True)
    var = ((hp - mu) ** 2).mean(0, keepdims=True)
    h = jax.nn.relu((hp - mu) * jax.lax.rsqrt(var + 1e-5) * bn_g[...] + bn_b[...])
    x = h @ wi_w[...] + wi_b[...]
    g, m = _dense_stage(x, dinv_col, w_rel[...], pg_w[...], pg_b[...],
                        ng_g[...], ng_b[...], tab_o, y_o)
    g_o[...] = g
    m_o[...] = m


def _combine(g, s_p, num_p, g2_p, m, dinv_col, co_w, co_b, n_g, n_b):
    s = jnp.concatenate([s_p[0, :N, :], s_p[1, :N, :]], axis=1)
    num = jnp.concatenate([num_p[0, :N, :], num_p[1, :N, :]], axis=1)
    g2 = jnp.concatenate([g2_p[0, :N, :], g2_p[1, :N, :]], axis=1)
    msg = jnp.where(s > 0, num / jnp.maximum(s, 1e-37) + m, 0.0)
    tot = g + g2 * dinv_col + 0.1 * jax.nn.relu(msg)
    return _ln(tot @ co_w + co_b, n_g, n_b)


def _mid_body(g_ref, s_ref, num_ref, g2_ref, m_ref, deg_ref,
              co_w, co_b, n_g, n_b,
              wi_w, wi_b, pg_w, pg_b, ng_g, ng_b, w_rel,
              g_o, y_o, tab_o, m_o):
    dinv_col = _dinv_col(deg_ref)
    h = _combine(g_ref[...], s_ref[...], num_ref[...], g2_ref[...], m_ref[...],
                 dinv_col, co_w[...], co_b[...], n_g[...], n_b[...])
    x = h @ wi_w[...] + wi_b[...]
    g, m = _dense_stage(x, dinv_col, w_rel[...], pg_w[...], pg_b[...],
                        ng_g[...], ng_b[...], tab_o, y_o)
    g_o[...] = g
    m_o[...] = m


def _post_body(g_ref, s_ref, num_ref, g2_ref, m_ref, deg_ref,
               co_w, co_b, n_g, n_b, h_o):
    dinv_col = _dinv_col(deg_ref)
    h = _combine(g_ref[...], s_ref[...], num_ref[...], g2_ref[...], m_ref[...],
                 dinv_col, co_w[...], co_b[...], n_g[...], n_b[...])
    h_o[...] = h * 0.5 * (1.0 + jax.lax.erf(h * (2.0 ** -0.5)))


_ND = jax.ShapeDtypeStruct((N, D), jnp.float32)
_DENSE_OUT = [_ND, _ND,
              jax.ShapeDtypeStruct((N, REL, D), jnp.float32),
              jax.ShapeDtypeStruct((1, D), jnp.float32)]

_TC_PARAMS = pltpu.CompilerParams(vmem_limit_bytes=100 * 1024 * 1024)
_pre_call = pl.pallas_call(_pre_body, out_shape=_DENSE_OUT, compiler_params=_TC_PARAMS)
_mid_call = pl.pallas_call(_mid_body, out_shape=_DENSE_OUT, compiler_params=_TC_PARAMS)
_post_call = pl.pallas_call(_post_body, out_shape=_ND, compiler_params=_TC_PARAMS)


def kernel(x, edge_index, idx, edge_type, params):
    src = edge_index[0]
    dst = edge_index[1]
    key2 = dst * 4 + edge_type
    eidx = jnp.stack([src, key2, dst]).reshape(3, 16, NCHP, CP)
    eidx = eidx.transpose(1, 2, 0, 3)

    deg_part = _deg_kernel(dst)

    def halves(a):
        return jnp.stack([a[:, :DH], a[:, DH:]])

    l1, l2 = params["layers"]

    def row(v):
        return v.reshape(1, D)

    g1, y1, tab1, m1 = _pre_call(
        x, deg_part, params["proj_w"], row(params["proj_b"]),
        row(params["bn_g"]), row(params["bn_b"]),
        l1["wi_w"], row(l1["wi_b"]), l1["pg_w"], row(l1["pg_b"]),
        row(l1["ng_g"]), row(l1["ng_b"]), l1["w_rel"])

    s1, num1, g21 = _edge_kernel(halves(tab1.reshape(N * REL, D)), halves(y1), eidx)

    g2_, y2, tab2, m2 = _mid_call(
        g1, s1, num1, g21, m1, deg_part,
        l1["co_w"], row(l1["co_b"]), row(l1["n_g"]), row(l1["n_b"]),
        l2["wi_w"], row(l2["wi_b"]), l2["pg_w"], row(l2["pg_b"]),
        row(l2["ng_g"]), row(l2["ng_b"]), l2["w_rel"])

    s2, num2, g22 = _edge_kernel(halves(tab2.reshape(N * REL, D)), halves(y2), eidx)

    h = _post_call(g2_, s2, num2, g22, m2, deg_part,
                   l2["co_w"], row(l2["co_b"]), row(l2["n_g"]), row(l2["n_b"]))

    return _gather_kernel(h, idx)

# --- scband reference (transcript-rebuilt; emitter-appended) ---
"""Pipeline reference for scband-gnnconv-23227183136815 (READ-ONLY COPY).

The authoritative reference and input builder live on the scoring server;
editing this copy changes nothing except your own understanding.
"""

import jax, jax.numpy as jnp
import numpy as np

N_NODES = 3976
N_EDGES = 254464
D = 128
REL = 4
N_LAYER = 2
IDX_N = 1024


def _dense(key, fan_in, fan_out):
    bound = 1.0 / np.sqrt(fan_in)
    kw, kb = jax.random.split(key)
    W = jax.random.uniform(kw, (fan_in, fan_out), minval=-bound, maxval=bound, dtype=jnp.float32)
    b = jax.random.uniform(kb, (fan_out,), minval=-bound, maxval=bound, dtype=jnp.float32)
    return W, b


def setup_inputs(seed: int = 0) -> dict:
    key = jax.random.key(seed)
    ks = jax.random.split(key, 10)
    x = jax.random.normal(ks[0], (N_NODES, D), dtype=jnp.float32)
    edge_index = jax.random.randint(ks[1], (2, N_EDGES), 0, N_NODES, dtype=jnp.int32)
    idx = jax.random.randint(ks[2], (IDX_N,), 0, N_NODES, dtype=jnp.int32)
    edge_type = jax.random.randint(ks[3], (N_EDGES,), 0, REL, dtype=jnp.int32)
    proj_w, proj_b = _dense(ks[4], D, D)
    layers = []
    for i in range(N_LAYER):
        lk = jax.random.fold_in(ks[5], i)
        lks = jax.random.split(lk, 5)
        bound = 1.0 / np.sqrt(D)
        w_rel = jax.random.uniform(lks[0], (REL, D, D), minval=-bound, maxval=bound, dtype=jnp.float32)
        pg_w, pg_b = _dense(lks[1], D, D)
        wi_w, wi_b = _dense(lks[2], D, D)
        co_w, co_b = _dense(lks[3], D, D)
        layers.append(dict(w_rel=w_rel, pg_w=pg_w, pg_b=pg_b,
                           ng_g=jnp.ones((D,), jnp.float32), ng_b=jnp.zeros((D,), jnp.float32),
                           wi_w=wi_w, wi_b=wi_b, co_w=co_w, co_b=co_b,
                           n_g=jnp.ones((D,), jnp.float32), n_b=jnp.zeros((D,), jnp.float32)))
    params = dict(proj_w=proj_w, proj_b=proj_b,
                  bn_g=jnp.ones((D,), jnp.float32), bn_b=jnp.zeros((D,), jnp.float32),
                  layers=layers)
    return {"x": x, "edge_index": edge_index, "idx": idx, "edge_type": edge_type, "params": params}


def _ln(t, g, b):
    mu = t.mean(-1, keepdims=True)
    var = ((t - mu) ** 2).mean(-1, keepdims=True)
    return (t - mu) / jnp.sqrt(var + 1e-5) * g + b


def _dan(h, edge_index, edge_type, p):
    # x = W_input(contagion_risk)
    x = h @ p["wi_w"] + p["wi_b"]
    src = edge_index[0]
    dst = edge_index[1]
    x_j = x[dst]
    # gcn_norm(edge_index, num_nodes=3976, add_self_loops=False)
    deg = jax.ops.segment_sum(jnp.ones((N_EDGES,), jnp.float32), dst, num_segments=N_NODES)
    dinv = jnp.where(deg > 0, 1.0 / jnp.sqrt(deg), 0.0)
    norm_weight = (dinv[src] * dinv[dst])[:, None]
    # edge_weight is None branch
    msg_gcn = _ln(jax.nn.relu(x @ p["pg_w"] + p["pg_b"]), p["ng_g"], p["ng_b"]) \
        + jax.ops.segment_sum(x_j * norm_weight, src, num_segments=N_NODES)
    # per-relation transform: res[e] = x_j[e] @ W_rel[edge_type[e]]
    # equivalently (x @ W_rel[r])[dst[e]] selected by edge_type -- same math, gather form
    T = jnp.einsum('nd,rde->rne', x, p["w_rel"])
    res = T[edge_type, dst]
    # segment softmax over destination nodes (index=edge_index[0])
    m = jax.lax.stop_gradient(jax.ops.segment_max(res, src, num_segments=N_NODES))
    m = jnp.where(jnp.isfinite(m), m, 0.0)
    ex = jnp.exp(res - m[src])
    s = jax.ops.segment_sum(ex, src, num_segments=N_NODES)
    weig = ex / s[src]
    msg = jax.ops.segment_sum(res * weig, src, num_segments=N_NODES)
    out = (msg_gcn + 0.1 * jax.nn.relu(msg)) @ p["co_w"] + p["co_b"]
    return _ln(out, p["n_g"], p["n_b"])


def reference(x, edge_index, idx, edge_type, params):
    h = x @ params["proj_w"] + params["proj_b"]
    # BatchNorm1d (training-mode batch statistics, biased variance)
    mu = h.mean(0)
    var = ((h - mu) ** 2).mean(0)
    h = (h - mu) / jnp.sqrt(var + 1e-5) * params["bn_g"] + params["bn_b"]
    h = jax.nn.relu(h)
    for p in params["layers"]:
        h = _dan(h, edge_index, edge_type, p)
    # dropout is identity in eval mode
    h = jax.nn.gelu(h, approximate=False)
    return h[idx]

if __name__ == "__main__":
    import jax
    _d = setup_inputs()
    print(jax.jit(kernel)(*tuple(_d.values())))

</pallas_src>

<mosaic_0001>
#map = affine_map<(d0, d1) -> (0)>
#map1 = affine_map<(d0, d1) -> (0, 0)>
module attributes {stable_mosaic.version = 14 : i64} {
  func.func @_deg_kernel(%arg0: i32, %arg1: i32, %arg2: memref<254464xi32, #tpu.memory_space<hbm>>, %arg3: memref<32x4096xf32, #tpu.memory_space<hbm>>, %arg4: memref<4096xf32, #tpu.memory_space<vmem>>, %arg5: memref<7952xi32, #tpu.memory_space<vmem>>) attributes {dimension_semantics = [#tpu.dimension_semantics<core_parallel>, #tpu.dimension_semantics<subcore_parallel>], iteration_bounds = array<i64: 2, 16>, scalar_prefetch = 0 : i64, scratch_operands = 2 : i64, tpu.core_type = #tpu.core_type<sc_vector_subcore>, window_params = [{transform_indices = #map}, {transform_indices = #map1}]} {
    %mul3A = arith.constant 2 : i32
    %mul3A_0 = arith.muli %arg1, %mul3A : i32
    %add3A = arith.addi %mul3A_0, %arg0 : i32
    %broadcast_in_dim3A = arith.constant 0.000000e+00 : f32
    %broadcast_in_dim3A_1 = vector.broadcast %broadcast_in_dim3A : f32 to vector<16xf32>
    %scan3A = arith.constant 0 : i32
    %scan3A_2 = arith.constant 0 : i32
    %scan3A_3 = arith.constant 256 : i32
    %scan3A_4 = arith.addi %scan3A_2, %scan3A_3 : i32
    %scan3A_5 = arith.constant 1 : i32
    scf.for %scan3A_17 = %scan3A_2 to %scan3A_4 step %scan3A_5  : i32 {
      %mul3A_18 = arith.constant 16 : i32
      %mul3A_19 = arith.muli %scan3A_17, %mul3A_18 : i32
      %swap3A = arith.index_cast %mul3A_19 : i32 to index
      %swap3A_20 = tpu.vector_load %arg4[%swap3A] {strides = array<i32>} : memref<4096xf32, #tpu.memory_space<vmem>>, vector<16xf32>,
      tpu.vector_store %arg4[%swap3A], %broadcast_in_dim3A_1 {strides = array<i32>} : memref<4096xf32, #tpu.memory_space<vmem>>, vector<16xf32>,
    }
    %scan3A_6 = arith.constant 256 : i32
    %mul3A_7 = arith.constant 7952 : i32
    %mul3A_8 = arith.muli %add3A, %mul3A_7 : i32
    "tpu.region"() ({
      %run_scoped3A = tpu.sem_alloc : memref<!tpu.dma_semaphore, #tpu.memory_space<semaphore_mem>>
      %dma_start3A = tpu.memref_slice %arg2[%mul3A_8] : memref<254464xi32, #tpu.memory_space<hbm>> -> memref<7952xi32, #tpu.memory_space<hbm>>
      %dma_start3A_17 = tpu.memref_slice %arg2[%mul3A_8] : memref<254464xi32, #tpu.memory_space<hbm>> -> memref<7952xi32, #tpu.memory_space<hbm>>
      tpu.enqueue_dma source(%dma_start3A_17 : memref<7952xi32, #tpu.memory_space<hbm>>) target(%arg5 : memref<7952xi32, #tpu.memory_space<vmem>>) target_semaphore(%run_scoped3A : memref<!tpu.dma_semaphore, #tpu.memory_space<semaphore_mem>>)
      %dma_wait3A = tpu.memref_slice %arg2[%mul3A_8] : memref<254464xi32, #tpu.memory_space<hbm>> -> memref<7952xi32, #tpu.memory_space<hbm>>
      %dma_wait3A_18 = tpu.memref_slice %arg2[%mul3A_8] : memref<254464xi32, #tpu.memory_space<hbm>> -> memref<7952xi32, #tpu.memory_space<hbm>>
      tpu.wait_dma2 semaphore(%run_scoped3A : memref<!tpu.dma_semaphore, #tpu.memory_space<semaphore_mem>>) src(%dma_wait3A_18 : memref<7952xi32, #tpu.memory_space<hbm>>) dst(%arg5 : memref<7952xi32, #tpu.memory_space<vmem>>)
      tpu.yield
    }) : () -> ()
    %broadcast_in_dim3A_9 = arith.constant 1.000000e+00 : f32
    %broadcast_in_dim3A_10 = vector.broadcast %broadcast_in_dim3A_9 : f32 to vector<16xf32>
    %scan3A_11 = arith.constant 0 : i32
    %scan3A_12 = arith.constant 0 : i32
    %scan3A_13 = arith.constant 497 : i32
    %scan3A_14 = arith.addi %scan3A_12, %scan3A_13 : i32
    %scan3A_15 = arith.constant 1 : i32
    scf.for %scan3A_17 = %scan3A_12 to %scan3A_14 step %scan3A_15  : i32 {
      %mul3A_18 = arith.constant 16 : i32
      %mul3A_19 = arith.muli %scan3A_17, %mul3A_18 : i32
      %get3A = arith.index_cast %mul3A_19 : i32 to index
      %get3A_20 = tpu.vector_load %arg5[%get3A] {strides = array<i32>} : memref<7952xi32, #tpu.memory_space<vmem>>, vector<16xi32>,
      tpu.vector_store_idx %arg4[%get3A_20], %broadcast_in_dim3A_10 {add = true} : memref<4096xf32, #tpu.memory_space<vmem>>[vector<16xi32>], vector<16xf32>,
    }
    %scan3A_16 = arith.constant 497 : i32
    "tpu.region"() ({
      %run_scoped3A = tpu.sem_alloc : memref<!tpu.dma_semaphore, #tpu.memory_space<semaphore_mem>>
      %dma_start3A = arith.constant 0 : i32
      %dma_start3A_17 = tpu.memref_slice %arg3[%add3A, %dma_start3A] : memref<32x4096xf32, #tpu.memory_space<hbm>> -> memref<1x4096xf32, #tpu.memory_space<hbm>>
      %dma_start3A_18 = tpu.memref_squeeze %dma_start3A_17 : memref<1x4096xf32, #tpu.memory_space<hbm>> -> memref<4096xf32, #tpu.memory_space<hbm>>
      %dma_start3A_19 = arith.constant 0 : i32
      %dma_start3A_20 = tpu.memref_slice %arg3[%add3A, %dma_start3A_19] : memref<32x4096xf32, #tpu.memory_space<hbm>> -> memref<1x4096xf32, #tpu.memory_space<hbm>>
      %dma_start3A_21 = tpu.memref_squeeze %dma_start3A_20 : memref<1x4096xf32, #tpu.memory_space<hbm>> -> memref<4096xf32, #tpu.memory_space<hbm>>
      tpu.enqueue_dma source(%arg4 : memref<4096xf32, #tpu.memory_space<vmem>>) target(%dma_start3A_21 : memref<4096xf32, #tpu.memory_space<hbm>>) target_semaphore(%run_scoped3A : memref<!tpu.dma_semaphore, #tpu.memory_space<semaphore_mem>>)
      %dma_wait3A = arith.constant 0 : i32
      %dma_wait3A_22 = tpu.memref_slice %arg3[%add3A, %dma_wait3A] : memref<32x4096xf32, #tpu.memory_space<hbm>> -> memref<1x4096xf32, #tpu.memory_space<hbm>>
      %dma_wait3A_23 = tpu.memref_squeeze %dma_wait3A_22 : memref<1x4096xf32, #tpu.memory_space<hbm>> -> memref<4096xf32, #tpu.memory_space<hbm>>
      %dma_wait3A_24 = arith.constant 0 : i32
      %dma_wait3A_25 = tpu.memref_slice %arg3[%add3A, %dma_wait3A_24] : memref<32x4096xf32, #tpu.memory_space<hbm>> -> memref<1x4096xf32, #tpu.memory_space<hbm>>
      %dma_wait3A_26 = tpu.memref_squeeze %dma_wait3A_25 : memref<1x4096xf32, #tpu.memory_space<hbm>> -> memref<4096xf32, #tpu.memory_space<hbm>>
      tpu.wait_dma2 semaphore(%run_scoped3A : memref<!tpu.dma_semaphore, #tpu.memory_space<semaphore_mem>>) src(%arg4 : memref<4096xf32, #tpu.memory_space<vmem>>) dst(%dma_wait3A_26 : memref<4096xf32, #tpu.memory_space<hbm>>)
      tpu.yield
    }) : () -> ()
    return
  }
}

#map = affine_map<(d0, d1) -> (0, 0, 0)>
#map1 = affine_map<(d0, d1) -> (0, 0, 0, 0)>
module attributes {stable_mosaic.version = 14 : i64} {
  func.func @_edge_kernel(%arg0: i32, %arg1: i32, %arg2: memref<2x15904x64xf32, #tpu.memory_space<hbm>>, %arg3: memref<2x3976x64xf32, #tpu.memory_space<hbm>>, %arg4: memref<16x284x3x56xi32, #tpu.memory_space<hbm>>, %arg5: memref<2x4096x64xf32, #tpu.memory_space<hbm>>, %arg6: memref<2x4096x64xf32, #tpu.memory_space<hbm>>, %arg7: memref<2x4096x64xf32, #tpu.memory_space<hbm>>, %arg8: memref<4096x64xf32, #tpu.memory_space<vmem_shared>>, %arg9: memref<4096x64xf32, #tpu.memory_space<vmem_shared>>, %arg10: memref<4096x64xf32, #tpu.memory_space<vmem_shared>>, %arg11: memref<3x56xi32, #tpu.memory_space<vmem>>, %arg12: memref<3x56xi32, #tpu.memory_space<vmem>>, %arg13: memref<3x56xi32, #tpu.memory_space<vmem>>, %arg14: memref<3x56xi32, #tpu.memory_space<vmem>>, %arg15: memref<56x64xf32, #tpu.memory_space<vmem>>, %arg16: memref<56x64xf32, #tpu.memory_space<vmem>>, %arg17: memref<56x64xf32, #tpu.memory_space<vmem>>, %arg18: memref<56x64xf32, #tpu.memory_space<vmem>>, %arg19: memref<56x64xf32, #tpu.memory_space<vmem>>, %arg20: memref<56x64xf32, #tpu.memory_space<vmem>>, %arg21: memref<56x64xf32, #tpu.memory_space<vmem>>, %arg22: memref<56x64xf32, #tpu.memory_space<vmem>>, %arg23: memref<56x64xf32, #tpu.memory_space<vmem>>, %arg24: memref<56x64xf32, #tpu.memory_space<vmem>>, %arg25: memref<56x64xf32, #tpu.memory_space<vmem>>, %arg26: memref<56x64xf32, #tpu.memory_space<vmem>>, %arg27: memref<32x64xf32, #tpu.memory_space<vmem>>, %arg28: memref<!tpu.dma_semaphore, #tpu.memory_space<semaphore_mem>>, %arg29: memref<!tpu.dma_semaphore, #tpu.memory_space<semaphore_mem>>, %arg30: memref<!tpu.dma_semaphore, #tpu.memory_space<semaphore_mem>>, %arg31: memref<!tpu.dma_semaphore, #tpu.memory_space<semaphore_mem>>, %arg32: memref<!tpu.dma_semaphore, #tpu.memory_space<semaphore_mem>>, %arg33: memref<!tpu.dma_semaphore, #tpu.memory_space<semaphore_mem>>, %arg34: memref<!tpu.dma_semaphore, #tpu.memory_space<semaphore_mem>>, %arg35: memref<!tpu.dma_semaphore, #tpu.memory_space<semaphore_mem>>, %arg36: memref<!tpu.dma_semaphore, #tpu.memory_space<semaphore_mem>>, %arg37: memref<!tpu.dma_semaphore, #tpu.memory_space<semaphore_mem>>, %arg38: memref<!tpu.dma_semaphore, #tpu.memory_space<semaphore_mem>>, %arg39: memref<!tpu.dma_semaphore, #tpu.memory_space<semaphore_mem>>) attributes {dimension_semantics = [#tpu.dimension_semantics<core_parallel>, #tpu.dimension_semantics<subcore_parallel>], iteration_bounds = array<i64: 2, 16>, scalar_prefetch = 0 : i64, scratch_operands = 32 : i64, tpu.core_type = #tpu.core_type<sc_vector_subcore>, window_params = [{transform_indices = #map}, {transform_indices = #map}, {transform_indices = #map1}, {transform_indices = #map}, {transform_indices = #map}, {transform_indices = #map}]} {
    %broadcast_in_dim3A = arith.constant 0.000000e+00 : f32
    %broadcast_in_dim3A_0 = vector.broadcast %broadcast_in_dim3A : f32 to vector<16xf32>
    %scan3A = arith.constant 0 : i32
    %scan3A_1 = arith.constant 0 : i32
    %scan3A_2 = arith.constant 32 : i32
    %scan3A_3 = arith.addi %scan3A_1, %scan3A_2 : i32
    %scan3A_4 = arith.constant 1 : i32
    scf.for %scan3A_146 = %scan3A_1 to %scan3A_3 step %scan3A_4  : i32 {
      %swap3A = arith.index_cast %scan3A_146 : i32 to index
      %swap3A_147 = arith.constant 0 : index
      %swap3A_148 = tpu.vector_load %arg27[%swap3A, %swap3A_147] {strides = array<i32>} : memref<32x64xf32, #tpu.memory_space<vmem>>, vector<16xf32>,
      tpu.vector_store %arg27[%swap3A, %swap3A_147], %broadcast_in_dim3A_0 {strides = array<i32>} : memref<32x64xf32, #tpu.memory_space<vmem>>, vector<16xf32>,
      %swap3A_149 = arith.index_cast %scan3A_146 : i32 to index
      %swap3A_150 = arith.constant 16 : index
      %swap3A_151 = tpu.vector_load %arg27[%swap3A_149, %swap3A_150] {strides = array<i32>} : memref<32x64xf32, #tpu.memory_space<vmem>>, vector<16xf32>,
      tpu.vector_store %arg27[%swap3A_149, %swap3A_150], %broadcast_in_dim3A_0 {strides = array<i32>} : memref<32x64xf32, #tpu.memory_space<vmem>>, vector<16xf32>,
      %swap3A_152 = arith.index_cast %scan3A_146 : i32 to index
      %swap3A_153 = arith.constant 32 : index
      %swap3A_154 = tpu.vector_load %arg27[%swap3A_152, %swap3A_153] {strides = array<i32>} : memref<32x64xf32, #tpu.memory_space<vmem>>, vector<16xf32>,
      tpu.vector_store %arg27[%swap3A_152, %swap3A_153], %broadcast_in_dim3A_0 {strides = array<i32>} : memref<32x64xf32, #tpu.memory_space<vmem>>, vector<16xf32>,
      %swap3A_155 = arith.index_cast %scan3A_146 : i32 to index
      %swap3A_156 = arith.constant 48 : index
      %swap3A_157 = tpu.vector_load %arg27[%swap3A_155, %swap3A_156] {strides = array<i32>} : memref<32x64xf32, #tpu.memory_space<vmem>>, vector<16xf32>,
      tpu.vector_store %arg27[%swap3A_155, %swap3A_156], %broadcast_in_dim3A_0 {strides = array<i32>} : memref<32x64xf32, #tpu.memory_space<vmem>>, vector<16xf32>,
    }
    %scan3A_5 = arith.constant 32 : i32
    %mul3A = arith.constant 256 : i32
    %mul3A_6 = arith.muli %arg1, %mul3A : i32
    %add3A = arith.constant 0 : i32
    %add3A_7 = arith.addi %mul3A_6, %add3A : i32
    "tpu.region"() ({
      %run_scoped3A_146 = tpu.sem_alloc : memref<!tpu.dma_semaphore, #tpu.memory_space<semaphore_mem>>
      %dma_start3A_147 = arith.constant 0 : i32
      %dma_start3A_148 = tpu.memref_slice %arg8[%add3A_7, %dma_start3A_147] : memref<4096x64xf32, #tpu.memory_space<vmem_shared>> -> memref<32x64xf32, #tpu.memory_space<vmem_shared>>
      %dma_start3A_149 = arith.constant 0 : i32
      %dma_start3A_150 = tpu.memref_slice %arg8[%add3A_7, %dma_start3A_149] : memref<4096x64xf32, #tpu.memory_space<vmem_shared>> -> memref<32x64xf32, #tpu.memory_space<vmem_shared>>
      tpu.enqueue_dma source(%arg27 : memref<32x64xf32, #tpu.memory_space<vmem>>) target(%dma_start3A_150 : memref<32x64xf32, #tpu.memory_space<vmem_shared>>) target_semaphore(%run_scoped3A_146 : memref<!tpu.dma_semaphore, #tpu.memory_space<semaphore_mem>>)
      %dma_wait3A_151 = arith.constant 0 : i32
      %dma_wait3A_152 = tpu.memref_slice %arg8[%add3A_7, %dma_wait3A_151] : memref<4096x64xf32, #tpu.memory_space<vmem_shared>> -> memref<32x64xf32, #tpu.memory_space<vmem_shared>>
      %dma_wait3A_153 = arith.constant 0 : i32
      %dma_wait3A_154 = tpu.memref_slice %arg8[%add3A_7, %dma_wait3A_153] : memref<4096x64xf32, #tpu.memory_space<vmem_shared>> -> memref<32x64xf32, #tpu.memory_space<vmem_shared>>
      tpu.wait_dma2 semaphore(%run_scoped3A_146 : memref<!tpu.dma_semaphore, #tpu.memory_space<semaphore_mem>>) src(%arg27 : memref<32x64xf32, #tpu.memory_space<vmem>>) dst(%dma_wait3A_154 : memref<32x64xf32, #tpu.memory_space<vmem_shared>>)
      tpu.yield
    }) : () -> ()
    %add3A_8 = arith.constant 0 : i32
    %add3A_9 = arith.addi %mul3A_6, %add3A_8 : i32
    "tpu.region"() ({
      %run_scoped3A_146 = tpu.sem_alloc : memref<!tpu.dma_semaphore, #tpu.memory_space<semaphore_mem>>
      %dma_start3A_147 = arith.constant 0 : i32
      %dma_start3A_148 = tpu.memref_slice %arg9[%add3A_9, %dma_start3A_147] : memref<4096x64xf32, #tpu.memory_space<vmem_shared>> -> memref<32x64xf32, #tpu.memory_space<vmem_shared>>
      %dma_start3A_149 = arith.constant 0 : i32
      %dma_start3A_150 = tpu.memref_slice %arg9[%add3A_9, %dma_start3A_149] : memref<4096x64xf32, #tpu.memory_space<vmem_shared>> -> memref<32x64xf32, #tpu.memory_space<vmem_shared>>
      tpu.enqueue_dma source(%arg27 : memref<32x64xf32, #tpu.memory_space<vmem>>) target(%dma_start3A_150 : memref<32x64xf32, #tpu.memory_space<vmem_shared>>) target_semaphore(%run_scoped3A_146 : memref<!tpu.dma_semaphore, #tpu.memory_space<semaphore_mem>>)
      %dma_wait3A_151 = arith.constant 0 : i32
      %dma_wait3A_152 = tpu.memref_slice %arg9[%add3A_9, %dma_wait3A_151] : memref<4096x64xf32, #tpu.memory_space<vmem_shared>> -> memref<32x64xf32, #tpu.memory_space<vmem_shared>>
      %dma_wait3A_153 = arith.constant 0 : i32
      %dma_wait3A_154 = tpu.memref_slice %arg9[%add3A_9, %dma_wait3A_153] : memref<4096x64xf32, #tpu.memory_space<vmem_shared>> -> memref<32x64xf32, #tpu.memory_space<vmem_shared>>
      tpu.wait_dma2 semaphore(%run_scoped3A_146 : memref<!tpu.dma_semaphore, #tpu.memory_space<semaphore_mem>>) src(%arg27 : memref<32x64xf32, #tpu.memory_space<vmem>>) dst(%dma_wait3A_154 : memref<32x64xf32, #tpu.memory_space<vmem_shared>>)
      tpu.yield
    }) : () -> ()
    %add3A_10 = arith.constant 0 : i32
    %add3A_11 = arith.addi %mul3A_6, %add3A_10 : i32
    "tpu.region"() ({
      %run_scoped3A_146 = tpu.sem_alloc : memref<!tpu.dma_semaphore, #tpu.memory_space<semaphore_mem>>
      %dma_start3A_147 = arith.constant 0 : i32
      %dma_start3A_148 = tpu.memref_slice %arg10[%add3A_11, %dma_start3A_147] : memref<4096x64xf32, #tpu.memory_space<vmem_shared>> -> memref<32x64xf32, #tpu.memory_space<vmem_shared>>
      %dma_start3A_149 = arith.constant 0 : i32
      %dma_start3A_150 = tpu.memref_slice %arg10[%add3A_11, %dma_start3A_149] : memref<4096x64xf32, #tpu.memory_space<vmem_shared>> -> memref<32x64xf32, #tpu.memory_space<vmem_shared>>
      tpu.enqueue_dma source(%arg27 : memref<32x64xf32, #tpu.memory_space<vmem>>) target(%dma_start3A_150 : memref<32x64xf32, #tpu.memory_space<vmem_shared>>) target_semaphore(%run_scoped3A_146 : memref<!tpu.dma_semaphore, #tpu.memory_space<semaphore_mem>>)
      %dma_wait3A_151 = arith.constant 0 : i32
      %dma_wait3A_152 = tpu.memref_slice %arg10[%add3A_11, %dma_wait3A_151] : memref<4096x64xf32, #tpu.memory_space<vmem_shared>> -> memref<32x64xf32, #tpu.memory_space<vmem_shared>>
      %dma_wait3A_153 = arith.constant 0 : i32
      %dma_wait3A_154 = tpu.memref_slice %arg10[%add3A_11, %dma_wait3A_153] : memref<4096x64xf32, #tpu.memory_space<vmem_shared>> -> memref<32x64xf32, #tpu.memory_space<vmem_shared>>
      tpu.wait_dma2 semaphore(%run_scoped3A_146 : memref<!tpu.dma_semaphore, #tpu.memory_space<semaphore_mem>>) src(%arg27 : memref<32x64xf32, #tpu.memory_space<vmem>>) dst(%dma_wait3A_154 : memref<32x64xf32, #tpu.memory_space<vmem_shared>>)
      tpu.yield
    }) : () -> ()
    %add3A_12 = arith.constant 32 : i32
    %add3A_13 = arith.addi %mul3A_6, %add3A_12 : i32
    "tpu.region"() ({
      %run_scoped3A_146 = tpu.sem_alloc : memref<!tpu.dma_semaphore, #tpu.memory_space<semaphore_mem>>
      %dma_start3A_147 = arith.constant 0 : i32
      %dma_start3A_148 = tpu.memref_slice %arg8[%add3A_13, %dma_start3A_147] : memref<4096x64xf32, #tpu.memory_space<vmem_shared>> -> memref<32x64xf32, #tpu.memory_space<vmem_shared>>
      %dma_start3A_149 = arith.constant 0 : i32
      %dma_start3A_150 = tpu.memref_slice %arg8[%add3A_13, %dma_start3A_149] : memref<4096x64xf32, #tpu.memory_space<vmem_shared>> -> memref<32x64xf32, #tpu.memory_space<vmem_shared>>
      tpu.enqueue_dma source(%arg27 : memref<32x64xf32, #tpu.memory_space<vmem>>) target(%dma_start3A_150 : memref<32x64xf32, #tpu.memory_space<vmem_shared>>) target_semaphore(%run_scoped3A_146 : memref<!tpu.dma_semaphore, #tpu.memory_space<semaphore_mem>>)
      %dma_wait3A_151 = arith.constant 0 : i32
      %dma_wait3A_152 = tpu.memref_slice %arg8[%add3A_13, %dma_wait3A_151] : memref<4096x64xf32, #tpu.memory_space<vmem_shared>> -> memref<32x64xf32, #tpu.memory_space<vmem_shared>>
      %dma_wait3A_153 = arith.constant 0 : i32
      %dma_wait3A_154 = tpu.memref_slice %arg8[%add3A_13, %dma_wait3A_153] : memref<4096x64xf32, #tpu.memory_space<vmem_shared>> -> memref<32x64xf32, #tpu.memory_space<vmem_shared>>
      tpu.wait_dma2 semaphore(%run_scoped3A_146 : memref<!tpu.dma_semaphore, #tpu.memory_space<semaphore_mem>>) src(%arg27 : memref<32x64xf32, #tpu.memory_space<vmem>>) dst(%dma_wait3A_154 : memref<32x64xf32, #tpu.memory_space<vmem_shared>>)
      tpu.yield
    }) : () -> ()
    %add3A_14 = arith.constant 32 : i32
    %add3A_15 = arith.addi %mul3A_6, %add3A_14 : i32
    "tpu.region"() ({
      %run_scoped3A_146 = tpu.sem_alloc : memref<!tpu.dma_semaphore, #tpu.memory_space<semaphore_mem>>
      %dma_start3A_147 = arith.constant 0 : i32
      %dma_start3A_148 = tpu.memref_slice %arg9[%add3A_15, %dma_start3A_147] : memref<4096x64xf32, #tpu.memory_space<vmem_shared>> -> memref<32x64xf32, #tpu.memory_space<vmem_shared>>
      %dma_start3A_149 = arith.constant 0 : i32
      %dma_start3A_150 = tpu.memref_slice %arg9[%add3A_15, %dma_start3A_149] : memref<4096x64xf32, #tpu.memory_space<vmem_shared>> -> memref<32x64xf32, #tpu.memory_space<vmem_shared>>
      tpu.enqueue_dma source(%arg27 : memref<32x64xf32, #tpu.memory_space<vmem>>) target(%dma_start3A_150 : memref<32x64xf32, #tpu.memory_space<vmem_shared>>) target_semaphore(%run_scoped3A_146 : memref<!tpu.dma_semaphore, #tpu.memory_space<semaphore_mem>>)
      %dma_wait3A_151 = arith.constant 0 : i32
      %dma_wait3A_152 = tpu.memref_slice %arg9[%add3A_15, %dma_wait3A_151] : memref<4096x64xf32, #tpu.memory_space<vmem_shared>> -> memref<32x64xf32, #tpu.memory_space<vmem_shared>>
      %dma_wait3A_153 = arith.constant 0 : i32
      %dma_wait3A_154 = tpu.memref_slice %arg9[%add3A_15, %dma_wait3A_153] : memref<4096x64xf32, #tpu.memory_space<vmem_shared>> -> memref<32x64xf32, #tpu.memory_space<vmem_shared>>
      tpu.wait_dma2 semaphore(%run_scoped3A_146 : memref<!tpu.dma_semaphore, #tpu.memory_space<semaphore_mem>>) src(%arg27 : memref<32x64xf32, #tpu.memory_space<vmem>>) dst(%dma_wait3A_154 : memref<32x64xf32, #tpu.memory_space<vmem_shared>>)
      tpu.yield
    }) : () -> ()
    %add3A_16 = arith.constant 32 : i32
    %add3A_17 = arith.addi %mul3A_6, %add3A_16 : i32
    "tpu.region"() ({
      %run_scoped3A_146 = tpu.sem_alloc : memref<!tpu.dma_semaphore, #tpu.memory_space<semaphore_mem>>
      %dma_start3A_147 = arith.constant 0 : i32
      %dma_start3A_148 = tpu.memref_slice %arg10[%add3A_17, %dma_start3A_147] : memref<4096x64xf32, #tpu.memory_space<vmem_shared>> -> memref<32x64xf32, #tpu.memory_space<vmem_shared>>
      %dma_start3A_149 = arith.constant 0 : i32
      %dma_start3A_150 = tpu.memref_slice %arg10[%add3A_17, %dma_start3A_149] : memref<4096x64xf32, #tpu.memory_space<vmem_shared>> -> memref<32x64xf32, #tpu.memory_space<vmem_shared>>
      tpu.enqueue_dma source(%arg27 : memref<32x64xf32, #tpu.memory_space<vmem>>) target(%dma_start3A_150 : memref<32x64xf32, #tpu.memory_space<vmem_shared>>) target_semaphore(%run_scoped3A_146 : memref<!tpu.dma_semaphore, #tpu.memory_space<semaphore_mem>>)
      %dma_wait3A_151 = arith.constant 0 : i32
      %dma_wait3A_152 = tpu.memref_slice %arg10[%add3A_17, %dma_wait3A_151] : memref<4096x64xf32, #tpu.memory_space<vmem_shared>> -> memref<32x64xf32, #tpu.memory_space<vmem_shared>>
      %dma_wait3A_153 = arith.constant 0 : i32
      %dma_wait3A_154 = tpu.memref_slice %arg10[%add3A_17, %dma_wait3A_153] : memref<4096x64xf32, #tpu.memory_space<vmem_shared>> -> memref<32x64xf32, #tpu.memory_space<vmem_shared>>
      tpu.wait_dma2 semaphore(%run_scoped3A_146 : memref<!tpu.dma_semaphore, #tpu.memory_space<semaphore_mem>>) src(%arg27 : memref<32x64xf32, #tpu.memory_space<vmem>>) dst(%dma_wait3A_154 : memref<32x64xf32, #tpu.memory_space<vmem_shared>>)
      tpu.yield
    }) : () -> ()
    %add3A_18 = arith.constant 64 : i32
    %add3A_19 = arith.addi %mul3A_6, %add3A_18 : i32
    "tpu.region"() ({
      %run_scoped3A_146 = tpu.sem_alloc : memref<!tpu.dma_semaphore, #tpu.memory_space<semaphore_mem>>
      %dma_start3A_147 = arith.constant 0 : i32
      %dma_start3A_148 = tpu.memref_slice %arg8[%add3A_19, %dma_start3A_147] : memref<4096x64xf32, #tpu.memory_space<vmem_shared>> -> memref<32x64xf32, #tpu.memory_space<vmem_shared>>
      %dma_start3A_149 = arith.constant 0 : i32
      %dma_start3A_150 = tpu.memref_slice %arg8[%add3A_19, %dma_start3A_149] : memref<4096x64xf32, #tpu.memory_space<vmem_shared>> -> memref<32x64xf32, #tpu.memory_space<vmem_shared>>
      tpu.enqueue_dma source(%arg27 : memref<32x64xf32, #tpu.memory_space<vmem>>) target(%dma_start3A_150 : memref<32x64xf32, #tpu.memory_space<vmem_shared>>) target_semaphore(%run_scoped3A_146 : memref<!tpu.dma_semaphore, #tpu.memory_space<semaphore_mem>>)
      %dma_wait3A_151 = arith.constant 0 : i32
      %dma_wait3A_152 = tpu.memref_slice %arg8[%add3A_19, %dma_wait3A_151] : memref<4096x64xf32, #tpu.memory_space<vmem_shared>> -> memref<32x64xf32, #tpu.memory_space<vmem_shared>>
      %dma_wait3A_153 = arith.constant 0 : i32
      %dma_wait3A_154 = tpu.memref_slice %arg8[%add3A_19, %dma_wait3A_153] : memref<4096x64xf32, #tpu.memory_space<vmem_shared>> -> memref<32x64xf32, #tpu.memory_space<vmem_shared>>
      tpu.wait_dma2 semaphore(%run_scoped3A_146 : memref<!tpu.dma_semaphore, #tpu.memory_space<semaphore_mem>>) src(%arg27 : memref<32x64xf32, #tpu.memory_space<vmem>>) dst(%dma_wait3A_154 : memref<32x64xf32, #tpu.memory_space<vmem_shared>>)
      tpu.yield
    }) : () -> ()
    %add3A_20 = arith.constant 64 : i32
    %add3A_21 = arith.addi %mul3A_6, %add3A_20 : i32
    "tpu.region"() ({
      %run_scoped3A_146 = tpu.sem_alloc : memref<!tpu.dma_semaphore, #tpu.memory_space<semaphore_mem>>
      %dma_start3A_147 = arith.constant 0 : i32
      %dma_start3A_148 = tpu.memref_slice %arg9[%add3A_21, %dma_start3A_147] : memref<4096x64xf32, #tpu.memory_space<vmem_shared>> -> memref<32x64xf32, #tpu.memory_space<vmem_shared>>
      %dma_start3A_149 = arith.constant 0 : i32
      %dma_start3A_150 = tpu.memref_slice %arg9[%add3A_21, %dma_start3A_149] : memref<4096x64xf32, #tpu.memory_space<vmem_shared>> -> memref<32x64xf32, #tpu.memory_space<vmem_shared>>
      tpu.enqueue_dma source(%arg27 : memref<32x64xf32, #tpu.memory_space<vmem>>) target(%dma_start3A_150 : memref<32x64xf32, #tpu.memory_space<vmem_shared>>) target_semaphore(%run_scoped3A_146 : memref<!tpu.dma_semaphore, #tpu.memory_space<semaphore_mem>>)
      %dma_wait3A_151 = arith.constant 0 : i32
      %dma_wait3A_152 = tpu.memref_slice %arg9[%add3A_21, %dma_wait3A_151] : memref<4096x64xf32, #tpu.memory_space<vmem_shared>> -> memref<32x64xf32, #tpu.memory_space<vmem_shared>>
      %dma_wait3A_153 = arith.constant 0 : i32
      %dma_wait3A_154 = tpu.memref_slice %arg9[%add3A_21, %dma_wait3A_153] : memref<4096x64xf32, #tpu.memory_space<vmem_shared>> -> memref<32x64xf32, #tpu.memory_space<vmem_shared>>
      tpu.wait_dma2 semaphore(%run_scoped3A_146 : memref<!tpu.dma_semaphore, #tpu.memory_space<semaphore_mem>>) src(%arg27 : memref<32x64xf32, #tpu.memory_space<vmem>>) dst(%dma_wait3A_154 : memref<32x64xf32, #tpu.memory_space<vmem_shared>>)
      tpu.yield
    }) : () -> ()
    %add3A_22 = arith.constant 64 : i32
    %add3A_23 = arith.addi %mul3A_6, %add3A_22 : i32
    "tpu.region"() ({
      %run_scoped3A_146 = tpu.sem_alloc : memref<!tpu.dma_semaphore, #tpu.memory_space<semaphore_mem>>
      %dma_start3A_147 = arith.constant 0 : i32
      %dma_start3A_148 = tpu.memref_slice %arg10[%add3A_23, %dma_start3A_147] : memref<4096x64xf32, #tpu.memory_space<vmem_shared>> -> memref<32x64xf32, #tpu.memory_space<vmem_shared>>
      %dma_start3A_149 = arith.constant 0 : i32
      %dma_start3A_150 = tpu.memref_slice %arg10[%add3A_23, %dma_start3A_149] : memref<4096x64xf32, #tpu.memory_space<vmem_shared>> -> memref<32x64xf32, #tpu.memory_space<vmem_shared>>
      tpu.enqueue_dma source(%arg27 : memref<32x64xf32, #tpu.memory_space<vmem>>) target(%dma_start3A_150 : memref<32x64xf32, #tpu.memory_space<vmem_shared>>) target_semaphore(%run_scoped3A_146 : memref<!tpu.dma_semaphore, #tpu.memory_space<semaphore_mem>>)
      %dma_wait3A_151 = arith.constant 0 : i32
      %dma_wait3A_152 = tpu.memref_slice %arg10[%add3A_23, %dma_wait3A_151] : memref<4096x64xf32, #tpu.memory_space<vmem_shared>> -> memref<32x64xf32, #tpu.memory_space<vmem_shared>>
      %dma_wait3A_153 = arith.constant 0 : i32
      %dma_wait3A_154 = tpu.memref_slice %arg10[%add3A_23, %dma_wait3A_153] : memref<4096x64xf32, #tpu.memory_space<vmem_shared>> -> memref<32x64xf32, #tpu.memory_space<vmem_shared>>
      tpu.wait_dma2 semaphore(%run_scoped3A_146 : memref<!tpu.dma_semaphore, #tpu.memory_space<semaphore_mem>>) src(%arg27 : memref<32x64xf32, #tpu.memory_space<vmem>>) dst(%dma_wait3A_154 : memref<32x64xf32, #tpu.memory_space<vmem_shared>>)
      tpu.yield
    }) : () -> ()
    %add3A_24 = arith.constant 96 : i32
    %add3A_25 = arith.addi %mul3A_6, %add3A_24 : i32
    "tpu.region"() ({
      %run_scoped3A_146 = tpu.sem_alloc : memref<!tpu.dma_semaphore, #tpu.memory_space<semaphore_mem>>
      %dma_start3A_147 = arith.constant 0 : i32
      %dma_start3A_148 = tpu.memref_slice %arg8[%add3A_25, %dma_start3A_147] : memref<4096x64xf32, #tpu.memory_space<vmem_shared>> -> memref<32x64xf32, #tpu.memory_space<vmem_shared>>
      %dma_start3A_149 = arith.constant 0 : i32
      %dma_start3A_150 = tpu.memref_slice %arg8[%add3A_25, %dma_start3A_149] : memref<4096x64xf32, #tpu.memory_space<vmem_shared>> -> memref<32x64xf32, #tpu.memory_space<vmem_shared>>
      tpu.enqueue_dma source(%arg27 : memref<32x64xf32, #tpu.memory_space<vmem>>) target(%dma_start3A_150 : memref<32x64xf32, #tpu.memory_space<vmem_shared>>) target_semaphore(%run_scoped3A_146 : memref<!tpu.dma_semaphore, #tpu.memory_space<semaphore_mem>>)
      %dma_wait3A_151 = arith.constant 0 : i32
      %dma_wait3A_152 = tpu.memref_slice %arg8[%add3A_25, %dma_wait3A_151] : memref<4096x64xf32, #tpu.memory_space<vmem_shared>> -> memref<32x64xf32, #tpu.memory_space<vmem_shared>>
      %dma_wait3A_153 = arith.constant 0 : i32
      %dma_wait3A_154 = tpu.memref_slice %arg8[%add3A_25, %dma_wait3A_153] : memref<4096x64xf32, #tpu.memory_space<vmem_shared>> -> memref<32x64xf32, #tpu.memory_space<vmem_shared>>
      tpu.wait_dma2 semaphore(%run_scoped3A_146 : memref<!tpu.dma_semaphore, #tpu.memory_space<semaphore_mem>>) src(%arg27 : memref<32x64xf32, #tpu.memory_space<vmem>>) dst(%dma_wait3A_154 : memref<32x64xf32, #tpu.memory_space<vmem_shared>>)
      tpu.yield
    }) : () -> ()
    %add3A_26 = arith.constant 96 : i32
    %add3A_27 = arith.addi %mul3A_6, %add3A_26 : i32
    "tpu.region"() ({
      %run_scoped3A_146 = tpu.sem_alloc : memref<!tpu.dma_semaphore, #tpu.memory_space<semaphore_mem>>
      %dma_start3A_147 = arith.constant 0 : i32
      %dma_start3A_148 = tpu.memref_slice %arg9[%add3A_27, %dma_start3A_147] : memref<4096x64xf32, #tpu.memory_space<vmem_shared>> -> memref<32x64xf32, #tpu.memory_space<vmem_shared>>
      %dma_start3A_149 = arith.constant 0 : i32
      %dma_start3A_150 = tpu.memref_slice %arg9[%add3A_27, %dma_start3A_149] : memref<4096x64xf32, #tpu.memory_space<vmem_shared>> -> memref<32x64xf32, #tpu.memory_space<vmem_shared>>
      tpu.enqueue_dma source(%arg27 : memref<32x64xf32, #tpu.memory_space<vmem>>) target(%dma_start3A_150 : memref<32x64xf32, #tpu.memory_space<vmem_shared>>) target_semaphore(%run_scoped3A_146 : memref<!tpu.dma_semaphore, #tpu.memory_space<semaphore_mem>>)
      %dma_wait3A_151 = arith.constant 0 : i32
      %dma_wait3A_152 = tpu.memref_slice %arg9[%add3A_27, %dma_wait3A_151] : memref<4096x64xf32, #tpu.memory_space<vmem_shared>> -> memref<32x64xf32, #tpu.memory_space<vmem_shared>>
      %dma_wait3A_153 = arith.constant 0 : i32
      %dma_wait3A_154 = tpu.memref_slice %arg9[%add3A_27, %dma_wait3A_153] : memref<4096x64xf32, #tpu.memory_space<vmem_shared>> -> memref<32x64xf32, #tpu.memory_space<vmem_shared>>
      tpu.wait_dma2 semaphore(%run_scoped3A_146 : memref<!tpu.dma_semaphore, #tpu.memory_space<semaphore_mem>>) src(%arg27 : memref<32x64xf32, #tpu.memory_space<vmem>>) dst(%dma_wait3A_154 : memref<32x64xf32, #tpu.memory_space<vmem_shared>>)
      tpu.yield
    }) : () -> ()
    %add3A_28 = arith.constant 96 : i32
    %add3A_29 = arith.addi %mul3A_6, %add3A_28 : i32
    "tpu.region"() ({
      %run_scoped3A_146 = tpu.sem_alloc : memref<!tpu.dma_semaphore, #tpu.memory_space<semaphore_mem>>
      %dma_start3A_147 = arith.constant 0 : i32
      %dma_start3A_148 = tpu.memref_slice %arg10[%add3A_29, %dma_start3A_147] : memref<4096x64xf32, #tpu.memory_space<vmem_shared>> -> memref<32x64xf32, #tpu.memory_space<vmem_shared>>
      %dma_start3A_149 = arith.constant 0 : i32
      %dma_start3A_150 = tpu.memref_slice %arg10[%add3A_29, %dma_start3A_149] : memref<4096x64xf32, #tpu.memory_space<vmem_shared>> -> memref<32x64xf32, #tpu.memory_space<vmem_shared>>
      tpu.enqueue_dma source(%arg27 : memref<32x64xf32, #tpu.memory_space<vmem>>) target(%dma_start3A_150 : memref<32x64xf32, #tpu.memory_space<vmem_shared>>) target_semaphore(%run_scoped3A_146 : memref<!tpu.dma_semaphore, #tpu.memory_space<semaphore_mem>>)
      %dma_wait3A_151 = arith.constant 0 : i32
      %dma_wait3A_152 = tpu.memref_slice %arg10[%add3A_29, %dma_wait3A_151] : memref<4096x64xf32, #tpu.memory_space<vmem_shared>> -> memref<32x64xf32, #tpu.memory_space<vmem_shared>>
      %dma_wait3A_153 = arith.constant 0 : i32
      %dma_wait3A_154 = tpu.memref_slice %arg10[%add3A_29, %dma_wait3A_153] : memref<4096x64xf32, #tpu.memory_space<vmem_shared>> -> memref<32x64xf32, #tpu.memory_space<vmem_shared>>
      tpu.wait_dma2 semaphore(%run_scoped3A_146 : memref<!tpu.dma_semaphore, #tpu.memory_space<semaphore_mem>>) src(%arg27 : memref<32x64xf32, #tpu.memory_space<vmem>>) dst(%dma_wait3A_154 : memref<32x64xf32, #tpu.memory_space<vmem_shared>>)
      tpu.yield
    }) : () -> ()
    %add3A_30 = arith.constant 128 : i32
    %add3A_31 = arith.addi %mul3A_6, %add3A_30 : i32
    "tpu.region"() ({
      %run_scoped3A_146 = tpu.sem_alloc : memref<!tpu.dma_semaphore, #tpu.memory_space<semaphore_mem>>
      %dma_start3A_147 = arith.constant 0 : i32
      %dma_start3A_148 = tpu.memref_slice %arg8[%add3A_31, %dma_start3A_147] : memref<4096x64xf32, #tpu.memory_space<vmem_shared>> -> memref<32x64xf32, #tpu.memory_space<vmem_shared>>
      %dma_start3A_149 = arith.constant 0 : i32
      %dma_start3A_150 = tpu.memref_slice %arg8[%add3A_31, %dma_start3A_149] : memref<4096x64xf32, #tpu.memory_space<vmem_shared>> -> memref<32x64xf32, #tpu.memory_space<vmem_shared>>
      tpu.enqueue_dma source(%arg27 : memref<32x64xf32, #tpu.memory_space<vmem>>) target(%dma_start3A_150 : memref<32x64xf32, #tpu.memory_space<vmem_shared>>) target_semaphore(%run_scoped3A_146 : memref<!tpu.dma_semaphore, #tpu.memory_space<semaphore_mem>>)
      %dma_wait3A_151 = arith.constant 0 : i32
      %dma_wait3A_152 = tpu.memref_slice %arg8[%add3A_31, %dma_wait3A_151] : memref<4096x64xf32, #tpu.memory_space<vmem_shared>> -> memref<32x64xf32, #tpu.memory_space<vmem_shared>>
      %dma_wait3A_153 = arith.constant 0 : i32
      %dma_wait3A_154 = tpu.memref_slice %arg8[%add3A_31, %dma_wait3A_153] : memref<4096x64xf32, #tpu.memory_space<vmem_shared>> -> memref<32x64xf32, #tpu.memory_space<vmem_shared>>
      tpu.wait_dma2 semaphore(%run_scoped3A_146 : memref<!tpu.dma_semaphore, #tpu.memory_space<semaphore_mem>>) src(%arg27 : memref<32x64xf32, #tpu.memory_space<vmem>>) dst(%dma_wait3A_154 : memref<32x64xf32, #tpu.memory_space<vmem_shared>>)
      tpu.yield
    }) : () -> ()
    %add3A_32 = arith.constant 128 : i32
    %add3A_33 = arith.addi %mul3A_6, %add3A_32 : i32
    "tpu.region"() ({
      %run_scoped3A_146 = tpu.sem_alloc : memref<!tpu.dma_semaphore, #tpu.memory_space<semaphore_mem>>
      %dma_start3A_147 = arith.constant 0 : i32
      %dma_start3A_148 = tpu.memref_slice %arg9[%add3A_33, %dma_start3A_147] : memref<4096x64xf32, #tpu.memory_space<vmem_shared>> -> memref<32x64xf32, #tpu.memory_space<vmem_shared>>
      %dma_start3A_149 = arith.constant 0 : i32
      %dma_start3A_150 = tpu.memref_slice %arg9[%add3A_33, %dma_start3A_149] : memref<4096x64xf32, #tpu.memory_space<vmem_shared>> -> memref<32x64xf32, #tpu.memory_space<vmem_shared>>
      tpu.enqueue_dma source(%arg27 : memref<32x64xf32, #tpu.memory_space<vmem>>) target(%dma_start3A_150 : memref<32x64xf32, #tpu.memory_space<vmem_shared>>) target_semaphore(%run_scoped3A_146 : memref<!tpu.dma_semaphore, #tpu.memory_space<semaphore_mem>>)
      %dma_wait3A_151 = arith.constant 0 : i32
      %dma_wait3A_152 = tpu.memref_slice %arg9[%add3A_33, %dma_wait3A_151] : memref<4096x64xf32, #tpu.memory_space<vmem_shared>> -> memref<32x64xf32, #tpu.memory_space<vmem_shared>>
      %dma_wait3A_153 = arith.constant 0 : i32
      %dma_wait3A_154 = tpu.memref_slice %arg9[%add3A_33, %dma_wait3A_153] : memref<4096x64xf32, #tpu.memory_space<vmem_shared>> -> memref<32x64xf32, #tpu.memory_space<vmem_shared>>
      tpu.wait_dma2 semaphore(%run_scoped3A_146 : memref<!tpu.dma_semaphore, #tpu.memory_space<semaphore_mem>>) src(%arg27 : memref<32x64xf32, #tpu.memory_space<vmem>>) dst(%dma_wait3A_154 : memref<32x64xf32, #tpu.memory_space<vmem_shared>>)
      tpu.yield
    }) : () -> ()
    %add3A_34 = arith.constant 128 : i32
    %add3A_35 = arith.addi %mul3A_6, %add3A_34 : i32
    "tpu.region"() ({
      %run_scoped3A_146 = tpu.sem_alloc : memref<!tpu.dma_semaphore, #tpu.memory_space<semaphore_mem>>
      %dma_start3A_147 = arith.constant 0 : i32
      %dma_start3A_148 = tpu.memref_slice %arg10[%add3A_35, %dma_start3A_147] : memref<4096x64xf32, #tpu.memory_space<vmem_shared>> -> memref<32x64xf32, #tpu.memory_space<vmem_shared>>
      %dma_start3A_149 = arith.constant 0 : i32
      %dma_start3A_150 = tpu.memref_slice %arg10[%add3A_35, %dma_start3A_149] : memref<4096x64xf32, #tpu.memory_space<vmem_shared>> -> memref<32x64xf32, #tpu.memory_space<vmem_shared>>
      tpu.enqueue_dma source(%arg27 : memref<32x64xf32, #tpu.memory_space<vmem>>) target(%dma_start3A_150 : memref<32x64xf32, #tpu.memory_space<vmem_shared>>) target_semaphore(%run_scoped3A_146 : memref<!tpu.dma_semaphore, #tpu.memory_space<semaphore_mem>>)
      %dma_wait3A_151 = arith.constant 0 : i32
      %dma_wait3A_152 = tpu.memref_slice %arg10[%add3A_35, %dma_wait3A_151] : memref<4096x64xf32, #tpu.memory_space<vmem_shared>> -> memref<32x64xf32, #tpu.memory_space<vmem_shared>>
      %dma_wait3A_153 = arith.constant 0 : i32
      %dma_wait3A_154 = tpu.memref_slice %arg10[%add3A_35, %dma_wait3A_153] : memref<4096x64xf32, #tpu.memory_space<vmem_shared>> -> memref<32x64xf32, #tpu.memory_space<vmem_shared>>
      tpu.wait_dma2 semaphore(%run_scoped3A_146 : memref<!tpu.dma_semaphore, #tpu.memory_space<semaphore_mem>>) src(%arg27 : memref<32x64xf32, #tpu.memory_space<vmem>>) dst(%dma_wait3A_154 : memref<32x64xf32, #tpu.memory_space<vmem_shared>>)
      tpu.yield
    }) : () -> ()
    %add3A_36 = arith.constant 160 : i32
    %add3A_37 = arith.addi %mul3A_6, %add3A_36 : i32
    "tpu.region"() ({
      %run_scoped3A_146 = tpu.sem_alloc : memref<!tpu.dma_semaphore, #tpu.memory_space<semaphore_mem>>
      %dma_start3A_147 = arith.constant 0 : i32
      %dma_start3A_148 = tpu.memref_slice %arg8[%add3A_37, %dma_start3A_147] : memref<4096x64xf32, #tpu.memory_space<vmem_shared>> -> memref<32x64xf32, #tpu.memory_space<vmem_shared>>
      %dma_start3A_149 = arith.constant 0 : i32
      %dma_start3A_150 = tpu.memref_slice %arg8[%add3A_37, %dma_start3A_149] : memref<4096x64xf32, #tpu.memory_space<vmem_shared>> -> memref<32x64xf32, #tpu.memory_space<vmem_shared>>
      tpu.enqueue_dma source(%arg27 : memref<32x64xf32, #tpu.memory_space<vmem>>) target(%dma_start3A_150 : memref<32x64xf32, #tpu.memory_space<vmem_shared>>) target_semaphore(%run_scoped3A_146 : memref<!tpu.dma_semaphore, #tpu.memory_space<semaphore_mem>>)
      %dma_wait3A_151 = arith.constant 0 : i32
      %dma_wait3A_152 = tpu.memref_slice %arg8[%add3A_37, %dma_wait3A_151] : memref<4096x64xf32, #tpu.memory_space<vmem_shared>> -> memref<32x64xf32, #tpu.memory_space<vmem_shared>>
      %dma_wait3A_153 = arith.constant 0 : i32
      %dma_wait3A_154 = tpu.memref_slice %arg8[%add3A_37, %dma_wait3A_153] : memref<4096x64xf32, #tpu.memory_space<vmem_shared>> -> memref<32x64xf32, #tpu.memory_space<vmem_shared>>
      tpu.wait_dma2 semaphore(%run_scoped3A_146 : memref<!tpu.dma_semaphore, #tpu.memory_space<semaphore_mem>>) src(%arg27 : memref<32x64xf32, #tpu.memory_space<vmem>>) dst(%dma_wait3A_154 : memref<32x64xf32, #tpu.memory_space<vmem_shared>>)
      tpu.yield
    }) : () -> ()
    %add3A_38 = arith.constant 160 : i32
    %add3A_39 = arith.addi %mul3A_6, %add3A_38 : i32
    "tpu.region"() ({
      %run_scoped3A_146 = tpu.sem_alloc : memref<!tpu.dma_semaphore, #tpu.memory_space<semaphore_mem>>
      %dma_start3A_147 = arith.constant 0 : i32
      %dma_start3A_148 = tpu.memref_slice %arg9[%add3A_39, %dma_start3A_147] : memref<4096x64xf32, #tpu.memory_space<vmem_shared>> -> memref<32x64xf32, #tpu.memory_space<vmem_shared>>
      %dma_start3A_149 = arith.constant 0 : i32
      %dma_start3A_150 = tpu.memref_slice %arg9[%add3A_39, %dma_start3A_149] : memref<4096x64xf32, #tpu.memory_space<vmem_shared>> -> memref<32x64xf32, #tpu.memory_space<vmem_shared>>
      tpu.enqueue_dma source(%arg27 : memref<32x64xf32, #tpu.memory_space<vmem>>) target(%dma_start3A_150 : memref<32x64xf32, #tpu.memory_space<vmem_shared>>) target_semaphore(%run_scoped3A_146 : memref<!tpu.dma_semaphore, #tpu.memory_space<semaphore_mem>>)
      %dma_wait3A_151 = arith.constant 0 : i32
      %dma_wait3A_152 = tpu.memref_slice %arg9[%add3A_39, %dma_wait3A_151] : memref<4096x64xf32, #tpu.memory_space<vmem_shared>> -> memref<32x64xf32, #tpu.memory_space<vmem_shared>>
      %dma_wait3A_153 = arith.constant 0 : i32
      %dma_wait3A_154 = tpu.memref_slice %arg9[%add3A_39, %dma_wait3A_153] : memref<4096x64xf32, #tpu.memory_space<vmem_shared>> -> memref<32x64xf32, #tpu.memory_space<vmem_shared>>
      tpu.wait_dma2 semaphore(%run_scoped3A_146 : memref<!tpu.dma_semaphore, #tpu.memory_space<semaphore_mem>>) src(%arg27 : memref<32x64xf32, #tpu.memory_space<vmem>>) dst(%dma_wait3A_154 : memref<32x64xf32, #tpu.memory_space<vmem_shared>>)
      tpu.yield
    }) : () -> ()
    %add3A_40 = arith.constant 160 : i32
    %add3A_41 = arith.addi %mul3A_6, %add3A_40 : i32
    "tpu.region"() ({
      %run_scoped3A_146 = tpu.sem_alloc : memref<!tpu.dma_semaphore, #tpu.memory_space<semaphore_mem>>
      %dma_start3A_147 = arith.constant 0 : i32
      %dma_start3A_148 = tpu.memref_slice %arg10[%add3A_41, %dma_start3A_147] : memref<4096x64xf32, #tpu.memory_space<vmem_shared>> -> memref<32x64xf32, #tpu.memory_space<vmem_shared>>
      %dma_start3A_149 = arith.constant 0 : i32
      %dma_start3A_150 = tpu.memref_slice %arg10[%add3A_41, %dma_start3A_149] : memref<4096x64xf32, #tpu.memory_space<vmem_shared>> -> memref<32x64xf32, #tpu.memory_space<vmem_shared>>
      tpu.enqueue_dma source(%arg27 : memref<32x64xf32, #tpu.memory_space<vmem>>) target(%dma_start3A_150 : memref<32x64xf32, #tpu.memory_space<vmem_shared>>) target_semaphore(%run_scoped3A_146 : memref<!tpu.dma_semaphore, #tpu.memory_space<semaphore_mem>>)
      %dma_wait3A_151 = arith.constant 0 : i32
      %dma_wait3A_152 = tpu.memref_slice %arg10[%add3A_41, %dma_wait3A_151] : memref<4096x64xf32, #tpu.memory_space<vmem_shared>> -> memref<32x64xf32, #tpu.memory_space<vmem_shared>>
      %dma_wait3A_153 = arith.constant 0 : i32
      %dma_wait3A_154 = tpu.memref_slice %arg10[%add3A_41, %dma_wait3A_153] : memref<4096x64xf32, #tpu.memory_space<vmem_shared>> -> memref<32x64xf32, #tpu.memory_space<vmem_shared>>
      tpu.wait_dma2 semaphore(%run_scoped3A_146 : memref<!tpu.dma_semaphore, #tpu.memory_space<semaphore_mem>>) src(%arg27 : memref<32x64xf32, #tpu.memory_space<vmem>>) dst(%dma_wait3A_154 : memref<32x64xf32, #tpu.memory_space<vmem_shared>>)
      tpu.yield
    }) : () -> ()
    %add3A_42 = arith.constant 192 : i32
    %add3A_43 = arith.addi %mul3A_6, %add3A_42 : i32
    "tpu.region"() ({
      %run_scoped3A_146 = tpu.sem_alloc : memref<!tpu.dma_semaphore, #tpu.memory_space<semaphore_mem>>
      %dma_start3A_147 = arith.constant 0 : i32
      %dma_start3A_148 = tpu.memref_slice %arg8[%add3A_43, %dma_start3A_147] : memref<4096x64xf32, #tpu.memory_space<vmem_shared>> -> memref<32x64xf32, #tpu.memory_space<vmem_shared>>
      %dma_start3A_149 = arith.constant 0 : i32
      %dma_start3A_150 = tpu.memref_slice %arg8[%add3A_43, %dma_start3A_149] : memref<4096x64xf32, #tpu.memory_space<vmem_shared>> -> memref<32x64xf32, #tpu.memory_space<vmem_shared>>
      tpu.enqueue_dma source(%arg27 : memref<32x64xf32, #tpu.memory_space<vmem>>) target(%dma_start3A_150 : memref<32x64xf32, #tpu.memory_space<vmem_shared>>) target_semaphore(%run_scoped3A_146 : memref<!tpu.dma_semaphore, #tpu.memory_space<semaphore_mem>>)
      %dma_wait3A_151 = arith.constant 0 : i32
      %dma_wait3A_152 = tpu.memref_slice %arg8[%add3A_43, %dma_wait3A_151] : memref<4096x64xf32, #tpu.memory_space<vmem_shared>> -> memref<32x64xf32, #tpu.memory_space<vmem_shared>>
      %dma_wait3A_153 = arith.constant 0 : i32
      %dma_wait3A_154 = tpu.memref_slice %arg8[%add3A_43, %dma_wait3A_153] : memref<4096x64xf32, #tpu.memory_space<vmem_shared>> -> memref<32x64xf32, #tpu.memory_space<vmem_shared>>
      tpu.wait_dma2 semaphore(%run_scoped3A_146 : memref<!tpu.dma_semaphore, #tpu.memory_space<semaphore_mem>>) src(%arg27 : memref<32x64xf32, #tpu.memory_space<vmem>>) dst(%dma_wait3A_154 : memref<32x64xf32, #tpu.memory_space<vmem_shared>>)
      tpu.yield
    }) : () -> ()
    %add3A_44 = arith.constant 192 : i32
    %add3A_45 = arith.addi %mul3A_6, %add3A_44 : i32
    "tpu.region"() ({
      %run_scoped3A_146 = tpu.sem_alloc : memref<!tpu.dma_semaphore, #tpu.memory_space<semaphore_mem>>
      %dma_start3A_147 = arith.constant 0 : i32
      %dma_start3A_148 = tpu.memref_slice %arg9[%add3A_45, %dma_start3A_147] : memref<4096x64xf32, #tpu.memory_space<vmem_shared>> -> memref<32x64xf32, #tpu.memory_space<vmem_shared>>
      %dma_start3A_149 = arith.constant 0 : i32
      %dma_start3A_150 = tpu.memref_slice %arg9[%add3A_45, %dma_start3A_149] : memref<4096x64xf32, #tpu.memory_space<vmem_shared>> -> memref<32x64xf32, #tpu.memory_space<vmem_shared>>
      tpu.enqueue_dma source(%arg27 : memref<32x64xf32, #tpu.memory_space<vmem>>) target(%dma_start3A_150 : memref<32x64xf32, #tpu.memory_space<vmem_shared>>) target_semaphore(%run_scoped3A_146 : memref<!tpu.dma_semaphore, #tpu.memory_space<semaphore_mem>>)
      %dma_wait3A_151 = arith.constant 0 : i32
      %dma_wait3A_152 = tpu.memref_slice %arg9[%add3A_45, %dma_wait3A_151] : memref<4096x64xf32, #tpu.memory_space<vmem_shared>> -> memref<32x64xf32, #tpu.memory_space<vmem_shared>>
      %dma_wait3A_153 = arith.constant 0 : i32
      %dma_wait3A_154 = tpu.memref_slice %arg9[%add3A_45, %dma_wait3A_153] : memref<4096x64xf32, #tpu.memory_space<vmem_shared>> -> memref<32x64xf32, #tpu.memory_space<vmem_shared>>
      tpu.wait_dma2 semaphore(%run_scoped3A_146 : memref<!tpu.dma_semaphore, #tpu.memory_space<semaphore_mem>>) src(%arg27 : memref<32x64xf32, #tpu.memory_space<vmem>>) dst(%dma_wait3A_154 : memref<32x64xf32, #tpu.memory_space<vmem_shared>>)
      tpu.yield
    }) : () -> ()
    %add3A_46 = arith.constant 192 : i32
    %add3A_47 = arith.addi %mul3A_6, %add3A_46 : i32
    "tpu.region"() ({
      %run_scoped3A_146 = tpu.sem_alloc : memref<!tpu.dma_semaphore, #tpu.memory_space<semaphore_mem>>
      %dma_start3A_147 = arith.constant 0 : i32
      %dma_start3A_148 = tpu.memref_slice %arg10[%add3A_47, %dma_start3A_147] : memref<4096x64xf32, #tpu.memory_space<vmem_shared>> -> memref<32x64xf32, #tpu.memory_space<vmem_shared>>
      %dma_start3A_149 = arith.constant 0 : i32
      %dma_start3A_150 = tpu.memref_slice %arg10[%add3A_47, %dma_start3A_149] : memref<4096x64xf32, #tpu.memory_space<vmem_shared>> -> memref<32x64xf32, #tpu.memory_space<vmem_shared>>
      tpu.enqueue_dma source(%arg27 : memref<32x64xf32, #tpu.memory_space<vmem>>) target(%dma_start3A_150 : memref<32x64xf32, #tpu.memory_space<vmem_shared>>) target_semaphore(%run_scoped3A_146 : memref<!tpu.dma_semaphore, #tpu.memory_space<semaphore_mem>>)
      %dma_wait3A_151 = arith.constant 0 : i32
      %dma_wait3A_152 = tpu.memref_slice %arg10[%add3A_47, %dma_wait3A_151] : memref<4096x64xf32, #tpu.memory_space<vmem_shared>> -> memref<32x64xf32, #tpu.memory_space<vmem_shared>>
      %dma_wait3A_153 = arith.constant 0 : i32
      %dma_wait3A_154 = tpu.memref_slice %arg10[%add3A_47, %dma_wait3A_153] : memref<4096x64xf32, #tpu.memory_space<vmem_shared>> -> memref<32x64xf32, #tpu.memory_space<vmem_shared>>
      tpu.wait_dma2 semaphore(%run_scoped3A_146 : memref<!tpu.dma_semaphore, #tpu.memory_space<semaphore_mem>>) src(%arg27 : memref<32x64xf32, #tpu.memory_space<vmem>>) dst(%dma_wait3A_154 : memref<32x64xf32, #tpu.memory_space<vmem_shared>>)
      tpu.yield
    }) : () -> ()
    %add3A_48 = arith.constant 224 : i32
    %add3A_49 = arith.addi %mul3A_6, %add3A_48 : i32
    "tpu.region"() ({
      %run_scoped3A_146 = tpu.sem_alloc : memref<!tpu.dma_semaphore, #tpu.memory_space<semaphore_mem>>
      %dma_start3A_147 = arith.constant 0 : i32
      %dma_start3A_148 = tpu.memref_slice %arg8[%add3A_49, %dma_start3A_147] : memref<4096x64xf32, #tpu.memory_space<vmem_shared>> -> memref<32x64xf32, #tpu.memory_space<vmem_shared>>
      %dma_start3A_149 = arith.constant 0 : i32
      %dma_start3A_150 = tpu.memref_slice %arg8[%add3A_49, %dma_start3A_149] : memref<4096x64xf32, #tpu.memory_space<vmem_shared>> -> memref<32x64xf32, #tpu.memory_space<vmem_shared>>
      tpu.enqueue_dma source(%arg27 : memref<32x64xf32, #tpu.memory_space<vmem>>) target(%dma_start3A_150 : memref<32x64xf32, #tpu.memory_space<vmem_shared>>) target_semaphore(%run_scoped3A_146 : memref<!tpu.dma_semaphore, #tpu.memory_space<semaphore_mem>>)
      %dma_wait3A_151 = arith.constant 0 : i32
      %dma_wait3A_152 = tpu.memref_slice %arg8[%add3A_49, %dma_wait3A_151] : memref<4096x64xf32, #tpu.memory_space<vmem_shared>> -> memref<32x64xf32, #tpu.memory_space<vmem_shared>>
      %dma_wait3A_153 = arith.constant 0 : i32
      %dma_wait3A_154 = tpu.memref_slice %arg8[%add3A_49, %dma_wait3A_153] : memref<4096x64xf32, #tpu.memory_space<vmem_shared>> -> memref<32x64xf32, #tpu.memory_space<vmem_shared>>
      tpu.wait_dma2 semaphore(%run_scoped3A_146 : memref<!tpu.dma_semaphore, #tpu.memory_space<semaphore_mem>>) src(%arg27 : memref<32x64xf32, #tpu.memory_space<vmem>>) dst(%dma_wait3A_154 : memref<32x64xf32, #tpu.memory_space<vmem_shared>>)
      tpu.yield
    }) : () -> ()
    %add3A_50 = arith.constant 224 : i32
    %add3A_51 = arith.addi %mul3A_6, %add3A_50 : i32
    "tpu.region"() ({
      %run_scoped3A_146 = tpu.sem_alloc : memref<!tpu.dma_semaphore, #tpu.memory_space<semaphore_mem>>
      %dma_start3A_147 = arith.constant 0 : i32
      %dma_start3A_148 = tpu.memref_slice %arg9[%add3A_51, %dma_start3A_147] : memref<4096x64xf32, #tpu.memory_space<vmem_shared>> -> memref<32x64xf32, #tpu.memory_space<vmem_shared>>
      %dma_start3A_149 = arith.constant 0 : i32
      %dma_start3A_150 = tpu.memref_slice %arg9[%add3A_51, %dma_start3A_149] : memref<4096x64xf32, #tpu.memory_space<vmem_shared>> -> memref<32x64xf32, #tpu.memory_space<vmem_shared>>
      tpu.enqueue_dma source(%arg27 : memref<32x64xf32, #tpu.memory_space<vmem>>) target(%dma_start3A_150 : memref<32x64xf32, #tpu.memory_space<vmem_shared>>) target_semaphore(%run_scoped3A_146 : memref<!tpu.dma_semaphore, #tpu.memory_space<semaphore_mem>>)
      %dma_wait3A_151 = arith.constant 0 : i32
      %dma_wait3A_152 = tpu.memref_slice %arg9[%add3A_51, %dma_wait3A_151] : memref<4096x64xf32, #tpu.memory_space<vmem_shared>> -> memref<32x64xf32, #tpu.memory_space<vmem_shared>>
      %dma_wait3A_153 = arith.constant 0 : i32
      %dma_wait3A_154 = tpu.memref_slice %arg9[%add3A_51, %dma_wait3A_153] : memref<4096x64xf32, #tpu.memory_space<vmem_shared>> -> memref<32x64xf32, #tpu.memory_space<vmem_shared>>
      tpu.wait_dma2 semaphore(%run_scoped3A_146 : memref<!tpu.dma_semaphore, #tpu.memory_space<semaphore_mem>>) src(%arg27 : memref<32x64xf32, #tpu.memory_space<vmem>>) dst(%dma_wait3A_154 : memref<32x64xf32, #tpu.memory_space<vmem_shared>>)
      tpu.yield
    }) : () -> ()
    %add3A_52 = arith.constant 224 : i32
    %add3A_53 = arith.addi %mul3A_6, %add3A_52 : i32
    "tpu.region"() ({
      %run_scoped3A_146 = tpu.sem_alloc : memref<!tpu.dma_semaphore, #tpu.memory_space<semaphore_mem>>
      %dma_start3A_147 = arith.constant 0 : i32
      %dma_start3A_148 = tpu.memref_slice %arg10[%add3A_53, %dma_start3A_147] : memref<4096x64xf32, #tpu.memory_space<vmem_shared>> -> memref<32x64xf32, #tpu.memory_space<vmem_shared>>
      %dma_start3A_149 = arith.constant 0 : i32
      %dma_start3A_150 = tpu.memref_slice %arg10[%add3A_53, %dma_start3A_149] : memref<4096x64xf32, #tpu.memory_space<vmem_shared>> -> memref<32x64xf32, #tpu.memory_space<vmem_shared>>
      tpu.enqueue_dma source(%arg27 : memref<32x64xf32, #tpu.memory_space<vmem>>) target(%dma_start3A_150 : memref<32x64xf32, #tpu.memory_space<vmem_shared>>) target_semaphore(%run_scoped3A_146 : memref<!tpu.dma_semaphore, #tpu.memory_space<semaphore_mem>>)
      %dma_wait3A_151 = arith.constant 0 : i32
      %dma_wait3A_152 = tpu.memref_slice %arg10[%add3A_53, %dma_wait3A_151] : memref<4096x64xf32, #tpu.memory_space<vmem_shared>> -> memref<32x64xf32, #tpu.memory_space<vmem_shared>>
      %dma_wait3A_153 = arith.constant 0 : i32
      %dma_wait3A_154 = tpu.memref_slice %arg10[%add3A_53, %dma_wait3A_153] : memref<4096x64xf32, #tpu.memory_space<vmem_shared>> -> memref<32x64xf32, #tpu.memory_space<vmem_shared>>
      tpu.wait_dma2 semaphore(%run_scoped3A_146 : memref<!tpu.dma_semaphore, #tpu.memory_space<semaphore_mem>>) src(%arg27 : memref<32x64xf32, #tpu.memory_space<vmem>>) dst(%dma_wait3A_154 : memref<32x64xf32, #tpu.memory_space<vmem_shared>>)
      tpu.yield
    }) : () -> ()
    %barrier3A = arith.constant 0 : index
    tpu.barrier barrier_id(%barrier3A)
    %run_scoped3A = arith.constant 0 : i32
    "tpu.region"() ({
      %run_scoped3A_146 = tpu.sem_alloc : memref<!tpu.dma_semaphore, #tpu.memory_space<semaphore_mem>>
      %dma_start3A_147 = arith.constant 0 : i32
      %dma_start3A_148 = arith.constant 0 : i32
      %dma_start3A_149 = tpu.memref_slice %arg4[%arg1, %run_scoped3A, %dma_start3A_147, %dma_start3A_148] : memref<16x284x3x56xi32, #tpu.memory_space<hbm>> -> memref<1x1x3x56xi32, #tpu.memory_space<hbm>>
      %dma_start3A_150 = tpu.memref_squeeze %dma_start3A_149 : memref<1x1x3x56xi32, #tpu.memory_space<hbm>> -> memref<3x56xi32, #tpu.memory_space<hbm>>
      %dma_start3A_151 = arith.constant 0 : i32
      %dma_start3A_152 = arith.constant 0 : i32
      %dma_start3A_153 = tpu.memref_slice %arg4[%arg1, %run_scoped3A, %dma_start3A_151, %dma_start3A_152] : memref<16x284x3x56xi32, #tpu.memory_space<hbm>> -> memref<1x1x3x56xi32, #tpu.memory_space<hbm>>
      %dma_start3A_154 = tpu.memref_squeeze %dma_start3A_153 : memref<1x1x3x56xi32, #tpu.memory_space<hbm>> -> memref<3x56xi32, #tpu.memory_space<hbm>>
      tpu.enqueue_dma source(%dma_start3A_154 : memref<3x56xi32, #tpu.memory_space<hbm>>) target(%arg11 : memref<3x56xi32, #tpu.memory_space<vmem>>) target_semaphore(%run_scoped3A_146 : memref<!tpu.dma_semaphore, #tpu.memory_space<semaphore_mem>>)
      %dma_wait3A_155 = arith.constant 0 : i32
      %dma_wait3A_156 = arith.constant 0 : i32
      %dma_wait3A_157 = tpu.memref_slice %arg4[%arg1, %run_scoped3A, %dma_wait3A_155, %dma_wait3A_156] : memref<16x284x3x56xi32, #tpu.memory_space<hbm>> -> memref<1x1x3x56xi32, #tpu.memory_space<hbm>>
      %dma_wait3A_158 = tpu.memref_squeeze %dma_wait3A_157 : memref<1x1x3x56xi32, #tpu.memory_space<hbm>> -> memref<3x56xi32, #tpu.memory_space<hbm>>
      %dma_wait3A_159 = arith.constant 0 : i32
      %dma_wait3A_160 = arith.constant 0 : i32
      %dma_wait3A_161 = tpu.memref_slice %arg4[%arg1, %run_scoped3A, %dma_wait3A_159, %dma_wait3A_160] : memref<16x284x3x56xi32, #tpu.memory_space<hbm>> -> memref<1x1x3x56xi32, #tpu.memory_space<hbm>>
      %dma_wait3A_162 = tpu.memref_squeeze %dma_wait3A_161 : memref<1x1x3x56xi32, #tpu.memory_space<hbm>> -> memref<3x56xi32, #tpu.memory_space<hbm>>
      tpu.wait_dma2 semaphore(%run_scoped3A_146 : memref<!tpu.dma_semaphore, #tpu.memory_space<semaphore_mem>>) src(%dma_wait3A_162 : memref<3x56xi32, #tpu.memory_space<hbm>>) dst(%arg11 : memref<3x56xi32, #tpu.memory_space<vmem>>)
      tpu.yield
    }) : () -> ()
    %dma_start3A = arith.constant 1 : i32
    %dma_start3A_54 = arith.constant 0 : i32
    %dma_start3A_55 = tpu.memref_slice %arg11[%dma_start3A, %dma_start3A_54] : memref<3x56xi32, #tpu.memory_space<vmem>> -> memref<1x56xi32, #tpu.memory_space<vmem>>
    %dma_start3A_56 = tpu.memref_squeeze %dma_start3A_55 : memref<1x56xi32, #tpu.memory_space<vmem>> -> memref<56xi32, #tpu.memory_space<vmem>>
    %dma_start3A_57 = arith.constant 0 : i32
    %dma_start3A_58 = arith.constant 0 : i32
    %dma_start3A_59 = tpu.memref_slice %arg2[%arg0, %dma_start3A_57, %dma_start3A_58] : memref<2x15904x64xf32, #tpu.memory_space<hbm>> -> memref<1x15904x64xf32, #tpu.memory_space<hbm>>
    %dma_start3A_60 = tpu.memref_squeeze %dma_start3A_59 : memref<1x15904x64xf32, #tpu.memory_space<hbm>> -> memref<15904x64xf32, #tpu.memory_space<hbm>>
    %dma_start3A_61 = arith.constant 0 : i32
    %dma_start3A_62 = arith.constant 0 : i32
    %dma_start3A_63 = tpu.memref_slice %dma_start3A_60[%dma_start3A_61, %dma_start3A_62] : memref<15904x64xf32, #tpu.memory_space<hbm>> -> memref<15904x64xf32, #tpu.memory_space<hbm>>
    tpu.enqueue_indirect_dma source(%dma_start3A_63 : memref<15904x64xf32, #tpu.memory_space<hbm>>) target(%arg15 : memref<56x64xf32, #tpu.memory_space<vmem>>) offsets(%dma_start3A_56 : memref<56xi32, #tpu.memory_space<vmem>>) semaphore(%arg28 : memref<!tpu.dma_semaphore, #tpu.memory_space<semaphore_mem>>)
    %dma_start3A_64 = arith.constant 2 : i32
    %dma_start3A_65 = arith.constant 0 : i32
    %dma_start3A_66 = tpu.memref_slice %arg11[%dma_start3A_64, %dma_start3A_65] : memref<3x56xi32, #tpu.memory_space<vmem>> -> memref<1x56xi32, #tpu.memory_space<vmem>>
    %dma_start3A_67 = tpu.memref_squeeze %dma_start3A_66 : memref<1x56xi32, #tpu.memory_space<vmem>> -> memref<56xi32, #tpu.memory_space<vmem>>
    %dma_start3A_68 = arith.constant 0 : i32
    %dma_start3A_69 = arith.constant 0 : i32
    %dma_start3A_70 = tpu.memref_slice %arg3[%arg0, %dma_start3A_68, %dma_start3A_69] : memref<2x3976x64xf32, #tpu.memory_space<hbm>> -> memref<1x3976x64xf32, #tpu.memory_space<hbm>>
    %dma_start3A_71 = tpu.memref_squeeze %dma_start3A_70 : memref<1x3976x64xf32, #tpu.memory_space<hbm>> -> memref<3976x64xf32, #tpu.memory_space<hbm>>
    %dma_start3A_72 = arith.constant 0 : i32
    %dma_start3A_73 = arith.constant 0 : i32
    %dma_start3A_74 = tpu.memref_slice %dma_start3A_71[%dma_start3A_72, %dma_start3A_73] : memref<3976x64xf32, #tpu.memory_space<hbm>> -> memref<3976x64xf32, #tpu.memory_space<hbm>>
    tpu.enqueue_indirect_dma source(%dma_start3A_74 : memref<3976x64xf32, #tpu.memory_space<hbm>>) target(%arg23 : memref<56x64xf32, #tpu.memory_space<vmem>>) offsets(%dma_start3A_67 : memref<56xi32, #tpu.memory_space<vmem>>) semaphore(%arg32 : memref<!tpu.dma_semaphore, #tpu.memory_space<semaphore_mem>>)
    %run_scoped3A_75 = arith.constant 1 : i32
    "tpu.region"() ({
      %run_scoped3A_146 = tpu.sem_alloc : memref<!tpu.dma_semaphore, #tpu.memory_space<semaphore_mem>>
      %dma_start3A_147 = arith.constant 0 : i32
      %dma_start3A_148 = arith.constant 0 : i32
      %dma_start3A_149 = tpu.memref_slice %arg4[%arg1, %run_scoped3A_75, %dma_start3A_147, %dma_start3A_148] : memref<16x284x3x56xi32, #tpu.memory_space<hbm>> -> memref<1x1x3x56xi32, #tpu.memory_space<hbm>>
      %dma_start3A_150 = tpu.memref_squeeze %dma_start3A_149 : memref<1x1x3x56xi32, #tpu.memory_space<hbm>> -> memref<3x56xi32, #tpu.memory_space<hbm>>
      %dma_start3A_151 = arith.constant 0 : i32
      %dma_start3A_152 = arith.constant 0 : i32
      %dma_start3A_153 = tpu.memref_slice %arg4[%arg1, %run_scoped3A_75, %dma_start3A_151, %dma_start3A_152] : memref<16x284x3x56xi32, #tpu.memory_space<hbm>> -> memref<1x1x3x56xi32, #tpu.memory_space<hbm>>
      %dma_start3A_154 = tpu.memref_squeeze %dma_start3A_153 : memref<1x1x3x56xi32, #tpu.memory_space<hbm>> -> memref<3x56xi32, #tpu.memory_space<hbm>>
      tpu.enqueue_dma source(%dma_start3A_154 : memref<3x56xi32, #tpu.memory_space<hbm>>) target(%arg12 : memref<3x56xi32, #tpu.memory_space<vmem>>) target_semaphore(%run_scoped3A_146 : memref<!tpu.dma_semaphore, #tpu.memory_space<semaphore_mem>>)
      %dma_wait3A_155 = arith.constant 0 : i32
      %dma_wait3A_156 = arith.constant 0 : i32
      %dma_wait3A_157 = tpu.memref_slice %arg4[%arg1, %run_scoped3A_75, %dma_wait3A_155, %dma_wait3A_156] : memref<16x284x3x56xi32, #tpu.memory_space<hbm>> -> memref<1x1x3x56xi32, #tpu.memory_space<hbm>>
      %dma_wait3A_158 = tpu.memref_squeeze %dma_wait3A_157 : memref<1x1x3x56xi32, #tpu.memory_space<hbm>> -> memref<3x56xi32, #tpu.memory_space<hbm>>
      %dma_wait3A_159 = arith.constant 0 : i32
      %dma_wait3A_160 = arith.constant 0 : i32
      %dma_wait3A_161 = tpu.memref_slice %arg4[%arg1, %run_scoped3A_75, %dma_wait3A_159, %dma_wait3A_160] : memref<16x284x3x56xi32, #tpu.memory_space<hbm>> -> memref<1x1x3x56xi32, #tpu.memory_space<hbm>>
      %dma_wait3A_162 = tpu.memref_squeeze %dma_wait3A_161 : memref<1x1x3x56xi32, #tpu.memory_space<hbm>> -> memref<3x56xi32, #tpu.memory_space<hbm>>
      tpu.wait_dma2 semaphore(%run_scoped3A_146 : memref<!tpu.dma_semaphore, #tpu.memory_space<semaphore_mem>>) src(%dma_wait3A_162 : memref<3x56xi32, #tpu.memory_space<hbm>>) dst(%arg12 : memref<3x56xi32, #tpu.memory_space<vmem>>)
      tpu.yield
    }) : () -> ()
    %dma_start3A_76 = arith.constant 1 : i32
    %dma_start3A_77 = arith.constant 0 : i32
    %dma_start3A_78 = tpu.memref_slice %arg12[%dma_start3A_76, %dma_start3A_77] : memref<3x56xi32, #tpu.memory_space<vmem>> -> memref<1x56xi32, #tpu.memory_space<vmem>>
    %dma_start3A_79 = tpu.memref_squeeze %dma_start3A_78 : memref<1x56xi32, #tpu.memory_space<vmem>> -> memref<56xi32, #tpu.memory_space<vmem>>
    %dma_start3A_80 = arith.constant 0 : i32
    %dma_start3A_81 = arith.constant 0 : i32
    %dma_start3A_82 = tpu.memref_slice %arg2[%arg0, %dma_start3A_80, %dma_start3A_81] : memref<2x15904x64xf32, #tpu.memory_space<hbm>> -> memref<1x15904x64xf32, #tpu.memory_space<hbm>>
    %dma_start3A_83 = tpu.memref_squeeze %dma_start3A_82 : memref<1x15904x64xf32, #tpu.memory_space<hbm>> -> memref<15904x64xf32, #tpu.memory_space<hbm>>
    %dma_start3A_84 = arith.constant 0 : i32
    %dma_start3A_85 = arith.constant 0 : i32
    %dma_start3A_86 = tpu.memref_slice %dma_start3A_83[%dma_start3A_84, %dma_start3A_85] : memref<15904x64xf32, #tpu.memory_space<hbm>> -> memref<15904x64xf32, #tpu.memory_space<hbm>>
    tpu.enqueue_indirect_dma source(%dma_start3A_86 : memref<15904x64xf32, #tpu.memory_space<hbm>>) target(%arg16 : memref<56x64xf32, #tpu.memory_space<vmem>>) offsets(%dma_start3A_79 : memref<56xi32, #tpu.memory_space<vmem>>) semaphore(%arg29 : memref<!tpu.dma_semaphore, #tpu.memory_space<semaphore_mem>>)
    %dma_start3A_87 = arith.constant 2 : i32
    %dma_start3A_88 = arith.constant 0 : i32
    %dma_start3A_89 = tpu.memref_slice %arg12[%dma_start3A_87, %dma_start3A_88] : memref<3x56xi32, #tpu.memory_space<vmem>> -> memref<1x56xi32, #tpu.memory_space<vmem>>
    %dma_start3A_90 = tpu.memref_squeeze %dma_start3A_89 : memref<1x56xi32, #tpu.memory_space<vmem>> -> memref<56xi32, #tpu.memory_space<vmem>>
    %dma_start3A_91 = arith.constant 0 : i32
    %dma_start3A_92 = arith.constant 0 : i32
    %dma_start3A_93 = tpu.memref_slice %arg3[%arg0, %dma_start3A_91, %dma_start3A_92] : memref<2x3976x64xf32, #tpu.memory_space<hbm>> -> memref<1x3976x64xf32, #tpu.memory_space<hbm>>
    %dma_start3A_94 = tpu.memref_squeeze %dma_start3A_93 : memref<1x3976x64xf32, #tpu.memory_space<hbm>> -> memref<3976x64xf32, #tpu.memory_space<hbm>>
    %dma_start3A_95 = arith.constant 0 : i32
    %dma_start3A_96 = arith.constant 0 : i32
    %dma_start3A_97 = tpu.memref_slice %dma_start3A_94[%dma_start3A_95, %dma_start3A_96] : memref<3976x64xf32, #tpu.memory_space<hbm>> -> memref<3976x64xf32, #tpu.memory_space<hbm>>
    tpu.enqueue_indirect_dma source(%dma_start3A_97 : memref<3976x64xf32, #tpu.memory_space<hbm>>) target(%arg24 : memref<56x64xf32, #tpu.memory_space<vmem>>) offsets(%dma_start3A_90 : memref<56xi32, #tpu.memory_space<vmem>>) semaphore(%arg33 : memref<!tpu.dma_semaphore, #tpu.memory_space<semaphore_mem>>)
    %scan3A_98 = arith.constant 0 : i32
    %scan3A_99 = arith.constant 0 : i32
    %scan3A_100 = arith.constant 71 : i32
    %scan3A_101 = arith.addi %scan3A_99, %scan3A_100 : i32
    %scan3A_102 = arith.constant 1 : i32
    scf.for %scan3A_146 = %scan3A_99 to %scan3A_101 step %scan3A_102  : i32 {
      %mul3A_147 = arith.constant 4 : i32
      %mul3A_148 = arith.muli %scan3A_146, %mul3A_147 : i32
      %add3A_149 = arith.constant 0 : i32
      %add3A_150 = arith.addi %mul3A_148, %add3A_149 : i32
      %dma_wait3A_151 = arith.constant 1 : i32
      %dma_wait3A_152 = arith.constant 0 : i32
      %dma_wait3A_153 = tpu.memref_slice %arg11[%dma_wait3A_151, %dma_wait3A_152] : memref<3x56xi32, #tpu.memory_space<vmem>> -> memref<1x56xi32, #tpu.memory_space<vmem>>
      %dma_wait3A_154 = tpu.memref_squeeze %dma_wait3A_153 : memref<1x56xi32, #tpu.memory_space<vmem>> -> memref<56xi32, #tpu.memory_space<vmem>>
      %dma_wait3A_155 = arith.constant 0 : i32
      %dma_wait3A_156 = arith.constant 0 : i32
      %dma_wait3A_157 = tpu.memref_slice %arg2[%arg0, %dma_wait3A_155, %dma_wait3A_156] : memref<2x15904x64xf32, #tpu.memory_space<hbm>> -> memref<1x15904x64xf32, #tpu.memory_space<hbm>>
      %dma_wait3A_158 = tpu.memref_squeeze %dma_wait3A_157 : memref<1x15904x64xf32, #tpu.memory_space<hbm>> -> memref<15904x64xf32, #tpu.memory_space<hbm>>
      %dma_wait3A_159 = arith.constant 0 : i32
      %dma_wait3A_160 = arith.constant 0 : i32
      %dma_wait3A_161 = tpu.memref_slice %dma_wait3A_158[%dma_wait3A_159, %dma_wait3A_160] : memref<15904x64xf32, #tpu.memory_space<hbm>> -> memref<15904x64xf32, #tpu.memory_space<hbm>>
      tpu.wait_indirect_dma semaphore(%arg28 : memref<!tpu.dma_semaphore, #tpu.memory_space<semaphore_mem>>) src(%dma_wait3A_161 : memref<15904x64xf32, #tpu.memory_space<hbm>>) dst(%arg15 : memref<56x64xf32, #tpu.memory_space<vmem>>)
      %scan3A_162 = arith.constant 0 : i32
      %scan3A_163 = arith.constant 0 : i32
      %scan3A_164 = arith.constant 56 : i32
      %scan3A_165 = arith.addi %scan3A_163, %scan3A_164 : i32
      %scan3A_166 = arith.constant 1 : i32
      scf.for %scan3A_397 = %scan3A_163 to %scan3A_165 step %scan3A_166  : i32 {
        %get3A = arith.index_cast %scan3A_397 : i32 to index
        %get3A_398 = arith.constant 0 : index
        %get3A_399 = tpu.vector_load %arg15[%get3A, %get3A_398] {strides = array<i32>} : memref<56x64xf32, #tpu.memory_space<vmem>>, vector<16xf32>,
        %exp3A = math.exp %get3A_399 : vector<16xf32>
        %swap3A = arith.index_cast %scan3A_397 : i32 to index
        %swap3A_400 = arith.constant 0 : index
        %swap3A_401 = tpu.vector_load %arg19[%swap3A, %swap3A_400] {strides = array<i32>} : memref<56x64xf32, #tpu.memory_space<vmem>>, vector<16xf32>,
        tpu.vector_store %arg19[%swap3A, %swap3A_400], %exp3A {strides = array<i32>} : memref<56x64xf32, #tpu.memory_space<vmem>>, vector<16xf32>,
        %mul3A_402 = arith.mulf %get3A_399, %exp3A : vector<16xf32>
        %swap3A_403 = arith.index_cast %scan3A_397 : i32 to index
        %swap3A_404 = arith.constant 0 : index
        %swap3A_405 = tpu.vector_load %arg15[%swap3A_403, %swap3A_404] {strides = array<i32>} : memref<56x64xf32, #tpu.memory_space<vmem>>, vector<16xf32>,
        tpu.vector_store %arg15[%swap3A_403, %swap3A_404], %mul3A_402 {strides = array<i32>} : memref<56x64xf32, #tpu.memory_space<vmem>>, vector<16xf32>,
        %get3A_406 = arith.index_cast %scan3A_397 : i32 to index
        %get3A_407 = arith.constant 16 : index
        %get3A_408 = tpu.vector_load %arg15[%get3A_406, %get3A_407] {strides = array<i32>} : memref<56x64xf32, #tpu.memory_space<vmem>>, vector<16xf32>,
        %exp3A_409 = math.exp %get3A_408 : vector<16xf32>
        %swap3A_410 = arith.index_cast %scan3A_397 : i32 to index
        %swap3A_411 = arith.constant 16 : index
        %swap3A_412 = tpu.vector_load %arg19[%swap3A_410, %swap3A_411] {strides = array<i32>} : memref<56x64xf32, #tpu.memory_space<vmem>>, vector<16xf32>,
        tpu.vector_store %arg19[%swap3A_410, %swap3A_411], %exp3A_409 {strides = array<i32>} : memref<56x64xf32, #tpu.memory_space<vmem>>, vector<16xf32>,
        %mul3A_413 = arith.mulf %get3A_408, %exp3A_409 : vector<16xf32>
        %swap3A_414 = arith.index_cast %scan3A_397 : i32 to index
        %swap3A_415 = arith.constant 16 : index
        %swap3A_416 = tpu.vector_load %arg15[%swap3A_414, %swap3A_415] {strides = array<i32>} : memref<56x64xf32, #tpu.memory_space<vmem>>, vector<16xf32>,
        tpu.vector_store %arg15[%swap3A_414, %swap3A_415], %mul3A_413 {strides = array<i32>} : memref<56x64xf32, #tpu.memory_space<vmem>>, vector<16xf32>,
        %get3A_417 = arith.index_cast %scan3A_397 : i32 to index
        %get3A_418 = arith.constant 32 : index
        %get3A_419 = tpu.vector_load %arg15[%get3A_417, %get3A_418] {strides = array<i32>} : memref<56x64xf32, #tpu.memory_space<vmem>>, vector<16xf32>,
        %exp3A_420 = math.exp %get3A_419 : vector<16xf32>
        %swap3A_421 = arith.index_cast %scan3A_397 : i32 to index
        %swap3A_422 = arith.constant 32 : index
        %swap3A_423 = tpu.vector_load %arg19[%swap3A_421, %swap3A_422] {strides = array<i32>} : memref<56x64xf32, #tpu.memory_space<vmem>>, vector<16xf32>,
        tpu.vector_store %arg19[%swap3A_421, %swap3A_422], %exp3A_420 {strides = array<i32>} : memref<56x64xf32, #tpu.memory_space<vmem>>, vector<16xf32>,
        %mul3A_424 = arith.mulf %get3A_419, %exp3A_420 : vector<16xf32>
        %swap3A_425 = arith.index_cast %scan3A_397 : i32 to index
        %swap3A_426 = arith.constant 32 : index
        %swap3A_427 = tpu.vector_load %arg15[%swap3A_425, %swap3A_426] {strides = array<i32>} : memref<56x64xf32, #tpu.memory_space<vmem>>, vector<16xf32>,
        tpu.vector_store %arg15[%swap3A_425, %swap3A_426], %mul3A_424 {strides = array<i32>} : memref<56x64xf32, #tpu.memory_space<vmem>>, vector<16xf32>,
        %get3A_428 = arith.index_cast %scan3A_397 : i32 to index
        %get3A_429 = arith.constant 48 : index
        %get3A_430 = tpu.vector_load %arg15[%get3A_428, %get3A_429] {strides = array<i32>} : memref<56x64xf32, #tpu.memory_space<vmem>>, vector<16xf32>,
        %exp3A_431 = math.exp %get3A_430 : vector<16xf32>
        %swap3A_432 = arith.index_cast %scan3A_397 : i32 to index
        %swap3A_433 = arith.constant 48 : index
        %swap3A_434 = tpu.vector_load %arg19[%swap3A_432, %swap3A_433] {strides = array<i32>} : memref<56x64xf32, #tpu.memory_space<vmem>>, vector<16xf32>,
        tpu.vector_store %arg19[%swap3A_432, %swap3A_433], %exp3A_431 {strides = array<i32>} : memref<56x64xf32, #tpu.memory_space<vmem>>, vector<16xf32>,
        %mul3A_435 = arith.mulf %get3A_430, %exp3A_431 : vector<16xf32>
        %swap3A_436 = arith.index_cast %scan3A_397 : i32 to index
        %swap3A_437 = arith.constant 48 : index
        %swap3A_438 = tpu.vector_load %arg15[%swap3A_436, %swap3A_437] {strides = array<i32>} : memref<56x64xf32, #tpu.memory_space<vmem>>, vector<16xf32>,
        tpu.vector_store %arg15[%swap3A_436, %swap3A_437], %mul3A_435 {strides = array<i32>} : memref<56x64xf32, #tpu.memory_space<vmem>>, vector<16xf32>,
      }
      %scan3A_167 = arith.constant 56 : i32
      %dma_wait3A_168 = arith.constant 2 : i32
      %dma_wait3A_169 = arith.constant 0 : i32
      %dma_wait3A_170 = tpu.memref_slice %arg11[%dma_wait3A_168, %dma_wait3A_169] : memref<3x56xi32, #tpu.memory_space<vmem>> -> memref<1x56xi32, #tpu.memory_space<vmem>>
      %dma_wait3A_171 = tpu.memref_squeeze %dma_wait3A_170 : memref<1x56xi32, #tpu.memory_space<vmem>> -> memref<56xi32, #tpu.memory_space<vmem>>
      %dma_wait3A_172 = arith.constant 0 : i32
      %dma_wait3A_173 = arith.constant 0 : i32
      %dma_wait3A_174 = tpu.memref_slice %arg3[%arg0, %dma_wait3A_172, %dma_wait3A_173] : memref<2x3976x64xf32, #tpu.memory_space<hbm>> -> memref<1x3976x64xf32, #tpu.memory_space<hbm>>
      %dma_wait3A_175 = tpu.memref_squeeze %dma_wait3A_174 : memref<1x3976x64xf32, #tpu.memory_space<hbm>> -> memref<3976x64xf32, #tpu.memory_space<hbm>>
      %dma_wait3A_176 = arith.constant 0 : i32
      %dma_wait3A_177 = arith.constant 0 : i32
      %dma_wait3A_178 = tpu.memref_slice %dma_wait3A_175[%dma_wait3A_176, %dma_wait3A_177] : memref<3976x64xf32, #tpu.memory_space<hbm>> -> memref<3976x64xf32, #tpu.memory_space<hbm>>
      tpu.wait_indirect_dma semaphore(%arg32 : memref<!tpu.dma_semaphore, #tpu.memory_space<semaphore_mem>>) src(%dma_wait3A_178 : memref<3976x64xf32, #tpu.memory_space<hbm>>) dst(%arg23 : memref<56x64xf32, #tpu.memory_space<vmem>>)
      %dma_start3A_179 = arith.constant 0 : i32
      %dma_start3A_180 = arith.constant 0 : i32
      %dma_start3A_181 = tpu.memref_slice %arg11[%dma_start3A_179, %dma_start3A_180] : memref<3x56xi32, #tpu.memory_space<vmem>> -> memref<1x56xi32, #tpu.memory_space<vmem>>
      %dma_start3A_182 = tpu.memref_squeeze %dma_start3A_181 : memref<1x56xi32, #tpu.memory_space<vmem>> -> memref<56xi32, #tpu.memory_space<vmem>>
      %dma_start3A_183 = arith.constant 0 : i32
      %dma_start3A_184 = arith.constant 0 : i32
      %dma_start3A_185 = tpu.memref_slice %arg8[%dma_start3A_183, %dma_start3A_184] : memref<4096x64xf32, #tpu.memory_space<vmem_shared>> -> memref<4096x64xf32, #tpu.memory_space<vmem_shared>>
      tpu.enqueue_indirect_dma source(%arg19 : memref<56x64xf32, #tpu.memory_space<vmem>>) target(%dma_start3A_185 : memref<4096x64xf32, #tpu.memory_space<vmem_shared>>) offsets(%dma_start3A_182 : memref<56xi32, #tpu.memory_space<vmem>>) semaphore(%arg36 : memref<!tpu.dma_semaphore, #tpu.memory_space<semaphore_mem>>) {add = true}
      %dma_start3A_186 = arith.constant 0 : i32
      %dma_start3A_187 = arith.constant 0 : i32
      %dma_start3A_188 = tpu.memref_slice %arg11[%dma_start3A_186, %dma_start3A_187] : memref<3x56xi32, #tpu.memory_space<vmem>> -> memref<1x56xi32, #tpu.memory_space<vmem>>
      %dma_start3A_189 = tpu.memref_squeeze %dma_start3A_188 : memref<1x56xi32, #tpu.memory_space<vmem>> -> memref<56xi32, #tpu.memory_space<vmem>>
      %dma_start3A_190 = arith.constant 0 : i32
      %dma_start3A_191 = arith.constant 0 : i32
      %dma_start3A_192 = tpu.memref_slice %arg9[%dma_start3A_190, %dma_start3A_191] : memref<4096x64xf32, #tpu.memory_space<vmem_shared>> -> memref<4096x64xf32, #tpu.memory_space<vmem_shared>>
      tpu.enqueue_indirect_dma source(%arg15 : memref<56x64xf32, #tpu.memory_space<vmem>>) target(%dma_start3A_192 : memref<4096x64xf32, #tpu.memory_space<vmem_shared>>) offsets(%dma_start3A_189 : memref<56xi32, #tpu.memory_space<vmem>>) semaphore(%arg36 : memref<!tpu.dma_semaphore, #tpu.memory_space<semaphore_mem>>) {add = true}
      %dma_start3A_193 = arith.constant 0 : i32
      %dma_start3A_194 = arith.constant 0 : i32
      %dma_start3A_195 = tpu.memref_slice %arg11[%dma_start3A_193, %dma_start3A_194] : memref<3x56xi32, #tpu.memory_space<vmem>> -> memref<1x56xi32, #tpu.memory_space<vmem>>
      %dma_start3A_196 = tpu.memref_squeeze %dma_start3A_195 : memref<1x56xi32, #tpu.memory_space<vmem>> -> memref<56xi32, #tpu.memory_space<vmem>>
      %dma_start3A_197 = arith.constant 0 : i32
      %dma_start3A_198 = arith.constant 0 : i32
      %dma_start3A_199 = tpu.memref_slice %arg10[%dma_start3A_197, %dma_start3A_198] : memref<4096x64xf32, #tpu.memory_space<vmem_shared>> -> memref<4096x64xf32, #tpu.memory_space<vmem_shared>>
      tpu.enqueue_indirect_dma source(%arg23 : memref<56x64xf32, #tpu.memory_space<vmem>>) target(%dma_start3A_199 : memref<4096x64xf32, #tpu.memory_space<vmem_shared>>) offsets(%dma_start3A_196 : memref<56xi32, #tpu.memory_space<vmem>>) semaphore(%arg36 : memref<!tpu.dma_semaphore, #tpu.memory_space<semaphore_mem>>) {add = true}
      %ge3A = arith.constant 2 : i32
      %ge3A_200 = arith.cmpi sge, %add3A_150, %ge3A : i32
      %convert_element_type3A = arith.extui %ge3A_200 : i1 to i32
      %cond3A = arith.constant 0 : i32
      %cond3A_201 = arith.cmpi ne, %convert_element_type3A, %cond3A : i32
      scf.if %cond3A_201 {
        %dma_wait3A_397 = arith.constant 0 : i32
        %dma_wait3A_398 = arith.constant 0 : i32
        %dma_wait3A_399 = tpu.memref_slice %arg13[%dma_wait3A_397, %dma_wait3A_398] : memref<3x56xi32, #tpu.memory_space<vmem>> -> memref<1x56xi32, #tpu.memory_space<vmem>>
        %dma_wait3A_400 = tpu.memref_squeeze %dma_wait3A_399 : memref<1x56xi32, #tpu.memory_space<vmem>> -> memref<56xi32, #tpu.memory_space<vmem>>
        %dma_wait3A_401 = arith.constant 0 : i32
        %dma_wait3A_402 = arith.constant 0 : i32
        %dma_wait3A_403 = tpu.memref_slice %arg8[%dma_wait3A_401, %dma_wait3A_402] : memref<4096x64xf32, #tpu.memory_space<vmem_shared>> -> memref<4096x64xf32, #tpu.memory_space<vmem_shared>>
        tpu.wait_indirect_dma semaphore(%arg38 : memref<!tpu.dma_semaphore, #tpu.memory_space<semaphore_mem>>) src(%arg21 : memref<56x64xf32, #tpu.memory_space<vmem>>) dst(%dma_wait3A_403 : memref<4096x64xf32, #tpu.memory_space<vmem_shared>>)
        %dma_wait3A_404 = arith.constant 0 : i32
        %dma_wait3A_405 = arith.constant 0 : i32
        %dma_wait3A_406 = tpu.memref_slice %arg13[%dma_wait3A_404, %dma_wait3A_405] : memref<3x56xi32, #tpu.memory_space<vmem>> -> memref<1x56xi32, #tpu.memory_space<vmem>>
        %dma_wait3A_407 = tpu.memref_squeeze %dma_wait3A_406 : memref<1x56xi32, #tpu.memory_space<vmem>> -> memref<56xi32, #tpu.memory_space<vmem>>
        %dma_wait3A_408 = arith.constant 0 : i32
        %dma_wait3A_409 = arith.constant 0 : i32
        %dma_wait3A_410 = tpu.memref_slice %arg9[%dma_wait3A_408, %dma_wait3A_409] : memref<4096x64xf32, #tpu.memory_space<vmem_shared>> -> memref<4096x64xf32, #tpu.memory_space<vmem_shared>>
        tpu.wait_indirect_dma semaphore(%arg38 : memref<!tpu.dma_semaphore, #tpu.memory_space<semaphore_mem>>) src(%arg17 : memref<56x64xf32, #tpu.memory_space<vmem>>) dst(%dma_wait3A_410 : memref<4096x64xf32, #tpu.memory_space<vmem_shared>>)
        %dma_wait3A_411 = arith.constant 0 : i32
        %dma_wait3A_412 = arith.constant 0 : i32
        %dma_wait3A_413 = tpu.memref_slice %arg13[%dma_wait3A_411, %dma_wait3A_412] : memref<3x56xi32, #tpu.memory_space<vmem>> -> memref<1x56xi32, #tpu.memory_space<vmem>>
        %dma_wait3A_414 = tpu.memref_squeeze %dma_wait3A_413 : memref<1x56xi32, #tpu.memory_space<vmem>> -> memref<56xi32, #tpu.memory_space<vmem>>
        %dma_wait3A_415 = arith.constant 0 : i32
        %dma_wait3A_416 = arith.constant 0 : i32
        %dma_wait3A_417 = tpu.memref_slice %arg10[%dma_wait3A_415, %dma_wait3A_416] : memref<4096x64xf32, #tpu.memory_space<vmem_shared>> -> memref<4096x64xf32, #tpu.memory_space<vmem_shared>>
        tpu.wait_indirect_dma semaphore(%arg38 : memref<!tpu.dma_semaphore, #tpu.memory_space<semaphore_mem>>) src(%arg25 : memref<56x64xf32, #tpu.memory_space<vmem>>) dst(%dma_wait3A_417 : memref<4096x64xf32, #tpu.memory_space<vmem_shared>>)
      } else {
      }
      %add3A_202 = arith.constant 2 : i32
      %add3A_203 = arith.addi %add3A_150, %add3A_202 : i32
      %lt3A = arith.constant 284 : i32
      %lt3A_204 = arith.cmpi slt, %add3A_203, %lt3A : i32
      %convert_element_type3A_205 = arith.extui %lt3A_204 : i1 to i32
      %cond3A_206 = arith.constant 0 : i32
      %cond3A_207 = arith.cmpi ne, %convert_element_type3A_205, %cond3A_206 : i32
      scf.if %cond3A_207 {
        %add3A_397 = arith.constant 2 : i32
        %add3A_398 = arith.addi %add3A_150, %add3A_397 : i32
        "tpu.region"() ({
          %run_scoped3A_421 = tpu.sem_alloc : memref<!tpu.dma_semaphore, #tpu.memory_space<semaphore_mem>>
          %dma_start3A_422 = arith.constant 0 : i32
          %dma_start3A_423 = arith.constant 0 : i32
          %dma_start3A_424 = tpu.memref_slice %arg4[%arg1, %add3A_398, %dma_start3A_422, %dma_start3A_423] : memref<16x284x3x56xi32, #tpu.memory_space<hbm>> -> memref<1x1x3x56xi32, #tpu.memory_space<hbm>>
          %dma_start3A_425 = tpu.memref_squeeze %dma_start3A_424 : memref<1x1x3x56xi32, #tpu.memory_space<hbm>> -> memref<3x56xi32, #tpu.memory_space<hbm>>
          %dma_start3A_426 = arith.constant 0 : i32
          %dma_start3A_427 = arith.constant 0 : i32
          %dma_start3A_428 = tpu.memref_slice %arg4[%arg1, %add3A_398, %dma_start3A_426, %dma_start3A_427] : memref<16x284x3x56xi32, #tpu.memory_space<hbm>> -> memref<1x1x3x56xi32, #tpu.memory_space<hbm>>
          %dma_start3A_429 = tpu.memref_squeeze %dma_start3A_428 : memref<1x1x3x56xi32, #tpu.memory_space<hbm>> -> memref<3x56xi32, #tpu.memory_space<hbm>>
          tpu.enqueue_dma source(%dma_start3A_429 : memref<3x56xi32, #tpu.memory_space<hbm>>) target(%arg13 : memref<3x56xi32, #tpu.memory_space<vmem>>) target_semaphore(%run_scoped3A_421 : memref<!tpu.dma_semaphore, #tpu.memory_space<semaphore_mem>>)
          %dma_wait3A_430 = arith.constant 0 : i32
          %dma_wait3A_431 = arith.constant 0 : i32
          %dma_wait3A_432 = tpu.memref_slice %arg4[%arg1, %add3A_398, %dma_wait3A_430, %dma_wait3A_431] : memref<16x284x3x56xi32, #tpu.memory_space<hbm>> -> memref<1x1x3x56xi32, #tpu.memory_space<hbm>>
          %dma_wait3A_433 = tpu.memref_squeeze %dma_wait3A_432 : memref<1x1x3x56xi32, #tpu.memory_space<hbm>> -> memref<3x56xi32, #tpu.memory_space<hbm>>
          %dma_wait3A_434 = arith.constant 0 : i32
          %dma_wait3A_435 = arith.constant 0 : i32
          %dma_wait3A_436 = tpu.memref_slice %arg4[%arg1, %add3A_398, %dma_wait3A_434, %dma_wait3A_435] : memref<16x284x3x56xi32, #tpu.memory_space<hbm>> -> memref<1x1x3x56xi32, #tpu.memory_space<hbm>>
          %dma_wait3A_437 = tpu.memref_squeeze %dma_wait3A_436 : memref<1x1x3x56xi32, #tpu.memory_space<hbm>> -> memref<3x56xi32, #tpu.memory_space<hbm>>
          tpu.wait_dma2 semaphore(%run_scoped3A_421 : memref<!tpu.dma_semaphore, #tpu.memory_space<semaphore_mem>>) src(%dma_wait3A_437 : memref<3x56xi32, #tpu.memory_space<hbm>>) dst(%arg13 : memref<3x56xi32, #tpu.memory_space<vmem>>)
          tpu.yield
        }) : () -> ()
        %dma_start3A_399 = arith.constant 1 : i32
        %dma_start3A_400 = arith.constant 0 : i32
        %dma_start3A_401 = tpu.memref_slice %arg13[%dma_start3A_399, %dma_start3A_400] : memref<3x56xi32, #tpu.memory_space<vmem>> -> memref<1x56xi32, #tpu.memory_space<vmem>>
        %dma_start3A_402 = tpu.memref_squeeze %dma_start3A_401 : memref<1x56xi32, #tpu.memory_space<vmem>> -> memref<56xi32, #tpu.memory_space<vmem>>
        %dma_start3A_403 = arith.constant 0 : i32
        %dma_start3A_404 = arith.constant 0 : i32
        %dma_start3A_405 = tpu.memref_slice %arg2[%arg0, %dma_start3A_403, %dma_start3A_404] : memref<2x15904x64xf32, #tpu.memory_space<hbm>> -> memref<1x15904x64xf32, #tpu.memory_space<hbm>>
        %dma_start3A_406 = tpu.memref_squeeze %dma_start3A_405 : memref<1x15904x64xf32, #tpu.memory_space<hbm>> -> memref<15904x64xf32, #tpu.memory_space<hbm>>
        %dma_start3A_407 = arith.constant 0 : i32
        %dma_start3A_408 = arith.constant 0 : i32
        %dma_start3A_409 = tpu.memref_slice %dma_start3A_406[%dma_start3A_407, %dma_start3A_408] : memref<15904x64xf32, #tpu.memory_space<hbm>> -> memref<15904x64xf32, #tpu.memory_space<hbm>>
        tpu.enqueue_indirect_dma source(%dma_start3A_409 : memref<15904x64xf32, #tpu.memory_space<hbm>>) target(%arg17 : memref<56x64xf32, #tpu.memory_space<vmem>>) offsets(%dma_start3A_402 : memref<56xi32, #tpu.memory_space<vmem>>) semaphore(%arg30 : memref<!tpu.dma_semaphore, #tpu.memory_space<semaphore_mem>>)
        %dma_start3A_410 = arith.constant 2 : i32
        %dma_start3A_411 = arith.constant 0 : i32
        %dma_start3A_412 = tpu.memref_slice %arg13[%dma_start3A_410, %dma_start3A_411] : memref<3x56xi32, #tpu.memory_space<vmem>> -> memref<1x56xi32, #tpu.memory_space<vmem>>
        %dma_start3A_413 = tpu.memref_squeeze %dma_start3A_412 : memref<1x56xi32, #tpu.memory_space<vmem>> -> memref<56xi32, #tpu.memory_space<vmem>>
        %dma_start3A_414 = arith.constant 0 : i32
        %dma_start3A_415 = arith.constant 0 : i32
        %dma_start3A_416 = tpu.memref_slice %arg3[%arg0, %dma_start3A_414, %dma_start3A_415] : memref<2x3976x64xf32, #tpu.memory_space<hbm>> -> memref<1x3976x64xf32, #tpu.memory_space<hbm>>
        %dma_start3A_417 = tpu.memref_squeeze %dma_start3A_416 : memref<1x3976x64xf32, #tpu.memory_space<hbm>> -> memref<3976x64xf32, #tpu.memory_space<hbm>>
        %dma_start3A_418 = arith.constant 0 : i32
        %dma_start3A_419 = arith.constant 0 : i32
        %dma_start3A_420 = tpu.memref_slice %dma_start3A_417[%dma_start3A_418, %dma_start3A_419] : memref<3976x64xf32, #tpu.memory_space<hbm>> -> memref<3976x64xf32, #tpu.memory_space<hbm>>
        tpu.enqueue_indirect_dma source(%dma_start3A_420 : memref<3976x64xf32, #tpu.memory_space<hbm>>) target(%arg25 : memref<56x64xf32, #tpu.memory_space<vmem>>) offsets(%dma_start3A_413 : memref<56xi32, #tpu.memory_space<vmem>>) semaphore(%arg34 : memref<!tpu.dma_semaphore, #tpu.memory_space<semaphore_mem>>)
      } else {
      }
      %add3A_208 = arith.constant 1 : i32
      %add3A_209 = arith.addi %mul3A_148, %add3A_208 : i32
      %dma_wait3A_210 = arith.constant 1 : i32
      %dma_wait3A_211 = arith.constant 0 : i32
      %dma_wait3A_212 = tpu.memref_slice %arg12[%dma_wait3A_210, %dma_wait3A_211] : memref<3x56xi32, #tpu.memory_space<vmem>> -> memref<1x56xi32, #tpu.memory_space<vmem>>
      %dma_wait3A_213 = tpu.memref_squeeze %dma_wait3A_212 : memref<1x56xi32, #tpu.memory_space<vmem>> -> memref<56xi32, #tpu.memory_space<vmem>>
      %dma_wait3A_214 = arith.constant 0 : i32
      %dma_wait3A_215 = arith.constant 0 : i32
      %dma_wait3A_216 = tpu.memref_slice %arg2[%arg0, %dma_wait3A_214, %dma_wait3A_215] : memref<2x15904x64xf32, #tpu.memory_space<hbm>> -> memref<1x15904x64xf32, #tpu.memory_space<hbm>>
      %dma_wait3A_217 = tpu.memref_squeeze %dma_wait3A_216 : memref<1x15904x64xf32, #tpu.memory_space<hbm>> -> memref<15904x64xf32, #tpu.memory_space<hbm>>
      %dma_wait3A_218 = arith.constant 0 : i32
      %dma_wait3A_219 = arith.constant 0 : i32
      %dma_wait3A_220 = tpu.memref_slice %dma_wait3A_217[%dma_wait3A_218, %dma_wait3A_219] : memref<15904x64xf32, #tpu.memory_space<hbm>> -> memref<15904x64xf32, #tpu.memory_space<hbm>>
      tpu.wait_indirect_dma semaphore(%arg29 : memref<!tpu.dma_semaphore, #tpu.memory_space<semaphore_mem>>) src(%dma_wait3A_220 : memref<15904x64xf32, #tpu.memory_space<hbm>>) dst(%arg16 : memref<56x64xf32, #tpu.memory_space<vmem>>)
      %scan3A_221 = arith.constant 0 : i32
      %scan3A_222 = arith.constant 0 : i32
      %scan3A_223 = arith.constant 56 : i32
      %scan3A_224 = arith.addi %scan3A_222, %scan3A_223 : i32
      %scan3A_225 = arith.constant 1 : i32
      scf.for %scan3A_397 = %scan3A_222 to %scan3A_224 step %scan3A_225  : i32 {
        %get3A = arith.index_cast %scan3A_397 : i32 to index
        %get3A_398 = arith.constant 0 : index
        %get3A_399 = tpu.vector_load %arg16[%get3A, %get3A_398] {strides = array<i32>} : memref<56x64xf32, #tpu.memory_space<vmem>>, vector<16xf32>,
        %exp3A = math.exp %get3A_399 : vector<16xf32>
        %swap3A = arith.index_cast %scan3A_397 : i32 to index
        %swap3A_400 = arith.constant 0 : index
        %swap3A_401 = tpu.vector_load %arg20[%swap3A, %swap3A_400] {strides = array<i32>} : memref<56x64xf32, #tpu.memory_space<vmem>>, vector<16xf32>,
        tpu.vector_store %arg20[%swap3A, %swap3A_400], %exp3A {strides = array<i32>} : memref<56x64xf32, #tpu.memory_space<vmem>>, vector<16xf32>,
        %mul3A_402 = arith.mulf %get3A_399, %exp3A : vector<16xf32>
        %swap3A_403 = arith.index_cast %scan3A_397 : i32 to index
        %swap3A_404 = arith.constant 0 : index
        %swap3A_405 = tpu.vector_load %arg16[%swap3A_403, %swap3A_404] {strides = array<i32>} : memref<56x64xf32, #tpu.memory_space<vmem>>, vector<16xf32>,
        tpu.vector_store %arg16[%swap3A_403, %swap3A_404], %mul3A_402 {strides = array<i32>} : memref<56x64xf32, #tpu.memory_space<vmem>>, vector<16xf32>,
        %get3A_406 = arith.index_cast %scan3A_397 : i32 to index
        %get3A_407 = arith.constant 16 : index
        %get3A_408 = tpu.vector_load %arg16[%get3A_406, %get3A_407] {strides = array<i32>} : memref<56x64xf32, #tpu.memory_space<vmem>>, vector<16xf32>,
        %exp3A_409 = math.exp %get3A_408 : vector<16xf32>
        %swap3A_410 = arith.index_cast %scan3A_397 : i32 to index
        %swap3A_411 = arith.constant 16 : index
        %swap3A_412 = tpu.vector_load %arg20[%swap3A_410, %swap3A_411] {strides = array<i32>} : memref<56x64xf32, #tpu.memory_space<vmem>>, vector<16xf32>,
        tpu.vector_store %arg20[%swap3A_410, %swap3A_411], %exp3A_409 {strides = array<i32>} : memref<56x64xf32, #tpu.memory_space<vmem>>, vector<16xf32>,
        %mul3A_413 = arith.mulf %get3A_408, %exp3A_409 : vector<16xf32>
        %swap3A_414 = arith.index_cast %scan3A_397 : i32 to index
        %swap3A_415 = arith.constant 16 : index
        %swap3A_416 = tpu.vector_load %arg16[%swap3A_414, %swap3A_415] {strides = array<i32>} : memref<56x64xf32, #tpu.memory_space<vmem>>, vector<16xf32>,
        tpu.vector_store %arg16[%swap3A_414, %swap3A_415], %mul3A_413 {strides = array<i32>} : memref<56x64xf32, #tpu.memory_space<vmem>>, vector<16xf32>,
        %get3A_417 = arith.index_cast %scan3A_397 : i32 to index
        %get3A_418 = arith.constant 32 : index
        %get3A_419 = tpu.vector_load %arg16[%get3A_417, %get3A_418] {strides = array<i32>} : memref<56x64xf32, #tpu.memory_space<vmem>>, vector<16xf32>,
        %exp3A_420 = math.exp %get3A_419 : vector<16xf32>
        %swap3A_421 = arith.index_cast %scan3A_397 : i32 to index
        %swap3A_422 = arith.constant 32 : index
        %swap3A_423 = tpu.vector_load %arg20[%swap3A_421, %swap3A_422] {strides = array<i32>} : memref<56x64xf32, #tpu.memory_space<vmem>>, vector<16xf32>,
        tpu.vector_store %arg20[%swap3A_421, %swap3A_422], %exp3A_420 {strides = array<i32>} : memref<56x64xf32, #tpu.memory_space<vmem>>, vector<16xf32>,
        %mul3A_424 = arith.mulf %get3A_419, %exp3A_420 : vector<16xf32>
        %swap3A_425 = arith.index_cast %scan3A_397 : i32 to index
        %swap3A_426 = arith.constant 32 : index
        %swap3A_427 = tpu.vector_load %arg16[%swap3A_425, %swap3A_426] {strides = array<i32>} : memref<56x64xf32, #tpu.memory_space<vmem>>, vector<16xf32>,
        tpu.vector_store %arg16[%swap3A_425, %swap3A_426], %mul3A_424 {strides = array<i32>} : memref<56x64xf32, #tpu.memory_space<vmem>>, vector<16xf32>,
        %get3A_428 = arith.index_cast %scan3A_397 : i32 to index
        %get3A_429 = arith.constant 48 : index
        %get3A_430 = tpu.vector_load %arg16[%get3A_428, %get3A_429] {strides = array<i32>} : memref<56x64xf32, #tpu.memory_space<vmem>>, vector<16xf32>,
        %exp3A_431 = math.exp %get3A_430 : vector<16xf32>
        %swap3A_432 = arith.index_cast %scan3A_397 : i32 to index
        %swap3A_433 = arith.constant 48 : index
        %swap3A_434 = tpu.vector_load %arg20[%swap3A_432, %swap3A_433] {strides = array<i32>} : memref<56x64xf32, #tpu.memory_space<vmem>>, vector<16xf32>,
        tpu.vector_store %arg20[%swap3A_432, %swap3A_433], %exp3A_431 {strides = array<i32>} : memref<56x64xf32, #tpu.memory_space<vmem>>, vector<16xf32>,
        %mul3A_435 = arith.mulf %get3A_430, %exp3A_431 : vector<16xf32>
        %swap3A_436 = arith.index_cast %scan3A_397 : i32 to index
        %swap3A_437 = arith.constant 48 : index
        %swap3A_438 = tpu.vector_load %arg16[%swap3A_436, %swap3A_437] {strides = array<i32>} : memref<56x64xf32, #tpu.memory_space<vmem>>, vector<16xf32>,
        tpu.vector_store %arg16[%swap3A_436, %swap3A_437], %mul3A_435 {strides = array<i32>} : memref<56x64xf32, #tpu.memory_space<vmem>>, vector<16xf32>,
      }
      %scan3A_226 = arith.constant 56 : i32
      %dma_wait3A_227 = arith.constant 2 : i32
      %dma_wait3A_228 = arith.constant 0 : i32
      %dma_wait3A_229 = tpu.memref_slice %arg12[%dma_wait3A_227, %dma_wait3A_228] : memref<3x56xi32, #tpu.memory_space<vmem>> -> memref<1x56xi32, #tpu.memory_space<vmem>>
      %dma_wait3A_230 = tpu.memref_squeeze %dma_wait3A_229 : memref<1x56xi32, #tpu.memory_space<vmem>> -> memref<56xi32, #tpu.memory_space<vmem>>
      %dma_wait3A_231 = arith.constant 0 : i32
      %dma_wait3A_232 = arith.constant 0 : i32
      %dma_wait3A_233 = tpu.memref_slice %arg3[%arg0, %dma_wait3A_231, %dma_wait3A_232] : memref<2x3976x64xf32, #tpu.memory_space<hbm>> -> memref<1x3976x64xf32, #tpu.memory_space<hbm>>
      %dma_wait3A_234 = tpu.memref_squeeze %dma_wait3A_233 : memref<1x3976x64xf32, #tpu.memory_space<hbm>> -> memref<3976x64xf32, #tpu.memory_space<hbm>>
      %dma_wait3A_235 = arith.constant 0 : i32
      %dma_wait3A_236 = arith.constant 0 : i32
      %dma_wait3A_237 = tpu.memref_slice %dma_wait3A_234[%dma_wait3A_235, %dma_wait3A_236] : memref<3976x64xf32, #tpu.memory_space<hbm>> -> memref<3976x64xf32, #tpu.memory_space<hbm>>
      tpu.wait_indirect_dma semaphore(%arg33 : memref<!tpu.dma_semaphore, #tpu.memory_space<semaphore_mem>>) src(%dma_wait3A_237 : memref<3976x64xf32, #tpu.memory_space<hbm>>) dst(%arg24 : memref<56x64xf32, #tpu.memory_space<vmem>>)
      %dma_start3A_238 = arith.constant 0 : i32
      %dma_start3A_239 = arith.constant 0 : i32
      %dma_start3A_240 = tpu.memref_slice %arg12[%dma_start3A_238, %dma_start3A_239] : memref<3x56xi32, #tpu.memory_space<vmem>> -> memref<1x56xi32, #tpu.memory_space<vmem>>
      %dma_start3A_241 = tpu.memref_squeeze %dma_start3A_240 : memref<1x56xi32, #tpu.memory_space<vmem>> -> memref<56xi32, #tpu.memory_space<vmem>>
      %dma_start3A_242 = arith.constant 0 : i32
      %dma_start3A_243 = arith.constant 0 : i32
      %dma_start3A_244 = tpu.memref_slice %arg8[%dma_start3A_242, %dma_start3A_243] : memref<4096x64xf32, #tpu.memory_space<vmem_shared>> -> memref<4096x64xf32, #tpu.memory_space<vmem_shared>>
      tpu.enqueue_indirect_dma source(%arg20 : memref<56x64xf32, #tpu.memory_space<vmem>>) target(%dma_start3A_244 : memref<4096x64xf32, #tpu.memory_space<vmem_shared>>) offsets(%dma_start3A_241 : memref<56xi32, #tpu.memory_space<vmem>>) semaphore(%arg37 : memref<!tpu.dma_semaphore, #tpu.memory_space<semaphore_mem>>) {add = true}
      %dma_start3A_245 = arith.constant 0 : i32
      %dma_start3A_246 = arith.constant 0 : i32
      %dma_start3A_247 = tpu.memref_slice %arg12[%dma_start3A_245, %dma_start3A_246] : memref<3x56xi32, #tpu.memory_space<vmem>> -> memref<1x56xi32, #tpu.memory_space<vmem>>
      %dma_start3A_248 = tpu.memref_squeeze %dma_start3A_247 : memref<1x56xi32, #tpu.memory_space<vmem>> -> memref<56xi32, #tpu.memory_space<vmem>>
      %dma_start3A_249 = arith.constant 0 : i32
      %dma_start3A_250 = arith.constant 0 : i32
      %dma_start3A_251 = tpu.memref_slice %arg9[%dma_start3A_249, %dma_start3A_250] : memref<4096x64xf32, #tpu.memory_space<vmem_shared>> -> memref<4096x64xf32, #tpu.memory_space<vmem_shared>>
      tpu.enqueue_indirect_dma source(%arg16 : memref<56x64xf32, #tpu.memory_space<vmem>>) target(%dma_start3A_251 : memref<4096x64xf32, #tpu.memory_space<vmem_shared>>) offsets(%dma_start3A_248 : memref<56xi32, #tpu.memory_space<vmem>>) semaphore(%arg37 : memref<!tpu.dma_semaphore, #tpu.memory_space<semaphore_mem>>) {add = true}
      %dma_start3A_252 = arith.constant 0 : i32
      %dma_start3A_253 = arith.constant 0 : i32
      %dma_start3A_254 = tpu.memref_slice %arg12[%dma_start3A_252, %dma_start3A_253] : memref<3x56xi32, #tpu.memory_space<vmem>> -> memref<1x56xi32, #tpu.memory_space<vmem>>
      %dma_start3A_255 = tpu.memref_squeeze %dma_start3A_254 : memref<1x56xi32, #tpu.memory_space<vmem>> -> memref<56xi32, #tpu.memory_space<vmem>>
      %dma_start3A_256 = arith.constant 0 : i32
      %dma_start3A_257 = arith.constant 0 : i32
      %dma_start3A_258 = tpu.memref_slice %arg10[%dma_start3A_256, %dma_start3A_257] : memref<4096x64xf32, #tpu.memory_space<vmem_shared>> -> memref<4096x64xf32, #tpu.memory_space<vmem_shared>>
      tpu.enqueue_indirect_dma source(%arg24 : memref<56x64xf32, #tpu.memory_space<vmem>>) target(%dma_start3A_258 : memref<4096x64xf32, #tpu.memory_space<vmem_shared>>) offsets(%dma_start3A_255 : memref<56xi32, #tpu.memory_space<vmem>>) semaphore(%arg37 : memref<!tpu.dma_semaphore, #tpu.memory_space<semaphore_mem>>) {add = true}
      %ge3A_259 = arith.constant 2 : i32
      %ge3A_260 = arith.cmpi sge, %add3A_209, %ge3A_259 : i32
      %convert_element_type3A_261 = arith.extui %ge3A_260 : i1 to i32
      %cond3A_262 = arith.constant 0 : i32
      %cond3A_263 = arith.cmpi ne, %convert_element_type3A_261, %cond3A_262 : i32
      scf.if %cond3A_263 {
        %dma_wait3A_397 = arith.constant 0 : i32
        %dma_wait3A_398 = arith.constant 0 : i32
        %dma_wait3A_399 = tpu.memref_slice %arg14[%dma_wait3A_397, %dma_wait3A_398] : memref<3x56xi32, #tpu.memory_space<vmem>> -> memref<1x56xi32, #tpu.memory_space<vmem>>
        %dma_wait3A_400 = tpu.memref_squeeze %dma_wait3A_399 : memref<1x56xi32, #tpu.memory_space<vmem>> -> memref<56xi32, #tpu.memory_space<vmem>>
        %dma_wait3A_401 = arith.constant 0 : i32
        %dma_wait3A_402 = arith.constant 0 : i32
        %dma_wait3A_403 = tpu.memref_slice %arg8[%dma_wait3A_401, %dma_wait3A_402] : memref<4096x64xf32, #tpu.memory_space<vmem_shared>> -> memref<4096x64xf32, #tpu.memory_space<vmem_shared>>
        tpu.wait_indirect_dma semaphore(%arg39 : memref<!tpu.dma_semaphore, #tpu.memory_space<semaphore_mem>>) src(%arg22 : memref<56x64xf32, #tpu.memory_space<vmem>>) dst(%dma_wait3A_403 : memref<4096x64xf32, #tpu.memory_space<vmem_shared>>)
        %dma_wait3A_404 = arith.constant 0 : i32
        %dma_wait3A_405 = arith.constant 0 : i32
        %dma_wait3A_406 = tpu.memref_slice %arg14[%dma_wait3A_404, %dma_wait3A_405] : memref<3x56xi32, #tpu.memory_space<vmem>> -> memref<1x56xi32, #tpu.memory_space<vmem>>
        %dma_wait3A_407 = tpu.memref_squeeze %dma_wait3A_406 : memref<1x56xi32, #tpu.memory_space<vmem>> -> memref<56xi32, #tpu.memory_space<vmem>>
        %dma_wait3A_408 = arith.constant 0 : i32
        %dma_wait3A_409 = arith.constant 0 : i32
        %dma_wait3A_410 = tpu.memref_slice %arg9[%dma_wait3A_408, %dma_wait3A_409] : memref<4096x64xf32, #tpu.memory_space<vmem_shared>> -> memref<4096x64xf32, #tpu.memory_space<vmem_shared>>
        tpu.wait_indirect_dma semaphore(%arg39 : memref<!tpu.dma_semaphore, #tpu.memory_space<semaphore_mem>>) src(%arg18 : memref<56x64xf32, #tpu.memory_space<vmem>>) dst(%dma_wait3A_410 : memref<4096x64xf32, #tpu.memory_space<vmem_shared>>)
        %dma_wait3A_411 = arith.constant 0 : i32
        %dma_wait3A_412 = arith.constant 0 : i32
        %dma_wait3A_413 = tpu.memref_slice %arg14[%dma_wait3A_411, %dma_wait3A_412] : memref<3x56xi32, #tpu.memory_space<vmem>> -> memref<1x56xi32, #tpu.memory_space<vmem>>
        %dma_wait3A_414 = tpu.memref_squeeze %dma_wait3A_413 : memref<1x56xi32, #tpu.memory_space<vmem>> -> memref<56xi32, #tpu.memory_space<vmem>>
        %dma_wait3A_415 = arith.constant 0 : i32
        %dma_wait3A_416 = arith.constant 0 : i32
        %dma_wait3A_417 = tpu.memref_slice %arg10[%dma_wait3A_415, %dma_wait3A_416] : memref<4096x64xf32, #tpu.memory_space<vmem_shared>> -> memref<4096x64xf32, #tpu.memory_space<vmem_shared>>
        tpu.wait_indirect_dma semaphore(%arg39 : memref<!tpu.dma_semaphore, #tpu.memory_space<semaphore_mem>>) src(%arg26 : memref<56x64xf32, #tpu.memory_space<vmem>>) dst(%dma_wait3A_417 : memref<4096x64xf32, #tpu.memory_space<vmem_shared>>)
      } else {
      }
      %add3A_264 = arith.constant 2 : i32
      %add3A_265 = arith.addi %add3A_209, %add3A_264 : i32
      %lt3A_266 = arith.constant 284 : i32
      %lt3A_267 = arith.cmpi slt, %add3A_265, %lt3A_266 : i32
      %convert_element_type3A_268 = arith.extui %lt3A_267 : i1 to i32
      %cond3A_269 = arith.constant 0 : i32
      %cond3A_270 = arith.cmpi ne, %convert_element_type3A_268, %cond3A_269 : i32
      scf.if %cond3A_270 {
        %add3A_397 = arith.constant 2 : i32
        %add3A_398 = arith.addi %add3A_209, %add3A_397 : i32
        "tpu.region"() ({
          %run_scoped3A_421 = tpu.sem_alloc : memref<!tpu.dma_semaphore, #tpu.memory_space<semaphore_mem>>
          %dma_start3A_422 = arith.constant 0 : i32
          %dma_start3A_423 = arith.constant 0 : i32
          %dma_start3A_424 = tpu.memref_slice %arg4[%arg1, %add3A_398, %dma_start3A_422, %dma_start3A_423] : memref<16x284x3x56xi32, #tpu.memory_space<hbm>> -> memref<1x1x3x56xi32, #tpu.memory_space<hbm>>
          %dma_start3A_425 = tpu.memref_squeeze %dma_start3A_424 : memref<1x1x3x56xi32, #tpu.memory_space<hbm>> -> memref<3x56xi32, #tpu.memory_space<hbm>>
          %dma_start3A_426 = arith.constant 0 : i32
          %dma_start3A_427 = arith.constant 0 : i32
          %dma_start3A_428 = tpu.memref_slice %arg4[%arg1, %add3A_398, %dma_start3A_426, %dma_start3A_427] : memref<16x284x3x56xi32, #tpu.memory_space<hbm>> -> memref<1x1x3x56xi32, #tpu.memory_space<hbm>>
          %dma_start3A_429 = tpu.memref_squeeze %dma_start3A_428 : memref<1x1x3x56xi32, #tpu.memory_space<hbm>> -> memref<3x56xi32, #tpu.memory_space<hbm>>
          tpu.enqueue_dma source(%dma_start3A_429 : memref<3x56xi32, #tpu.memory_space<hbm>>) target(%arg14 : memref<3x56xi32, #tpu.memory_space<vmem>>) target_semaphore(%run_scoped3A_421 : memref<!tpu.dma_semaphore, #tpu.memory_space<semaphore_mem>>)
          %dma_wait3A_430 = arith.constant 0 : i32
          %dma_wait3A_431 = arith.constant 0 : i32
          %dma_wait3A_432 = tpu.memref_slice %arg4[%arg1, %add3A_398, %dma_wait3A_430, %dma_wait3A_431] : memref<16x284x3x56xi32, #tpu.memory_space<hbm>> -> memref<1x1x3x56xi32, #tpu.memory_space<hbm>>
          %dma_wait3A_433 = tpu.memref_squeeze %dma_wait3A_432 : memref<1x1x3x56xi32, #tpu.memory_space<hbm>> -> memref<3x56xi32, #tpu.memory_space<hbm>>
          %dma_wait3A_434 = arith.constant 0 : i32
          %dma_wait3A_435 = arith.constant 0 : i32
          %dma_wait3A_436 = tpu.memref_slice %arg4[%arg1, %add3A_398, %dma_wait3A_434, %dma_wait3A_435] : memref<16x284x3x56xi32, #tpu.memory_space<hbm>> -> memref<1x1x3x56xi32, #tpu.memory_space<hbm>>
          %dma_wait3A_437 = tpu.memref_squeeze %dma_wait3A_436 : memref<1x1x3x56xi32, #tpu.memory_space<hbm>> -> memref<3x56xi32, #tpu.memory_space<hbm>>
          tpu.wait_dma2 semaphore(%run_scoped3A_421 : memref<!tpu.dma_semaphore, #tpu.memory_space<semaphore_mem>>) src(%dma_wait3A_437 : memref<3x56xi32, #tpu.memory_space<hbm>>) dst(%arg14 : memref<3x56xi32, #tpu.memory_space<vmem>>)
          tpu.yield
        }) : () -> ()
        %dma_start3A_399 = arith.constant 1 : i32
        %dma_start3A_400 = arith.constant 0 : i32
        %dma_start3A_401 = tpu.memref_slice %arg14[%dma_start3A_399, %dma_start3A_400] : memref<3x56xi32, #tpu.memory_space<vmem>> -> memref<1x56xi32, #tpu.memory_space<vmem>>
        %dma_start3A_402 = tpu.memref_squeeze %dma_start3A_401 : memref<1x56xi32, #tpu.memory_space<vmem>> -> memref<56xi32, #tpu.memory_space<vmem>>
        %dma_start3A_403 = arith.constant 0 : i32
        %dma_start3A_404 = arith.constant 0 : i32
        %dma_start3A_405 = tpu.memref_slice %arg2[%arg0, %dma_start3A_403, %dma_start3A_404] : memref<2x15904x64xf32, #tpu.memory_space<hbm>> -> memref<1x15904x64xf32, #tpu.memory_space<hbm>>
        %dma_start3A_406 = tpu.memref_squeeze %dma_start3A_405 : memref<1x15904x64xf32, #tpu.memory_space<hbm>> -> memref<15904x64xf32, #tpu.memory_space<hbm>>
        %dma_start3A_407 = arith.constant 0 : i32
        %dma_start3A_408 = arith.constant 0 : i32
        %dma_start3A_409 = tpu.memref_slice %dma_start3A_406[%dma_start3A_407, %dma_start3A_408] : memref<15904x64xf32, #tpu.memory_space<hbm>> -> memref<15904x64xf32, #tpu.memory_space<hbm>>
        tpu.enqueue_indirect_dma source(%dma_start3A_409 : memref<15904x64xf32, #tpu.memory_space<hbm>>) target(%arg18 : memref<56x64xf32, #tpu.memory_space<vmem>>) offsets(%dma_start3A_402 : memref<56xi32, #tpu.memory_space<vmem>>) semaphore(%arg31 : memref<!tpu.dma_semaphore, #tpu.memory_space<semaphore_mem>>)
        %dma_start3A_410 = arith.constant 2 : i32
        %dma_start3A_411 = arith.constant 0 : i32
        %dma_start3A_412 = tpu.memref_slice %arg14[%dma_start3A_410, %dma_start3A_411] : memref<3x56xi32, #tpu.memory_space<vmem>> -> memref<1x56xi32, #tpu.memory_space<vmem>>
        %dma_start3A_413 = tpu.memref_squeeze %dma_start3A_412 : memref<1x56xi32, #tpu.memory_space<vmem>> -> memref<56xi32, #tpu.memory_space<vmem>>
        %dma_start3A_414 = arith.constant 0 : i32
        %dma_start3A_415 = arith.constant 0 : i32
        %dma_start3A_416 = tpu.memref_slice %arg3[%arg0, %dma_start3A_414, %dma_start3A_415] : memref<2x3976x64xf32, #tpu.memory_space<hbm>> -> memref<1x3976x64xf32, #tpu.memory_space<hbm>>
        %dma_start3A_417 = tpu.memref_squeeze %dma_start3A_416 : memref<1x3976x64xf32, #tpu.memory_space<hbm>> -> memref<3976x64xf32, #tpu.memory_space<hbm>>
        %dma_start3A_418 = arith.constant 0 : i32
        %dma_start3A_419 = arith.constant 0 : i32
        %dma_start3A_420 = tpu.memref_slice %dma_start3A_417[%dma_start3A_418, %dma_start3A_419] : memref<3976x64xf32, #tpu.memory_space<hbm>> -> memref<3976x64xf32, #tpu.memory_space<hbm>>
        tpu.enqueue_indirect_dma source(%dma_start3A_420 : memref<3976x64xf32, #tpu.memory_space<hbm>>) target(%arg26 : memref<56x64xf32, #tpu.memory_space<vmem>>) offsets(%dma_start3A_413 : memref<56xi32, #tpu.memory_space<vmem>>) semaphore(%arg35 : memref<!tpu.dma_semaphore, #tpu.memory_space<semaphore_mem>>)
      } else {
      }
      %add3A_271 = arith.constant 2 : i32
      %add3A_272 = arith.addi %mul3A_148, %add3A_271 : i32
      %dma_wait3A_273 = arith.constant 1 : i32
      %dma_wait3A_274 = arith.constant 0 : i32
      %dma_wait3A_275 = tpu.memref_slice %arg13[%dma_wait3A_273, %dma_wait3A_274] : memref<3x56xi32, #tpu.memory_space<vmem>> -> memref<1x56xi32, #tpu.memory_space<vmem>>
      %dma_wait3A_276 = tpu.memref_squeeze %dma_wait3A_275 : memref<1x56xi32, #tpu.memory_space<vmem>> -> memref<56xi32, #tpu.memory_space<vmem>>
      %dma_wait3A_277 = arith.constant 0 : i32
      %dma_wait3A_278 = arith.constant 0 : i32
      %dma_wait3A_279 = tpu.memref_slice %arg2[%arg0, %dma_wait3A_277, %dma_wait3A_278] : memref<2x15904x64xf32, #tpu.memory_space<hbm>> -> memref<1x15904x64xf32, #tpu.memory_space<hbm>>
      %dma_wait3A_280 = tpu.memref_squeeze %dma_wait3A_279 : memref<1x15904x64xf32, #tpu.memory_space<hbm>> -> memref<15904x64xf32, #tpu.memory_space<hbm>>
      %dma_wait3A_281 = arith.constant 0 : i32
      %dma_wait3A_282 = arith.constant 0 : i32
      %dma_wait3A_283 = tpu.memref_slice %dma_wait3A_280[%dma_wait3A_281, %dma_wait3A_282] : memref<15904x64xf32, #tpu.memory_space<hbm>> -> memref<15904x64xf32, #tpu.memory_space<hbm>>
      tpu.wait_indirect_dma semaphore(%arg30 : memref<!tpu.dma_semaphore, #tpu.memory_space<semaphore_mem>>) src(%dma_wait3A_283 : memref<15904x64xf32, #tpu.memory_space<hbm>>) dst(%arg17 : memref<56x64xf32, #tpu.memory_space<vmem>>)
      %scan3A_284 = arith.constant 0 : i32
      %scan3A_285 = arith.constant 0 : i32
      %scan3A_286 = arith.constant 56 : i32
      %scan3A_287 = arith.addi %scan3A_285, %scan3A_286 : i32
      %scan3A_288 = arith.constant 1 : i32
      scf.for %scan3A_397 = %scan3A_285 to %scan3A_287 step %scan3A_288  : i32 {
        %get3A = arith.index_cast %scan3A_397 : i32 to index
        %get3A_398 = arith.constant 0 : index
        %get3A_399 = tpu.vector_load %arg17[%get3A, %get3A_398] {strides = array<i32>} : memref<56x64xf32, #tpu.memory_space<vmem>>, vector<16xf32>,
        %exp3A = math.exp %get3A_399 : vector<16xf32>
        %swap3A = arith.index_cast %scan3A_397 : i32 to index
        %swap3A_400 = arith.constant 0 : index
        %swap3A_401 = tpu.vector_load %arg21[%swap3A, %swap3A_400] {strides = array<i32>} : memref<56x64xf32, #tpu.memory_space<vmem>>, vector<16xf32>,
        tpu.vector_store %arg21[%swap3A, %swap3A_400], %exp3A {strides = array<i32>} : memref<56x64xf32, #tpu.memory_space<vmem>>, vector<16xf32>,
        %mul3A_402 = arith.mulf %get3A_399, %exp3A : vector<16xf32>
        %swap3A_403 = arith.index_cast %scan3A_397 : i32 to index
        %swap3A_404 = arith.constant 0 : index
        %swap3A_405 = tpu.vector_load %arg17[%swap3A_403, %swap3A_404] {strides = array<i32>} : memref<56x64xf32, #tpu.memory_space<vmem>>, vector<16xf32>,
        tpu.vector_store %arg17[%swap3A_403, %swap3A_404], %mul3A_402 {strides = array<i32>} : memref<56x64xf32, #tpu.memory_space<vmem>>, vector<16xf32>,
        %get3A_406 = arith.index_cast %scan3A_397 : i32 to index
        %get3A_407 = arith.constant 16 : index
        %get3A_408 = tpu.vector_load %arg17[%get3A_406, %get3A_407] {strides = array<i32>} : memref<56x64xf32, #tpu.memory_space<vmem>>, vector<16xf32>,
        %exp3A_409 = math.exp %get3A_408 : vector<16xf32>
        %swap3A_410 = arith.index_cast %scan3A_397 : i32 to index
        %swap3A_411 = arith.constant 16 : index
        %swap3A_412 = tpu.vector_load %arg21[%swap3A_410, %swap3A_411] {strides = array<i32>} : memref<56x64xf32, #tpu.memory_space<vmem>>, vector<16xf32>,
        tpu.vector_store %arg21[%swap3A_410, %swap3A_411], %exp3A_409 {strides = array<i32>} : memref<56x64xf32, #tpu.memory_space<vmem>>, vector<16xf32>,
        %mul3A_413 = arith.mulf %get3A_408, %exp3A_409 : vector<16xf32>
        %swap3A_414 = arith.index_cast %scan3A_397 : i32 to index
        %swap3A_415 = arith.constant 16 : index
        %swap3A_416 = tpu.vector_load %arg17[%swap3A_414, %swap3A_415] {strides = array<i32>} : memref<56x64xf32, #tpu.memory_space<vmem>>, vector<16xf32>,
        tpu.vector_store %arg17[%swap3A_414, %swap3A_415], %mul3A_413 {strides = array<i32>} : memref<56x64xf32, #tpu.memory_space<vmem>>, vector<16xf32>,
        %get3A_417 = arith.index_cast %scan3A_397 : i32 to index
        %get3A_418 = arith.constant 32 : index
        %get3A_419 = tpu.vector_load %arg17[%get3A_417, %get3A_418] {strides = array<i32>} : memref<56x64xf32, #tpu.memory_space<vmem>>, vector<16xf32>,
        %exp3A_420 = math.exp %get3A_419 : vector<16xf32>
        %swap3A_421 = arith.index_cast %scan3A_397 : i32 to index
        %swap3A_422 = arith.constant 32 : index
        %swap3A_423 = tpu.vector_load %arg21[%swap3A_421, %swap3A_422] {strides = array<i32>} : memref<56x64xf32, #tpu.memory_space<vmem>>, vector<16xf32>,
        tpu.vector_store %arg21[%swap3A_421, %swap3A_422], %exp3A_420 {strides = array<i32>} : memref<56x64xf32, #tpu.memory_space<vmem>>, vector<16xf32>,
        %mul3A_424 = arith.mulf %get3A_419, %exp3A_420 : vector<16xf32>
        %swap3A_425 = arith.index_cast %scan3A_397 : i32 to index
        %swap3A_426 = arith.constant 32 : index
        %swap3A_427 = tpu.vector_load %arg17[%swap3A_425, %swap3A_426] {strides = array<i32>} : memref<56x64xf32, #tpu.memory_space<vmem>>, vector<16xf32>,
        tpu.vector_store %arg17[%swap3A_425, %swap3A_426], %mul3A_424 {strides = array<i32>} : memref<56x64xf32, #tpu.memory_space<vmem>>, vector<16xf32>,
        %get3A_428 = arith.index_cast %scan3A_397 : i32 to index
        %get3A_429 = arith.constant 48 : index
        %get3A_430 = tpu.vector_load %arg17[%get3A_428, %get3A_429] {strides = array<i32>} : memref<56x64xf32, #tpu.memory_space<vmem>>, vector<16xf32>,
        %exp3A_431 = math.exp %get3A_430 : vector<16xf32>
        %swap3A_432 = arith.index_cast %scan3A_397 : i32 to index
        %swap3A_433 = arith.constant 48 : index
        %swap3A_434 = tpu.vector_load %arg21[%swap3A_432, %swap3A_433] {strides = array<i32>} : memref<56x64xf32, #tpu.memory_space<vmem>>, vector<16xf32>,
        tpu.vector_store %arg21[%swap3A_432, %swap3A_433], %exp3A_431 {strides = array<i32>} : memref<56x64xf32, #tpu.memory_space<vmem>>, vector<16xf32>,
        %mul3A_435 = arith.mulf %get3A_430, %exp3A_431 : vector<16xf32>
        %swap3A_436 = arith.index_cast %scan3A_397 : i32 to index
        %swap3A_437 = arith.constant 48 : index
        %swap3A_438 = tpu.vector_load %arg17[%swap3A_436, %swap3A_437] {strides = array<i32>} : memref<56x64xf32, #tpu.memory_space<vmem>>, vector<16xf32>,
        tpu.vector_store %arg17[%swap3A_436, %swap3A_437], %mul3A_435 {strides = array<i32>} : memref<56x64xf32, #tpu.memory_space<vmem>>, vector<16xf32>,
      }
      %scan3A_289 = arith.constant 56 : i32
      %dma_wait3A_290 = arith.constant 2 : i32
      %dma_wait3A_291 = arith.constant 0 : i32
      %dma_wait3A_292 = tpu.memref_slice %arg13[%dma_wait3A_290, %dma_wait3A_291] : memref<3x56xi32, #tpu.memory_space<vmem>> -> memref<1x56xi32, #tpu.memory_space<vmem>>
      %dma_wait3A_293 = tpu.memref_squeeze %dma_wait3A_292 : memref<1x56xi32, #tpu.memory_space<vmem>> -> memref<56xi32, #tpu.memory_space<vmem>>
      %dma_wait3A_294 = arith.constant 0 : i32
      %dma_wait3A_295 = arith.constant 0 : i32
      %dma_wait3A_296 = tpu.memref_slice %arg3[%arg0, %dma_wait3A_294, %dma_wait3A_295] : memref<2x3976x64xf32, #tpu.memory_space<hbm>> -> memref<1x3976x64xf32, #tpu.memory_space<hbm>>
      %dma_wait3A_297 = tpu.memref_squeeze %dma_wait3A_296 : memref<1x3976x64xf32, #tpu.memory_space<hbm>> -> memref<3976x64xf32, #tpu.memory_space<hbm>>
      %dma_wait3A_298 = arith.constant 0 : i32
      %dma_wait3A_299 = arith.constant 0 : i32
      %dma_wait3A_300 = tpu.memref_slice %dma_wait3A_297[%dma_wait3A_298, %dma_wait3A_299] : memref<3976x64xf32, #tpu.memory_space<hbm>> -> memref<3976x64xf32, #tpu.memory_space<hbm>>
      tpu.wait_indirect_dma semaphore(%arg34 : memref<!tpu.dma_semaphore, #tpu.memory_space<semaphore_mem>>) src(%dma_wait3A_300 : memref<3976x64xf32, #tpu.memory_space<hbm>>) dst(%arg25 : memref<56x64xf32, #tpu.memory_space<vmem>>)
      %dma_start3A_301 = arith.constant 0 : i32
      %dma_start3A_302 = arith.constant 0 : i32
      %dma_start3A_303 = tpu.memref_slice %arg13[%dma_start3A_301, %dma_start3A_302] : memref<3x56xi32, #tpu.memory_space<vmem>> -> memref<1x56xi32, #tpu.memory_space<vmem>>
      %dma_start3A_304 = tpu.memref_squeeze %dma_start3A_303 : memref<1x56xi32, #tpu.memory_space<vmem>> -> memref<56xi32, #tpu.memory_space<vmem>>
      %dma_start3A_305 = arith.constant 0 : i32
      %dma_start3A_306 = arith.constant 0 : i32
      %dma_start3A_307 = tpu.memref_slice %arg8[%dma_start3A_305, %dma_start3A_306] : memref<4096x64xf32, #tpu.memory_space<vmem_shared>> -> memref<4096x64xf32, #tpu.memory_space<vmem_shared>>
      tpu.enqueue_indirect_dma source(%arg21 : memref<56x64xf32, #tpu.memory_space<vmem>>) target(%dma_start3A_307 : memref<4096x64xf32, #tpu.memory_space<vmem_shared>>) offsets(%dma_start3A_304 : memref<56xi32, #tpu.memory_space<vmem>>) semaphore(%arg38 : memref<!tpu.dma_semaphore, #tpu.memory_space<semaphore_mem>>) {add = true}
      %dma_start3A_308 = arith.constant 0 : i32
      %dma_start3A_309 = arith.constant 0 : i32
      %dma_start3A_310 = tpu.memref_slice %arg13[%dma_start3A_308, %dma_start3A_309] : memref<3x56xi32, #tpu.memory_space<vmem>> -> memref<1x56xi32, #tpu.memory_space<vmem>>
      %dma_start3A_311 = tpu.memref_squeeze %dma_start3A_310 : memref<1x56xi32, #tpu.memory_space<vmem>> -> memref<56xi32, #tpu.memory_space<vmem>>
      %dma_start3A_312 = arith.constant 0 : i32
      %dma_start3A_313 = arith.constant 0 : i32
      %dma_start3A_314 = tpu.memref_slice %arg9[%dma_start3A_312, %dma_start3A_313] : memref<4096x64xf32, #tpu.memory_space<vmem_shared>> -> memref<4096x64xf32, #tpu.memory_space<vmem_shared>>
      tpu.enqueue_indirect_dma source(%arg17 : memref<56x64xf32, #tpu.memory_space<vmem>>) target(%dma_start3A_314 : memref<4096x64xf32, #tpu.memory_space<vmem_shared>>) offsets(%dma_start3A_311 : memref<56xi32, #tpu.memory_space<vmem>>) semaphore(%arg38 : memref<!tpu.dma_semaphore, #tpu.memory_space<semaphore_mem>>) {add = true}
      %dma_start3A_315 = arith.constant 0 : i32
      %dma_start3A_316 = arith.constant 0 : i32
      %dma_start3A_317 = tpu.memref_slice %arg13[%dma_start3A_315, %dma_start3A_316] : memref<3x56xi32, #tpu.memory_space<vmem>> -> memref<1x56xi32, #tpu.memory_space<vmem>>
      %dma_start3A_318 = tpu.memref_squeeze %dma_start3A_317 : memref<1x56xi32, #tpu.memory_space<vmem>> -> memref<56xi32, #tpu.memory_space<vmem>>
      %dma_start3A_319 = arith.constant 0 : i32
      %dma_start3A_320 = arith.constant 0 : i32
      %dma_start3A_321 = tpu.memref_slice %arg10[%dma_start3A_319, %dma_start3A_320] : memref<4096x64xf32, #tpu.memory_space<vmem_shared>> -> memref<4096x64xf32, #tpu.memory_space<vmem_shared>>
      tpu.enqueue_indirect_dma source(%arg25 : memref<56x64xf32, #tpu.memory_space<vmem>>) target(%dma_start3A_321 : memref<4096x64xf32, #tpu.memory_space<vmem_shared>>) offsets(%dma_start3A_318 : memref<56xi32, #tpu.memory_space<vmem>>) semaphore(%arg38 : memref<!tpu.dma_semaphore, #tpu.memory_space<semaphore_mem>>) {add = true}
      %ge3A_322 = arith.constant 2 : i32
      %ge3A_323 = arith.cmpi sge, %add3A_272, %ge3A_322 : i32
      %convert_element_type3A_324 = arith.extui %ge3A_323 : i1 to i32
      %cond3A_325 = arith.constant 0 : i32
      %cond3A_326 = arith.cmpi ne, %convert_element_type3A_324, %cond3A_325 : i32
      scf.if %cond3A_326 {
        %dma_wait3A_397 = arith.constant 0 : i32
        %dma_wait3A_398 = arith.constant 0 : i32
        %dma_wait3A_399 = tpu.memref_slice %arg11[%dma_wait3A_397, %dma_wait3A_398] : memref<3x56xi32, #tpu.memory_space<vmem>> -> memref<1x56xi32, #tpu.memory_space<vmem>>
        %dma_wait3A_400 = tpu.memref_squeeze %dma_wait3A_399 : memref<1x56xi32, #tpu.memory_space<vmem>> -> memref<56xi32, #tpu.memory_space<vmem>>
        %dma_wait3A_401 = arith.constant 0 : i32
        %dma_wait3A_402 = arith.constant 0 : i32
        %dma_wait3A_403 = tpu.memref_slice %arg8[%dma_wait3A_401, %dma_wait3A_402] : memref<4096x64xf32, #tpu.memory_space<vmem_shared>> -> memref<4096x64xf32, #tpu.memory_space<vmem_shared>>
        tpu.wait_indirect_dma semaphore(%arg36 : memref<!tpu.dma_semaphore, #tpu.memory_space<semaphore_mem>>) src(%arg19 : memref<56x64xf32, #tpu.memory_space<vmem>>) dst(%dma_wait3A_403 : memref<4096x64xf32, #tpu.memory_space<vmem_shared>>)
        %dma_wait3A_404 = arith.constant 0 : i32
        %dma_wait3A_405 = arith.constant 0 : i32
        %dma_wait3A_406 = tpu.memref_slice %arg11[%dma_wait3A_404, %dma_wait3A_405] : memref<3x56xi32, #tpu.memory_space<vmem>> -> memref<1x56xi32, #tpu.memory_space<vmem>>
        %dma_wait3A_407 = tpu.memref_squeeze %dma_wait3A_406 : memref<1x56xi32, #tpu.memory_space<vmem>> -> memref<56xi32, #tpu.memory_space<vmem>>
        %dma_wait3A_408 = arith.constant 0 : i32
        %dma_wait3A_409 = arith.constant 0 : i32
        %dma_wait3A_410 = tpu.memref_slice %arg9[%dma_wait3A_408, %dma_wait3A_409] : memref<4096x64xf32, #tpu.memory_space<vmem_shared>> -> memref<4096x64xf32, #tpu.memory_space<vmem_shared>>
        tpu.wait_indirect_dma semaphore(%arg36 : memref<!tpu.dma_semaphore, #tpu.memory_space<semaphore_mem>>) src(%arg15 : memref<56x64xf32, #tpu.memory_space<vmem>>) dst(%dma_wait3A_410 : memref<4096x64xf32, #tpu.memory_space<vmem_shared>>)
        %dma_wait3A_411 = arith.constant 0 : i32
        %dma_wait3A_412 = arith.constant 0 : i32
        %dma_wait3A_413 = tpu.memref_slice %arg11[%dma_wait3A_411, %dma_wait3A_412] : memref<3x56xi32, #tpu.memory_space<vmem>> -> memref<1x56xi32, #tpu.memory_space<vmem>>
        %dma_wait3A_414 = tpu.memref_squeeze %dma_wait3A_413 : memref<1x56xi32, #tpu.memory_space<vmem>> -> memref<56xi32, #tpu.memory_space<vmem>>
        %dma_wait3A_415 = arith.constant 0 : i32
        %dma_wait3A_416 = arith.constant 0 : i32
        %dma_wait3A_417 = tpu.memref_slice %arg10[%dma_wait3A_415, %dma_wait3A_416] : memref<4096x64xf32, #tpu.memory_space<vmem_shared>> -> memref<4096x64xf32, #tpu.memory_space<vmem_shared>>
        tpu.wait_indirect_dma semaphore(%arg36 : memref<!tpu.dma_semaphore, #tpu.memory_space<semaphore_mem>>) src(%arg23 : memref<56x64xf32, #tpu.memory_space<vmem>>) dst(%dma_wait3A_417 : memref<4096x64xf32, #tpu.memory_space<vmem_shared>>)
      } else {
      }
      %add3A_327 = arith.constant 2 : i32
      %add3A_328 = arith.addi %add3A_272, %add3A_327 : i32
      %lt3A_329 = arith.constant 284 : i32
      %lt3A_330 = arith.cmpi slt, %add3A_328, %lt3A_329 : i32
      %convert_element_type3A_331 = arith.extui %lt3A_330 : i1 to i32
      %cond3A_332 = arith.constant 0 : i32
      %cond3A_333 = arith.cmpi ne, %convert_element_type3A_331, %cond3A_332 : i32
      scf.if %cond3A_333 {
        %add3A_397 = arith.constant 2 : i32
        %add3A_398 = arith.addi %add3A_272, %add3A_397 : i32
        "tpu.region"() ({
          %run_scoped3A_421 = tpu.sem_alloc : memref<!tpu.dma_semaphore, #tpu.memory_space<semaphore_mem>>
          %dma_start3A_422 = arith.constant 0 : i32
          %dma_start3A_423 = arith.constant 0 : i32
          %dma_start3A_424 = tpu.memref_slice %arg4[%arg1, %add3A_398, %dma_start3A_422, %dma_start3A_423] : memref<16x284x3x56xi32, #tpu.memory_space<hbm>> -> memref<1x1x3x56xi32, #tpu.memory_space<hbm>>
          %dma_start3A_425 = tpu.memref_squeeze %dma_start3A_424 : memref<1x1x3x56xi32, #tpu.memory_space<hbm>> -> memref<3x56xi32, #tpu.memory_space<hbm>>
          %dma_start3A_426 = arith.constant 0 : i32
          %dma_start3A_427 = arith.constant 0 : i32
          %dma_start3A_428 = tpu.memref_slice %arg4[%arg1, %add3A_398, %dma_start3A_426, %dma_start3A_427] : memref<16x284x3x56xi32, #tpu.memory_space<hbm>> -> memref<1x1x3x56xi32, #tpu.memory_space<hbm>>
          %dma_start3A_429 = tpu.memref_squeeze %dma_start3A_428 : memref<1x1x3x56xi32, #tpu.memory_space<hbm>> -> memref<3x56xi32, #tpu.memory_space<hbm>>
          tpu.enqueue_dma source(%dma_start3A_429 : memref<3x56xi32, #tpu.memory_space<hbm>>) target(%arg11 : memref<3x56xi32, #tpu.memory_space<vmem>>) target_semaphore(%run_scoped3A_421 : memref<!tpu.dma_semaphore, #tpu.memory_space<semaphore_mem>>)
          %dma_wait3A_430 = arith.constant 0 : i32
          %dma_wait3A_431 = arith.constant 0 : i32
          %dma_wait3A_432 = tpu.memref_slice %arg4[%arg1, %add3A_398, %dma_wait3A_430, %dma_wait3A_431] : memref<16x284x3x56xi32, #tpu.memory_space<hbm>> -> memref<1x1x3x56xi32, #tpu.memory_space<hbm>>
          %dma_wait3A_433 = tpu.memref_squeeze %dma_wait3A_432 : memref<1x1x3x56xi32, #tpu.memory_space<hbm>> -> memref<3x56xi32, #tpu.memory_space<hbm>>
          %dma_wait3A_434 = arith.constant 0 : i32
          %dma_wait3A_435 = arith.constant 0 : i32
          %dma_wait3A_436 = tpu.memref_slice %arg4[%arg1, %add3A_398, %dma_wait3A_434, %dma_wait3A_435] : memref<16x284x3x56xi32, #tpu.memory_space<hbm>> -> memref<1x1x3x56xi32, #tpu.memory_space<hbm>>
          %dma_wait3A_437 = tpu.memref_squeeze %dma_wait3A_436 : memref<1x1x3x56xi32, #tpu.memory_space<hbm>> -> memref<3x56xi32, #tpu.memory_space<hbm>>
          tpu.wait_dma2 semaphore(%run_scoped3A_421 : memref<!tpu.dma_semaphore, #tpu.memory_space<semaphore_mem>>) src(%dma_wait3A_437 : memref<3x56xi32, #tpu.memory_space<hbm>>) dst(%arg11 : memref<3x56xi32, #tpu.memory_space<vmem>>)
          tpu.yield
        }) : () -> ()
        %dma_start3A_399 = arith.constant 1 : i32
        %dma_start3A_400 = arith.constant 0 : i32
        %dma_start3A_401 = tpu.memref_slice %arg11[%dma_start3A_399, %dma_start3A_400] : memref<3x56xi32, #tpu.memory_space<vmem>> -> memref<1x56xi32, #tpu.memory_space<vmem>>
        %dma_start3A_402 = tpu.memref_squeeze %dma_start3A_401 : memref<1x56xi32, #tpu.memory_space<vmem>> -> memref<56xi32, #tpu.memory_space<vmem>>
        %dma_start3A_403 = arith.constant 0 : i32
        %dma_start3A_404 = arith.constant 0 : i32
        %dma_start3A_405 = tpu.memref_slice %arg2[%arg0, %dma_start3A_403, %dma_start3A_404] : memref<2x15904x64xf32, #tpu.memory_space<hbm>> -> memref<1x15904x64xf32, #tpu.memory_space<hbm>>
        %dma_start3A_406 = tpu.memref_squeeze %dma_start3A_405 : memref<1x15904x64xf32, #tpu.memory_space<hbm>> -> memref<15904x64xf32, #tpu.memory_space<hbm>>
        %dma_start3A_407 = arith.constant 0 : i32
        %dma_start3A_408 = arith.constant 0 : i32
        %dma_start3A_409 = tpu.memref_slice %dma_start3A_406[%dma_start3A_407, %dma_start3A_408] : memref<15904x64xf32, #tpu.memory_space<hbm>> -> memref<15904x64xf32, #tpu.memory_space<hbm>>
        tpu.enqueue_indirect_dma source(%dma_start3A_409 : memref<15904x64xf32, #tpu.memory_space<hbm>>) target(%arg15 : memref<56x64xf32, #tpu.memory_space<vmem>>) offsets(%dma_start3A_402 : memref<56xi32, #tpu.memory_space<vmem>>) semaphore(%arg28 : memref<!tpu.dma_semaphore, #tpu.memory_space<semaphore_mem>>)
        %dma_start3A_410 = arith.constant 2 : i32
        %dma_start3A_411 = arith.constant 0 : i32
        %dma_start3A_412 = tpu.memref_slice %arg11[%dma_start3A_410, %dma_start3A_411] : memref<3x56xi32, #tpu.memory_space<vmem>> -> memref<1x56xi32, #tpu.memory_space<vmem>>
        %dma_start3A_413 = tpu.memref_squeeze %dma_start3A_412 : memref<1x56xi32, #tpu.memory_space<vmem>> -> memref<56xi32, #tpu.memory_space<vmem>>
        %dma_start3A_414 = arith.constant 0 : i32
        %dma_start3A_415 = arith.constant 0 : i32
        %dma_start3A_416 = tpu.memref_slice %arg3[%arg0, %dma_start3A_414, %dma_start3A_415] : memref<2x3976x64xf32, #tpu.memory_space<hbm>> -> memref<1x3976x64xf32, #tpu.memory_space<hbm>>
        %dma_start3A_417 = tpu.memref_squeeze %dma_start3A_416 : memref<1x3976x64xf32, #tpu.memory_space<hbm>> -> memref<3976x64xf32, #tpu.memory_space<hbm>>
        %dma_start3A_418 = arith.constant 0 : i32
        %dma_start3A_419 = arith.constant 0 : i32
        %dma_start3A_420 = tpu.memref_slice %dma_start3A_417[%dma_start3A_418, %dma_start3A_419] : memref<3976x64xf32, #tpu.memory_space<hbm>> -> memref<3976x64xf32, #tpu.memory_space<hbm>>
        tpu.enqueue_indirect_dma source(%dma_start3A_420 : memref<3976x64xf32, #tpu.memory_space<hbm>>) target(%arg23 : memref<56x64xf32, #tpu.memory_space<vmem>>) offsets(%dma_start3A_413 : memref<56xi32, #tpu.memory_space<vmem>>) semaphore(%arg32 : memref<!tpu.dma_semaphore, #tpu.memory_space<semaphore_mem>>)
      } else {
      }
      %add3A_334 = arith.constant 3 : i32
      %add3A_335 = arith.addi %mul3A_148, %add3A_334 : i32
      %dma_wait3A_336 = arith.constant 1 : i32
      %dma_wait3A_337 = arith.constant 0 : i32
      %dma_wait3A_338 = tpu.memref_slice %arg14[%dma_wait3A_336, %dma_wait3A_337] : memref<3x56xi32, #tpu.memory_space<vmem>> -> memref<1x56xi32, #tpu.memory_space<vmem>>
      %dma_wait3A_339 = tpu.memref_squeeze %dma_wait3A_338 : memref<1x56xi32, #tpu.memory_space<vmem>> -> memref<56xi32, #tpu.memory_space<vmem>>
      %dma_wait3A_340 = arith.constant 0 : i32
      %dma_wait3A_341 = arith.constant 0 : i32
      %dma_wait3A_342 = tpu.memref_slice %arg2[%arg0, %dma_wait3A_340, %dma_wait3A_341] : memref<2x15904x64xf32, #tpu.memory_space<hbm>> -> memref<1x15904x64xf32, #tpu.memory_space<hbm>>
      %dma_wait3A_343 = tpu.memref_squeeze %dma_wait3A_342 : memref<1x15904x64xf32, #tpu.memory_space<hbm>> -> memref<15904x64xf32, #tpu.memory_space<hbm>>
      %dma_wait3A_344 = arith.constant 0 : i32
      %dma_wait3A_345 = arith.constant 0 : i32
      %dma_wait3A_346 = tpu.memref_slice %dma_wait3A_343[%dma_wait3A_344, %dma_wait3A_345] : memref<15904x64xf32, #tpu.memory_space<hbm>> -> memref<15904x64xf32, #tpu.memory_space<hbm>>
      tpu.wait_indirect_dma semaphore(%arg31 : memref<!tpu.dma_semaphore, #tpu.memory_space<semaphore_mem>>) src(%dma_wait3A_346 : memref<15904x64xf32, #tpu.memory_space<hbm>>) dst(%arg18 : memref<56x64xf32, #tpu.memory_space<vmem>>)
      %scan3A_347 = arith.constant 0 : i32
      %scan3A_348 = arith.constant 0 : i32
      %scan3A_349 = arith.constant 56 : i32
      %scan3A_350 = arith.addi %scan3A_348, %scan3A_349 : i32
      %scan3A_351 = arith.constant 1 : i32
      scf.for %scan3A_397 = %scan3A_348 to %scan3A_350 step %scan3A_351  : i32 {
        %get3A = arith.index_cast %scan3A_397 : i32 to index
        %get3A_398 = arith.constant 0 : index
        %get3A_399 = tpu.vector_load %arg18[%get3A, %get3A_398] {strides = array<i32>} : memref<56x64xf32, #tpu.memory_space<vmem>>, vector<16xf32>,
        %exp3A = math.exp %get3A_399 : vector<16xf32>
        %swap3A = arith.index_cast %scan3A_397 : i32 to index
        %swap3A_400 = arith.constant 0 : index
        %swap3A_401 = tpu.vector_load %arg22[%swap3A, %swap3A_400] {strides = array<i32>} : memref<56x64xf32, #tpu.memory_space<vmem>>, vector<16xf32>,
        tpu.vector_store %arg22[%swap3A, %swap3A_400], %exp3A {strides = array<i32>} : memref<56x64xf32, #tpu.memory_space<vmem>>, vector<16xf32>,
        %mul3A_402 = arith.mulf %get3A_399, %exp3A : vector<16xf32>
        %swap3A_403 = arith.index_cast %scan3A_397 : i32 to index
        %swap3A_404 = arith.constant 0 : index
        %swap3A_405 = tpu.vector_load %arg18[%swap3A_403, %swap3A_404] {strides = array<i32>} : memref<56x64xf32, #tpu.memory_space<vmem>>, vector<16xf32>,
        tpu.vector_store %arg18[%swap3A_403, %swap3A_404], %mul3A_402 {strides = array<i32>} : memref<56x64xf32, #tpu.memory_space<vmem>>, vector<16xf32>,
        %get3A_406 = arith.index_cast %scan3A_397 : i32 to index
        %get3A_407 = arith.constant 16 : index
        %get3A_408 = tpu.vector_load %arg18[%get3A_406, %get3A_407] {strides = array<i32>} : memref<56x64xf32, #tpu.memory_space<vmem>>, vector<16xf32>,
        %exp3A_409 = math.exp %get3A_408 : vector<16xf32>
        %swap3A_410 = arith.index_cast %scan3A_397 : i32 to index
        %swap3A_411 = arith.constant 16 : index
        %swap3A_412 = tpu.vector_load %arg22[%swap3A_410, %swap3A_411] {strides = array<i32>} : memref<56x64xf32, #tpu.memory_space<vmem>>, vector<16xf32>,
        tpu.vector_store %arg22[%swap3A_410, %swap3A_411], %exp3A_409 {strides = array<i32>} : memref<56x64xf32, #tpu.memory_space<vmem>>, vector<16xf32>,
        %mul3A_413 = arith.mulf %get3A_408, %exp3A_409 : vector<16xf32>
        %swap3A_414 = arith.index_cast %scan3A_397 : i32 to index
        %swap3A_415 = arith.constant 16 : index
        %swap3A_416 = tpu.vector_load %arg18[%swap3A_414, %swap3A_415] {strides = array<i32>} : memref<56x64xf32, #tpu.memory_space<vmem>>, vector<16xf32>,
        tpu.vector_store %arg18[%swap3A_414, %swap3A_415], %mul3A_413 {strides = array<i32>} : memref<56x64xf32, #tpu.memory_space<vmem>>, vector<16xf32>,
        %get3A_417 = arith.index_cast %scan3A_397 : i32 to index
        %get3A_418 = arith.constant 32 : index
        %get3A_419 = tpu.vector_load %arg18[%get3A_417, %get3A_418] {strides = array<i32>} : memref<56x64xf32, #tpu.memory_space<vmem>>, vector<16xf32>,
        %exp3A_420 = math.exp %get3A_419 : vector<16xf32>
        %swap3A_421 = arith.index_cast %scan3A_397 : i32 to index
        %swap3A_422 = arith.constant 32 : index
        %swap3A_423 = tpu.vector_load %arg22[%swap3A_421, %swap3A_422] {strides = array<i32>} : memref<56x64xf32, #tpu.memory_space<vmem>>, vector<16xf32>,
        tpu.vector_store %arg22[%swap3A_421, %swap3A_422], %exp3A_420 {strides = array<i32>} : memref<56x64xf32, #tpu.memory_space<vmem>>, vector<16xf32>,
        %mul3A_424 = arith.mulf %get3A_419, %exp3A_420 : vector<16xf32>
        %swap3A_425 = arith.index_cast %scan3A_397 : i32 to index
        %swap3A_426 = arith.constant 32 : index
        %swap3A_427 = tpu.vector_load %arg18[%swap3A_425, %swap3A_426] {strides = array<i32>} : memref<56x64xf32, #tpu.memory_space<vmem>>, vector<16xf32>,
        tpu.vector_store %arg18[%swap3A_425, %swap3A_426], %mul3A_424 {strides = array<i32>} : memref<56x64xf32, #tpu.memory_space<vmem>>, vector<16xf32>,
        %get3A_428 = arith.index_cast %scan3A_397 : i32 to index
        %get3A_429 = arith.constant 48 : index
        %get3A_430 = tpu.vector_load %arg18[%get3A_428, %get3A_429] {strides = array<i32>} : memref<56x64xf32, #tpu.memory_space<vmem>>, vector<16xf32>,
        %exp3A_431 = math.exp %get3A_430 : vector<16xf32>
        %swap3A_432 = arith.index_cast %scan3A_397 : i32 to index
        %swap3A_433 = arith.constant 48 : index
        %swap3A_434 = tpu.vector_load %arg22[%swap3A_432, %swap3A_433] {strides = array<i32>} : memref<56x64xf32, #tpu.memory_space<vmem>>, vector<16xf32>,
        tpu.vector_store %arg22[%swap3A_432, %swap3A_433], %exp3A_431 {strides = array<i32>} : memref<56x64xf32, #tpu.memory_space<vmem>>, vector<16xf32>,
        %mul3A_435 = arith.mulf %get3A_430, %exp3A_431 : vector<16xf32>
        %swap3A_436 = arith.index_cast %scan3A_397 : i32 to index
        %swap3A_437 = arith.constant 48 : index
        %swap3A_438 = tpu.vector_load %arg18[%swap3A_436, %swap3A_437] {strides = array<i32>} : memref<56x64xf32, #tpu.memory_space<vmem>>, vector<16xf32>,
        tpu.vector_store %arg18[%swap3A_436, %swap3A_437], %mul3A_435 {strides = array<i32>} : memref<56x64xf32, #tpu.memory_space<vmem>>, vector<16xf32>,
      }
      %scan3A_352 = arith.constant 56 : i32
      %dma_wait3A_353 = arith.constant 2 : i32
      %dma_wait3A_354 = arith.constant 0 : i32
      %dma_wait3A_355 = tpu.memref_slice %arg14[%dma_wait3A_353, %dma_wait3A_354] : memref<3x56xi32, #tpu.memory_space<vmem>> -> memref<1x56xi32, #tpu.memory_space<vmem>>
      %dma_wait3A_356 = tpu.memref_squeeze %dma_wait3A_355 : memref<1x56xi32, #tpu.memory_space<vmem>> -> memref<56xi32, #tpu.memory_space<vmem>>
      %dma_wait3A_357 = arith.constant 0 : i32
      %dma_wait3A_358 = arith.constant 0 : i32
      %dma_wait3A_359 = tpu.memref_slice %arg3[%arg0, %dma_wait3A_357, %dma_wait3A_358] : memref<2x3976x64xf32, #tpu.memory_space<hbm>> -> memref<1x3976x64xf32, #tpu.memory_space<hbm>>
      %dma_wait3A_360 = tpu.memref_squeeze %dma_wait3A_359 : memref<1x3976x64xf32, #tpu.memory_space<hbm>> -> memref<3976x64xf32, #tpu.memory_space<hbm>>
      %dma_wait3A_361 = arith.constant 0 : i32
      %dma_wait3A_362 = arith.constant 0 : i32
      %dma_wait3A_363 = tpu.memref_slice %dma_wait3A_360[%dma_wait3A_361, %dma_wait3A_362] : memref<3976x64xf32, #tpu.memory_space<hbm>> -> memref<3976x64xf32, #tpu.memory_space<hbm>>
      tpu.wait_indirect_dma semaphore(%arg35 : memref<!tpu.dma_semaphore, #tpu.memory_space<semaphore_mem>>) src(%dma_wait3A_363 : memref<3976x64xf32, #tpu.memory_space<hbm>>) dst(%arg26 : memref<56x64xf32, #tpu.memory_space<vmem>>)
      %dma_start3A_364 = arith.constant 0 : i32
      %dma_start3A_365 = arith.constant 0 : i32
      %dma_start3A_366 = tpu.memref_slice %arg14[%dma_start3A_364, %dma_start3A_365] : memref<3x56xi32, #tpu.memory_space<vmem>> -> memref<1x56xi32, #tpu.memory_space<vmem>>
      %dma_start3A_367 = tpu.memref_squeeze %dma_start3A_366 : memref<1x56xi32, #tpu.memory_space<vmem>> -> memref<56xi32, #tpu.memory_space<vmem>>
      %dma_start3A_368 = arith.constant 0 : i32
      %dma_start3A_369 = arith.constant 0 : i32
      %dma_start3A_370 = tpu.memref_slice %arg8[%dma_start3A_368, %dma_start3A_369] : memref<4096x64xf32, #tpu.memory_space<vmem_shared>> -> memref<4096x64xf32, #tpu.memory_space<vmem_shared>>
      tpu.enqueue_indirect_dma source(%arg22 : memref<56x64xf32, #tpu.memory_space<vmem>>) target(%dma_start3A_370 : memref<4096x64xf32, #tpu.memory_space<vmem_shared>>) offsets(%dma_start3A_367 : memref<56xi32, #tpu.memory_space<vmem>>) semaphore(%arg39 : memref<!tpu.dma_semaphore, #tpu.memory_space<semaphore_mem>>) {add = true}
      %dma_start3A_371 = arith.constant 0 : i32
      %dma_start3A_372 = arith.constant 0 : i32
      %dma_start3A_373 = tpu.memref_slice %arg14[%dma_start3A_371, %dma_start3A_372] : memref<3x56xi32, #tpu.memory_space<vmem>> -> memref<1x56xi32, #tpu.memory_space<vmem>>
      %dma_start3A_374 = tpu.memref_squeeze %dma_start3A_373 : memref<1x56xi32, #tpu.memory_space<vmem>> -> memref<56xi32, #tpu.memory_space<vmem>>
      %dma_start3A_375 = arith.constant 0 : i32
      %dma_start3A_376 = arith.constant 0 : i32
      %dma_start3A_377 = tpu.memref_slice %arg9[%dma_start3A_375, %dma_start3A_376] : memref<4096x64xf32, #tpu.memory_space<vmem_shared>> -> memref<4096x64xf32, #tpu.memory_space<vmem_shared>>
      tpu.enqueue_indirect_dma source(%arg18 : memref<56x64xf32, #tpu.memory_space<vmem>>) target(%dma_start3A_377 : memref<4096x64xf32, #tpu.memory_space<vmem_shared>>) offsets(%dma_start3A_374 : memref<56xi32, #tpu.memory_space<vmem>>) semaphore(%arg39 : memref<!tpu.dma_semaphore, #tpu.memory_space<semaphore_mem>>) {add = true}
      %dma_start3A_378 = arith.constant 0 : i32
      %dma_start3A_379 = arith.constant 0 : i32
      %dma_start3A_380 = tpu.memref_slice %arg14[%dma_start3A_378, %dma_start3A_379] : memref<3x56xi32, #tpu.memory_space<vmem>> -> memref<1x56xi32, #tpu.memory_space<vmem>>
      %dma_start3A_381 = tpu.memref_squeeze %dma_start3A_380 : memref<1x56xi32, #tpu.memory_space<vmem>> -> memref<56xi32, #tpu.memory_space<vmem>>
      %dma_start3A_382 = arith.constant 0 : i32
      %dma_start3A_383 = arith.constant 0 : i32
      %dma_start3A_384 = tpu.memref_slice %arg10[%dma_start3A_382, %dma_start3A_383] : memref<4096x64xf32, #tpu.memory_space<vmem_shared>> -> memref<4096x64xf32, #tpu.memory_space<vmem_shared>>
      tpu.enqueue_indirect_dma source(%arg26 : memref<56x64xf32, #tpu.memory_space<vmem>>) target(%dma_start3A_384 : memref<4096x64xf32, #tpu.memory_space<vmem_shared>>) offsets(%dma_start3A_381 : memref<56xi32, #tpu.memory_space<vmem>>) semaphore(%arg39 : memref<!tpu.dma_semaphore, #tpu.memory_space<semaphore_mem>>) {add = true}
      %ge3A_385 = arith.constant 2 : i32
      %ge3A_386 = arith.cmpi sge, %add3A_335, %ge3A_385 : i32
      %convert_element_type3A_387 = arith.extui %ge3A_386 : i1 to i32
      %cond3A_388 = arith.constant 0 : i32
      %cond3A_389 = arith.cmpi ne, %convert_element_type3A_387, %cond3A_388 : i32
      scf.if %cond3A_389 {
        %dma_wait3A_397 = arith.constant 0 : i32
        %dma_wait3A_398 = arith.constant 0 : i32
        %dma_wait3A_399 = tpu.memref_slice %arg12[%dma_wait3A_397, %dma_wait3A_398] : memref<3x56xi32, #tpu.memory_space<vmem>> -> memref<1x56xi32, #tpu.memory_space<vmem>>
        %dma_wait3A_400 = tpu.memref_squeeze %dma_wait3A_399 : memref<1x56xi32, #tpu.memory_space<vmem>> -> memref<56xi32, #tpu.memory_space<vmem>>
        %dma_wait3A_401 = arith.constant 0 : i32
        %dma_wait3A_402 = arith.constant 0 : i32
        %dma_wait3A_403 = tpu.memref_slice %arg8[%dma_wait3A_401, %dma_wait3A_402] : memref<4096x64xf32, #tpu.memory_space<vmem_shared>> -> memref<4096x64xf32, #tpu.memory_space<vmem_shared>>
        tpu.wait_indirect_dma semaphore(%arg37 : memref<!tpu.dma_semaphore, #tpu.memory_space<semaphore_mem>>) src(%arg20 : memref<56x64xf32, #tpu.memory_space<vmem>>) dst(%dma_wait3A_403 : memref<4096x64xf32, #tpu.memory_space<vmem_shared>>)
        %dma_wait3A_404 = arith.constant 0 : i32
        %dma_wait3A_405 = arith.constant 0 : i32
        %dma_wait3A_406 = tpu.memref_slice %arg12[%dma_wait3A_404, %dma_wait3A_405] : memref<3x56xi32, #tpu.memory_space<vmem>> -> memref<1x56xi32, #tpu.memory_space<vmem>>
        %dma_wait3A_407 = tpu.memref_squeeze %dma_wait3A_406 : memref<1x56xi32, #tpu.memory_space<vmem>> -> memref<56xi32, #tpu.memory_space<vmem>>
        %dma_wait3A_408 = arith.constant 0 : i32
        %dma_wait3A_409 = arith.constant 0 : i32
        %dma_wait3A_410 = tpu.memref_slice %arg9[%dma_wait3A_408, %dma_wait3A_409] : memref<4096x64xf32, #tpu.memory_space<vmem_shared>> -> memref<4096x64xf32, #tpu.memory_space<vmem_shared>>
        tpu.wait_indirect_dma semaphore(%arg37 : memref<!tpu.dma_semaphore, #tpu.memory_space<semaphore_mem>>) src(%arg16 : memref<56x64xf32, #tpu.memory_space<vmem>>) dst(%dma_wait3A_410 : memref<4096x64xf32, #tpu.memory_space<vmem_shared>>)
        %dma_wait3A_411 = arith.constant 0 : i32
        %dma_wait3A_412 = arith.constant 0 : i32
        %dma_wait3A_413 = tpu.memref_slice %arg12[%dma_wait3A_411, %dma_wait3A_412] : memref<3x56xi32, #tpu.memory_space<vmem>> -> memref<1x56xi32, #tpu.memory_space<vmem>>
        %dma_wait3A_414 = tpu.memref_squeeze %dma_wait3A_413 : memref<1x56xi32, #tpu.memory_space<vmem>> -> memref<56xi32, #tpu.memory_space<vmem>>
        %dma_wait3A_415 = arith.constant 0 : i32
        %dma_wait3A_416 = arith.constant 0 : i32
        %dma_wait3A_417 = tpu.memref_slice %arg10[%dma_wait3A_415, %dma_wait3A_416] : memref<4096x64xf32, #tpu.memory_space<vmem_shared>> -> memref<4096x64xf32, #tpu.memory_space<vmem_shared>>
        tpu.wait_indirect_dma semaphore(%arg37 : memref<!tpu.dma_semaphore, #tpu.memory_space<semaphore_mem>>) src(%arg24 : memref<56x64xf32, #tpu.memory_space<vmem>>) dst(%dma_wait3A_417 : memref<4096x64xf32, #tpu.memory_space<vmem_shared>>)
      } else {
      }
      %add3A_390 = arith.constant 2 : i32
      %add3A_391 = arith.addi %add3A_335, %add3A_390 : i32
      %lt3A_392 = arith.constant 284 : i32
      %lt3A_393 = arith.cmpi slt, %add3A_391, %lt3A_392 : i32
      %convert_element_type3A_394 = arith.extui %lt3A_393 : i1 to i32
      %cond3A_395 = arith.constant 0 : i32
      %cond3A_396 = arith.cmpi ne, %convert_element_type3A_394, %cond3A_395 : i32
      scf.if %cond3A_396 {
        %add3A_397 = arith.constant 2 : i32
        %add3A_398 = arith.addi %add3A_335, %add3A_397 : i32
        "tpu.region"() ({
          %run_scoped3A_421 = tpu.sem_alloc : memref<!tpu.dma_semaphore, #tpu.memory_space<semaphore_mem>>
          %dma_start3A_422 = arith.constant 0 : i32
          %dma_start3A_423 = arith.constant 0 : i32
          %dma_start3A_424 = tpu.memref_slice %arg4[%arg1, %add3A_398, %dma_start3A_422, %dma_start3A_423] : memref<16x284x3x56xi32, #tpu.memory_space<hbm>> -> memref<1x1x3x56xi32, #tpu.memory_space<hbm>>
          %dma_start3A_425 = tpu.memref_squeeze %dma_start3A_424 : memref<1x1x3x56xi32, #tpu.memory_space<hbm>> -> memref<3x56xi32, #tpu.memory_space<hbm>>
          %dma_start3A_426 = arith.constant 0 : i32
          %dma_start3A_427 = arith.constant 0 : i32
          %dma_start3A_428 = tpu.memref_slice %arg4[%arg1, %add3A_398, %dma_start3A_426, %dma_start3A_427] : memref<16x284x3x56xi32, #tpu.memory_space<hbm>> -> memref<1x1x3x56xi32, #tpu.memory_space<hbm>>
          %dma_start3A_429 = tpu.memref_squeeze %dma_start3A_428 : memref<1x1x3x56xi32, #tpu.memory_space<hbm>> -> memref<3x56xi32, #tpu.memory_space<hbm>>
          tpu.enqueue_dma source(%dma_start3A_429 : memref<3x56xi32, #tpu.memory_space<hbm>>) target(%arg12 : memref<3x56xi32, #tpu.memory_space<vmem>>) target_semaphore(%run_scoped3A_421 : memref<!tpu.dma_semaphore, #tpu.memory_space<semaphore_mem>>)
          %dma_wait3A_430 = arith.constant 0 : i32
          %dma_wait3A_431 = arith.constant 0 : i32
          %dma_wait3A_432 = tpu.memref_slice %arg4[%arg1, %add3A_398, %dma_wait3A_430, %dma_wait3A_431] : memref<16x284x3x56xi32, #tpu.memory_space<hbm>> -> memref<1x1x3x56xi32, #tpu.memory_space<hbm>>
          %dma_wait3A_433 = tpu.memref_squeeze %dma_wait3A_432 : memref<1x1x3x56xi32, #tpu.memory_space<hbm>> -> memref<3x56xi32, #tpu.memory_space<hbm>>
          %dma_wait3A_434 = arith.constant 0 : i32
          %dma_wait3A_435 = arith.constant 0 : i32
          %dma_wait3A_436 = tpu.memref_slice %arg4[%arg1, %add3A_398, %dma_wait3A_434, %dma_wait3A_435] : memref<16x284x3x56xi32, #tpu.memory_space<hbm>> -> memref<1x1x3x56xi32, #tpu.memory_space<hbm>>
          %dma_wait3A_437 = tpu.memref_squeeze %dma_wait3A_436 : memref<1x1x3x56xi32, #tpu.memory_space<hbm>> -> memref<3x56xi32, #tpu.memory_space<hbm>>
          tpu.wait_dma2 semaphore(%run_scoped3A_421 : memref<!tpu.dma_semaphore, #tpu.memory_space<semaphore_mem>>) src(%dma_wait3A_437 : memref<3x56xi32, #tpu.memory_space<hbm>>) dst(%arg12 : memref<3x56xi32, #tpu.memory_space<vmem>>)
          tpu.yield
        }) : () -> ()
        %dma_start3A_399 = arith.constant 1 : i32
        %dma_start3A_400 = arith.constant 0 : i32
        %dma_start3A_401 = tpu.memref_slice %arg12[%dma_start3A_399, %dma_start3A_400] : memref<3x56xi32, #tpu.memory_space<vmem>> -> memref<1x56xi32, #tpu.memory_space<vmem>>
        %dma_start3A_402 = tpu.memref_squeeze %dma_start3A_401 : memref<1x56xi32, #tpu.memory_space<vmem>> -> memref<56xi32, #tpu.memory_space<vmem>>
        %dma_start3A_403 = arith.constant 0 : i32
        %dma_start3A_404 = arith.constant 0 : i32
        %dma_start3A_405 = tpu.memref_slice %arg2[%arg0, %dma_start3A_403, %dma_start3A_404] : memref<2x15904x64xf32, #tpu.memory_space<hbm>> -> memref<1x15904x64xf32, #tpu.memory_space<hbm>>
        %dma_start3A_406 = tpu.memref_squeeze %dma_start3A_405 : memref<1x15904x64xf32, #tpu.memory_space<hbm>> -> memref<15904x64xf32, #tpu.memory_space<hbm>>
        %dma_start3A_407 = arith.constant 0 : i32
        %dma_start3A_408 = arith.constant 0 : i32
        %dma_start3A_409 = tpu.memref_slice %dma_start3A_406[%dma_start3A_407, %dma_start3A_408] : memref<15904x64xf32, #tpu.memory_space<hbm>> -> memref<15904x64xf32, #tpu.memory_space<hbm>>
        tpu.enqueue_indirect_dma source(%dma_start3A_409 : memref<15904x64xf32, #tpu.memory_space<hbm>>) target(%arg16 : memref<56x64xf32, #tpu.memory_space<vmem>>) offsets(%dma_start3A_402 : memref<56xi32, #tpu.memory_space<vmem>>) semaphore(%arg29 : memref<!tpu.dma_semaphore, #tpu.memory_space<semaphore_mem>>)
        %dma_start3A_410 = arith.constant 2 : i32
        %dma_start3A_411 = arith.constant 0 : i32
        %dma_start3A_412 = tpu.memref_slice %arg12[%dma_start3A_410, %dma_start3A_411] : memref<3x56xi32, #tpu.memory_space<vmem>> -> memref<1x56xi32, #tpu.memory_space<vmem>>
        %dma_start3A_413 = tpu.memref_squeeze %dma_start3A_412 : memref<1x56xi32, #tpu.memory_space<vmem>> -> memref<56xi32, #tpu.memory_space<vmem>>
        %dma_start3A_414 = arith.constant 0 : i32
        %dma_start3A_415 = arith.constant 0 : i32
        %dma_start3A_416 = tpu.memref_slice %arg3[%arg0, %dma_start3A_414, %dma_start3A_415] : memref<2x3976x64xf32, #tpu.memory_space<hbm>> -> memref<1x3976x64xf32, #tpu.memory_space<hbm>>
        %dma_start3A_417 = tpu.memref_squeeze %dma_start3A_416 : memref<1x3976x64xf32, #tpu.memory_space<hbm>> -> memref<3976x64xf32, #tpu.memory_space<hbm>>
        %dma_start3A_418 = arith.constant 0 : i32
        %dma_start3A_419 = arith.constant 0 : i32
        %dma_start3A_420 = tpu.memref_slice %dma_start3A_417[%dma_start3A_418, %dma_start3A_419] : memref<3976x64xf32, #tpu.memory_space<hbm>> -> memref<3976x64xf32, #tpu.memory_space<hbm>>
        tpu.enqueue_indirect_dma source(%dma_start3A_420 : memref<3976x64xf32, #tpu.memory_space<hbm>>) target(%arg24 : memref<56x64xf32, #tpu.memory_space<vmem>>) offsets(%dma_start3A_413 : memref<56xi32, #tpu.memory_space<vmem>>) semaphore(%arg33 : memref<!tpu.dma_semaphore, #tpu.memory_space<semaphore_mem>>)
      } else {
      }
    }
    %scan3A_103 = arith.constant 71 : i32
    %dma_wait3A = arith.constant 0 : i32
    %dma_wait3A_104 = arith.constant 0 : i32
    %dma_wait3A_105 = tpu.memref_slice %arg13[%dma_wait3A, %dma_wait3A_104] : memref<3x56xi32, #tpu.memory_space<vmem>> -> memref<1x56xi32, #tpu.memory_space<vmem>>
    %dma_wait3A_106 = tpu.memref_squeeze %dma_wait3A_105 : memref<1x56xi32, #tpu.memory_space<vmem>> -> memref<56xi32, #tpu.memory_space<vmem>>
    %dma_wait3A_107 = arith.constant 0 : i32
    %dma_wait3A_108 = arith.constant 0 : i32
    %dma_wait3A_109 = tpu.memref_slice %arg8[%dma_wait3A_107, %dma_wait3A_108] : memref<4096x64xf32, #tpu.memory_space<vmem_shared>> -> memref<4096x64xf32, #tpu.memory_space<vmem_shared>>
    tpu.wait_indirect_dma semaphore(%arg38 : memref<!tpu.dma_semaphore, #tpu.memory_space<semaphore_mem>>) src(%arg21 : memref<56x64xf32, #tpu.memory_space<vmem>>) dst(%dma_wait3A_109 : memref<4096x64xf32, #tpu.memory_space<vmem_shared>>)
    %dma_wait3A_110 = arith.constant 0 : i32
    %dma_wait3A_111 = arith.constant 0 : i32
    %dma_wait3A_112 = tpu.memref_slice %arg13[%dma_wait3A_110, %dma_wait3A_111] : memref<3x56xi32, #tpu.memory_space<vmem>> -> memref<1x56xi32, #tpu.memory_space<vmem>>
    %dma_wait3A_113 = tpu.memref_squeeze %dma_wait3A_112 : memref<1x56xi32, #tpu.memory_space<vmem>> -> memref<56xi32, #tpu.memory_space<vmem>>
    %dma_wait3A_114 = arith.constant 0 : i32
    %dma_wait3A_115 = arith.constant 0 : i32
    %dma_wait3A_116 = tpu.memref_slice %arg9[%dma_wait3A_114, %dma_wait3A_115] : memref<4096x64xf32, #tpu.memory_space<vmem_shared>> -> memref<4096x64xf32, #tpu.memory_space<vmem_shared>>
    tpu.wait_indirect_dma semaphore(%arg38 : memref<!tpu.dma_semaphore, #tpu.memory_space<semaphore_mem>>) src(%arg17 : memref<56x64xf32, #tpu.memory_space<vmem>>) dst(%dma_wait3A_116 : memref<4096x64xf32, #tpu.memory_space<vmem_shared>>)
    %dma_wait3A_117 = arith.constant 0 : i32
    %dma_wait3A_118 = arith.constant 0 : i32
    %dma_wait3A_119 = tpu.memref_slice %arg13[%dma_wait3A_117, %dma_wait3A_118] : memref<3x56xi32, #tpu.memory_space<vmem>> -> memref<1x56xi32, #tpu.memory_space<vmem>>
    %dma_wait3A_120 = tpu.memref_squeeze %dma_wait3A_119 : memref<1x56xi32, #tpu.memory_space<vmem>> -> memref<56xi32, #tpu.memory_space<vmem>>
    %dma_wait3A_121 = arith.constant 0 : i32
    %dma_wait3A_122 = arith.constant 0 : i32
    %dma_wait3A_123 = tpu.memref_slice %arg10[%dma_wait3A_121, %dma_wait3A_122] : memref<4096x64xf32, #tpu.memory_space<vmem_shared>> -> memref<4096x64xf32, #tpu.memory_space<vmem_shared>>
    tpu.wait_indirect_dma semaphore(%arg38 : memref<!tpu.dma_semaphore, #tpu.memory_space<semaphore_mem>>) src(%arg25 : memref<56x64xf32, #tpu.memory_space<vmem>>) dst(%dma_wait3A_123 : memref<4096x64xf32, #tpu.memory_space<vmem_shared>>)
    %dma_wait3A_124 = arith.constant 0 : i32
    %dma_wait3A_125 = arith.constant 0 : i32
    %dma_wait3A_126 = tpu.memref_slice %arg14[%dma_wait3A_124, %dma_wait3A_125] : memref<3x56xi32, #tpu.memory_space<vmem>> -> memref<1x56xi32, #tpu.memory_space<vmem>>
    %dma_wait3A_127 = tpu.memref_squeeze %dma_wait3A_126 : memref<1x56xi32, #tpu.memory_space<vmem>> -> memref<56xi32, #tpu.memory_space<vmem>>
    %dma_wait3A_128 = arith.constant 0 : i32
    %dma_wait3A_129 = arith.constant 0 : i32
    %dma_wait3A_130 = tpu.memref_slice %arg8[%dma_wait3A_128, %dma_wait3A_129] : memref<4096x64xf32, #tpu.memory_space<vmem_shared>> -> memref<4096x64xf32, #tpu.memory_space<vmem_shared>>
    tpu.wait_indirect_dma semaphore(%arg39 : memref<!tpu.dma_semaphore, #tpu.memory_space<semaphore_mem>>) src(%arg22 : memref<56x64xf32, #tpu.memory_space<vmem>>) dst(%dma_wait3A_130 : memref<4096x64xf32, #tpu.memory_space<vmem_shared>>)
    %dma_wait3A_131 = arith.constant 0 : i32
    %dma_wait3A_132 = arith.constant 0 : i32
    %dma_wait3A_133 = tpu.memref_slice %arg14[%dma_wait3A_131, %dma_wait3A_132] : memref<3x56xi32, #tpu.memory_space<vmem>> -> memref<1x56xi32, #tpu.memory_space<vmem>>
    %dma_wait3A_134 = tpu.memref_squeeze %dma_wait3A_133 : memref<1x56xi32, #tpu.memory_space<vmem>> -> memref<56xi32, #tpu.memory_space<vmem>>
    %dma_wait3A_135 = arith.constant 0 : i32
    %dma_wait3A_136 = arith.constant 0 : i32
    %dma_wait3A_137 = tpu.memref_slice %arg9[%dma_wait3A_135, %dma_wait3A_136] : memref<4096x64xf32, #tpu.memory_space<vmem_shared>> -> memref<4096x64xf32, #tpu.memory_space<vmem_shared>>
    tpu.wait_indirect_dma semaphore(%arg39 : memref<!tpu.dma_semaphore, #tpu.memory_space<semaphore_mem>>) src(%arg18 : memref<56x64xf32, #tpu.memory_space<vmem>>) dst(%dma_wait3A_137 : memref<4096x64xf32, #tpu.memory_space<vmem_shared>>)
    %dma_wait3A_138 = arith.constant 0 : i32
    %dma_wait3A_139 = arith.constant 0 : i32
    %dma_wait3A_140 = tpu.memref_slice %arg14[%dma_wait3A_138, %dma_wait3A_139] : memref<3x56xi32, #tpu.memory_space<vmem>> -> memref<1x56xi32, #tpu.memory_space<vmem>>
    %dma_wait3A_141 = tpu.memref_squeeze %dma_wait3A_140 : memref<1x56xi32, #tpu.memory_space<vmem>> -> memref<56xi32, #tpu.memory_space<vmem>>
    %dma_wait3A_142 = arith.constant 0 : i32
    %dma_wait3A_143 = arith.constant 0 : i32
    %dma_wait3A_144 = tpu.memref_slice %arg10[%dma_wait3A_142, %dma_wait3A_143] : memref<4096x64xf32, #tpu.memory_space<vmem_shared>> -> memref<4096x64xf32, #tpu.memory_space<vmem_shared>>
    tpu.wait_indirect_dma semaphore(%arg39 : memref<!tpu.dma_semaphore, #tpu.memory_space<semaphore_mem>>) src(%arg26 : memref<56x64xf32, #tpu.memory_space<vmem>>) dst(%dma_wait3A_144 : memref<4096x64xf32, #tpu.memory_space<vmem_shared>>)
    %barrier3A_145 = arith.constant 0 : index
    tpu.barrier barrier_id(%barrier3A_145)
    "tpu.region"() ({
      %run_scoped3A_146 = tpu.sem_alloc : memref<!tpu.dma_semaphore, #tpu.memory_space<semaphore_mem>>
      %dma_start3A_147 = arith.constant 0 : i32
      %dma_start3A_148 = tpu.memref_slice %arg5[%arg0, %mul3A_6, %dma_start3A_147] : memref<2x4096x64xf32, #tpu.memory_space<hbm>> -> memref<1x256x64xf32, #tpu.memory_space<hbm>>
      %dma_start3A_149 = tpu.memref_squeeze %dma_start3A_148 : memref<1x256x64xf32, #tpu.memory_space<hbm>> -> memref<256x64xf32, #tpu.memory_space<hbm>>
      %dma_start3A_150 = arith.constant 0 : i32
      %dma_start3A_151 = tpu.memref_slice %arg8[%mul3A_6, %dma_start3A_150] : memref<4096x64xf32, #tpu.memory_space<vmem_shared>> -> memref<256x64xf32, #tpu.memory_space<vmem_shared>>
      tpu.enqueue_dma source(%dma_start3A_151 : memref<256x64xf32, #tpu.memory_space<vmem_shared>>) target(%dma_start3A_149 : memref<256x64xf32, #tpu.memory_space<hbm>>) target_semaphore(%run_scoped3A_146 : memref<!tpu.dma_semaphore, #tpu.memory_space<semaphore_mem>>)
      %dma_wait3A_152 = arith.constant 0 : i32
      %dma_wait3A_153 = tpu.memref_slice %arg5[%arg0, %mul3A_6, %dma_wait3A_152] : memref<2x4096x64xf32, #tpu.memory_space<hbm>> -> memref<1x256x64xf32, #tpu.memory_space<hbm>>
      %dma_wait3A_154 = tpu.memref_squeeze %dma_wait3A_153 : memref<1x256x64xf32, #tpu.memory_space<hbm>> -> memref<256x64xf32, #tpu.memory_space<hbm>>
      %dma_wait3A_155 = arith.constant 0 : i32
      %dma_wait3A_156 = tpu.memref_slice %arg8[%mul3A_6, %dma_wait3A_155] : memref<4096x64xf32, #tpu.memory_space<vmem_shared>> -> memref<256x64xf32, #tpu.memory_space<vmem_shared>>
      tpu.wait_dma2 semaphore(%run_scoped3A_146 : memref<!tpu.dma_semaphore, #tpu.memory_space<semaphore_mem>>) src(%dma_wait3A_156 : memref<256x64xf32, #tpu.memory_space<vmem_shared>>) dst(%dma_wait3A_154 : memref<256x64xf32, #tpu.memory_space<hbm>>)
      tpu.yield
    }) : () -> ()
    "tpu.region"() ({
      %run_scoped3A_146 = tpu.sem_alloc : memref<!tpu.dma_semaphore, #tpu.memory_space<semaphore_mem>>
      %dma_start3A_147 = arith.constant 0 : i32
      %dma_start3A_148 = tpu.memref_slice %arg6[%arg0, %mul3A_6, %dma_start3A_147] : memref<2x4096x64xf32, #tpu.memory_space<hbm>> -> memref<1x256x64xf32, #tpu.memory_space<hbm>>
      %dma_start3A_149 = tpu.memref_squeeze %dma_start3A_148 : memref<1x256x64xf32, #tpu.memory_space<hbm>> -> memref<256x64xf32, #tpu.memory_space<hbm>>
      %dma_start3A_150 = arith.constant 0 : i32
      %dma_start3A_151 = tpu.memref_slice %arg9[%mul3A_6, %dma_start3A_150] : memref<4096x64xf32, #tpu.memory_space<vmem_shared>> -> memref<256x64xf32, #tpu.memory_space<vmem_shared>>
      tpu.enqueue_dma source(%dma_start3A_151 : memref<256x64xf32, #tpu.memory_space<vmem_shared>>) target(%dma_start3A_149 : memref<256x64xf32, #tpu.memory_space<hbm>>) target_semaphore(%run_scoped3A_146 : memref<!tpu.dma_semaphore, #tpu.memory_space<semaphore_mem>>)
      %dma_wait3A_152 = arith.constant 0 : i32
      %dma_wait3A_153 = tpu.memref_slice %arg6[%arg0, %mul3A_6, %dma_wait3A_152] : memref<2x4096x64xf32, #tpu.memory_space<hbm>> -> memref<1x256x64xf32, #tpu.memory_space<hbm>>
      %dma_wait3A_154 = tpu.memref_squeeze %dma_wait3A_153 : memref<1x256x64xf32, #tpu.memory_space<hbm>> -> memref<256x64xf32, #tpu.memory_space<hbm>>
      %dma_wait3A_155 = arith.constant 0 : i32
      %dma_wait3A_156 = tpu.memref_slice %arg9[%mul3A_6, %dma_wait3A_155] : memref<4096x64xf32, #tpu.memory_space<vmem_shared>> -> memref<256x64xf32, #tpu.memory_space<vmem_shared>>
      tpu.wait_dma2 semaphore(%run_scoped3A_146 : memref<!tpu.dma_semaphore, #tpu.memory_space<semaphore_mem>>) src(%dma_wait3A_156 : memref<256x64xf32, #tpu.memory_space<vmem_shared>>) dst(%dma_wait3A_154 : memref<256x64xf32, #tpu.memory_space<hbm>>)
      tpu.yield
    }) : () -> ()
    "tpu.region"() ({
      %run_scoped3A_146 = tpu.sem_alloc : memref<!tpu.dma_semaphore, #tpu.memory_space<semaphore_mem>>
      %dma_start3A_147 = arith.constant 0 : i32
      %dma_start3A_148 = tpu.memref_slice %arg7[%arg0, %mul3A_6, %dma_start3A_147] : memref<2x4096x64xf32, #tpu.memory_space<hbm>> -> memref<1x256x64xf32, #tpu.memory_space<hbm>>
      %dma_start3A_149 = tpu.memref_squeeze %dma_start3A_148 : memref<1x256x64xf32, #tpu.memory_space<hbm>> -> memref<256x64xf32, #tpu.memory_space<hbm>>
      %dma_start3A_150 = arith.constant 0 : i32
      %dma_start3A_151 = tpu.memref_slice %arg10[%mul3A_6, %dma_start3A_150] : memref<4096x64xf32, #tpu.memory_space<vmem_shared>> -> memref<256x64xf32, #tpu.memory_space<vmem_shared>>
      tpu.enqueue_dma source(%dma_start3A_151 : memref<256x64xf32, #tpu.memory_space<vmem_shared>>) target(%dma_start3A_149 : memref<256x64xf32, #tpu.memory_space<hbm>>) target_semaphore(%run_scoped3A_146 : memref<!tpu.dma_semaphore, #tpu.memory_space<semaphore_mem>>)
      %dma_wait3A_152 = arith.constant 0 : i32
      %dma_wait3A_153 = tpu.memref_slice %arg7[%arg0, %mul3A_6, %dma_wait3A_152] : memref<2x4096x64xf32, #tpu.memory_space<hbm>> -> memref<1x256x64xf32, #tpu.memory_space<hbm>>
      %dma_wait3A_154 = tpu.memref_squeeze %dma_wait3A_153 : memref<1x256x64xf32, #tpu.memory_space<hbm>> -> memref<256x64xf32, #tpu.memory_space<hbm>>
      %dma_wait3A_155 = arith.constant 0 : i32
      %dma_wait3A_156 = tpu.memref_slice %arg10[%mul3A_6, %dma_wait3A_155] : memref<4096x64xf32, #tpu.memory_space<vmem_shared>> -> memref<256x64xf32, #tpu.memory_space<vmem_shared>>
      tpu.wait_dma2 semaphore(%run_scoped3A_146 : memref<!tpu.dma_semaphore, #tpu.memory_space<semaphore_mem>>) src(%dma_wait3A_156 : memref<256x64xf32, #tpu.memory_space<vmem_shared>>) dst(%dma_wait3A_154 : memref<256x64xf32, #tpu.memory_space<hbm>>)
      tpu.yield
    }) : () -> ()
    return
  }
}

#map = affine_map<(d0, d1) -> (0, 0, 0)>
#map1 = affine_map<(d0, d1) -> (0, 0, 0, 0)>
module attributes {stable_mosaic.version = 14 : i64} {
  func.func @_edge_kernel(%arg0: i32, %arg1: i32, %arg2: memref<2x15904x64xf32, #tpu.memory_space<hbm>>, %arg3: memref<2x3976x64xf32, #tpu.memory_space<hbm>>, %arg4: memref<16x284x3x56xi32, #tpu.memory_space<hbm>>, %arg5: memref<2x4096x64xf32, #tpu.memory_space<hbm>>, %arg6: memref<2x4096x64xf32, #tpu.memory_space<hbm>>, %arg7: memref<2x4096x64xf32, #tpu.memory_space<hbm>>, %arg8: memref<4096x64xf32, #tpu.memory_space<vmem_shared>>, %arg9: memref<4096x64xf32, #tpu.memory_space<vmem_shared>>, %arg10: memref<4096x64xf32, #tpu.memory_space<vmem_shared>>, %arg11: memref<3x56xi32, #tpu.memory_space<vmem>>, %arg12: memref<3x56xi32, #tpu.memory_space<vmem>>, %arg13: memref<3x56xi32, #tpu.memory_space<vmem>>, %arg14: memref<3x56xi32, #tpu.memory_space<vmem>>, %arg15: memref<56x64xf32, #tpu.memory_space<vmem>>, %arg16: memref<56x64xf32, #tpu.memory_space<vmem>>, %arg17: memref<56x64xf32, #tpu.memory_space<vmem>>, %arg18: memref<56x64xf32, #tpu.memory_space<vmem>>, %arg19: memref<56x64xf32, #tpu.memory_space<vmem>>, %arg20: memref<56x64xf32, #tpu.memory_space<vmem>>, %arg21: memref<56x64xf32, #tpu.memory_space<vmem>>, %arg22: memref<56x64xf32, #tpu.memory_space<vmem>>, %arg23: memref<56x64xf32, #tpu.memory_space<vmem>>, %arg24: memref<56x64xf32, #tpu.memory_space<vmem>>, %arg25: memref<56x64xf32, #tpu.memory_space<vmem>>, %arg26: memref<56x64xf32, #tpu.memory_space<vmem>>, %arg27: memref<32x64xf32, #tpu.memory_space<vmem>>, %arg28: memref<!tpu.dma_semaphore, #tpu.memory_space<semaphore_mem>>, %arg29: memref<!tpu.dma_semaphore, #tpu.memory_space<semaphore_mem>>, %arg30: memref<!tpu.dma_semaphore, #tpu.memory_space<semaphore_mem>>, %arg31: memref<!tpu.dma_semaphore, #tpu.memory_space<semaphore_mem>>, %arg32: memref<!tpu.dma_semaphore, #tpu.memory_space<semaphore_mem>>, %arg33: memref<!tpu.dma_semaphore, #tpu.memory_space<semaphore_mem>>, %arg34: memref<!tpu.dma_semaphore, #tpu.memory_space<semaphore_mem>>, %arg35: memref<!tpu.dma_semaphore, #tpu.memory_space<semaphore_mem>>, %arg36: memref<!tpu.dma_semaphore, #tpu.memory_space<semaphore_mem>>, %arg37: memref<!tpu.dma_semaphore, #tpu.memory_space<semaphore_mem>>, %arg38: memref<!tpu.dma_semaphore, #tpu.memory_space<semaphore_mem>>, %arg39: memref<!tpu.dma_semaphore, #tpu.memory_space<semaphore_mem>>) attributes {dimension_semantics = [#tpu.dimension_semantics<core_parallel>, #tpu.dimension_semantics<subcore_parallel>], iteration_bounds = array<i64: 2, 16>, scalar_prefetch = 0 : i64, scratch_operands = 32 : i64, tpu.core_type = #tpu.core_type<sc_vector_subcore>, window_params = [{transform_indices = #map}, {transform_indices = #map}, {transform_indices = #map1}, {transform_indices = #map}, {transform_indices = #map}, {transform_indices = #map}]} {
    %broadcast_in_dim3A = arith.constant 0.000000e+00 : f32
    %broadcast_in_dim3A_0 = vector.broadcast %broadcast_in_dim3A : f32 to vector<16xf32>
    %scan3A = arith.constant 0 : i32
    %scan3A_1 = arith.constant 0 : i32
    %scan3A_2 = arith.constant 32 : i32
    %scan3A_3 = arith.addi %scan3A_1, %scan3A_2 : i32
    %scan3A_4 = arith.constant 1 : i32
    scf.for %scan3A_146 = %scan3A_1 to %scan3A_3 step %scan3A_4  : i32 {
      %swap3A = arith.index_cast %scan3A_146 : i32 to index
      %swap3A_147 = arith.constant 0 : index
      %swap3A_148 = tpu.vector_load %arg27[%swap3A, %swap3A_147] {strides = array<i32>} : memref<32x64xf32, #tpu.memory_space<vmem>>, vector<16xf32>,
      tpu.vector_store %arg27[%swap3A, %swap3A_147], %broadcast_in_dim3A_0 {strides = array<i32>} : memref<32x64xf32, #tpu.memory_space<vmem>>, vector<16xf32>,
      %swap3A_149 = arith.index_cast %scan3A_146 : i32 to index
      %swap3A_150 = arith.constant 16 : index
      %swap3A_151 = tpu.vector_load %arg27[%swap3A_149, %swap3A_150] {strides = array<i32>} : memref<32x64xf32, #tpu.memory_space<vmem>>, vector<16xf32>,
      tpu.vector_store %arg27[%swap3A_149, %swap3A_150], %broadcast_in_dim3A_0 {strides = array<i32>} : memref<32x64xf32, #tpu.memory_space<vmem>>, vector<16xf32>,
      %swap3A_152 = arith.index_cast %scan3A_146 : i32 to index
      %swap3A_153 = arith.constant 32 : index
      %swap3A_154 = tpu.vector_load %arg27[%swap3A_152, %swap3A_153] {strides = array<i32>} : memref<32x64xf32, #tpu.memory_space<vmem>>, vector<16xf32>,
      tpu.vector_store %arg27[%swap3A_152, %swap3A_153], %broadcast_in_dim3A_0 {strides = array<i32>} : memref<32x64xf32, #tpu.memory_space<vmem>>, vector<16xf32>,
      %swap3A_155 = arith.index_cast %scan3A_146 : i32 to index
      %swap3A_156 = arith.constant 48 : index
      %swap3A_157 = tpu.vector_load %arg27[%swap3A_155, %swap3A_156] {strides = array<i32>} : memref<32x64xf32, #tpu.memory_space<vmem>>, vector<16xf32>,
      tpu.vector_store %arg27[%swap3A_155, %swap3A_156], %broadcast_in_dim3A_0 {strides = array<i32>} : memref<32x64xf32, #tpu.memory_space<vmem>>, vector<16xf32>,
    }
    %scan3A_5 = arith.constant 32 : i32
    %mul3A = arith.constant 256 : i32
    %mul3A_6 = arith.muli %arg1, %mul3A : i32
    %add3A = arith.constant 0 : i32
    %add3A_7 = arith.addi %mul3A_6, %add3A : i32
    "tpu.region"() ({
      %run_scoped3A_146 = tpu.sem_alloc : memref<!tpu.dma_semaphore, #tpu.memory_space<semaphore_mem>>
      %dma_start3A_147 = arith.constant 0 : i32
      %dma_start3A_148 = tpu.memref_slice %arg8[%add3A_7, %dma_start3A_147] : memref<4096x64xf32, #tpu.memory_space<vmem_shared>> -> memref<32x64xf32, #tpu.memory_space<vmem_shared>>
      %dma_start3A_149 = arith.constant 0 : i32
      %dma_start3A_150 = tpu.memref_slice %arg8[%add3A_7, %dma_start3A_149] : memref<4096x64xf32, #tpu.memory_space<vmem_shared>> -> memref<32x64xf32, #tpu.memory_space<vmem_shared>>
      tpu.enqueue_dma source(%arg27 : memref<32x64xf32, #tpu.memory_space<vmem>>) target(%dma_start3A_150 : memref<32x64xf32, #tpu.memory_space<vmem_shared>>) target_semaphore(%run_scoped3A_146 : memref<!tpu.dma_semaphore, #tpu.memory_space<semaphore_mem>>)
      %dma_wait3A_151 = arith.constant 0 : i32
      %dma_wait3A_152 = tpu.memref_slice %arg8[%add3A_7, %dma_wait3A_151] : memref<4096x64xf32, #tpu.memory_space<vmem_shared>> -> memref<32x64xf32, #tpu.memory_space<vmem_shared>>
      %dma_wait3A_153 = arith.constant 0 : i32
      %dma_wait3A_154 = tpu.memref_slice %arg8[%add3A_7, %dma_wait3A_153] : memref<4096x64xf32, #tpu.memory_space<vmem_shared>> -> memref<32x64xf32, #tpu.memory_space<vmem_shared>>
      tpu.wait_dma2 semaphore(%run_scoped3A_146 : memref<!tpu.dma_semaphore, #tpu.memory_space<semaphore_mem>>) src(%arg27 : memref<32x64xf32, #tpu.memory_space<vmem>>) dst(%dma_wait3A_154 : memref<32x64xf32, #tpu.memory_space<vmem_shared>>)
      tpu.yield
    }) : () -> ()
    %add3A_8 = arith.constant 0 : i32
    %add3A_9 = arith.addi %mul3A_6, %add3A_8 : i32
    "tpu.region"() ({
      %run_scoped3A_146 = tpu.sem_alloc : memref<!tpu.dma_semaphore, #tpu.memory_space<semaphore_mem>>
      %dma_start3A_147 = arith.constant 0 : i32
      %dma_start3A_148 = tpu.memref_slice %arg9[%add3A_9, %dma_start3A_147] : memref<4096x64xf32, #tpu.memory_space<vmem_shared>> -> memref<32x64xf32, #tpu.memory_space<vmem_shared>>
      %dma_start3A_149 = arith.constant 0 : i32
      %dma_start3A_150 = tpu.memref_slice %arg9[%add3A_9, %dma_start3A_149] : memref<4096x64xf32, #tpu.memory_space<vmem_shared>> -> memref<32x64xf32, #tpu.memory_space<vmem_shared>>
      tpu.enqueue_dma source(%arg27 : memref<32x64xf32, #tpu.memory_space<vmem>>) target(%dma_start3A_150 : memref<32x64xf32, #tpu.memory_space<vmem_shared>>) target_semaphore(%run_scoped3A_146 : memref<!tpu.dma_semaphore, #tpu.memory_space<semaphore_mem>>)
      %dma_wait3A_151 = arith.constant 0 : i32
      %dma_wait3A_152 = tpu.memref_slice %arg9[%add3A_9, %dma_wait3A_151] : memref<4096x64xf32, #tpu.memory_space<vmem_shared>> -> memref<32x64xf32, #tpu.memory_space<vmem_shared>>
      %dma_wait3A_153 = arith.constant 0 : i32
      %dma_wait3A_154 = tpu.memref_slice %arg9[%add3A_9, %dma_wait3A_153] : memref<4096x64xf32, #tpu.memory_space<vmem_shared>> -> memref<32x64xf32, #tpu.memory_space<vmem_shared>>
      tpu.wait_dma2 semaphore(%run_scoped3A_146 : memref<!tpu.dma_semaphore, #tpu.memory_space<semaphore_mem>>) src(%arg27 : memref<32x64xf32, #tpu.memory_space<vmem>>) dst(%dma_wait3A_154 : memref<32x64xf32, #tpu.memory_space<vmem_shared>>)
      tpu.yield
    }) : () -> ()
    %add3A_10 = arith.constant 0 : i32
    %add3A_11 = arith.addi %mul3A_6, %add3A_10 : i32
    "tpu.region"() ({
      %run_scoped3A_146 = tpu.sem_alloc : memref<!tpu.dma_semaphore, #tpu.memory_space<semaphore_mem>>
      %dma_start3A_147 = arith.constant 0 : i32
      %dma_start3A_148 = tpu.memref_slice %arg10[%add3A_11, %dma_start3A_147] : memref<4096x64xf32, #tpu.memory_space<vmem_shared>> -> memref<32x64xf32, #tpu.memory_space<vmem_shared>>
      %dma_start3A_149 = arith.constant 0 : i32
      %dma_start3A_150 = tpu.memref_slice %arg10[%add3A_11, %dma_start3A_149] : memref<4096x64xf32, #tpu.memory_space<vmem_shared>> -> memref<32x64xf32, #tpu.memory_space<vmem_shared>>
      tpu.enqueue_dma source(%arg27 : memref<32x64xf32, #tpu.memory_space<vmem>>) target(%dma_start3A_150 : memref<32x64xf32, #tpu.memory_space<vmem_shared>>) target_semaphore(%run_scoped3A_146 : memref<!tpu.dma_semaphore, #tpu.memory_space<semaphore_mem>>)
      %dma_wait3A_151 = arith.constant 0 : i32
      %dma_wait3A_152 = tpu.memref_slice %arg10[%add3A_11, %dma_wait3A_151] : memref<4096x64xf32, #tpu.memory_space<vmem_shared>> -> memref<32x64xf32, #tpu.memory_space<vmem_shared>>
      %dma_wait3A_153 = arith.constant 0 : i32
      %dma_wait3A_154 = tpu.memref_slice %arg10[%add3A_11, %dma_wait3A_153] : memref<4096x64xf32, #tpu.memory_space<vmem_shared>> -> memref<32x64xf32, #tpu.memory_space<vmem_shared>>
      tpu.wait_dma2 semaphore(%run_scoped3A_146 : memref<!tpu.dma_semaphore, #tpu.memory_space<semaphore_mem>>) src(%arg27 : memref<32x64xf32, #tpu.memory_space<vmem>>) dst(%dma_wait3A_154 : memref<32x64xf32, #tpu.memory_space<vmem_shared>>)
      tpu.yield
    }) : () -> ()
    %add3A_12 = arith.constant 32 : i32
    %add3A_13 = arith.addi %mul3A_6, %add3A_12 : i32
    "tpu.region"() ({
      %run_scoped3A_146 = tpu.sem_alloc : memref<!tpu.dma_semaphore, #tpu.memory_space<semaphore_mem>>
      %dma_start3A_147 = arith.constant 0 : i32
      %dma_start3A_148 = tpu.memref_slice %arg8[%add3A_13, %dma_start3A_147] : memref<4096x64xf32, #tpu.memory_space<vmem_shared>> -> memref<32x64xf32, #tpu.memory_space<vmem_shared>>
      %dma_start3A_149 = arith.constant 0 : i32
      %dma_start3A_150 = tpu.memref_slice %arg8[%add3A_13, %dma_start3A_149] : memref<4096x64xf32, #tpu.memory_space<vmem_shared>> -> memref<32x64xf32, #tpu.memory_space<vmem_shared>>
      tpu.enqueue_dma source(%arg27 : memref<32x64xf32, #tpu.memory_space<vmem>>) target(%dma_start3A_150 : memref<32x64xf32, #tpu.memory_space<vmem_shared>>) target_semaphore(%run_scoped3A_146 : memref<!tpu.dma_semaphore, #tpu.memory_space<semaphore_mem>>)
      %dma_wait3A_151 = arith.constant 0 : i32
      %dma_wait3A_152 = tpu.memref_slice %arg8[%add3A_13, %dma_wait3A_151] : memref<4096x64xf32, #tpu.memory_space<vmem_shared>> -> memref<32x64xf32, #tpu.memory_space<vmem_shared>>
      %dma_wait3A_153 = arith.constant 0 : i32
      %dma_wait3A_154 = tpu.memref_slice %arg8[%add3A_13, %dma_wait3A_153] : memref<4096x64xf32, #tpu.memory_space<vmem_shared>> -> memref<32x64xf32, #tpu.memory_space<vmem_shared>>
      tpu.wait_dma2 semaphore(%run_scoped3A_146 : memref<!tpu.dma_semaphore, #tpu.memory_space<semaphore_mem>>) src(%arg27 : memref<32x64xf32, #tpu.memory_space<vmem>>) dst(%dma_wait3A_154 : memref<32x64xf32, #tpu.memory_space<vmem_shared>>)
      tpu.yield
    }) : () -> ()
    %add3A_14 = arith.constant 32 : i32
    %add3A_15 = arith.addi %mul3A_6, %add3A_14 : i32
    "tpu.region"() ({
      %run_scoped3A_146 = tpu.sem_alloc : memref<!tpu.dma_semaphore, #tpu.memory_space<semaphore_mem>>
      %dma_start3A_147 = arith.constant 0 : i32
      %dma_start3A_148 = tpu.memref_slice %arg9[%add3A_15, %dma_start3A_147] : memref<4096x64xf32, #tpu.memory_space<vmem_shared>> -> memref<32x64xf32, #tpu.memory_space<vmem_shared>>
      %dma_start3A_149 = arith.constant 0 : i32
      %dma_start3A_150 = tpu.memref_slice %arg9[%add3A_15, %dma_start3A_149] : memref<4096x64xf32, #tpu.memory_space<vmem_shared>> -> memref<32x64xf32, #tpu.memory_space<vmem_shared>>
      tpu.enqueue_dma source(%arg27 : memref<32x64xf32, #tpu.memory_space<vmem>>) target(%dma_start3A_150 : memref<32x64xf32, #tpu.memory_space<vmem_shared>>) target_semaphore(%run_scoped3A_146 : memref<!tpu.dma_semaphore, #tpu.memory_space<semaphore_mem>>)
      %dma_wait3A_151 = arith.constant 0 : i32
      %dma_wait3A_152 = tpu.memref_slice %arg9[%add3A_15, %dma_wait3A_151] : memref<4096x64xf32, #tpu.memory_space<vmem_shared>> -> memref<32x64xf32, #tpu.memory_space<vmem_shared>>
      %dma_wait3A_153 = arith.constant 0 : i32
      %dma_wait3A_154 = tpu.memref_slice %arg9[%add3A_15, %dma_wait3A_153] : memref<4096x64xf32, #tpu.memory_space<vmem_shared>> -> memref<32x64xf32, #tpu.memory_space<vmem_shared>>
      tpu.wait_dma2 semaphore(%run_scoped3A_146 : memref<!tpu.dma_semaphore, #tpu.memory_space<semaphore_mem>>) src(%arg27 : memref<32x64xf32, #tpu.memory_space<vmem>>) dst(%dma_wait3A_154 : memref<32x64xf32, #tpu.memory_space<vmem_shared>>)
      tpu.yield
    }) : () -> ()
    %add3A_16 = arith.constant 32 : i32
    %add3A_17 = arith.addi %mul3A_6, %add3A_16 : i32
    "tpu.region"() ({
      %run_scoped3A_146 = tpu.sem_alloc : memref<!tpu.dma_semaphore, #tpu.memory_space<semaphore_mem>>
      %dma_start3A_147 = arith.constant 0 : i32
      %dma_start3A_148 = tpu.memref_slice %arg10[%add3A_17, %dma_start3A_147] : memref<4096x64xf32, #tpu.memory_space<vmem_shared>> -> memref<32x64xf32, #tpu.memory_space<vmem_shared>>
      %dma_start3A_149 = arith.constant 0 : i32
      %dma_start3A_150 = tpu.memref_slice %arg10[%add3A_17, %dma_start3A_149] : memref<4096x64xf32, #tpu.memory_space<vmem_shared>> -> memref<32x64xf32, #tpu.memory_space<vmem_shared>>
      tpu.enqueue_dma source(%arg27 : memref<32x64xf32, #tpu.memory_space<vmem>>) target(%dma_start3A_150 : memref<32x64xf32, #tpu.memory_space<vmem_shared>>) target_semaphore(%run_scoped3A_146 : memref<!tpu.dma_semaphore, #tpu.memory_space<semaphore_mem>>)
      %dma_wait3A_151 = arith.constant 0 : i32
      %dma_wait3A_152 = tpu.memref_slice %arg10[%add3A_17, %dma_wait3A_151] : memref<4096x64xf32, #tpu.memory_space<vmem_shared>> -> memref<32x64xf32, #tpu.memory_space<vmem_shared>>
      %dma_wait3A_153 = arith.constant 0 : i32
      %dma_wait3A_154 = tpu.memref_slice %arg10[%add3A_17, %dma_wait3A_153] : memref<4096x64xf32, #tpu.memory_space<vmem_shared>> -> memref<32x64xf32, #tpu.memory_space<vmem_shared>>
      tpu.wait_dma2 semaphore(%run_scoped3A_146 : memref<!tpu.dma_semaphore, #tpu.memory_space<semaphore_mem>>) src(%arg27 : memref<32x64xf32, #tpu.memory_space<vmem>>) dst(%dma_wait3A_154 : memref<32x64xf32, #tpu.memory_space<vmem_shared>>)
      tpu.yield
    }) : () -> ()
    %add3A_18 = arith.constant 64 : i32
    %add3A_19 = arith.addi %mul3A_6, %add3A_18 : i32
    "tpu.region"() ({
      %run_scoped3A_146 = tpu.sem_alloc : memref<!tpu.dma_semaphore, #tpu.memory_space<semaphore_mem>>
      %dma_start3A_147 = arith.constant 0 : i32
      %dma_start3A_148 = tpu.memref_slice %arg8[%add3A_19, %dma_start3A_147] : memref<4096x64xf32, #tpu.memory_space<vmem_shared>> -> memref<32x64xf32, #tpu.memory_space<vmem_shared>>
      %dma_start3A_149 = arith.constant 0 : i32
      %dma_start3A_150 = tpu.memref_slice %arg8[%add3A_19, %dma_start3A_149] : memref<4096x64xf32, #tpu.memory_space<vmem_shared>> -> memref<32x64xf32, #tpu.memory_space<vmem_shared>>
      tpu.enqueue_dma source(%arg27 : memref<32x64xf32, #tpu.memory_space<vmem>>) target(%dma_start3A_150 : memref<32x64xf32, #tpu.memory_space<vmem_shared>>) target_semaphore(%run_scoped3A_146 : memref<!tpu.dma_semaphore, #tpu.memory_space<semaphore_mem>>)
      %dma_wait3A_151 = arith.constant 0 : i32
      %dma_wait3A_152 = tpu.memref_slice %arg8[%add3A_19, %dma_wait3A_151] : memref<4096x64xf32, #tpu.memory_space<vmem_shared>> -> memref<32x64xf32, #tpu.memory_space<vmem_shared>>
      %dma_wait3A_153 = arith.constant 0 : i32
      %dma_wait3A_154 = tpu.memref_slice %arg8[%add3A_19, %dma_wait3A_153] : memref<4096x64xf32, #tpu.memory_space<vmem_shared>> -> memref<32x64xf32, #tpu.memory_space<vmem_shared>>
      tpu.wait_dma2 semaphore(%run_scoped3A_146 : memref<!tpu.dma_semaphore, #tpu.memory_space<semaphore_mem>>) src(%arg27 : memref<32x64xf32, #tpu.memory_space<vmem>>) dst(%dma_wait3A_154 : memref<32x64xf32, #tpu.memory_space<vmem_shared>>)
      tpu.yield
    }) : () -> ()
    %add3A_20 = arith.constant 64 : i32
    %add3A_21 = arith.addi %mul3A_6, %add3A_20 : i32
    "tpu.region"() ({
      %run_scoped3A_146 = tpu.sem_alloc : memref<!tpu.dma_semaphore, #tpu.memory_space<semaphore_mem>>
      %dma_start3A_147 = arith.constant 0 : i32
      %dma_start3A_148 = tpu.memref_slice %arg9[%add3A_21, %dma_start3A_147] : memref<4096x64xf32, #tpu.memory_space<vmem_shared>> -> memref<32x64xf32, #tpu.memory_space<vmem_shared>>
      %dma_start3A_149 = arith.constant 0 : i32
      %dma_start3A_150 = tpu.memref_slice %arg9[%add3A_21, %dma_start3A_149] : memref<4096x64xf32, #tpu.memory_space<vmem_shared>> -> memref<32x64xf32, #tpu.memory_space<vmem_shared>>
      tpu.enqueue_dma source(%arg27 : memref<32x64xf32, #tpu.memory_space<vmem>>) target(%dma_start3A_150 : memref<32x64xf32, #tpu.memory_space<vmem_shared>>) target_semaphore(%run_scoped3A_146 : memref<!tpu.dma_semaphore, #tpu.memory_space<semaphore_mem>>)
      %dma_wait3A_151 = arith.constant 0 : i32
      %dma_wait3A_152 = tpu.memref_slice %arg9[%add3A_21, %dma_wait3A_151] : memref<4096x64xf32, #tpu.memory_space<vmem_shared>> -> memref<32x64xf32, #tpu.memory_space<vmem_shared>>
      %dma_wait3A_153 = arith.constant 0 : i32
      %dma_wait3A_154 = tpu.memref_slice %arg9[%add3A_21, %dma_wait3A_153] : memref<4096x64xf32, #tpu.memory_space<vmem_shared>> -> memref<32x64xf32, #tpu.memory_space<vmem_shared>>
      tpu.wait_dma2 semaphore(%run_scoped3A_146 : memref<!tpu.dma_semaphore, #tpu.memory_space<semaphore_mem>>) src(%arg27 : memref<32x64xf32, #tpu.memory_space<vmem>>) dst(%dma_wait3A_154 : memref<32x64xf32, #tpu.memory_space<vmem_shared>>)
      tpu.yield
    }) : () -> ()
    %add3A_22 = arith.constant 64 : i32
    %add3A_23 = arith.addi %mul3A_6, %add3A_22 : i32
    "tpu.region"() ({
      %run_scoped3A_146 = tpu.sem_alloc : memref<!tpu.dma_semaphore, #tpu.memory_space<semaphore_mem>>
      %dma_start3A_147 = arith.constant 0 : i32
      %dma_start3A_148 = tpu.memref_slice %arg10[%add3A_23, %dma_start3A_147] : memref<4096x64xf32, #tpu.memory_space<vmem_shared>> -> memref<32x64xf32, #tpu.memory_space<vmem_shared>>
      %dma_start3A_149 = arith.constant 0 : i32
      %dma_start3A_150 = tpu.memref_slice %arg10[%add3A_23, %dma_start3A_149] : memref<4096x64xf32, #tpu.memory_space<vmem_shared>> -> memref<32x64xf32, #tpu.memory_space<vmem_shared>>
      tpu.enqueue_dma source(%arg27 : memref<32x64xf32, #tpu.memory_space<vmem>>) target(%dma_start3A_150 : memref<32x64xf32, #tpu.memory_space<vmem_shared>>) target_semaphore(%run_scoped3A_146 : memref<!tpu.dma_semaphore, #tpu.memory_space<semaphore_mem>>)
      %dma_wait3A_151 = arith.constant 0 : i32
      %dma_wait3A_152 = tpu.memref_slice %arg10[%add3A_23, %dma_wait3A_151] : memref<4096x64xf32, #tpu.memory_space<vmem_shared>> -> memref<32x64xf32, #tpu.memory_space<vmem_shared>>
      %dma_wait3A_153 = arith.constant 0 : i32
      %dma_wait3A_154 = tpu.memref_slice %arg10[%add3A_23, %dma_wait3A_153] : memref<4096x64xf32, #tpu.memory_space<vmem_shared>> -> memref<32x64xf32, #tpu.memory_space<vmem_shared>>
      tpu.wait_dma2 semaphore(%run_scoped3A_146 : memref<!tpu.dma_semaphore, #tpu.memory_space<semaphore_mem>>) src(%arg27 : memref<32x64xf32, #tpu.memory_space<vmem>>) dst(%dma_wait3A_154 : memref<32x64xf32, #tpu.memory_space<vmem_shared>>)
      tpu.yield
    }) : () -> ()
    %add3A_24 = arith.constant 96 : i32
    %add3A_25 = arith.addi %mul3A_6, %add3A_24 : i32
    "tpu.region"() ({
      %run_scoped3A_146 = tpu.sem_alloc : memref<!tpu.dma_semaphore, #tpu.memory_space<semaphore_mem>>
      %dma_start3A_147 = arith.constant 0 : i32
      %dma_start3A_148 = tpu.memref_slice %arg8[%add3A_25, %dma_start3A_147] : memref<4096x64xf32, #tpu.memory_space<vmem_shared>> -> memref<32x64xf32, #tpu.memory_space<vmem_shared>>
      %dma_start3A_149 = arith.constant 0 : i32
      %dma_start3A_150 = tpu.memref_slice %arg8[%add3A_25, %dma_start3A_149] : memref<4096x64xf32, #tpu.memory_space<vmem_shared>> -> memref<32x64xf32, #tpu.memory_space<vmem_shared>>
      tpu.enqueue_dma source(%arg27 : memref<32x64xf32, #tpu.memory_space<vmem>>) target(%dma_start3A_150 : memref<32x64xf32, #tpu.memory_space<vmem_shared>>) target_semaphore(%run_scoped3A_146 : memref<!tpu.dma_semaphore, #tpu.memory_space<semaphore_mem>>)
      %dma_wait3A_151 = arith.constant 0 : i32
      %dma_wait3A_152 = tpu.memref_slice %arg8[%add3A_25, %dma_wait3A_151] : memref<4096x64xf32, #tpu.memory_space<vmem_shared>> -> memref<32x64xf32, #tpu.memory_space<vmem_shared>>
      %dma_wait3A_153 = arith.constant 0 : i32
      %dma_wait3A_154 = tpu.memref_slice %arg8[%add3A_25, %dma_wait3A_153] : memref<4096x64xf32, #tpu.memory_space<vmem_shared>> -> memref<32x64xf32, #tpu.memory_space<vmem_shared>>
      tpu.wait_dma2 semaphore(%run_scoped3A_146 : memref<!tpu.dma_semaphore, #tpu.memory_space<semaphore_mem>>) src(%arg27 : memref<32x64xf32, #tpu.memory_space<vmem>>) dst(%dma_wait3A_154 : memref<32x64xf32, #tpu.memory_space<vmem_shared>>)
      tpu.yield
    }) : () -> ()
    %add3A_26 = arith.constant 96 : i32
    %add3A_27 = arith.addi %mul3A_6, %add3A_26 : i32
    "tpu.region"() ({
      %run_scoped3A_146 = tpu.sem_alloc : memref<!tpu.dma_semaphore, #tpu.memory_space<semaphore_mem>>
      %dma_start3A_147 = arith.constant 0 : i32
      %dma_start3A_148 = tpu.memref_slice %arg9[%add3A_27, %dma_start3A_147] : memref<4096x64xf32, #tpu.memory_space<vmem_shared>> -> memref<32x64xf32, #tpu.memory_space<vmem_shared>>
      %dma_start3A_149 = arith.constant 0 : i32
      %dma_start3A_150 = tpu.memref_slice %arg9[%add3A_27, %dma_start3A_149] : memref<4096x64xf32, #tpu.memory_space<vmem_shared>> -> memref<32x64xf32, #tpu.memory_space<vmem_shared>>
      tpu.enqueue_dma source(%arg27 : memref<32x64xf32, #tpu.memory_space<vmem>>) target(%dma_start3A_150 : memref<32x64xf32, #tpu.memory_space<vmem_shared>>) target_semaphore(%run_scoped3A_146 : memref<!tpu.dma_semaphore, #tpu.memory_space<semaphore_mem>>)
      %dma_wait3A_151 = arith.constant 0 : i32
      %dma_wait3A_152 = tpu.memref_slice %arg9[%add3A_27, %dma_wait3A_151] : memref<4096x64xf32, #tpu.memory_space<vmem_shared>> -> memref<32x64xf32, #tpu.memory_space<vmem_shared>>
      %dma_wait3A_153 = arith.constant 0 : i32
      %dma_wait3A_154 = tpu.memref_slice %arg9[%add3A_27, %dma_wait3A_153] : memref<4096x64xf32, #tpu.memory_space<vmem_shared>> -> memref<32x64xf32, #tpu.memory_space<vmem_shared>>
      tpu.wait_dma2 semaphore(%run_scoped3A_146 : memref<!tpu.dma_semaphore, #tpu.memory_space<semaphore_mem>>) src(%arg27 : memref<32x64xf32, #tpu.memory_space<vmem>>) dst(%dma_wait3A_154 : memref<32x64xf32, #tpu.memory_space<vmem_shared>>)
      tpu.yield
    }) : () -> ()
    %add3A_28 = arith.constant 96 : i32
    %add3A_29 = arith.addi %mul3A_6, %add3A_28 : i32
    "tpu.region"() ({
      %run_scoped3A_146 = tpu.sem_alloc : memref<!tpu.dma_semaphore, #tpu.memory_space<semaphore_mem>>
      %dma_start3A_147 = arith.constant 0 : i32
      %dma_start3A_148 = tpu.memref_slice %arg10[%add3A_29, %dma_start3A_147] : memref<4096x64xf32, #tpu.memory_space<vmem_shared>> -> memref<32x64xf32, #tpu.memory_space<vmem_shared>>
      %dma_start3A_149 = arith.constant 0 : i32
      %dma_start3A_150 = tpu.memref_slice %arg10[%add3A_29, %dma_start3A_149] : memref<4096x64xf32, #tpu.memory_space<vmem_shared>> -> memref<32x64xf32, #tpu.memory_space<vmem_shared>>
      tpu.enqueue_dma source(%arg27 : memref<32x64xf32, #tpu.memory_space<vmem>>) target(%dma_start3A_150 : memref<32x64xf32, #tpu.memory_space<vmem_shared>>) target_semaphore(%run_scoped3A_146 : memref<!tpu.dma_semaphore, #tpu.memory_space<semaphore_mem>>)
      %dma_wait3A_151 = arith.constant 0 : i32
      %dma_wait3A_152 = tpu.memref_slice %arg10[%add3A_29, %dma_wait3A_151] : memref<4096x64xf32, #tpu.memory_space<vmem_shared>> -> memref<32x64xf32, #tpu.memory_space<vmem_shared>>
      %dma_wait3A_153 = arith.constant 0 : i32
      %dma_wait3A_154 = tpu.memref_slice %arg10[%add3A_29, %dma_wait3A_153] : memref<4096x64xf32, #tpu.memory_space<vmem_shared>> -> memref<32x64xf32, #tpu.memory_space<vmem_shared>>
      tpu.wait_dma2 semaphore(%run_scoped3A_146 : memref<!tpu.dma_semaphore, #tpu.memory_space<semaphore_mem>>) src(%arg27 : memref<32x64xf32, #tpu.memory_space<vmem>>) dst(%dma_wait3A_154 : memref<32x64xf32, #tpu.memory_space<vmem_shared>>)
      tpu.yield
    }) : () -> ()
    %add3A_30 = arith.constant 128 : i32
    %add3A_31 = arith.addi %mul3A_6, %add3A_30 : i32
    "tpu.region"() ({
      %run_scoped3A_146 = tpu.sem_alloc : memref<!tpu.dma_semaphore, #tpu.memory_space<semaphore_mem>>
      %dma_start3A_147 = arith.constant 0 : i32
      %dma_start3A_148 = tpu.memref_slice %arg8[%add3A_31, %dma_start3A_147] : memref<4096x64xf32, #tpu.memory_space<vmem_shared>> -> memref<32x64xf32, #tpu.memory_space<vmem_shared>>
      %dma_start3A_149 = arith.constant 0 : i32
      %dma_start3A_150 = tpu.memref_slice %arg8[%add3A_31, %dma_start3A_149] : memref<4096x64xf32, #tpu.memory_space<vmem_shared>> -> memref<32x64xf32, #tpu.memory_space<vmem_shared>>
      tpu.enqueue_dma source(%arg27 : memref<32x64xf32, #tpu.memory_space<vmem>>) target(%dma_start3A_150 : memref<32x64xf32, #tpu.memory_space<vmem_shared>>) target_semaphore(%run_scoped3A_146 : memref<!tpu.dma_semaphore, #tpu.memory_space<semaphore_mem>>)
      %dma_wait3A_151 = arith.constant 0 : i32
      %dma_wait3A_152 = tpu.memref_slice %arg8[%add3A_31, %dma_wait3A_151] : memref<4096x64xf32, #tpu.memory_space<vmem_shared>> -> memref<32x64xf32, #tpu.memory_space<vmem_shared>>
      %dma_wait3A_153 = arith.constant 0 : i32
      %dma_wait3A_154 = tpu.memref_slice %arg8[%add3A_31, %dma_wait3A_153] : memref<4096x64xf32, #tpu.memory_space<vmem_shared>> -> memref<32x64xf32, #tpu.memory_space<vmem_shared>>
      tpu.wait_dma2 semaphore(%run_scoped3A_146 : memref<!tpu.dma_semaphore, #tpu.memory_space<semaphore_mem>>) src(%arg27 : memref<32x64xf32, #tpu.memory_space<vmem>>) dst(%dma_wait3A_154 : memref<32x64xf32, #tpu.memory_space<vmem_shared>>)
      tpu.yield
    }) : () -> ()
    %add3A_32 = arith.constant 128 : i32
    %add3A_33 = arith.addi %mul3A_6, %add3A_32 : i32
    "tpu.region"() ({
      %run_scoped3A_146 = tpu.sem_alloc : memref<!tpu.dma_semaphore, #tpu.memory_space<semaphore_mem>>
      %dma_start3A_147 = arith.constant 0 : i32
      %dma_start3A_148 = tpu.memref_slice %arg9[%add3A_33, %dma_start3A_147] : memref<4096x64xf32, #tpu.memory_space<vmem_shared>> -> memref<32x64xf32, #tpu.memory_space<vmem_shared>>
      %dma_start3A_149 = arith.constant 0 : i32
      %dma_start3A_150 = tpu.memref_slice %arg9[%add3A_33, %dma_start3A_149] : memref<4096x64xf32, #tpu.memory_space<vmem_shared>> -> memref<32x64xf32, #tpu.memory_space<vmem_shared>>
      tpu.enqueue_dma source(%arg27 : memref<32x64xf32, #tpu.memory_space<vmem>>) target(%dma_start3A_150 : memref<32x64xf32, #tpu.memory_space<vmem_shared>>) target_semaphore(%run_scoped3A_146 : memref<!tpu.dma_semaphore, #tpu.memory_space<semaphore_mem>>)
      %dma_wait3A_151 = arith.constant 0 : i32
      %dma_wait3A_152 = tpu.memref_slice %arg9[%add3A_33, %dma_wait3A_151] : memref<4096x64xf32, #tpu.memory_space<vmem_shared>> -> memref<32x64xf32, #tpu.memory_space<vmem_shared>>
      %dma_wait3A_153 = arith.constant 0 : i32
      %dma_wait3A_154 = tpu.memref_slice %arg9[%add3A_33, %dma_wait3A_153] : memref<4096x64xf32, #tpu.memory_space<vmem_shared>> -> memref<32x64xf32, #tpu.memory_space<vmem_shared>>
      tpu.wait_dma2 semaphore(%run_scoped3A_146 : memref<!tpu.dma_semaphore, #tpu.memory_space<semaphore_mem>>) src(%arg27 : memref<32x64xf32, #tpu.memory_space<vmem>>) dst(%dma_wait3A_154 : memref<32x64xf32, #tpu.memory_space<vmem_shared>>)
      tpu.yield
    }) : () -> ()
    %add3A_34 = arith.constant 128 : i32
    %add3A_35 = arith.addi %mul3A_6, %add3A_34 : i32
    "tpu.region"() ({
      %run_scoped3A_146 = tpu.sem_alloc : memref<!tpu.dma_semaphore, #tpu.memory_space<semaphore_mem>>
      %dma_start3A_147 = arith.constant 0 : i32
      %dma_start3A_148 = tpu.memref_slice %arg10[%add3A_35, %dma_start3A_147] : memref<4096x64xf32, #tpu.memory_space<vmem_shared>> -> memref<32x64xf32, #tpu.memory_space<vmem_shared>>
      %dma_start3A_149 = arith.constant 0 : i32
      %dma_start3A_150 = tpu.memref_slice %arg10[%add3A_35, %dma_start3A_149] : memref<4096x64xf32, #tpu.memory_space<vmem_shared>> -> memref<32x64xf32, #tpu.memory_space<vmem_shared>>
      tpu.enqueue_dma source(%arg27 : memref<32x64xf32, #tpu.memory_space<vmem>>) target(%dma_start3A_150 : memref<32x64xf32, #tpu.memory_space<vmem_shared>>) target_semaphore(%run_scoped3A_146 : memref<!tpu.dma_semaphore, #tpu.memory_space<semaphore_mem>>)
      %dma_wait3A_151 = arith.constant 0 : i32
      %dma_wait3A_152 = tpu.memref_slice %arg10[%add3A_35, %dma_wait3A_151] : memref<4096x64xf32, #tpu.memory_space<vmem_shared>> -> memref<32x64xf32, #tpu.memory_space<vmem_shared>>
      %dma_wait3A_153 = arith.constant 0 : i32
      %dma_wait3A_154 = tpu.memref_slice %arg10[%add3A_35, %dma_wait3A_153] : memref<4096x64xf32, #tpu.memory_space<vmem_shared>> -> memref<32x64xf32, #tpu.memory_space<vmem_shared>>
      tpu.wait_dma2 semaphore(%run_scoped3A_146 : memref<!tpu.dma_semaphore, #tpu.memory_space<semaphore_mem>>) src(%arg27 : memref<32x64xf32, #tpu.memory_space<vmem>>) dst(%dma_wait3A_154 : memref<32x64xf32, #tpu.memory_space<vmem_shared>>)
      tpu.yield
    }) : () -> ()
    %add3A_36 = arith.constant 160 : i32
    %add3A_37 = arith.addi %mul3A_6, %add3A_36 : i32
    "tpu.region"() ({
      %run_scoped3A_146 = tpu.sem_alloc : memref<!tpu.dma_semaphore, #tpu.memory_space<semaphore_mem>>
      %dma_start3A_147 = arith.constant 0 : i32
      %dma_start3A_148 = tpu.memref_slice %arg8[%add3A_37, %dma_start3A_147] : memref<4096x64xf32, #tpu.memory_space<vmem_shared>> -> memref<32x64xf32, #tpu.memory_space<vmem_shared>>
      %dma_start3A_149 = arith.constant 0 : i32
      %dma_start3A_150 = tpu.memref_slice %arg8[%add3A_37, %dma_start3A_149] : memref<4096x64xf32, #tpu.memory_space<vmem_shared>> -> memref<32x64xf32, #tpu.memory_space<vmem_shared>>
      tpu.enqueue_dma source(%arg27 : memref<32x64xf32, #tpu.memory_space<vmem>>) target(%dma_start3A_150 : memref<32x64xf32, #tpu.memory_space<vmem_shared>>) target_semaphore(%run_scoped3A_146 : memref<!tpu.dma_semaphore, #tpu.memory_space<semaphore_mem>>)
      %dma_wait3A_151 = arith.constant 0 : i32
      %dma_wait3A_152 = tpu.memref_slice %arg8[%add3A_37, %dma_wait3A_151] : memref<4096x64xf32, #tpu.memory_space<vmem_shared>> -> memref<32x64xf32, #tpu.memory_space<vmem_shared>>
      %dma_wait3A_153 = arith.constant 0 : i32
      %dma_wait3A_154 = tpu.memref_slice %arg8[%add3A_37, %dma_wait3A_153] : memref<4096x64xf32, #tpu.memory_space<vmem_shared>> -> memref<32x64xf32, #tpu.memory_space<vmem_shared>>
      tpu.wait_dma2 semaphore(%run_scoped3A_146 : memref<!tpu.dma_semaphore, #tpu.memory_space<semaphore_mem>>) src(%arg27 : memref<32x64xf32, #tpu.memory_space<vmem>>) dst(%dma_wait3A_154 : memref<32x64xf32, #tpu.memory_space<vmem_shared>>)
      tpu.yield
    }) : () -> ()
    %add3A_38 = arith.constant 160 : i32
    %add3A_39 = arith.addi %mul3A_6, %add3A_38 : i32
    "tpu.region"() ({
      %run_scoped3A_146 = tpu.sem_alloc : memref<!tpu.dma_semaphore, #tpu.memory_space<semaphore_mem>>
      %dma_start3A_147 = arith.constant 0 : i32
      %dma_start3A_148 = tpu.memref_slice %arg9[%add3A_39, %dma_start3A_147] : memref<4096x64xf32, #tpu.memory_space<vmem_shared>> -> memref<32x64xf32, #tpu.memory_space<vmem_shared>>
      %dma_start3A_149 = arith.constant 0 : i32
      %dma_start3A_150 = tpu.memref_slice %arg9[%add3A_39, %dma_start3A_149] : memref<4096x64xf32, #tpu.memory_space<vmem_shared>> -> memref<32x64xf32, #tpu.memory_space<vmem_shared>>
      tpu.enqueue_dma source(%arg27 : memref<32x64xf32, #tpu.memory_space<vmem>>) target(%dma_start3A_150 : memref<32x64xf32, #tpu.memory_space<vmem_shared>>) target_semaphore(%run_scoped3A_146 : memref<!tpu.dma_semaphore, #tpu.memory_space<semaphore_mem>>)
      %dma_wait3A_151 = arith.constant 0 : i32
      %dma_wait3A_152 = tpu.memref_slice %arg9[%add3A_39, %dma_wait3A_151] : memref<4096x64xf32, #tpu.memory_space<vmem_shared>> -> memref<32x64xf32, #tpu.memory_space<vmem_shared>>
      %dma_wait3A_153 = arith.constant 0 : i32
      %dma_wait3A_154 = tpu.memref_slice %arg9[%add3A_39, %dma_wait3A_153] : memref<4096x64xf32, #tpu.memory_space<vmem_shared>> -> memref<32x64xf32, #tpu.memory_space<vmem_shared>>
      tpu.wait_dma2 semaphore(%run_scoped3A_146 : memref<!tpu.dma_semaphore, #tpu.memory_space<semaphore_mem>>) src(%arg27 : memref<32x64xf32, #tpu.memory_space<vmem>>) dst(%dma_wait3A_154 : memref<32x64xf32, #tpu.memory_space<vmem_shared>>)
      tpu.yield
    }) : () -> ()
    %add3A_40 = arith.constant 160 : i32
    %add3A_41 = arith.addi %mul3A_6, %add3A_40 : i32
    "tpu.region"() ({
      %run_scoped3A_146 = tpu.sem_alloc : memref<!tpu.dma_semaphore, #tpu.memory_space<semaphore_mem>>
      %dma_start3A_147 = arith.constant 0 : i32
      %dma_start3A_148 = tpu.memref_slice %arg10[%add3A_41, %dma_start3A_147] : memref<4096x64xf32, #tpu.memory_space<vmem_shared>> -> memref<32x64xf32, #tpu.memory_space<vmem_shared>>
      %dma_start3A_149 = arith.constant 0 : i32
      %dma_start3A_150 = tpu.memref_slice %arg10[%add3A_41, %dma_start3A_149] : memref<4096x64xf32, #tpu.memory_space<vmem_shared>> -> memref<32x64xf32, #tpu.memory_space<vmem_shared>>
      tpu.enqueue_dma source(%arg27 : memref<32x64xf32, #tpu.memory_space<vmem>>) target(%dma_start3A_150 : memref<32x64xf32, #tpu.memory_space<vmem_shared>>) target_semaphore(%run_scoped3A_146 : memref<!tpu.dma_semaphore, #tpu.memory_space<semaphore_mem>>)
      %dma_wait3A_151 = arith.constant 0 : i32
      %dma_wait3A_152 = tpu.memref_slice %arg10[%add3A_41, %dma_wait3A_151] : memref<4096x64xf32, #tpu.memory_space<vmem_shared>> -> memref<32x64xf32, #tpu.memory_space<vmem_shared>>
      %dma_wait3A_153 = arith.constant 0 : i32
      %dma_wait3A_154 = tpu.memref_slice %arg10[%add3A_41, %dma_wait3A_153] : memref<4096x64xf32, #tpu.memory_space<vmem_shared>> -> memref<32x64xf32, #tpu.memory_space<vmem_shared>>
      tpu.wait_dma2 semaphore(%run_scoped3A_146 : memref<!tpu.dma_semaphore, #tpu.memory_space<semaphore_mem>>) src(%arg27 : memref<32x64xf32, #tpu.memory_space<vmem>>) dst(%dma_wait3A_154 : memref<32x64xf32, #tpu.memory_space<vmem_shared>>)
      tpu.yield
    }) : () -> ()
    %add3A_42 = arith.constant 192 : i32
    %add3A_43 = arith.addi %mul3A_6, %add3A_42 : i32
    "tpu.region"() ({
      %run_scoped3A_146 = tpu.sem_alloc : memref<!tpu.dma_semaphore, #tpu.memory_space<semaphore_mem>>
      %dma_start3A_147 = arith.constant 0 : i32
      %dma_start3A_148 = tpu.memref_slice %arg8[%add3A_43, %dma_start3A_147] : memref<4096x64xf32, #tpu.memory_space<vmem_shared>> -> memref<32x64xf32, #tpu.memory_space<vmem_shared>>
      %dma_start3A_149 = arith.constant 0 : i32
      %dma_start3A_150 = tpu.memref_slice %arg8[%add3A_43, %dma_start3A_149] : memref<4096x64xf32, #tpu.memory_space<vmem_shared>> -> memref<32x64xf32, #tpu.memory_space<vmem_shared>>
      tpu.enqueue_dma source(%arg27 : memref<32x64xf32, #tpu.memory_space<vmem>>) target(%dma_start3A_150 : memref<32x64xf32, #tpu.memory_space<vmem_shared>>) target_semaphore(%run_scoped3A_146 : memref<!tpu.dma_semaphore, #tpu.memory_space<semaphore_mem>>)
      %dma_wait3A_151 = arith.constant 0 : i32
      %dma_wait3A_152 = tpu.memref_slice %arg8[%add3A_43, %dma_wait3A_151] : memref<4096x64xf32, #tpu.memory_space<vmem_shared>> -> memref<32x64xf32, #tpu.memory_space<vmem_shared>>
      %dma_wait3A_153 = arith.constant 0 : i32
      %dma_wait3A_154 = tpu.memref_slice %arg8[%add3A_43, %dma_wait3A_153] : memref<4096x64xf32, #tpu.memory_space<vmem_shared>> -> memref<32x64xf32, #tpu.memory_space<vmem_shared>>
      tpu.wait_dma2 semaphore(%run_scoped3A_146 : memref<!tpu.dma_semaphore, #tpu.memory_space<semaphore_mem>>) src(%arg27 : memref<32x64xf32, #tpu.memory_space<vmem>>) dst(%dma_wait3A_154 : memref<32x64xf32, #tpu.memory_space<vmem_shared>>)
      tpu.yield
    }) : () -> ()
    %add3A_44 = arith.constant 192 : i32
    %add3A_45 = arith.addi %mul3A_6, %add3A_44 : i32
    "tpu.region"() ({
      %run_scoped3A_146 = tpu.sem_alloc : memref<!tpu.dma_semaphore, #tpu.memory_space<semaphore_mem>>
      %dma_start3A_147 = arith.constant 0 : i32
      %dma_start3A_148 = tpu.memref_slice %arg9[%add3A_45, %dma_start3A_147] : memref<4096x64xf32, #tpu.memory_space<vmem_shared>> -> memref<32x64xf32, #tpu.memory_space<vmem_shared>>
      %dma_start3A_149 = arith.constant 0 : i32
      %dma_start3A_150 = tpu.memref_slice %arg9[%add3A_45, %dma_start3A_149] : memref<4096x64xf32, #tpu.memory_space<vmem_shared>> -> memref<32x64xf32, #tpu.memory_space<vmem_shared>>
      tpu.enqueue_dma source(%arg27 : memref<32x64xf32, #tpu.memory_space<vmem>>) target(%dma_start3A_150 : memref<32x64xf32, #tpu.memory_space<vmem_shared>>) target_semaphore(%run_scoped3A_146 : memref<!tpu.dma_semaphore, #tpu.memory_space<semaphore_mem>>)
      %dma_wait3A_151 = arith.constant 0 : i32
      %dma_wait3A_152 = tpu.memref_slice %arg9[%add3A_45, %dma_wait3A_151] : memref<4096x64xf32, #tpu.memory_space<vmem_shared>> -> memref<32x64xf32, #tpu.memory_space<vmem_shared>>
      %dma_wait3A_153 = arith.constant 0 : i32
      %dma_wait3A_154 = tpu.memref_slice %arg9[%add3A_45, %dma_wait3A_153] : memref<4096x64xf32, #tpu.memory_space<vmem_shared>> -> memref<32x64xf32, #tpu.memory_space<vmem_shared>>
      tpu.wait_dma2 semaphore(%run_scoped3A_146 : memref<!tpu.dma_semaphore, #tpu.memory_space<semaphore_mem>>) src(%arg27 : memref<32x64xf32, #tpu.memory_space<vmem>>) dst(%dma_wait3A_154 : memref<32x64xf32, #tpu.memory_space<vmem_shared>>)
      tpu.yield
    }) : () -> ()
    %add3A_46 = arith.constant 192 : i32
    %add3A_47 = arith.addi %mul3A_6, %add3A_46 : i32
    "tpu.region"() ({
      %run_scoped3A_146 = tpu.sem_alloc : memref<!tpu.dma_semaphore, #tpu.memory_space<semaphore_mem>>
      %dma_start3A_147 = arith.constant 0 : i32
      %dma_start3A_148 = tpu.memref_slice %arg10[%add3A_47, %dma_start3A_147] : memref<4096x64xf32, #tpu.memory_space<vmem_shared>> -> memref<32x64xf32, #tpu.memory_space<vmem_shared>>
      %dma_start3A_149 = arith.constant 0 : i32
      %dma_start3A_150 = tpu.memref_slice %arg10[%add3A_47, %dma_start3A_149] : memref<4096x64xf32, #tpu.memory_space<vmem_shared>> -> memref<32x64xf32, #tpu.memory_space<vmem_shared>>
      tpu.enqueue_dma source(%arg27 : memref<32x64xf32, #tpu.memory_space<vmem>>) target(%dma_start3A_150 : memref<32x64xf32, #tpu.memory_space<vmem_shared>>) target_semaphore(%run_scoped3A_146 : memref<!tpu.dma_semaphore, #tpu.memory_space<semaphore_mem>>)
      %dma_wait3A_151 = arith.constant 0 : i32
      %dma_wait3A_152 = tpu.memref_slice %arg10[%add3A_47, %dma_wait3A_151] : memref<4096x64xf32, #tpu.memory_space<vmem_shared>> -> memref<32x64xf32, #tpu.memory_space<vmem_shared>>
      %dma_wait3A_153 = arith.constant 0 : i32
      %dma_wait3A_154 = tpu.memref_slice %arg10[%add3A_47, %dma_wait3A_153] : memref<4096x64xf32, #tpu.memory_space<vmem_shared>> -> memref<32x64xf32, #tpu.memory_space<vmem_shared>>
      tpu.wait_dma2 semaphore(%run_scoped3A_146 : memref<!tpu.dma_semaphore, #tpu.memory_space<semaphore_mem>>) src(%arg27 : memref<32x64xf32, #tpu.memory_space<vmem>>) dst(%dma_wait3A_154 : memref<32x64xf32, #tpu.memory_space<vmem_shared>>)
      tpu.yield
    }) : () -> ()
    %add3A_48 = arith.constant 224 : i32
    %add3A_49 = arith.addi %mul3A_6, %add3A_48 : i32
    "tpu.region"() ({
      %run_scoped3A_146 = tpu.sem_alloc : memref<!tpu.dma_semaphore, #tpu.memory_space<semaphore_mem>>
      %dma_start3A_147 = arith.constant 0 : i32
      %dma_start3A_148 = tpu.memref_slice %arg8[%add3A_49, %dma_start3A_147] : memref<4096x64xf32, #tpu.memory_space<vmem_shared>> -> memref<32x64xf32, #tpu.memory_space<vmem_shared>>
      %dma_start3A_149 = arith.constant 0 : i32
      %dma_start3A_150 = tpu.memref_slice %arg8[%add3A_49, %dma_start3A_149] : memref<4096x64xf32, #tpu.memory_space<vmem_shared>> -> memref<32x64xf32, #tpu.memory_space<vmem_shared>>
      tpu.enqueue_dma source(%arg27 : memref<32x64xf32, #tpu.memory_space<vmem>>) target(%dma_start3A_150 : memref<32x64xf32, #tpu.memory_space<vmem_shared>>) target_semaphore(%run_scoped3A_146 : memref<!tpu.dma_semaphore, #tpu.memory_space<semaphore_mem>>)
      %dma_wait3A_151 = arith.constant 0 : i32
      %dma_wait3A_152 = tpu.memref_slice %arg8[%add3A_49, %dma_wait3A_151] : memref<4096x64xf32, #tpu.memory_space<vmem_shared>> -> memref<32x64xf32, #tpu.memory_space<vmem_shared>>
      %dma_wait3A_153 = arith.constant 0 : i32
      %dma_wait3A_154 = tpu.memref_slice %arg8[%add3A_49, %dma_wait3A_153] : memref<4096x64xf32, #tpu.memory_space<vmem_shared>> -> memref<32x64xf32, #tpu.memory_space<vmem_shared>>
      tpu.wait_dma2 semaphore(%run_scoped3A_146 : memref<!tpu.dma_semaphore, #tpu.memory_space<semaphore_mem>>) src(%arg27 : memref<32x64xf32, #tpu.memory_space<vmem>>) dst(%dma_wait3A_154 : memref<32x64xf32, #tpu.memory_space<vmem_shared>>)
      tpu.yield
    }) : () -> ()
    %add3A_50 = arith.constant 224 : i32
    %add3A_51 = arith.addi %mul3A_6, %add3A_50 : i32
    "tpu.region"() ({
      %run_scoped3A_146 = tpu.sem_alloc : memref<!tpu.dma_semaphore, #tpu.memory_space<semaphore_mem>>
      %dma_start3A_147 = arith.constant 0 : i32
      %dma_start3A_148 = tpu.memref_slice %arg9[%add3A_51, %dma_start3A_147] : memref<4096x64xf32, #tpu.memory_space<vmem_shared>> -> memref<32x64xf32, #tpu.memory_space<vmem_shared>>
      %dma_start3A_149 = arith.constant 0 : i32
      %dma_start3A_150 = tpu.memref_slice %arg9[%add3A_51, %dma_start3A_149] : memref<4096x64xf32, #tpu.memory_space<vmem_shared>> -> memref<32x64xf32, #tpu.memory_space<vmem_shared>>
      tpu.enqueue_dma source(%arg27 : memref<32x64xf32, #tpu.memory_space<vmem>>) target(%dma_start3A_150 : memref<32x64xf32, #tpu.memory_space<vmem_shared>>) target_semaphore(%run_scoped3A_146 : memref<!tpu.dma_semaphore, #tpu.memory_space<semaphore_mem>>)
      %dma_wait3A_151 = arith.constant 0 : i32
      %dma_wait3A_152 = tpu.memref_slice %arg9[%add3A_51, %dma_wait3A_151] : memref<4096x64xf32, #tpu.memory_space<vmem_shared>> -> memref<32x64xf32, #tpu.memory_space<vmem_shared>>
      %dma_wait3A_153 = arith.constant 0 : i32
      %dma_wait3A_154 = tpu.memref_slice %arg9[%add3A_51, %dma_wait3A_153] : memref<4096x64xf32, #tpu.memory_space<vmem_shared>> -> memref<32x64xf32, #tpu.memory_space<vmem_shared>>
      tpu.wait_dma2 semaphore(%run_scoped3A_146 : memref<!tpu.dma_semaphore, #tpu.memory_space<semaphore_mem>>) src(%arg27 : memref<32x64xf32, #tpu.memory_space<vmem>>) dst(%dma_wait3A_154 : memref<32x64xf32, #tpu.memory_space<vmem_shared>>)
      tpu.yield
    }) : () -> ()
    %add3A_52 = arith.constant 224 : i32
    %add3A_53 = arith.addi %mul3A_6, %add3A_52 : i32
    "tpu.region"() ({
      %run_scoped3A_146 = tpu.sem_alloc : memref<!tpu.dma_semaphore, #tpu.memory_space<semaphore_mem>>
      %dma_start3A_147 = arith.constant 0 : i32
      %dma_start3A_148 = tpu.memref_slice %arg10[%add3A_53, %dma_start3A_147] : memref<4096x64xf32, #tpu.memory_space<vmem_shared>> -> memref<32x64xf32, #tpu.memory_space<vmem_shared>>
      %dma_start3A_149 = arith.constant 0 : i32
      %dma_start3A_150 = tpu.memref_slice %arg10[%add3A_53, %dma_start3A_149] : memref<4096x64xf32, #tpu.memory_space<vmem_shared>> -> memref<32x64xf32, #tpu.memory_space<vmem_shared>>
      tpu.enqueue_dma source(%arg27 : memref<32x64xf32, #tpu.memory_space<vmem>>) target(%dma_start3A_150 : memref<32x64xf32, #tpu.memory_space<vmem_shared>>) target_semaphore(%run_scoped3A_146 : memref<!tpu.dma_semaphore, #tpu.memory_space<semaphore_mem>>)
      %dma_wait3A_151 = arith.constant 0 : i32
      %dma_wait3A_152 = tpu.memref_slice %arg10[%add3A_53, %dma_wait3A_151] : memref<4096x64xf32, #tpu.memory_space<vmem_shared>> -> memref<32x64xf32, #tpu.memory_space<vmem_shared>>
      %dma_wait3A_153 = arith.constant 0 : i32
      %dma_wait3A_154 = tpu.memref_slice %arg10[%add3A_53, %dma_wait3A_153] : memref<4096x64xf32, #tpu.memory_space<vmem_shared>> -> memref<32x64xf32, #tpu.memory_space<vmem_shared>>
      tpu.wait_dma2 semaphore(%run_scoped3A_146 : memref<!tpu.dma_semaphore, #tpu.memory_space<semaphore_mem>>) src(%arg27 : memref<32x64xf32, #tpu.memory_space<vmem>>) dst(%dma_wait3A_154 : memref<32x64xf32, #tpu.memory_space<vmem_shared>>)
      tpu.yield
    }) : () -> ()
    %barrier3A = arith.constant 0 : index
    tpu.barrier barrier_id(%barrier3A)
    %run_scoped3A = arith.constant 0 : i32
    "tpu.region"() ({
      %run_scoped3A_146 = tpu.sem_alloc : memref<!tpu.dma_semaphore, #tpu.memory_space<semaphore_mem>>
      %dma_start3A_147 = arith.constant 0 : i32
      %dma_start3A_148 = arith.constant 0 : i32
      %dma_start3A_149 = tpu.memref_slice %arg4[%arg1, %run_scoped3A, %dma_start3A_147, %dma_start3A_148] : memref<16x284x3x56xi32, #tpu.memory_space<hbm>> -> memref<1x1x3x56xi32, #tpu.memory_space<hbm>>
      %dma_start3A_150 = tpu.memref_squeeze %dma_start3A_149 : memref<1x1x3x56xi32, #tpu.memory_space<hbm>> -> memref<3x56xi32, #tpu.memory_space<hbm>>
      %dma_start3A_151 = arith.constant 0 : i32
      %dma_start3A_152 = arith.constant 0 : i32
      %dma_start3A_153 = tpu.memref_slice %arg4[%arg1, %run_scoped3A, %dma_start3A_151, %dma_start3A_152] : memref<16x284x3x56xi32, #tpu.memory_space<hbm>> -> memref<1x1x3x56xi32, #tpu.memory_space<hbm>>
      %dma_start3A_154 = tpu.memref_squeeze %dma_start3A_153 : memref<1x1x3x56xi32, #tpu.memory_space<hbm>> -> memref<3x56xi32, #tpu.memory_space<hbm>>
      tpu.enqueue_dma source(%dma_start3A_154 : memref<3x56xi32, #tpu.memory_space<hbm>>) target(%arg11 : memref<3x56xi32, #tpu.memory_space<vmem>>) target_semaphore(%run_scoped3A_146 : memref<!tpu.dma_semaphore, #tpu.memory_space<semaphore_mem>>)
      %dma_wait3A_155 = arith.constant 0 : i32
      %dma_wait3A_156 = arith.constant 0 : i32
      %dma_wait3A_157 = tpu.memref_slice %arg4[%arg1, %run_scoped3A, %dma_wait3A_155, %dma_wait3A_156] : memref<16x284x3x56xi32, #tpu.memory_space<hbm>> -> memref<1x1x3x56xi32, #tpu.memory_space<hbm>>
      %dma_wait3A_158 = tpu.memref_squeeze %dma_wait3A_157 : memref<1x1x3x56xi32, #tpu.memory_space<hbm>> -> memref<3x56xi32, #tpu.memory_space<hbm>>
      %dma_wait3A_159 = arith.constant 0 : i32
      %dma_wait3A_160 = arith.constant 0 : i32
      %dma_wait3A_161 = tpu.memref_slice %arg4[%arg1, %run_scoped3A, %dma_wait3A_159, %dma_wait3A_160] : memref<16x284x3x56xi32, #tpu.memory_space<hbm>> -> memref<1x1x3x56xi32, #tpu.memory_space<hbm>>
      %dma_wait3A_162 = tpu.memref_squeeze %dma_wait3A_161 : memref<1x1x3x56xi32, #tpu.memory_space<hbm>> -> memref<3x56xi32, #tpu.memory_space<hbm>>
      tpu.wait_dma2 semaphore(%run_scoped3A_146 : memref<!tpu.dma_semaphore, #tpu.memory_space<semaphore_mem>>) src(%dma_wait3A_162 : memref<3x56xi32, #tpu.memory_space<hbm>>) dst(%arg11 : memref<3x56xi32, #tpu.memory_space<vmem>>)
      tpu.yield
    }) : () -> ()
    %dma_start3A = arith.constant 1 : i32
    %dma_start3A_54 = arith.constant 0 : i32
    %dma_start3A_55 = tpu.memref_slice %arg11[%dma_start3A, %dma_start3A_54] : memref<3x56xi32, #tpu.memory_space<vmem>> -> memref<1x56xi32, #tpu.memory_space<vmem>>
    %dma_start3A_56 = tpu.memref_squeeze %dma_start3A_55 : memref<1x56xi32, #tpu.memory_space<vmem>> -> memref<56xi32, #tpu.memory_space<vmem>>
    %dma_start3A_57 = arith.constant 0 : i32
    %dma_start3A_58 = arith.constant 0 : i32
    %dma_start3A_59 = tpu.memref_slice %arg2[%arg0, %dma_start3A_57, %dma_start3A_58] : memref<2x15904x64xf32, #tpu.memory_space<hbm>> -> memref<1x15904x64xf32, #tpu.memory_space<hbm>>
    %dma_start3A_60 = tpu.memref_squeeze %dma_start3A_59 : memref<1x15904x64xf32, #tpu.memory_space<hbm>> -> memref<15904x64xf32, #tpu.memory_space<hbm>>
    %dma_start3A_61 = arith.constant 0 : i32
    %dma_start3A_62 = arith.constant 0 : i32
    %dma_start3A_63 = tpu.memref_slice %dma_start3A_60[%dma_start3A_61, %dma_start3A_62] : memref<15904x64xf32, #tpu.memory_space<hbm>> -> memref<15904x64xf32, #tpu.memory_space<hbm>>
    tpu.enqueue_indirect_dma source(%dma_start3A_63 : memref<15904x64xf32, #tpu.memory_space<hbm>>) target(%arg15 : memref<56x64xf32, #tpu.memory_space<vmem>>) offsets(%dma_start3A_56 : memref<56xi32, #tpu.memory_space<vmem>>) semaphore(%arg28 : memref<!tpu.dma_semaphore, #tpu.memory_space<semaphore_mem>>)
    %dma_start3A_64 = arith.constant 2 : i32
    %dma_start3A_65 = arith.constant 0 : i32
    %dma_start3A_66 = tpu.memref_slice %arg11[%dma_start3A_64, %dma_start3A_65] : memref<3x56xi32, #tpu.memory_space<vmem>> -> memref<1x56xi32, #tpu.memory_space<vmem>>
    %dma_start3A_67 = tpu.memref_squeeze %dma_start3A_66 : memref<1x56xi32, #tpu.memory_space<vmem>> -> memref<56xi32, #tpu.memory_space<vmem>>
    %dma_start3A_68 = arith.constant 0 : i32
    %dma_start3A_69 = arith.constant 0 : i32
    %dma_start3A_70 = tpu.memref_slice %arg3[%arg0, %dma_start3A_68, %dma_start3A_69] : memref<2x3976x64xf32, #tpu.memory_space<hbm>> -> memref<1x3976x64xf32, #tpu.memory_space<hbm>>
    %dma_start3A_71 = tpu.memref_squeeze %dma_start3A_70 : memref<1x3976x64xf32, #tpu.memory_space<hbm>> -> memref<3976x64xf32, #tpu.memory_space<hbm>>
    %dma_start3A_72 = arith.constant 0 : i32
    %dma_start3A_73 = arith.constant 0 : i32
    %dma_start3A_74 = tpu.memref_slice %dma_start3A_71[%dma_start3A_72, %dma_start3A_73] : memref<3976x64xf32, #tpu.memory_space<hbm>> -> memref<3976x64xf32, #tpu.memory_space<hbm>>
    tpu.enqueue_indirect_dma source(%dma_start3A_74 : memref<3976x64xf32, #tpu.memory_space<hbm>>) target(%arg23 : memref<56x64xf32, #tpu.memory_space<vmem>>) offsets(%dma_start3A_67 : memref<56xi32, #tpu.memory_space<vmem>>) semaphore(%arg32 : memref<!tpu.dma_semaphore, #tpu.memory_space<semaphore_mem>>)
    %run_scoped3A_75 = arith.constant 1 : i32
    "tpu.region"() ({
      %run_scoped3A_146 = tpu.sem_alloc : memref<!tpu.dma_semaphore, #tpu.memory_space<semaphore_mem>>
      %dma_start3A_147 = arith.constant 0 : i32
      %dma_start3A_148 = arith.constant 0 : i32
      %dma_start3A_149 = tpu.memref_slice %arg4[%arg1, %run_scoped3A_75, %dma_start3A_147, %dma_start3A_148] : memref<16x284x3x56xi32, #tpu.memory_space<hbm>> -> memref<1x1x3x56xi32, #tpu.memory_space<hbm>>
      %dma_start3A_150 = tpu.memref_squeeze %dma_start3A_149 : memref<1x1x3x56xi32, #tpu.memory_space<hbm>> -> memref<3x56xi32, #tpu.memory_space<hbm>>
      %dma_start3A_151 = arith.constant 0 : i32
      %dma_start3A_152 = arith.constant 0 : i32
      %dma_start3A_153 = tpu.memref_slice %arg4[%arg1, %run_scoped3A_75, %dma_start3A_151, %dma_start3A_152] : memref<16x284x3x56xi32, #tpu.memory_space<hbm>> -> memref<1x1x3x56xi32, #tpu.memory_space<hbm>>
      %dma_start3A_154 = tpu.memref_squeeze %dma_start3A_153 : memref<1x1x3x56xi32, #tpu.memory_space<hbm>> -> memref<3x56xi32, #tpu.memory_space<hbm>>
      tpu.enqueue_dma source(%dma_start3A_154 : memref<3x56xi32, #tpu.memory_space<hbm>>) target(%arg12 : memref<3x56xi32, #tpu.memory_space<vmem>>) target_semaphore(%run_scoped3A_146 : memref<!tpu.dma_semaphore, #tpu.memory_space<semaphore_mem>>)
      %dma_wait3A_155 = arith.constant 0 : i32
      %dma_wait3A_156 = arith.constant 0 : i32
      %dma_wait3A_157 = tpu.memref_slice %arg4[%arg1, %run_scoped3A_75, %dma_wait3A_155, %dma_wait3A_156] : memref<16x284x3x56xi32, #tpu.memory_space<hbm>> -> memref<1x1x3x56xi32, #tpu.memory_space<hbm>>
      %dma_wait3A_158 = tpu.memref_squeeze %dma_wait3A_157 : memref<1x1x3x56xi32, #tpu.memory_space<hbm>> -> memref<3x56xi32, #tpu.memory_space<hbm>>
      %dma_wait3A_159 = arith.constant 0 : i32
      %dma_wait3A_160 = arith.constant 0 : i32
      %dma_wait3A_161 = tpu.memref_slice %arg4[%arg1, %run_scoped3A_75, %dma_wait3A_159, %dma_wait3A_160] : memref<16x284x3x56xi32, #tpu.memory_space<hbm>> -> memref<1x1x3x56xi32, #tpu.memory_space<hbm>>
      %dma_wait3A_162 = tpu.memref_squeeze %dma_wait3A_161 : memref<1x1x3x56xi32, #tpu.memory_space<hbm>> -> memref<3x56xi32, #tpu.memory_space<hbm>>
      tpu.wait_dma2 semaphore(%run_scoped3A_146 : memref<!tpu.dma_semaphore, #tpu.memory_space<semaphore_mem>>) src(%dma_wait3A_162 : memref<3x56xi32, #tpu.memory_space<hbm>>) dst(%arg12 : memref<3x56xi32, #tpu.memory_space<vmem>>)
      tpu.yield
    }) : () -> ()
    %dma_start3A_76 = arith.constant 1 : i32
    %dma_start3A_77 = arith.constant 0 : i32
    %dma_start3A_78 = tpu.memref_slice %arg12[%dma_start3A_76, %dma_start3A_77] : memref<3x56xi32, #tpu.memory_space<vmem>> -> memref<1x56xi32, #tpu.memory_space<vmem>>
    %dma_start3A_79 = tpu.memref_squeeze %dma_start3A_78 : memref<1x56xi32, #tpu.memory_space<vmem>> -> memref<56xi32, #tpu.memory_space<vmem>>
    %dma_start3A_80 = arith.constant 0 : i32
    %dma_start3A_81 = arith.constant 0 : i32
    %dma_start3A_82 = tpu.memref_slice %arg2[%arg0, %dma_start3A_80, %dma_start3A_81] : memref<2x15904x64xf32, #tpu.memory_space<hbm>> -> memref<1x15904x64xf32, #tpu.memory_space<hbm>>
    %dma_start3A_83 = tpu.memref_squeeze %dma_start3A_82 : memref<1x15904x64xf32, #tpu.memory_space<hbm>> -> memref<15904x64xf32, #tpu.memory_space<hbm>>
    %dma_start3A_84 = arith.constant 0 : i32
    %dma_start3A_85 = arith.constant 0 : i32
    %dma_start3A_86 = tpu.memref_slice %dma_start3A_83[%dma_start3A_84, %dma_start3A_85] : memref<15904x64xf32, #tpu.memory_space<hbm>> -> memref<15904x64xf32, #tpu.memory_space<hbm>>
    tpu.enqueue_indirect_dma source(%dma_start3A_86 : memref<15904x64xf32, #tpu.memory_space<hbm>>) target(%arg16 : memref<56x64xf32, #tpu.memory_space<vmem>>) offsets(%dma_start3A_79 : memref<56xi32, #tpu.memory_space<vmem>>) semaphore(%arg29 : memref<!tpu.dma_semaphore, #tpu.memory_space<semaphore_mem>>)
    %dma_start3A_87 = arith.constant 2 : i32
    %dma_start3A_88 = arith.constant 0 : i32
    %dma_start3A_89 = tpu.memref_slice %arg12[%dma_start3A_87, %dma_start3A_88] : memref<3x56xi32, #tpu.memory_space<vmem>> -> memref<1x56xi32, #tpu.memory_space<vmem>>
    %dma_start3A_90 = tpu.memref_squeeze %dma_start3A_89 : memref<1x56xi32, #tpu.memory_space<vmem>> -> memref<56xi32, #tpu.memory_space<vmem>>
    %dma_start3A_91 = arith.constant 0 : i32
    %dma_start3A_92 = arith.constant 0 : i32
    %dma_start3A_93 = tpu.memref_slice %arg3[%arg0, %dma_start3A_91, %dma_start3A_92] : memref<2x3976x64xf32, #tpu.memory_space<hbm>> -> memref<1x3976x64xf32, #tpu.memory_space<hbm>>
    %dma_start3A_94 = tpu.memref_squeeze %dma_start3A_93 : memref<1x3976x64xf32, #tpu.memory_space<hbm>> -> memref<3976x64xf32, #tpu.memory_space<hbm>>
    %dma_start3A_95 = arith.constant 0 : i32
    %dma_start3A_96 = arith.constant 0 : i32
    %dma_start3A_97 = tpu.memref_slice %dma_start3A_94[%dma_start3A_95, %dma_start3A_96] : memref<3976x64xf32, #tpu.memory_space<hbm>> -> memref<3976x64xf32, #tpu.memory_space<hbm>>
    tpu.enqueue_indirect_dma source(%dma_start3A_97 : memref<3976x64xf32, #tpu.memory_space<hbm>>) target(%arg24 : memref<56x64xf32, #tpu.memory_space<vmem>>) offsets(%dma_start3A_90 : memref<56xi32, #tpu.memory_space<vmem>>) semaphore(%arg33 : memref<!tpu.dma_semaphore, #tpu.memory_space<semaphore_mem>>)
    %scan3A_98 = arith.constant 0 : i32
    %scan3A_99 = arith.constant 0 : i32
    %scan3A_100 = arith.constant 71 : i32
    %scan3A_101 = arith.addi %scan3A_99, %scan3A_100 : i32
    %scan3A_102 = arith.constant 1 : i32
    scf.for %scan3A_146 = %scan3A_99 to %scan3A_101 step %scan3A_102  : i32 {
      %mul3A_147 = arith.constant 4 : i32
      %mul3A_148 = arith.muli %scan3A_146, %mul3A_147 : i32
      %add3A_149 = arith.constant 0 : i32
      %add3A_150 = arith.addi %mul3A_148, %add3A_149 : i32
      %dma_wait3A_151 = arith.constant 1 : i32
      %dma_wait3A_152 = arith.constant 0 : i32
      %dma_wait3A_153 = tpu.memref_slice %arg11[%dma_wait3A_151, %dma_wait3A_152] : memref<3x56xi32, #tpu.memory_space<vmem>> -> memref<1x56xi32, #tpu.memory_space<vmem>>
      %dma_wait3A_154 = tpu.memref_squeeze %dma_wait3A_153 : memref<1x56xi32, #tpu.memory_space<vmem>> -> memref<56xi32, #tpu.memory_space<vmem>>
      %dma_wait3A_155 = arith.constant 0 : i32
      %dma_wait3A_156 = arith.constant 0 : i32
      %dma_wait3A_157 = tpu.memref_slice %arg2[%arg0, %dma_wait3A_155, %dma_wait3A_156] : memref<2x15904x64xf32, #tpu.memory_space<hbm>> -> memref<1x15904x64xf32, #tpu.memory_space<hbm>>
      %dma_wait3A_158 = tpu.memref_squeeze %dma_wait3A_157 : memref<1x15904x64xf32, #tpu.memory_space<hbm>> -> memref<15904x64xf32, #tpu.memory_space<hbm>>
      %dma_wait3A_159 = arith.constant 0 : i32
      %dma_wait3A_160 = arith.constant 0 : i32
      %dma_wait3A_161 = tpu.memref_slice %dma_wait3A_158[%dma_wait3A_159, %dma_wait3A_160] : memref<15904x64xf32, #tpu.memory_space<hbm>> -> memref<15904x64xf32, #tpu.memory_space<hbm>>
      tpu.wait_indirect_dma semaphore(%arg28 : memref<!tpu.dma_semaphore, #tpu.memory_space<semaphore_mem>>) src(%dma_wait3A_161 : memref<15904x64xf32, #tpu.memory_space<hbm>>) dst(%arg15 : memref<56x64xf32, #tpu.memory_space<vmem>>)
      %scan3A_162 = arith.constant 0 : i32
      %scan3A_163 = arith.constant 0 : i32
      %scan3A_164 = arith.constant 56 : i32
      %scan3A_165 = arith.addi %scan3A_163, %scan3A_164 : i32
      %scan3A_166 = arith.constant 1 : i32
      scf.for %scan3A_397 = %scan3A_163 to %scan3A_165 step %scan3A_166  : i32 {
        %get3A = arith.index_cast %scan3A_397 : i32 to index
        %get3A_398 = arith.constant 0 : index
        %get3A_399 = tpu.vector_load %arg15[%get3A, %get3A_398] {strides = array<i32>} : memref<56x64xf32, #tpu.memory_space<vmem>>, vector<16xf32>,
        %exp3A = math.exp %get3A_399 : vector<16xf32>
        %swap3A = arith.index_cast %scan3A_397 : i32 to index
        %swap3A_400 = arith.constant 0 : index
        %swap3A_401 = tpu.vector_load %arg19[%swap3A, %swap3A_400] {strides = array<i32>} : memref<56x64xf32, #tpu.memory_space<vmem>>, vector<16xf32>,
        tpu.vector_store %arg19[%swap3A, %swap3A_400], %exp3A {strides = array<i32>} : memref<56x64xf32, #tpu.memory_space<vmem>>, vector<16xf32>,
        %mul3A_402 = arith.mulf %get3A_399, %exp3A : vector<16xf32>
        %swap3A_403 = arith.index_cast %scan3A_397 : i32 to index
        %swap3A_404 = arith.constant 0 : index
        %swap3A_405 = tpu.vector_load %arg15[%swap3A_403, %swap3A_404] {strides = array<i32>} : memref<56x64xf32, #tpu.memory_space<vmem>>, vector<16xf32>,
        tpu.vector_store %arg15[%swap3A_403, %swap3A_404], %mul3A_402 {strides = array<i32>} : memref<56x64xf32, #tpu.memory_space<vmem>>, vector<16xf32>,
        %get3A_406 = arith.index_cast %scan3A_397 : i32 to index
        %get3A_407 = arith.constant 16 : index
        %get3A_408 = tpu.vector_load %arg15[%get3A_406, %get3A_407] {strides = array<i32>} : memref<56x64xf32, #tpu.memory_space<vmem>>, vector<16xf32>,
        %exp3A_409 = math.exp %get3A_408 : vector<16xf32>
        %swap3A_410 = arith.index_cast %scan3A_397 : i32 to index
        %swap3A_411 = arith.constant 16 : index
        %swap3A_412 = tpu.vector_load %arg19[%swap3A_410, %swap3A_411] {strides = array<i32>} : memref<56x64xf32, #tpu.memory_space<vmem>>, vector<16xf32>,
        tpu.vector_store %arg19[%swap3A_410, %swap3A_411], %exp3A_409 {strides = array<i32>} : memref<56x64xf32, #tpu.memory_space<vmem>>, vector<16xf32>,
        %mul3A_413 = arith.mulf %get3A_408, %exp3A_409 : vector<16xf32>
        %swap3A_414 = arith.index_cast %scan3A_397 : i32 to index
        %swap3A_415 = arith.constant 16 : index
        %swap3A_416 = tpu.vector_load %arg15[%swap3A_414, %swap3A_415] {strides = array<i32>} : memref<56x64xf32, #tpu.memory_space<vmem>>, vector<16xf32>,
        tpu.vector_store %arg15[%swap3A_414, %swap3A_415], %mul3A_413 {strides = array<i32>} : memref<56x64xf32, #tpu.memory_space<vmem>>, vector<16xf32>,
        %get3A_417 = arith.index_cast %scan3A_397 : i32 to index
        %get3A_418 = arith.constant 32 : index
        %get3A_419 = tpu.vector_load %arg15[%get3A_417, %get3A_418] {strides = array<i32>} : memref<56x64xf32, #tpu.memory_space<vmem>>, vector<16xf32>,
        %exp3A_420 = math.exp %get3A_419 : vector<16xf32>
        %swap3A_421 = arith.index_cast %scan3A_397 : i32 to index
        %swap3A_422 = arith.constant 32 : index
        %swap3A_423 = tpu.vector_load %arg19[%swap3A_421, %swap3A_422] {strides = array<i32>} : memref<56x64xf32, #tpu.memory_space<vmem>>, vector<16xf32>,
        tpu.vector_store %arg19[%swap3A_421, %swap3A_422], %exp3A_420 {strides = array<i32>} : memref<56x64xf32, #tpu.memory_space<vmem>>, vector<16xf32>,
        %mul3A_424 = arith.mulf %get3A_419, %exp3A_420 : vector<16xf32>
        %swap3A_425 = arith.index_cast %scan3A_397 : i32 to index
        %swap3A_426 = arith.constant 32 : index
        %swap3A_427 = tpu.vector_load %arg15[%swap3A_425, %swap3A_426] {strides = array<i32>} : memref<56x64xf32, #tpu.memory_space<vmem>>, vector<16xf32>,
        tpu.vector_store %arg15[%swap3A_425, %swap3A_426], %mul3A_424 {strides = array<i32>} : memref<56x64xf32, #tpu.memory_space<vmem>>, vector<16xf32>,
        %get3A_428 = arith.index_cast %scan3A_397 : i32 to index
        %get3A_429 = arith.constant 48 : index
        %get3A_430 = tpu.vector_load %arg15[%get3A_428, %get3A_429] {strides = array<i32>} : memref<56x64xf32, #tpu.memory_space<vmem>>, vector<16xf32>,
        %exp3A_431 = math.exp %get3A_430 : vector<16xf32>
        %swap3A_432 = arith.index_cast %scan3A_397 : i32 to index
        %swap3A_433 = arith.constant 48 : index
        %swap3A_434 = tpu.vector_load %arg19[%swap3A_432, %swap3A_433] {strides = array<i32>} : memref<56x64xf32, #tpu.memory_space<vmem>>, vector<16xf32>,
        tpu.vector_store %arg19[%swap3A_432, %swap3A_433], %exp3A_431 {strides = array<i32>} : memref<56x64xf32, #tpu.memory_space<vmem>>, vector<16xf32>,
        %mul3A_435 = arith.mulf %get3A_430, %exp3A_431 : vector<16xf32>
        %swap3A_436 = arith.index_cast %scan3A_397 : i32 to index
        %swap3A_437 = arith.constant 48 : index
        %swap3A_438 = tpu.vector_load %arg15[%swap3A_436, %swap3A_437] {strides = array<i32>} : memref<56x64xf32, #tpu.memory_space<vmem>>, vector<16xf32>,
        tpu.vector_store %arg15[%swap3A_436, %swap3A_437], %mul3A_435 {strides = array<i32>} : memref<56x64xf32, #tpu.memory_space<vmem>>, vector<16xf32>,
      }
      %scan3A_167 = arith.constant 56 : i32
      %dma_wait3A_168 = arith.constant 2 : i32
      %dma_wait3A_169 = arith.constant 0 : i32
      %dma_wait3A_170 = tpu.memref_slice %arg11[%dma_wait3A_168, %dma_wait3A_169] : memref<3x56xi32, #tpu.memory_space<vmem>> -> memref<1x56xi32, #tpu.memory_space<vmem>>
      %dma_wait3A_171 = tpu.memref_squeeze %dma_wait3A_170 : memref<1x56xi32, #tpu.memory_space<vmem>> -> memref<56xi32, #tpu.memory_space<vmem>>
      %dma_wait3A_172 = arith.constant 0 : i32
      %dma_wait3A_173 = arith.constant 0 : i32
      %dma_wait3A_174 = tpu.memref_slice %arg3[%arg0, %dma_wait3A_172, %dma_wait3A_173] : memref<2x3976x64xf32, #tpu.memory_space<hbm>> -> memref<1x3976x64xf32, #tpu.memory_space<hbm>>
      %dma_wait3A_175 = tpu.memref_squeeze %dma_wait3A_174 : memref<1x3976x64xf32, #tpu.memory_space<hbm>> -> memref<3976x64xf32, #tpu.memory_space<hbm>>
      %dma_wait3A_176 = arith.constant 0 : i32
      %dma_wait3A_177 = arith.constant 0 : i32
      %dma_wait3A_178 = tpu.memref_slice %dma_wait3A_175[%dma_wait3A_176, %dma_wait3A_177] : memref<3976x64xf32, #tpu.memory_space<hbm>> -> memref<3976x64xf32, #tpu.memory_space<hbm>>
      tpu.wait_indirect_dma semaphore(%arg32 : memref<!tpu.dma_semaphore, #tpu.memory_space<semaphore_mem>>) src(%dma_wait3A_178 : memref<3976x64xf32, #tpu.memory_space<hbm>>) dst(%arg23 : memref<56x64xf32, #tpu.memory_space<vmem>>)
      %dma_start3A_179 = arith.constant 0 : i32
      %dma_start3A_180 = arith.constant 0 : i32
      %dma_start3A_181 = tpu.memref_slice %arg11[%dma_start3A_179, %dma_start3A_180] : memref<3x56xi32, #tpu.memory_space<vmem>> -> memref<1x56xi32, #tpu.memory_space<vmem>>
      %dma_start3A_182 = tpu.memref_squeeze %dma_start3A_181 : memref<1x56xi32, #tpu.memory_space<vmem>> -> memref<56xi32, #tpu.memory_space<vmem>>
      %dma_start3A_183 = arith.constant 0 : i32
      %dma_start3A_184 = arith.constant 0 : i32
      %dma_start3A_185 = tpu.memref_slice %arg8[%dma_start3A_183, %dma_start3A_184] : memref<4096x64xf32, #tpu.memory_space<vmem_shared>> -> memref<4096x64xf32, #tpu.memory_space<vmem_shared>>
      tpu.enqueue_indirect_dma source(%arg19 : memref<56x64xf32, #tpu.memory_space<vmem>>) target(%dma_start3A_185 : memref<4096x64xf32, #tpu.memory_space<vmem_shared>>) offsets(%dma_start3A_182 : memref<56xi32, #tpu.memory_space<vmem>>) semaphore(%arg36 : memref<!tpu.dma_semaphore, #tpu.memory_space<semaphore_mem>>) {add = true}
      %dma_start3A_186 = arith.constant 0 : i32
      %dma_start3A_187 = arith.constant 0 : i32
      %dma_start3A_188 = tpu.memref_slice %arg11[%dma_start3A_186, %dma_start3A_187] : memref<3x56xi32, #tpu.memory_space<vmem>> -> memref<1x56xi32, #tpu.memory_space<vmem>>
      %dma_start3A_189 = tpu.memref_squeeze %dma_start3A_188 : memref<1x56xi32, #tpu.memory_space<vmem>> -> memref<56xi32, #tpu.memory_space<vmem>>
      %dma_start3A_190 = arith.constant 0 : i32
      %dma_start3A_191 = arith.constant 0 : i32
      %dma_start3A_192 = tpu.memref_slice %arg9[%dma_start3A_190, %dma_start3A_191] : memref<4096x64xf32, #tpu.memory_space<vmem_shared>> -> memref<4096x64xf32, #tpu.memory_space<vmem_shared>>
      tpu.enqueue_indirect_dma source(%arg15 : memref<56x64xf32, #tpu.memory_space<vmem>>) target(%dma_start3A_192 : memref<4096x64xf32, #tpu.memory_space<vmem_shared>>) offsets(%dma_start3A_189 : memref<56xi32, #tpu.memory_space<vmem>>) semaphore(%arg36 : memref<!tpu.dma_semaphore, #tpu.memory_space<semaphore_mem>>) {add = true}
      %dma_start3A_193 = arith.constant 0 : i32
      %dma_start3A_194 = arith.constant 0 : i32
      %dma_start3A_195 = tpu.memref_slice %arg11[%dma_start3A_193, %dma_start3A_194] : memref<3x56xi32, #tpu.memory_space<vmem>> -> memref<1x56xi32, #tpu.memory_space<vmem>>
      %dma_start3A_196 = tpu.memref_squeeze %dma_start3A_195 : memref<1x56xi32, #tpu.memory_space<vmem>> -> memref<56xi32, #tpu.memory_space<vmem>>
      %dma_start3A_197 = arith.constant 0 : i32
      %dma_start3A_198 = arith.constant 0 : i32
      %dma_start3A_199 = tpu.memref_slice %arg10[%dma_start3A_197, %dma_start3A_198] : memref<4096x64xf32, #tpu.memory_space<vmem_shared>> -> memref<4096x64xf32, #tpu.memory_space<vmem_shared>>
      tpu.enqueue_indirect_dma source(%arg23 : memref<56x64xf32, #tpu.memory_space<vmem>>) target(%dma_start3A_199 : memref<4096x64xf32, #tpu.memory_space<vmem_shared>>) offsets(%dma_start3A_196 : memref<56xi32, #tpu.memory_space<vmem>>) semaphore(%arg36 : memref<!tpu.dma_semaphore, #tpu.memory_space<semaphore_mem>>) {add = true}
      %ge3A = arith.constant 2 : i32
      %ge3A_200 = arith.cmpi sge, %add3A_150, %ge3A : i32
      %convert_element_type3A = arith.extui %ge3A_200 : i1 to i32
      %cond3A = arith.constant 0 : i32
      %cond3A_201 = arith.cmpi ne, %convert_element_type3A, %cond3A : i32
      scf.if %cond3A_201 {
        %dma_wait3A_397 = arith.constant 0 : i32
        %dma_wait3A_398 = arith.constant 0 : i32
        %dma_wait3A_399 = tpu.memref_slice %arg13[%dma_wait3A_397, %dma_wait3A_398] : memref<3x56xi32, #tpu.memory_space<vmem>> -> memref<1x56xi32, #tpu.memory_space<vmem>>
        %dma_wait3A_400 = tpu.memref_squeeze %dma_wait3A_399 : memref<1x56xi32, #tpu.memory_space<vmem>> -> memref<56xi32, #tpu.memory_space<vmem>>
        %dma_wait3A_401 = arith.constant 0 : i32
        %dma_wait3A_402 = arith.constant 0 : i32
        %dma_wait3A_403 = tpu.memref_slice %arg8[%dma_wait3A_401, %dma_wait3A_402] : memref<4096x64xf32, #tpu.memory_space<vmem_shared>> -> memref<4096x64xf32, #tpu.memory_space<vmem_shared>>
        tpu.wait_indirect_dma semaphore(%arg38 : memref<!tpu.dma_semaphore, #tpu.memory_space<semaphore_mem>>) src(%arg21 : memref<56x64xf32, #tpu.memory_space<vmem>>) dst(%dma_wait3A_403 : memref<4096x64xf32, #tpu.memory_space<vmem_shared>>)
        %dma_wait3A_404 = arith.constant 0 : i32
        %dma_wait3A_405 = arith.constant 0 : i32
        %dma_wait3A_406 = tpu.memref_slice %arg13[%dma_wait3A_404, %dma_wait3A_405] : memref<3x56xi32, #tpu.memory_space<vmem>> -> memref<1x56xi32, #tpu.memory_space<vmem>>
        %dma_wait3A_407 = tpu.memref_squeeze %dma_wait3A_406 : memref<1x56xi32, #tpu.memory_space<vmem>> -> memref<56xi32, #tpu.memory_space<vmem>>
        %dma_wait3A_408 = arith.constant 0 : i32
        %dma_wait3A_409 = arith.constant 0 : i32
        %dma_wait3A_410 = tpu.memref_slice %arg9[%dma_wait3A_408, %dma_wait3A_409] : memref<4096x64xf32, #tpu.memory_space<vmem_shared>> -> memref<4096x64xf32, #tpu.memory_space<vmem_shared>>
        tpu.wait_indirect_dma semaphore(%arg38 : memref<!tpu.dma_semaphore, #tpu.memory_space<semaphore_mem>>) src(%arg17 : memref<56x64xf32, #tpu.memory_space<vmem>>) dst(%dma_wait3A_410 : memref<4096x64xf32, #tpu.memory_space<vmem_shared>>)
        %dma_wait3A_411 = arith.constant 0 : i32
        %dma_wait3A_412 = arith.constant 0 : i32
        %dma_wait3A_413 = tpu.memref_slice %arg13[%dma_wait3A_411, %dma_wait3A_412] : memref<3x56xi32, #tpu.memory_space<vmem>> -> memref<1x56xi32, #tpu.memory_space<vmem>>
        %dma_wait3A_414 = tpu.memref_squeeze %dma_wait3A_413 : memref<1x56xi32, #tpu.memory_space<vmem>> -> memref<56xi32, #tpu.memory_space<vmem>>
        %dma_wait3A_415 = arith.constant 0 : i32
        %dma_wait3A_416 = arith.constant 0 : i32
        %dma_wait3A_417 = tpu.memref_slice %arg10[%dma_wait3A_415, %dma_wait3A_416] : memref<4096x64xf32, #tpu.memory_space<vmem_shared>> -> memref<4096x64xf32, #tpu.memory_space<vmem_shared>>
        tpu.wait_indirect_dma semaphore(%arg38 : memref<!tpu.dma_semaphore, #tpu.memory_space<semaphore_mem>>) src(%arg25 : memref<56x64xf32, #tpu.memory_space<vmem>>) dst(%dma_wait3A_417 : memref<4096x64xf32, #tpu.memory_space<vmem_shared>>)
      } else {
      }
      %add3A_202 = arith.constant 2 : i32
      %add3A_203 = arith.addi %add3A_150, %add3A_202 : i32
      %lt3A = arith.constant 284 : i32
      %lt3A_204 = arith.cmpi slt, %add3A_203, %lt3A : i32
      %convert_element_type3A_205 = arith.extui %lt3A_204 : i1 to i32
      %cond3A_206 = arith.constant 0 : i32
      %cond3A_207 = arith.cmpi ne, %convert_element_type3A_205, %cond3A_206 : i32
      scf.if %cond3A_207 {
        %add3A_397 = arith.constant 2 : i32
        %add3A_398 = arith.addi %add3A_150, %add3A_397 : i32
        "tpu.region"() ({
          %run_scoped3A_421 = tpu.sem_alloc : memref<!tpu.dma_semaphore, #tpu.memory_space<semaphore_mem>>
          %dma_start3A_422 = arith.constant 0 : i32
          %dma_start3A_423 = arith.constant 0 : i32
          %dma_start3A_424 = tpu.memref_slice %arg4[%arg1, %add3A_398, %dma_start3A_422, %dma_start3A_423] : memref<16x284x3x56xi32, #tpu.memory_space<hbm>> -> memref<1x1x3x56xi32, #tpu.memory_space<hbm>>
          %dma_start3A_425 = tpu.memref_squeeze %dma_start3A_424 : memref<1x1x3x56xi32, #tpu.memory_space<hbm>> -> memref<3x56xi32, #tpu.memory_space<hbm>>
          %dma_start3A_426 = arith.constant 0 : i32
          %dma_start3A_427 = arith.constant 0 : i32
          %dma_start3A_428 = tpu.memref_slice %arg4[%arg1, %add3A_398, %dma_start3A_426, %dma_start3A_427] : memref<16x284x3x56xi32, #tpu.memory_space<hbm>> -> memref<1x1x3x56xi32, #tpu.memory_space<hbm>>
          %dma_start3A_429 = tpu.memref_squeeze %dma_start3A_428 : memref<1x1x3x56xi32, #tpu.memory_space<hbm>> -> memref<3x56xi32, #tpu.memory_space<hbm>>
          tpu.enqueue_dma source(%dma_start3A_429 : memref<3x56xi32, #tpu.memory_space<hbm>>) target(%arg13 : memref<3x56xi32, #tpu.memory_space<vmem>>) target_semaphore(%run_scoped3A_421 : memref<!tpu.dma_semaphore, #tpu.memory_space<semaphore_mem>>)
          %dma_wait3A_430 = arith.constant 0 : i32
          %dma_wait3A_431 = arith.constant 0 : i32
          %dma_wait3A_432 = tpu.memref_slice %arg4[%arg1, %add3A_398, %dma_wait3A_430, %dma_wait3A_431] : memref<16x284x3x56xi32, #tpu.memory_space<hbm>> -> memref<1x1x3x56xi32, #tpu.memory_space<hbm>>
          %dma_wait3A_433 = tpu.memref_squeeze %dma_wait3A_432 : memref<1x1x3x56xi32, #tpu.memory_space<hbm>> -> memref<3x56xi32, #tpu.memory_space<hbm>>
          %dma_wait3A_434 = arith.constant 0 : i32
          %dma_wait3A_435 = arith.constant 0 : i32
          %dma_wait3A_436 = tpu.memref_slice %arg4[%arg1, %add3A_398, %dma_wait3A_434, %dma_wait3A_435] : memref<16x284x3x56xi32, #tpu.memory_space<hbm>> -> memref<1x1x3x56xi32, #tpu.memory_space<hbm>>
          %dma_wait3A_437 = tpu.memref_squeeze %dma_wait3A_436 : memref<1x1x3x56xi32, #tpu.memory_space<hbm>> -> memref<3x56xi32, #tpu.memory_space<hbm>>
          tpu.wait_dma2 semaphore(%run_scoped3A_421 : memref<!tpu.dma_semaphore, #tpu.memory_space<semaphore_mem>>) src(%dma_wait3A_437 : memref<3x56xi32, #tpu.memory_space<hbm>>) dst(%arg13 : memref<3x56xi32, #tpu.memory_space<vmem>>)
          tpu.yield
        }) : () -> ()
        %dma_start3A_399 = arith.constant 1 : i32
        %dma_start3A_400 = arith.constant 0 : i32
        %dma_start3A_401 = tpu.memref_slice %arg13[%dma_start3A_399, %dma_start3A_400] : memref<3x56xi32, #tpu.memory_space<vmem>> -> memref<1x56xi32, #tpu.memory_space<vmem>>
        %dma_start3A_402 = tpu.memref_squeeze %dma_start3A_401 : memref<1x56xi32, #tpu.memory_space<vmem>> -> memref<56xi32, #tpu.memory_space<vmem>>
        %dma_start3A_403 = arith.constant 0 : i32
        %dma_start3A_404 = arith.constant 0 : i32
        %dma_start3A_405 = tpu.memref_slice %arg2[%arg0, %dma_start3A_403, %dma_start3A_404] : memref<2x15904x64xf32, #tpu.memory_space<hbm>> -> memref<1x15904x64xf32, #tpu.memory_space<hbm>>
        %dma_start3A_406 = tpu.memref_squeeze %dma_start3A_405 : memref<1x15904x64xf32, #tpu.memory_space<hbm>> -> memref<15904x64xf32, #tpu.memory_space<hbm>>
        %dma_start3A_407 = arith.constant 0 : i32
        %dma_start3A_408 = arith.constant 0 : i32
        %dma_start3A_409 = tpu.memref_slice %dma_start3A_406[%dma_start3A_407, %dma_start3A_408] : memref<15904x64xf32, #tpu.memory_space<hbm>> -> memref<15904x64xf32, #tpu.memory_space<hbm>>
        tpu.enqueue_indirect_dma source(%dma_start3A_409 : memref<15904x64xf32, #tpu.memory_space<hbm>>) target(%arg17 : memref<56x64xf32, #tpu.memory_space<vmem>>) offsets(%dma_start3A_402 : memref<56xi32, #tpu.memory_space<vmem>>) semaphore(%arg30 : memref<!tpu.dma_semaphore, #tpu.memory_space<semaphore_mem>>)
        %dma_start3A_410 = arith.constant 2 : i32
        %dma_start3A_411 = arith.constant 0 : i32
        %dma_start3A_412 = tpu.memref_slice %arg13[%dma_start3A_410, %dma_start3A_411] : memref<3x56xi32, #tpu.memory_space<vmem>> -> memref<1x56xi32, #tpu.memory_space<vmem>>
        %dma_start3A_413 = tpu.memref_squeeze %dma_start3A_412 : memref<1x56xi32, #tpu.memory_space<vmem>> -> memref<56xi32, #tpu.memory_space<vmem>>
        %dma_start3A_414 = arith.constant 0 : i32
        %dma_start3A_415 = arith.constant 0 : i32
        %dma_start3A_416 = tpu.memref_slice %arg3[%arg0, %dma_start3A_414, %dma_start3A_415] : memref<2x3976x64xf32, #tpu.memory_space<hbm>> -> memref<1x3976x64xf32, #tpu.memory_space<hbm>>
        %dma_start3A_417 = tpu.memref_squeeze %dma_start3A_416 : memref<1x3976x64xf32, #tpu.memory_space<hbm>> -> memref<3976x64xf32, #tpu.memory_space<hbm>>
        %dma_start3A_418 = arith.constant 0 : i32
        %dma_start3A_419 = arith.constant 0 : i32
        %dma_start3A_420 = tpu.memref_slice %dma_start3A_417[%dma_start3A_418, %dma_start3A_419] : memref<3976x64xf32, #tpu.memory_space<hbm>> -> memref<3976x64xf32, #tpu.memory_space<hbm>>
        tpu.enqueue_indirect_dma source(%dma_start3A_420 : memref<3976x64xf32, #tpu.memory_space<hbm>>) target(%arg25 : memref<56x64xf32, #tpu.memory_space<vmem>>) offsets(%dma_start3A_413 : memref<56xi32, #tpu.memory_space<vmem>>) semaphore(%arg34 : memref<!tpu.dma_semaphore, #tpu.memory_space<semaphore_mem>>)
      } else {
      }
      %add3A_208 = arith.constant 1 : i32
      %add3A_209 = arith.addi %mul3A_148, %add3A_208 : i32
      %dma_wait3A_210 = arith.constant 1 : i32
      %dma_wait3A_211 = arith.constant 0 : i32
      %dma_wait3A_212 = tpu.memref_slice %arg12[%dma_wait3A_210, %dma_wait3A_211] : memref<3x56xi32, #tpu.memory_space<vmem>> -> memref<1x56xi32, #tpu.memory_space<vmem>>
      %dma_wait3A_213 = tpu.memref_squeeze %dma_wait3A_212 : memref<1x56xi32, #tpu.memory_space<vmem>> -> memref<56xi32, #tpu.memory_space<vmem>>
      %dma_wait3A_214 = arith.constant 0 : i32
      %dma_wait3A_215 = arith.constant 0 : i32
      %dma_wait3A_216 = tpu.memref_slice %arg2[%arg0, %dma_wait3A_214, %dma_wait3A_215] : memref<2x15904x64xf32, #tpu.memory_space<hbm>> -> memref<1x15904x64xf32, #tpu.memory_space<hbm>>
      %dma_wait3A_217 = tpu.memref_squeeze %dma_wait3A_216 : memref<1x15904x64xf32, #tpu.memory_space<hbm>> -> memref<15904x64xf32, #tpu.memory_space<hbm>>
      %dma_wait3A_218 = arith.constant 0 : i32
      %dma_wait3A_219 = arith.constant 0 : i32
      %dma_wait3A_220 = tpu.memref_slice %dma_wait3A_217[%dma_wait3A_218, %dma_wait3A_219] : memref<15904x64xf32, #tpu.memory_space<hbm>> -> memref<15904x64xf32, #tpu.memory_space<hbm>>
      tpu.wait_indirect_dma semaphore(%arg29 : memref<!tpu.dma_semaphore, #tpu.memory_space<semaphore_mem>>) src(%dma_wait3A_220 : memref<15904x64xf32, #tpu.memory_space<hbm>>) dst(%arg16 : memref<56x64xf32, #tpu.memory_space<vmem>>)
      %scan3A_221 = arith.constant 0 : i32
      %scan3A_222 = arith.constant 0 : i32
      %scan3A_223 = arith.constant 56 : i32
      %scan3A_224 = arith.addi %scan3A_222, %scan3A_223 : i32
      %scan3A_225 = arith.constant 1 : i32
      scf.for %scan3A_397 = %scan3A_222 to %scan3A_224 step %scan3A_225  : i32 {
        %get3A = arith.index_cast %scan3A_397 : i32 to index
        %get3A_398 = arith.constant 0 : index
        %get3A_399 = tpu.vector_load %arg16[%get3A, %get3A_398] {strides = array<i32>} : memref<56x64xf32, #tpu.memory_space<vmem>>, vector<16xf32>,
        %exp3A = math.exp %get3A_399 : vector<16xf32>
        %swap3A = arith.index_cast %scan3A_397 : i32 to index
        %swap3A_400 = arith.constant 0 : index
        %swap3A_401 = tpu.vector_load %arg20[%swap3A, %swap3A_400] {strides = array<i32>} : memref<56x64xf32, #tpu.memory_space<vmem>>, vector<16xf32>,
        tpu.vector_store %arg20[%swap3A, %swap3A_400], %exp3A {strides = array<i32>} : memref<56x64xf32, #tpu.memory_space<vmem>>, vector<16xf32>,
        %mul3A_402 = arith.mulf %get3A_399, %exp3A : vector<16xf32>
        %swap3A_403 = arith.index_cast %scan3A_397 : i32 to index
        %swap3A_404 = arith.constant 0 : index
        %swap3A_405 = tpu.vector_load %arg16[%swap3A_403, %swap3A_404] {strides = array<i32>} : memref<56x64xf32, #tpu.memory_space<vmem>>, vector<16xf32>,
        tpu.vector_store %arg16[%swap3A_403, %swap3A_404], %mul3A_402 {strides = array<i32>} : memref<56x64xf32, #tpu.memory_space<vmem>>, vector<16xf32>,
        %get3A_406 = arith.index_cast %scan3A_397 : i32 to index
        %get3A_407 = arith.constant 16 : index
        %get3A_408 = tpu.vector_load %arg16[%get3A_406, %get3A_407] {strides = array<i32>} : memref<56x64xf32, #tpu.memory_space<vmem>>, vector<16xf32>,
        %exp3A_409 = math.exp %get3A_408 : vector<16xf32>
        %swap3A_410 = arith.index_cast %scan3A_397 : i32 to index
        %swap3A_411 = arith.constant 16 : index
        %swap3A_412 = tpu.vector_load %arg20[%swap3A_410, %swap3A_411] {strides = array<i32>} : memref<56x64xf32, #tpu.memory_space<vmem>>, vector<16xf32>,
        tpu.vector_store %arg20[%swap3A_410, %swap3A_411], %exp3A_409 {strides = array<i32>} : memref<56x64xf32, #tpu.memory_space<vmem>>, vector<16xf32>,
        %mul3A_413 = arith.mulf %get3A_408, %exp3A_409 : vector<16xf32>
        %swap3A_414 = arith.index_cast %scan3A_397 : i32 to index
        %swap3A_415 = arith.constant 16 : index
        %swap3A_416 = tpu.vector_load %arg16[%swap3A_414, %swap3A_415] {strides = array<i32>} : memref<56x64xf32, #tpu.memory_space<vmem>>, vector<16xf32>,
        tpu.vector_store %arg16[%swap3A_414, %swap3A_415], %mul3A_413 {strides = array<i32>} : memref<56x64xf32, #tpu.memory_space<vmem>>, vector<16xf32>,
        %get3A_417 = arith.index_cast %scan3A_397 : i32 to index
        %get3A_418 = arith.constant 32 : index
        %get3A_419 = tpu.vector_load %arg16[%get3A_417, %get3A_418] {strides = array<i32>} : memref<56x64xf32, #tpu.memory_space<vmem>>, vector<16xf32>,
        %exp3A_420 = math.exp %get3A_419 : vector<16xf32>
        %swap3A_421 = arith.index_cast %scan3A_397 : i32 to index
        %swap3A_422 = arith.constant 32 : index
        %swap3A_423 = tpu.vector_load %arg20[%swap3A_421, %swap3A_422] {strides = array<i32>} : memref<56x64xf32, #tpu.memory_space<vmem>>, vector<16xf32>,
        tpu.vector_store %arg20[%swap3A_421, %swap3A_422], %exp3A_420 {strides = array<i32>} : memref<56x64xf32, #tpu.memory_space<vmem>>, vector<16xf32>,
        %mul3A_424 = arith.mulf %get3A_419, %exp3A_420 : vector<16xf32>
        %swap3A_425 = arith.index_cast %scan3A_397 : i32 to index
        %swap3A_426 = arith.constant 32 : index
        %swap3A_427 = tpu.vector_load %arg16[%swap3A_425, %swap3A_426] {strides = array<i32>} : memref<56x64xf32, #tpu.memory_space<vmem>>, vector<16xf32>,
        tpu.vector_store %arg16[%swap3A_425, %swap3A_426], %mul3A_424 {strides = array<i32>} : memref<56x64xf32, #tpu.memory_space<vmem>>, vector<16xf32>,
        %get3A_428 = arith.index_cast %scan3A_397 : i32 to index
        %get3A_429 = arith.constant 48 : index
        %get3A_430 = tpu.vector_load %arg16[%get3A_428, %get3A_429] {strides = array<i32>} : memref<56x64xf32, #tpu.memory_space<vmem>>, vector<16xf32>,
        %exp3A_431 = math.exp %get3A_430 : vector<16xf32>
        %swap3A_432 = arith.index_cast %scan3A_397 : i32 to index
        %swap3A_433 = arith.constant 48 : index
        %swap3A_434 = tpu.vector_load %arg20[%swap3A_432, %swap3A_433] {strides = array<i32>} : memref<56x64xf32, #tpu.memory_space<vmem>>, vector<16xf32>,
        tpu.vector_store %arg20[%swap3A_432, %swap3A_433], %exp3A_431 {strides = array<i32>} : memref<56x64xf32, #tpu.memory_space<vmem>>, vector<16xf32>,
        %mul3A_435 = arith.mulf %get3A_430, %exp3A_431 : vector<16xf32>
        %swap3A_436 = arith.index_cast %scan3A_397 : i32 to index
        %swap3A_437 = arith.constant 48 : index
        %swap3A_438 = tpu.vector_load %arg16[%swap3A_436, %swap3A_437] {strides = array<i32>} : memref<56x64xf32, #tpu.memory_space<vmem>>, vector<16xf32>,
        tpu.vector_store %arg16[%swap3A_436, %swap3A_437], %mul3A_435 {strides = array<i32>} : memref<56x64xf32, #tpu.memory_space<vmem>>, vector<16xf32>,
      }
      %scan3A_226 = arith.constant 56 : i32
      %dma_wait3A_227 = arith.constant 2 : i32
      %dma_wait3A_228 = arith.constant 0 : i32
      %dma_wait3A_229 = tpu.memref_slice %arg12[%dma_wait3A_227, %dma_wait3A_228] : memref<3x56xi32, #tpu.memory_space<vmem>> -> memref<1x56xi32, #tpu.memory_space<vmem>>
      %dma_wait3A_230 = tpu.memref_squeeze %dma_wait3A_229 : memref<1x56xi32, #tpu.memory_space<vmem>> -> memref<56xi32, #tpu.memory_space<vmem>>
      %dma_wait3A_231 = arith.constant 0 : i32
      %dma_wait3A_232 = arith.constant 0 : i32
      %dma_wait3A_233 = tpu.memref_slice %arg3[%arg0, %dma_wait3A_231, %dma_wait3A_232] : memref<2x3976x64xf32, #tpu.memory_space<hbm>> -> memref<1x3976x64xf32, #tpu.memory_space<hbm>>
      %dma_wait3A_234 = tpu.memref_squeeze %dma_wait3A_233 : memref<1x3976x64xf32, #tpu.memory_space<hbm>> -> memref<3976x64xf32, #tpu.memory_space<hbm>>
      %dma_wait3A_235 = arith.constant 0 : i32
      %dma_wait3A_236 = arith.constant 0 : i32
      %dma_wait3A_237 = tpu.memref_slice %dma_wait3A_234[%dma_wait3A_235, %dma_wait3A_236] : memref<3976x64xf32, #tpu.memory_space<hbm>> -> memref<3976x64xf32, #tpu.memory_space<hbm>>
      tpu.wait_indirect_dma semaphore(%arg33 : memref<!tpu.dma_semaphore, #tpu.memory_space<semaphore_mem>>) src(%dma_wait3A_237 : memref<3976x64xf32, #tpu.memory_space<hbm>>) dst(%arg24 : memref<56x64xf32, #tpu.memory_space<vmem>>)
      %dma_start3A_238 = arith.constant 0 : i32
      %dma_start3A_239 = arith.constant 0 : i32
      %dma_start3A_240 = tpu.memref_slice %arg12[%dma_start3A_238, %dma_start3A_239] : memref<3x56xi32, #tpu.memory_space<vmem>> -> memref<1x56xi32, #tpu.memory_space<vmem>>
      %dma_start3A_241 = tpu.memref_squeeze %dma_start3A_240 : memref<1x56xi32, #tpu.memory_space<vmem>> -> memref<56xi32, #tpu.memory_space<vmem>>
      %dma_start3A_242 = arith.constant 0 : i32
      %dma_start3A_243 = arith.constant 0 : i32
      %dma_start3A_244 = tpu.memref_slice %arg8[%dma_start3A_242, %dma_start3A_243] : memref<4096x64xf32, #tpu.memory_space<vmem_shared>> -> memref<4096x64xf32, #tpu.memory_space<vmem_shared>>
      tpu.enqueue_indirect_dma source(%arg20 : memref<56x64xf32, #tpu.memory_space<vmem>>) target(%dma_start3A_244 : memref<4096x64xf32, #tpu.memory_space<vmem_shared>>) offsets(%dma_start3A_241 : memref<56xi32, #tpu.memory_space<vmem>>) semaphore(%arg37 : memref<!tpu.dma_semaphore, #tpu.memory_space<semaphore_mem>>) {add = true}
      %dma_start3A_245 = arith.constant 0 : i32
      %dma_start3A_246 = arith.constant 0 : i32
      %dma_start3A_247 = tpu.memref_slice %arg12[%dma_start3A_245, %dma_start3A_246] : memref<3x56xi32, #tpu.memory_space<vmem>> -> memref<1x56xi32, #tpu.memory_space<vmem>>
      %dma_start3A_248 = tpu.memref_squeeze %dma_start3A_247 : memref<1x56xi32, #tpu.memory_space<vmem>> -> memref<56xi32, #tpu.memory_space<vmem>>
      %dma_start3A_249 = arith.constant 0 : i32
      %dma_start3A_250 = arith.constant 0 : i32
      %dma_start3A_251 = tpu.memref_slice %arg9[%dma_start3A_249, %dma_start3A_250] : memref<4096x64xf32, #tpu.memory_space<vmem_shared>> -> memref<4096x64xf32, #tpu.memory_space<vmem_shared>>
      tpu.enqueue_indirect_dma source(%arg16 : memref<56x64xf32, #tpu.memory_space<vmem>>) target(%dma_start3A_251 : memref<4096x64xf32, #tpu.memory_space<vmem_shared>>) offsets(%dma_start3A_248 : memref<56xi32, #tpu.memory_space<vmem>>) semaphore(%arg37 : memref<!tpu.dma_semaphore, #tpu.memory_space<semaphore_mem>>) {add = true}
      %dma_start3A_252 = arith.constant 0 : i32
      %dma_start3A_253 = arith.constant 0 : i32
      %dma_start3A_254 = tpu.memref_slice %arg12[%dma_start3A_252, %dma_start3A_253] : memref<3x56xi32, #tpu.memory_space<vmem>> -> memref<1x56xi32, #tpu.memory_space<vmem>>
      %dma_start3A_255 = tpu.memref_squeeze %dma_start3A_254 : memref<1x56xi32, #tpu.memory_space<vmem>> -> memref<56xi32, #tpu.memory_space<vmem>>
      %dma_start3A_256 = arith.constant 0 : i32
      %dma_start3A_257 = arith.constant 0 : i32
      %dma_start3A_258 = tpu.memref_slice %arg10[%dma_start3A_256, %dma_start3A_257] : memref<4096x64xf32, #tpu.memory_space<vmem_shared>> -> memref<4096x64xf32, #tpu.memory_space<vmem_shared>>
      tpu.enqueue_indirect_dma source(%arg24 : memref<56x64xf32, #tpu.memory_space<vmem>>) target(%dma_start3A_258 : memref<4096x64xf32, #tpu.memory_space<vmem_shared>>) offsets(%dma_start3A_255 : memref<56xi32, #tpu.memory_space<vmem>>) semaphore(%arg37 : memref<!tpu.dma_semaphore, #tpu.memory_space<semaphore_mem>>) {add = true}
      %ge3A_259 = arith.constant 2 : i32
      %ge3A_260 = arith.cmpi sge, %add3A_209, %ge3A_259 : i32
      %convert_element_type3A_261 = arith.extui %ge3A_260 : i1 to i32
      %cond3A_262 = arith.constant 0 : i32
      %cond3A_263 = arith.cmpi ne, %convert_element_type3A_261, %cond3A_262 : i32
      scf.if %cond3A_263 {
        %dma_wait3A_397 = arith.constant 0 : i32
        %dma_wait3A_398 = arith.constant 0 : i32
        %dma_wait3A_399 = tpu.memref_slice %arg14[%dma_wait3A_397, %dma_wait3A_398] : memref<3x56xi32, #tpu.memory_space<vmem>> -> memref<1x56xi32, #tpu.memory_space<vmem>>
        %dma_wait3A_400 = tpu.memref_squeeze %dma_wait3A_399 : memref<1x56xi32, #tpu.memory_space<vmem>> -> memref<56xi32, #tpu.memory_space<vmem>>
        %dma_wait3A_401 = arith.constant 0 : i32
        %dma_wait3A_402 = arith.constant 0 : i32
        %dma_wait3A_403 = tpu.memref_slice %arg8[%dma_wait3A_401, %dma_wait3A_402] : memref<4096x64xf32, #tpu.memory_space<vmem_shared>> -> memref<4096x64xf32, #tpu.memory_space<vmem_shared>>
        tpu.wait_indirect_dma semaphore(%arg39 : memref<!tpu.dma_semaphore, #tpu.memory_space<semaphore_mem>>) src(%arg22 : memref<56x64xf32, #tpu.memory_space<vmem>>) dst(%dma_wait3A_403 : memref<4096x64xf32, #tpu.memory_space<vmem_shared>>)
        %dma_wait3A_404 = arith.constant 0 : i32
        %dma_wait3A_405 = arith.constant 0 : i32
        %dma_wait3A_406 = tpu.memref_slice %arg14[%dma_wait3A_404, %dma_wait3A_405] : memref<3x56xi32, #tpu.memory_space<vmem>> -> memref<1x56xi32, #tpu.memory_space<vmem>>
        %dma_wait3A_407 = tpu.memref_squeeze %dma_wait3A_406 : memref<1x56xi32, #tpu.memory_space<vmem>> -> memref<56xi32, #tpu.memory_space<vmem>>
        %dma_wait3A_408 = arith.constant 0 : i32
        %dma_wait3A_409 = arith.constant 0 : i32
        %dma_wait3A_410 = tpu.memref_slice %arg9[%dma_wait3A_408, %dma_wait3A_409] : memref<4096x64xf32, #tpu.memory_space<vmem_shared>> -> memref<4096x64xf32, #tpu.memory_space<vmem_shared>>
        tpu.wait_indirect_dma semaphore(%arg39 : memref<!tpu.dma_semaphore, #tpu.memory_space<semaphore_mem>>) src(%arg18 : memref<56x64xf32, #tpu.memory_space<vmem>>) dst(%dma_wait3A_410 : memref<4096x64xf32, #tpu.memory_space<vmem_shared>>)
        %dma_wait3A_411 = arith.constant 0 : i32
        %dma_wait3A_412 = arith.constant 0 : i32
        %dma_wait3A_413 = tpu.memref_slice %arg14[%dma_wait3A_411, %dma_wait3A_412] : memref<3x56xi32, #tpu.memory_space<vmem>> -> memref<1x56xi32, #tpu.memory_space<vmem>>
        %dma_wait3A_414 = tpu.memref_squeeze %dma_wait3A_413 : memref<1x56xi32, #tpu.memory_space<vmem>> -> memref<56xi32, #tpu.memory_space<vmem>>
        %dma_wait3A_415 = arith.constant 0 : i32
        %dma_wait3A_416 = arith.constant 0 : i32
        %dma_wait3A_417 = tpu.memref_slice %arg10[%dma_wait3A_415, %dma_wait3A_416] : memref<4096x64xf32, #tpu.memory_space<vmem_shared>> -> memref<4096x64xf32, #tpu.memory_space<vmem_shared>>
        tpu.wait_indirect_dma semaphore(%arg39 : memref<!tpu.dma_semaphore, #tpu.memory_space<semaphore_mem>>) src(%arg26 : memref<56x64xf32, #tpu.memory_space<vmem>>) dst(%dma_wait3A_417 : memref<4096x64xf32, #tpu.memory_space<vmem_shared>>)
      } else {
      }
      %add3A_264 = arith.constant 2 : i32
      %add3A_265 = arith.addi %add3A_209, %add3A_264 : i32
      %lt3A_266 = arith.constant 284 : i32
      %lt3A_267 = arith.cmpi slt, %add3A_265, %lt3A_266 : i32
      %convert_element_type3A_268 = arith.extui %lt3A_267 : i1 to i32
      %cond3A_269 = arith.constant 0 : i32
      %cond3A_270 = arith.cmpi ne, %convert_element_type3A_268, %cond3A_269 : i32
      scf.if %cond3A_270 {
        %add3A_397 = arith.constant 2 : i32
        %add3A_398 = arith.addi %add3A_209, %add3A_397 : i32
        "tpu.region"() ({
          %run_scoped3A_421 = tpu.sem_alloc : memref<!tpu.dma_semaphore, #tpu.memory_space<semaphore_mem>>
          %dma_start3A_422 = arith.constant 0 : i32
          %dma_start3A_423 = arith.constant 0 : i32
          %dma_start3A_424 = tpu.memref_slice %arg4[%arg1, %add3A_398, %dma_start3A_422, %dma_start3A_423] : memref<16x284x3x56xi32, #tpu.memory_space<hbm>> -> memref<1x1x3x56xi32, #tpu.memory_space<hbm>>
          %dma_start3A_425 = tpu.memref_squeeze %dma_start3A_424 : memref<1x1x3x56xi32, #tpu.memory_space<hbm>> -> memref<3x56xi32, #tpu.memory_space<hbm>>
          %dma_start3A_426 = arith.constant 0 : i32
          %dma_start3A_427 = arith.constant 0 : i32
          %dma_start3A_428 = tpu.memref_slice %arg4[%arg1, %add3A_398, %dma_start3A_426, %dma_start3A_427] : memref<16x284x3x56xi32, #tpu.memory_space<hbm>> -> memref<1x1x3x56xi32, #tpu.memory_space<hbm>>
          %dma_start3A_429 = tpu.memref_squeeze %dma_start3A_428 : memref<1x1x3x56xi32, #tpu.memory_space<hbm>> -> memref<3x56xi32, #tpu.memory_space<hbm>>
          tpu.enqueue_dma source(%dma_start3A_429 : memref<3x56xi32, #tpu.memory_space<hbm>>) target(%arg14 : memref<3x56xi32, #tpu.memory_space<vmem>>) target_semaphore(%run_scoped3A_421 : memref<!tpu.dma_semaphore, #tpu.memory_space<semaphore_mem>>)
          %dma_wait3A_430 = arith.constant 0 : i32
          %dma_wait3A_431 = arith.constant 0 : i32
          %dma_wait3A_432 = tpu.memref_slice %arg4[%arg1, %add3A_398, %dma_wait3A_430, %dma_wait3A_431] : memref<16x284x3x56xi32, #tpu.memory_space<hbm>> -> memref<1x1x3x56xi32, #tpu.memory_space<hbm>>
          %dma_wait3A_433 = tpu.memref_squeeze %dma_wait3A_432 : memref<1x1x3x56xi32, #tpu.memory_space<hbm>> -> memref<3x56xi32, #tpu.memory_space<hbm>>
          %dma_wait3A_434 = arith.constant 0 : i32
          %dma_wait3A_435 = arith.constant 0 : i32
          %dma_wait3A_436 = tpu.memref_slice %arg4[%arg1, %add3A_398, %dma_wait3A_434, %dma_wait3A_435] : memref<16x284x3x56xi32, #tpu.memory_space<hbm>> -> memref<1x1x3x56xi32, #tpu.memory_space<hbm>>
          %dma_wait3A_437 = tpu.memref_squeeze %dma_wait3A_436 : memref<1x1x3x56xi32, #tpu.memory_space<hbm>> -> memref<3x56xi32, #tpu.memory_space<hbm>>
          tpu.wait_dma2 semaphore(%run_scoped3A_421 : memref<!tpu.dma_semaphore, #tpu.memory_space<semaphore_mem>>) src(%dma_wait3A_437 : memref<3x56xi32, #tpu.memory_space<hbm>>) dst(%arg14 : memref<3x56xi32, #tpu.memory_space<vmem>>)
          tpu.yield
        }) : () -> ()
        %dma_start3A_399 = arith.constant 1 : i32
        %dma_start3A_400 = arith.constant 0 : i32
        %dma_start3A_401 = tpu.memref_slice %arg14[%dma_start3A_399, %dma_start3A_400] : memref<3x56xi32, #tpu.memory_space<vmem>> -> memref<1x56xi32, #tpu.memory_space<vmem>>
        %dma_start3A_402 = tpu.memref_squeeze %dma_start3A_401 : memref<1x56xi32, #tpu.memory_space<vmem>> -> memref<56xi32, #tpu.memory_space<vmem>>
        %dma_start3A_403 = arith.constant 0 : i32
        %dma_start3A_404 = arith.constant 0 : i32
        %dma_start3A_405 = tpu.memref_slice %arg2[%arg0, %dma_start3A_403, %dma_start3A_404] : memref<2x15904x64xf32, #tpu.memory_space<hbm>> -> memref<1x15904x64xf32, #tpu.memory_space<hbm>>
        %dma_start3A_406 = tpu.memref_squeeze %dma_start3A_405 : memref<1x15904x64xf32, #tpu.memory_space<hbm>> -> memref<15904x64xf32, #tpu.memory_space<hbm>>
        %dma_start3A_407 = arith.constant 0 : i32
        %dma_start3A_408 = arith.constant 0 : i32
        %dma_start3A_409 = tpu.memref_slice %dma_start3A_406[%dma_start3A_407, %dma_start3A_408] : memref<15904x64xf32, #tpu.memory_space<hbm>> -> memref<15904x64xf32, #tpu.memory_space<hbm>>
        tpu.enqueue_indirect_dma source(%dma_start3A_409 : memref<15904x64xf32, #tpu.memory_space<hbm>>) target(%arg18 : memref<56x64xf32, #tpu.memory_space<vmem>>) offsets(%dma_start3A_402 : memref<56xi32, #tpu.memory_space<vmem>>) semaphore(%arg31 : memref<!tpu.dma_semaphore, #tpu.memory_space<semaphore_mem>>)
        %dma_start3A_410 = arith.constant 2 : i32
        %dma_start3A_411 = arith.constant 0 : i32
        %dma_start3A_412 = tpu.memref_slice %arg14[%dma_start3A_410, %dma_start3A_411] : memref<3x56xi32, #tpu.memory_space<vmem>> -> memref<1x56xi32, #tpu.memory_space<vmem>>
        %dma_start3A_413 = tpu.memref_squeeze %dma_start3A_412 : memref<1x56xi32, #tpu.memory_space<vmem>> -> memref<56xi32, #tpu.memory_space<vmem>>
        %dma_start3A_414 = arith.constant 0 : i32
        %dma_start3A_415 = arith.constant 0 : i32
        %dma_start3A_416 = tpu.memref_slice %arg3[%arg0, %dma_start3A_414, %dma_start3A_415] : memref<2x3976x64xf32, #tpu.memory_space<hbm>> -> memref<1x3976x64xf32, #tpu.memory_space<hbm>>
        %dma_start3A_417 = tpu.memref_squeeze %dma_start3A_416 : memref<1x3976x64xf32, #tpu.memory_space<hbm>> -> memref<3976x64xf32, #tpu.memory_space<hbm>>
        %dma_start3A_418 = arith.constant 0 : i32
        %dma_start3A_419 = arith.constant 0 : i32
        %dma_start3A_420 = tpu.memref_slice %dma_start3A_417[%dma_start3A_418, %dma_start3A_419] : memref<3976x64xf32, #tpu.memory_space<hbm>> -> memref<3976x64xf32, #tpu.memory_space<hbm>>
        tpu.enqueue_indirect_dma source(%dma_start3A_420 : memref<3976x64xf32, #tpu.memory_space<hbm>>) target(%arg26 : memref<56x64xf32, #tpu.memory_space<vmem>>) offsets(%dma_start3A_413 : memref<56xi32, #tpu.memory_space<vmem>>) semaphore(%arg35 : memref<!tpu.dma_semaphore, #tpu.memory_space<semaphore_mem>>)
      } else {
      }
      %add3A_271 = arith.constant 2 : i32
      %add3A_272 = arith.addi %mul3A_148, %add3A_271 : i32
      %dma_wait3A_273 = arith.constant 1 : i32
      %dma_wait3A_274 = arith.constant 0 : i32
      %dma_wait3A_275 = tpu.memref_slice %arg13[%dma_wait3A_273, %dma_wait3A_274] : memref<3x56xi32, #tpu.memory_space<vmem>> -> memref<1x56xi32, #tpu.memory_space<vmem>>
      %dma_wait3A_276 = tpu.memref_squeeze %dma_wait3A_275 : memref<1x56xi32, #tpu.memory_space<vmem>> -> memref<56xi32, #tpu.memory_space<vmem>>
      %dma_wait3A_277 = arith.constant 0 : i32
      %dma_wait3A_278 = arith.constant 0 : i32
      %dma_wait3A_279 = tpu.memref_slice %arg2[%arg0, %dma_wait3A_277, %dma_wait3A_278] : memref<2x15904x64xf32, #tpu.memory_space<hbm>> -> memref<1x15904x64xf32, #tpu.memory_space<hbm>>
      %dma_wait3A_280 = tpu.memref_squeeze %dma_wait3A_279 : memref<1x15904x64xf32, #tpu.memory_space<hbm>> -> memref<15904x64xf32, #tpu.memory_space<hbm>>
      %dma_wait3A_281 = arith.constant 0 : i32
      %dma_wait3A_282 = arith.constant 0 : i32
      %dma_wait3A_283 = tpu.memref_slice %dma_wait3A_280[%dma_wait3A_281, %dma_wait3A_282] : memref<15904x64xf32, #tpu.memory_space<hbm>> -> memref<15904x64xf32, #tpu.memory_space<hbm>>
      tpu.wait_indirect_dma semaphore(%arg30 : memref<!tpu.dma_semaphore, #tpu.memory_space<semaphore_mem>>) src(%dma_wait3A_283 : memref<15904x64xf32, #tpu.memory_space<hbm>>) dst(%arg17 : memref<56x64xf32, #tpu.memory_space<vmem>>)
      %scan3A_284 = arith.constant 0 : i32
      %scan3A_285 = arith.constant 0 : i32
      %scan3A_286 = arith.constant 56 : i32
      %scan3A_287 = arith.addi %scan3A_285, %scan3A_286 : i32
      %scan3A_288 = arith.constant 1 : i32
      scf.for %scan3A_397 = %scan3A_285 to %scan3A_287 step %scan3A_288  : i32 {
        %get3A = arith.index_cast %scan3A_397 : i32 to index
        %get3A_398 = arith.constant 0 : index
        %get3A_399 = tpu.vector_load %arg17[%get3A, %get3A_398] {strides = array<i32>} : memref<56x64xf32, #tpu.memory_space<vmem>>, vector<16xf32>,
        %exp3A = math.exp %get3A_399 : vector<16xf32>
        %swap3A = arith.index_cast %scan3A_397 : i32 to index
        %swap3A_400 = arith.constant 0 : index
        %swap3A_401 = tpu.vector_load %arg21[%swap3A, %swap3A_400] {strides = array<i32>} : memref<56x64xf32, #tpu.memory_space<vmem>>, vector<16xf32>,
        tpu.vector_store %arg21[%swap3A, %swap3A_400], %exp3A {strides = array<i32>} : memref<56x64xf32, #tpu.memory_space<vmem>>, vector<16xf32>,
        %mul3A_402 = arith.mulf %get3A_399, %exp3A : vector<16xf32>
        %swap3A_403 = arith.index_cast %scan3A_397 : i32 to index
        %swap3A_404 = arith.constant 0 : index
        %swap3A_405 = tpu.vector_load %arg17[%swap3A_403, %swap3A_404] {strides = array<i32>} : memref<56x64xf32, #tpu.memory_space<vmem>>, vector<16xf32>,
        tpu.vector_store %arg17[%swap3A_403, %swap3A_404], %mul3A_402 {strides = array<i32>} : memref<56x64xf32, #tpu.memory_space<vmem>>, vector<16xf32>,
        %get3A_406 = arith.index_cast %scan3A_397 : i32 to index
        %get3A_407 = arith.constant 16 : index
        %get3A_408 = tpu.vector_load %arg17[%get3A_406, %get3A_407] {strides = array<i32>} : memref<56x64xf32, #tpu.memory_space<vmem>>, vector<16xf32>,
        %exp3A_409 = math.exp %get3A_408 : vector<16xf32>
        %swap3A_410 = arith.index_cast %scan3A_397 : i32 to index
        %swap3A_411 = arith.constant 16 : index
        %swap3A_412 = tpu.vector_load %arg21[%swap3A_410, %swap3A_411] {strides = array<i32>} : memref<56x64xf32, #tpu.memory_space<vmem>>, vector<16xf32>,
        tpu.vector_store %arg21[%swap3A_410, %swap3A_411], %exp3A_409 {strides = array<i32>} : memref<56x64xf32, #tpu.memory_space<vmem>>, vector<16xf32>,
        %mul3A_413 = arith.mulf %get3A_408, %exp3A_409 : vector<16xf32>
        %swap3A_414 = arith.index_cast %scan3A_397 : i32 to index
        %swap3A_415 = arith.constant 16 : index
        %swap3A_416 = tpu.vector_load %arg17[%swap3A_414, %swap3A_415] {strides = array<i32>} : memref<56x64xf32, #tpu.memory_space<vmem>>, vector<16xf32>,
        tpu.vector_store %arg17[%swap3A_414, %swap3A_415], %mul3A_413 {strides = array<i32>} : memref<56x64xf32, #tpu.memory_space<vmem>>, vector<16xf32>,
        %get3A_417 = arith.index_cast %scan3A_397 : i32 to index
        %get3A_418 = arith.constant 32 : index
        %get3A_419 = tpu.vector_load %arg17[%get3A_417, %get3A_418] {strides = array<i32>} : memref<56x64xf32, #tpu.memory_space<vmem>>, vector<16xf32>,
        %exp3A_420 = math.exp %get3A_419 : vector<16xf32>
        %swap3A_421 = arith.index_cast %scan3A_397 : i32 to index
        %swap3A_422 = arith.constant 32 : index
        %swap3A_423 = tpu.vector_load %arg21[%swap3A_421, %swap3A_422] {strides = array<i32>} : memref<56x64xf32, #tpu.memory_space<vmem>>, vector<16xf32>,
        tpu.vector_store %arg21[%swap3A_421, %swap3A_422], %exp3A_420 {strides = array<i32>} : memref<56x64xf32, #tpu.memory_space<vmem>>, vector<16xf32>,
        %mul3A_424 = arith.mulf %get3A_419, %exp3A_420 : vector<16xf32>
        %swap3A_425 = arith.index_cast %scan3A_397 : i32 to index
        %swap3A_426 = arith.constant 32 : index
        %swap3A_427 = tpu.vector_load %arg17[%swap3A_425, %swap3A_426] {strides = array<i32>} : memref<56x64xf32, #tpu.memory_space<vmem>>, vector<16xf32>,
        tpu.vector_store %arg17[%swap3A_425, %swap3A_426], %mul3A_424 {strides = array<i32>} : memref<56x64xf32, #tpu.memory_space<vmem>>, vector<16xf32>,
        %get3A_428 = arith.index_cast %scan3A_397 : i32 to index
        %get3A_429 = arith.constant 48 : index
        %get3A_430 = tpu.vector_load %arg17[%get3A_428, %get3A_429] {strides = array<i32>} : memref<56x64xf32, #tpu.memory_space<vmem>>, vector<16xf32>,
        %exp3A_431 = math.exp %get3A_430 : vector<16xf32>
        %swap3A_432 = arith.index_cast %scan3A_397 : i32 to index
        %swap3A_433 = arith.constant 48 : index
        %swap3A_434 = tpu.vector_load %arg21[%swap3A_432, %swap3A_433] {strides = array<i32>} : memref<56x64xf32, #tpu.memory_space<vmem>>, vector<16xf32>,
        tpu.vector_store %arg21[%swap3A_432, %swap3A_433], %exp3A_431 {strides = array<i32>} : memref<56x64xf32, #tpu.memory_space<vmem>>, vector<16xf32>,
        %mul3A_435 = arith.mulf %get3A_430, %exp3A_431 : vector<16xf32>
        %swap3A_436 = arith.index_cast %scan3A_397 : i32 to index
        %swap3A_437 = arith.constant 48 : index
        %swap3A_438 = tpu.vector_load %arg17[%swap3A_436, %swap3A_437] {strides = array<i32>} : memref<56x64xf32, #tpu.memory_space<vmem>>, vector<16xf32>,
        tpu.vector_store %arg17[%swap3A_436, %swap3A_437], %mul3A_435 {strides = array<i32>} : memref<56x64xf32, #tpu.memory_space<vmem>>, vector<16xf32>,
      }
      %scan3A_289 = arith.constant 56 : i32
      %dma_wait3A_290 = arith.constant 2 : i32
      %dma_wait3A_291 = arith.constant 0 : i32
      %dma_wait3A_292 = tpu.memref_slice %arg13[%dma_wait3A_290, %dma_wait3A_291] : memref<3x56xi32, #tpu.memory_space<vmem>> -> memref<1x56xi32, #tpu.memory_space<vmem>>
      %dma_wait3A_293 = tpu.memref_squeeze %dma_wait3A_292 : memref<1x56xi32, #tpu.memory_space<vmem>> -> memref<56xi32, #tpu.memory_space<vmem>>
      %dma_wait3A_294 = arith.constant 0 : i32
      %dma_wait3A_295 = arith.constant 0 : i32
      %dma_wait3A_296 = tpu.memref_slice %arg3[%arg0, %dma_wait3A_294, %dma_wait3A_295] : memref<2x3976x64xf32, #tpu.memory_space<hbm>> -> memref<1x3976x64xf32, #tpu.memory_space<hbm>>
      %dma_wait3A_297 = tpu.memref_squeeze %dma_wait3A_296 : memref<1x3976x64xf32, #tpu.memory_space<hbm>> -> memref<3976x64xf32, #tpu.memory_space<hbm>>
      %dma_wait3A_298 = arith.constant 0 : i32
      %dma_wait3A_299 = arith.constant 0 : i32
      %dma_wait3A_300 = tpu.memref_slice %dma_wait3A_297[%dma_wait3A_298, %dma_wait3A_299] : memref<3976x64xf32, #tpu.memory_space<hbm>> -> memref<3976x64xf32, #tpu.memory_space<hbm>>
      tpu.wait_indirect_dma semaphore(%arg34 : memref<!tpu.dma_semaphore, #tpu.memory_space<semaphore_mem>>) src(%dma_wait3A_300 : memref<3976x64xf32, #tpu.memory_space<hbm>>) dst(%arg25 : memref<56x64xf32, #tpu.memory_space<vmem>>)
      %dma_start3A_301 = arith.constant 0 : i32
      %dma_start3A_302 = arith.constant 0 : i32
      %dma_start3A_303 = tpu.memref_slice %arg13[%dma_start3A_301, %dma_start3A_302] : memref<3x56xi32, #tpu.memory_space<vmem>> -> memref<1x56xi32, #tpu.memory_space<vmem>>
      %dma_start3A_304 = tpu.memref_squeeze %dma_start3A_303 : memref<1x56xi32, #tpu.memory_space<vmem>> -> memref<56xi32, #tpu.memory_space<vmem>>
      %dma_start3A_305 = arith.constant 0 : i32
      %dma_start3A_306 = arith.constant 0 : i32
      %dma_start3A_307 = tpu.memref_slice %arg8[%dma_start3A_305, %dma_start3A_306] : memref<4096x64xf32, #tpu.memory_space<vmem_shared>> -> memref<4096x64xf32, #tpu.memory_space<vmem_shared>>
      tpu.enqueue_indirect_dma source(%arg21 : memref<56x64xf32, #tpu.memory_space<vmem>>) target(%dma_start3A_307 : memref<4096x64xf32, #tpu.memory_space<vmem_shared>>) offsets(%dma_start3A_304 : memref<56xi32, #tpu.memory_space<vmem>>) semaphore(%arg38 : memref<!tpu.dma_semaphore, #tpu.memory_space<semaphore_mem>>) {add = true}
      %dma_start3A_308 = arith.constant 0 : i32
      %dma_start3A_309 = arith.constant 0 : i32
      %dma_start3A_310 = tpu.memref_slice %arg13[%dma_start3A_308, %dma_start3A_309] : memref<3x56xi32, #tpu.memory_space<vmem>> -> memref<1x56xi32, #tpu.memory_space<vmem>>
      %dma_start3A_311 = tpu.memref_squeeze %dma_start3A_310 : memref<1x56xi32, #tpu.memory_space<vmem>> -> memref<56xi32, #tpu.memory_space<vmem>>
      %dma_start3A_312 = arith.constant 0 : i32
      %dma_start3A_313 = arith.constant 0 : i32
      %dma_start3A_314 = tpu.memref_slice %arg9[%dma_start3A_312, %dma_start3A_313] : memref<4096x64xf32, #tpu.memory_space<vmem_shared>> -> memref<4096x64xf32, #tpu.memory_space<vmem_shared>>
      tpu.enqueue_indirect_dma source(%arg17 : memref<56x64xf32, #tpu.memory_space<vmem>>) target(%dma_start3A_314 : memref<4096x64xf32, #tpu.memory_space<vmem_shared>>) offsets(%dma_start3A_311 : memref<56xi32, #tpu.memory_space<vmem>>) semaphore(%arg38 : memref<!tpu.dma_semaphore, #tpu.memory_space<semaphore_mem>>) {add = true}
      %dma_start3A_315 = arith.constant 0 : i32
      %dma_start3A_316 = arith.constant 0 : i32
      %dma_start3A_317 = tpu.memref_slice %arg13[%dma_start3A_315, %dma_start3A_316] : memref<3x56xi32, #tpu.memory_space<vmem>> -> memref<1x56xi32, #tpu.memory_space<vmem>>
      %dma_start3A_318 = tpu.memref_squeeze %dma_start3A_317 : memref<1x56xi32, #tpu.memory_space<vmem>> -> memref<56xi32, #tpu.memory_space<vmem>>
      %dma_start3A_319 = arith.constant 0 : i32
      %dma_start3A_320 = arith.constant 0 : i32
      %dma_start3A_321 = tpu.memref_slice %arg10[%dma_start3A_319, %dma_start3A_320] : memref<4096x64xf32, #tpu.memory_space<vmem_shared>> -> memref<4096x64xf32, #tpu.memory_space<vmem_shared>>
      tpu.enqueue_indirect_dma source(%arg25 : memref<56x64xf32, #tpu.memory_space<vmem>>) target(%dma_start3A_321 : memref<4096x64xf32, #tpu.memory_space<vmem_shared>>) offsets(%dma_start3A_318 : memref<56xi32, #tpu.memory_space<vmem>>) semaphore(%arg38 : memref<!tpu.dma_semaphore, #tpu.memory_space<semaphore_mem>>) {add = true}
      %ge3A_322 = arith.constant 2 : i32
      %ge3A_323 = arith.cmpi sge, %add3A_272, %ge3A_322 : i32
      %convert_element_type3A_324 = arith.extui %ge3A_323 : i1 to i32
      %cond3A_325 = arith.constant 0 : i32
      %cond3A_326 = arith.cmpi ne, %convert_element_type3A_324, %cond3A_325 : i32
      scf.if %cond3A_326 {
        %dma_wait3A_397 = arith.constant 0 : i32
        %dma_wait3A_398 = arith.constant 0 : i32
        %dma_wait3A_399 = tpu.memref_slice %arg11[%dma_wait3A_397, %dma_wait3A_398] : memref<3x56xi32, #tpu.memory_space<vmem>> -> memref<1x56xi32, #tpu.memory_space<vmem>>
        %dma_wait3A_400 = tpu.memref_squeeze %dma_wait3A_399 : memref<1x56xi32, #tpu.memory_space<vmem>> -> memref<56xi32, #tpu.memory_space<vmem>>
        %dma_wait3A_401 = arith.constant 0 : i32
        %dma_wait3A_402 = arith.constant 0 : i32
        %dma_wait3A_403 = tpu.memref_slice %arg8[%dma_wait3A_401, %dma_wait3A_402] : memref<4096x64xf32, #tpu.memory_space<vmem_shared>> -> memref<4096x64xf32, #tpu.memory_space<vmem_shared>>
        tpu.wait_indirect_dma semaphore(%arg36 : memref<!tpu.dma_semaphore, #tpu.memory_space<semaphore_mem>>) src(%arg19 : memref<56x64xf32, #tpu.memory_space<vmem>>) dst(%dma_wait3A_403 : memref<4096x64xf32, #tpu.memory_space<vmem_shared>>)
        %dma_wait3A_404 = arith.constant 0 : i32
        %dma_wait3A_405 = arith.constant 0 : i32
        %dma_wait3A_406 = tpu.memref_slice %arg11[%dma_wait3A_404, %dma_wait3A_405] : memref<3x56xi32, #tpu.memory_space<vmem>> -> memref<1x56xi32, #tpu.memory_space<vmem>>
        %dma_wait3A_407 = tpu.memref_squeeze %dma_wait3A_406 : memref<1x56xi32, #tpu.memory_space<vmem>> -> memref<56xi32, #tpu.memory_space<vmem>>
        %dma_wait3A_408 = arith.constant 0 : i32
        %dma_wait3A_409 = arith.constant 0 : i32
        %dma_wait3A_410 = tpu.memref_slice %arg9[%dma_wait3A_408, %dma_wait3A_409] : memref<4096x64xf32, #tpu.memory_space<vmem_shared>> -> memref<4096x64xf32, #tpu.memory_space<vmem_shared>>
        tpu.wait_indirect_dma semaphore(%arg36 : memref<!tpu.dma_semaphore, #tpu.memory_space<semaphore_mem>>) src(%arg15 : memref<56x64xf32, #tpu.memory_space<vmem>>) dst(%dma_wait3A_410 : memref<4096x64xf32, #tpu.memory_space<vmem_shared>>)
        %dma_wait3A_411 = arith.constant 0 : i32
        %dma_wait3A_412 = arith.constant 0 : i32
        %dma_wait3A_413 = tpu.memref_slice %arg11[%dma_wait3A_411, %dma_wait3A_412] : memref<3x56xi32, #tpu.memory_space<vmem>> -> memref<1x56xi32, #tpu.memory_space<vmem>>
        %dma_wait3A_414 = tpu.memref_squeeze %dma_wait3A_413 : memref<1x56xi32, #tpu.memory_space<vmem>> -> memref<56xi32, #tpu.memory_space<vmem>>
        %dma_wait3A_415 = arith.constant 0 : i32
        %dma_wait3A_416 = arith.constant 0 : i32
        %dma_wait3A_417 = tpu.memref_slice %arg10[%dma_wait3A_415, %dma_wait3A_416] : memref<4096x64xf32, #tpu.memory_space<vmem_shared>> -> memref<4096x64xf32, #tpu.memory_space<vmem_shared>>
        tpu.wait_indirect_dma semaphore(%arg36 : memref<!tpu.dma_semaphore, #tpu.memory_space<semaphore_mem>>) src(%arg23 : memref<56x64xf32, #tpu.memory_space<vmem>>) dst(%dma_wait3A_417 : memref<4096x64xf32, #tpu.memory_space<vmem_shared>>)
      } else {
      }
      %add3A_327 = arith.constant 2 : i32
      %add3A_328 = arith.addi %add3A_272, %add3A_327 : i32
      %lt3A_329 = arith.constant 284 : i32
      %lt3A_330 = arith.cmpi slt, %add3A_328, %lt3A_329 : i32
      %convert_element_type3A_331 = arith.extui %lt3A_330 : i1 to i32
      %cond3A_332 = arith.constant 0 : i32
      %cond3A_333 = arith.cmpi ne, %convert_element_type3A_331, %cond3A_332 : i32
      scf.if %cond3A_333 {
        %add3A_397 = arith.constant 2 : i32
        %add3A_398 = arith.addi %add3A_272, %add3A_397 : i32
        "tpu.region"() ({
          %run_scoped3A_421 = tpu.sem_alloc : memref<!tpu.dma_semaphore, #tpu.memory_space<semaphore_mem>>
          %dma_start3A_422 = arith.constant 0 : i32
          %dma_start3A_423 = arith.constant 0 : i32
          %dma_start3A_424 = tpu.memref_slice %arg4[%arg1, %add3A_398, %dma_start3A_422, %dma_start3A_423] : memref<16x284x3x56xi32, #tpu.memory_space<hbm>> -> memref<1x1x3x56xi32, #tpu.memory_space<hbm>>
          %dma_start3A_425 = tpu.memref_squeeze %dma_start3A_424 : memref<1x1x3x56xi32, #tpu.memory_space<hbm>> -> memref<3x56xi32, #tpu.memory_space<hbm>>
          %dma_start3A_426 = arith.constant 0 : i32
          %dma_start3A_427 = arith.constant 0 : i32
          %dma_start3A_428 = tpu.memref_slice %arg4[%arg1, %add3A_398, %dma_start3A_426, %dma_start3A_427] : memref<16x284x3x56xi32, #tpu.memory_space<hbm>> -> memref<1x1x3x56xi32, #tpu.memory_space<hbm>>
          %dma_start3A_429 = tpu.memref_squeeze %dma_start3A_428 : memref<1x1x3x56xi32, #tpu.memory_space<hbm>> -> memref<3x56xi32, #tpu.memory_space<hbm>>
          tpu.enqueue_dma source(%dma_start3A_429 : memref<3x56xi32, #tpu.memory_space<hbm>>) target(%arg11 : memref<3x56xi32, #tpu.memory_space<vmem>>) target_semaphore(%run_scoped3A_421 : memref<!tpu.dma_semaphore, #tpu.memory_space<semaphore_mem>>)
          %dma_wait3A_430 = arith.constant 0 : i32
          %dma_wait3A_431 = arith.constant 0 : i32
          %dma_wait3A_432 = tpu.memref_slice %arg4[%arg1, %add3A_398, %dma_wait3A_430, %dma_wait3A_431] : memref<16x284x3x56xi32, #tpu.memory_space<hbm>> -> memref<1x1x3x56xi32, #tpu.memory_space<hbm>>
          %dma_wait3A_433 = tpu.memref_squeeze %dma_wait3A_432 : memref<1x1x3x56xi32, #tpu.memory_space<hbm>> -> memref<3x56xi32, #tpu.memory_space<hbm>>
          %dma_wait3A_434 = arith.constant 0 : i32
          %dma_wait3A_435 = arith.constant 0 : i32
          %dma_wait3A_436 = tpu.memref_slice %arg4[%arg1, %add3A_398, %dma_wait3A_434, %dma_wait3A_435] : memref<16x284x3x56xi32, #tpu.memory_space<hbm>> -> memref<1x1x3x56xi32, #tpu.memory_space<hbm>>
          %dma_wait3A_437 = tpu.memref_squeeze %dma_wait3A_436 : memref<1x1x3x56xi32, #tpu.memory_space<hbm>> -> memref<3x56xi32, #tpu.memory_space<hbm>>
          tpu.wait_dma2 semaphore(%run_scoped3A_421 : memref<!tpu.dma_semaphore, #tpu.memory_space<semaphore_mem>>) src(%dma_wait3A_437 : memref<3x56xi32, #tpu.memory_space<hbm>>) dst(%arg11 : memref<3x56xi32, #tpu.memory_space<vmem>>)
          tpu.yield
        }) : () -> ()
        %dma_start3A_399 = arith.constant 1 : i32
        %dma_start3A_400 = arith.constant 0 : i32
        %dma_start3A_401 = tpu.memref_slice %arg11[%dma_start3A_399, %dma_start3A_400] : memref<3x56xi32, #tpu.memory_space<vmem>> -> memref<1x56xi32, #tpu.memory_space<vmem>>
        %dma_start3A_402 = tpu.memref_squeeze %dma_start3A_401 : memref<1x56xi32, #tpu.memory_space<vmem>> -> memref<56xi32, #tpu.memory_space<vmem>>
        %dma_start3A_403 = arith.constant 0 : i32
        %dma_start3A_404 = arith.constant 0 : i32
        %dma_start3A_405 = tpu.memref_slice %arg2[%arg0, %dma_start3A_403, %dma_start3A_404] : memref<2x15904x64xf32, #tpu.memory_space<hbm>> -> memref<1x15904x64xf32, #tpu.memory_space<hbm>>
        %dma_start3A_406 = tpu.memref_squeeze %dma_start3A_405 : memref<1x15904x64xf32, #tpu.memory_space<hbm>> -> memref<15904x64xf32, #tpu.memory_space<hbm>>
        %dma_start3A_407 = arith.constant 0 : i32
        %dma_start3A_408 = arith.constant 0 : i32
        %dma_start3A_409 = tpu.memref_slice %dma_start3A_406[%dma_start3A_407, %dma_start3A_408] : memref<15904x64xf32, #tpu.memory_space<hbm>> -> memref<15904x64xf32, #tpu.memory_space<hbm>>
        tpu.enqueue_indirect_dma source(%dma_start3A_409 : memref<15904x64xf32, #tpu.memory_space<hbm>>) target(%arg15 : memref<56x64xf32, #tpu.memory_space<vmem>>) offsets(%dma_start3A_402 : memref<56xi32, #tpu.memory_space<vmem>>) semaphore(%arg28 : memref<!tpu.dma_semaphore, #tpu.memory_space<semaphore_mem>>)
        %dma_start3A_410 = arith.constant 2 : i32
        %dma_start3A_411 = arith.constant 0 : i32
        %dma_start3A_412 = tpu.memref_slice %arg11[%dma_start3A_410, %dma_start3A_411] : memref<3x56xi32, #tpu.memory_space<vmem>> -> memref<1x56xi32, #tpu.memory_space<vmem>>
        %dma_start3A_413 = tpu.memref_squeeze %dma_start3A_412 : memref<1x56xi32, #tpu.memory_space<vmem>> -> memref<56xi32, #tpu.memory_space<vmem>>
        %dma_start3A_414 = arith.constant 0 : i32
        %dma_start3A_415 = arith.constant 0 : i32
        %dma_start3A_416 = tpu.memref_slice %arg3[%arg0, %dma_start3A_414, %dma_start3A_415] : memref<2x3976x64xf32, #tpu.memory_space<hbm>> -> memref<1x3976x64xf32, #tpu.memory_space<hbm>>
        %dma_start3A_417 = tpu.memref_squeeze %dma_start3A_416 : memref<1x3976x64xf32, #tpu.memory_space<hbm>> -> memref<3976x64xf32, #tpu.memory_space<hbm>>
        %dma_start3A_418 = arith.constant 0 : i32
        %dma_start3A_419 = arith.constant 0 : i32
        %dma_start3A_420 = tpu.memref_slice %dma_start3A_417[%dma_start3A_418, %dma_start3A_419] : memref<3976x64xf32, #tpu.memory_space<hbm>> -> memref<3976x64xf32, #tpu.memory_space<hbm>>
        tpu.enqueue_indirect_dma source(%dma_start3A_420 : memref<3976x64xf32, #tpu.memory_space<hbm>>) target(%arg23 : memref<56x64xf32, #tpu.memory_space<vmem>>) offsets(%dma_start3A_413 : memref<56xi32, #tpu.memory_space<vmem>>) semaphore(%arg32 : memref<!tpu.dma_semaphore, #tpu.memory_space<semaphore_mem>>)
      } else {
      }
      %add3A_334 = arith.constant 3 : i32
      %add3A_335 = arith.addi %mul3A_148, %add3A_334 : i32
      %dma_wait3A_336 = arith.constant 1 : i32
      %dma_wait3A_337 = arith.constant 0 : i32
      %dma_wait3A_338 = tpu.memref_slice %arg14[%dma_wait3A_336, %dma_wait3A_337] : memref<3x56xi32, #tpu.memory_space<vmem>> -> memref<1x56xi32, #tpu.memory_space<vmem>>
      %dma_wait3A_339 = tpu.memref_squeeze %dma_wait3A_338 : memref<1x56xi32, #tpu.memory_space<vmem>> -> memref<56xi32, #tpu.memory_space<vmem>>
      %dma_wait3A_340 = arith.constant 0 : i32
      %dma_wait3A_341 = arith.constant 0 : i32
      %dma_wait3A_342 = tpu.memref_slice %arg2[%arg0, %dma_wait3A_340, %dma_wait3A_341] : memref<2x15904x64xf32, #tpu.memory_space<hbm>> -> memref<1x15904x64xf32, #tpu.memory_space<hbm>>
      %dma_wait3A_343 = tpu.memref_squeeze %dma_wait3A_342 : memref<1x15904x64xf32, #tpu.memory_space<hbm>> -> memref<15904x64xf32, #tpu.memory_space<hbm>>
      %dma_wait3A_344 = arith.constant 0 : i32
      %dma_wait3A_345 = arith.constant 0 : i32
      %dma_wait3A_346 = tpu.memref_slice %dma_wait3A_343[%dma_wait3A_344, %dma_wait3A_345] : memref<15904x64xf32, #tpu.memory_space<hbm>> -> memref<15904x64xf32, #tpu.memory_space<hbm>>
      tpu.wait_indirect_dma semaphore(%arg31 : memref<!tpu.dma_semaphore, #tpu.memory_space<semaphore_mem>>) src(%dma_wait3A_346 : memref<15904x64xf32, #tpu.memory_space<hbm>>) dst(%arg18 : memref<56x64xf32, #tpu.memory_space<vmem>>)
      %scan3A_347 = arith.constant 0 : i32
      %scan3A_348 = arith.constant 0 : i32
      %scan3A_349 = arith.constant 56 : i32
      %scan3A_350 = arith.addi %scan3A_348, %scan3A_349 : i32
      %scan3A_351 = arith.constant 1 : i32
      scf.for %scan3A_397 = %scan3A_348 to %scan3A_350 step %scan3A_351  : i32 {
        %get3A = arith.index_cast %scan3A_397 : i32 to index
        %get3A_398 = arith.constant 0 : index
        %get3A_399 = tpu.vector_load %arg18[%get3A, %get3A_398] {strides = array<i32>} : memref<56x64xf32, #tpu.memory_space<vmem>>, vector<16xf32>,
        %exp3A = math.exp %get3A_399 : vector<16xf32>
        %swap3A = arith.index_cast %scan3A_397 : i32 to index
        %swap3A_400 = arith.constant 0 : index
        %swap3A_401 = tpu.vector_load %arg22[%swap3A, %swap3A_400] {strides = array<i32>} : memref<56x64xf32, #tpu.memory_space<vmem>>, vector<16xf32>,
        tpu.vector_store %arg22[%swap3A, %swap3A_400], %exp3A {strides = array<i32>} : memref<56x64xf32, #tpu.memory_space<vmem>>, vector<16xf32>,
        %mul3A_402 = arith.mulf %get3A_399, %exp3A : vector<16xf32>
        %swap3A_403 = arith.index_cast %scan3A_397 : i32 to index
        %swap3A_404 = arith.constant 0 : index
        %swap3A_405 = tpu.vector_load %arg18[%swap3A_403, %swap3A_404] {strides = array<i32>} : memref<56x64xf32, #tpu.memory_space<vmem>>, vector<16xf32>,
        tpu.vector_store %arg18[%swap3A_403, %swap3A_404], %mul3A_402 {strides = array<i32>} : memref<56x64xf32, #tpu.memory_space<vmem>>, vector<16xf32>,
        %get3A_406 = arith.index_cast %scan3A_397 : i32 to index
        %get3A_407 = arith.constant 16 : index
        %get3A_408 = tpu.vector_load %arg18[%get3A_406, %get3A_407] {strides = array<i32>} : memref<56x64xf32, #tpu.memory_space<vmem>>, vector<16xf32>,
        %exp3A_409 = math.exp %get3A_408 : vector<16xf32>
        %swap3A_410 = arith.index_cast %scan3A_397 : i32 to index
        %swap3A_411 = arith.constant 16 : index
        %swap3A_412 = tpu.vector_load %arg22[%swap3A_410, %swap3A_411] {strides = array<i32>} : memref<56x64xf32, #tpu.memory_space<vmem>>, vector<16xf32>,
        tpu.vector_store %arg22[%swap3A_410, %swap3A_411], %exp3A_409 {strides = array<i32>} : memref<56x64xf32, #tpu.memory_space<vmem>>, vector<16xf32>,
        %mul3A_413 = arith.mulf %get3A_408, %exp3A_409 : vector<16xf32>
        %swap3A_414 = arith.index_cast %scan3A_397 : i32 to index
        %swap3A_415 = arith.constant 16 : index
        %swap3A_416 = tpu.vector_load %arg18[%swap3A_414, %swap3A_415] {strides = array<i32>} : memref<56x64xf32, #tpu.memory_space<vmem>>, vector<16xf32>,
        tpu.vector_store %arg18[%swap3A_414, %swap3A_415], %mul3A_413 {strides = array<i32>} : memref<56x64xf32, #tpu.memory_space<vmem>>, vector<16xf32>,
        %get3A_417 = arith.index_cast %scan3A_397 : i32 to index
        %get3A_418 = arith.constant 32 : index
        %get3A_419 = tpu.vector_load %arg18[%get3A_417, %get3A_418] {strides = array<i32>} : memref<56x64xf32, #tpu.memory_space<vmem>>, vector<16xf32>,
        %exp3A_420 = math.exp %get3A_419 : vector<16xf32>
        %swap3A_421 = arith.index_cast %scan3A_397 : i32 to index
        %swap3A_422 = arith.constant 32 : index
        %swap3A_423 = tpu.vector_load %arg22[%swap3A_421, %swap3A_422] {strides = array<i32>} : memref<56x64xf32, #tpu.memory_space<vmem>>, vector<16xf32>,
        tpu.vector_store %arg22[%swap3A_421, %swap3A_422], %exp3A_420 {strides = array<i32>} : memref<56x64xf32, #tpu.memory_space<vmem>>, vector<16xf32>,
        %mul3A_424 = arith.mulf %get3A_419, %exp3A_420 : vector<16xf32>
        %swap3A_425 = arith.index_cast %scan3A_397 : i32 to index
        %swap3A_426 = arith.constant 32 : index
        %swap3A_427 = tpu.vector_load %arg18[%swap3A_425, %swap3A_426] {strides = array<i32>} : memref<56x64xf32, #tpu.memory_space<vmem>>, vector<16xf32>,
        tpu.vector_store %arg18[%swap3A_425, %swap3A_426], %mul3A_424 {strides = array<i32>} : memref<56x64xf32, #tpu.memory_space<vmem>>, vector<16xf32>,
        %get3A_428 = arith.index_cast %scan3A_397 : i32 to index
        %get3A_429 = arith.constant 48 : index
        %get3A_430 = tpu.vector_load %arg18[%get3A_428, %get3A_429] {strides = array<i32>} : memref<56x64xf32, #tpu.memory_space<vmem>>, vector<16xf32>,
        %exp3A_431 = math.exp %get3A_430 : vector<16xf32>
        %swap3A_432 = arith.index_cast %scan3A_397 : i32 to index
        %swap3A_433 = arith.constant 48 : index
        %swap3A_434 = tpu.vector_load %arg22[%swap3A_432, %swap3A_433] {strides = array<i32>} : memref<56x64xf32, #tpu.memory_space<vmem>>, vector<16xf32>,
        tpu.vector_store %arg22[%swap3A_432, %swap3A_433], %exp3A_431 {strides = array<i32>} : memref<56x64xf32, #tpu.memory_space<vmem>>, vector<16xf32>,
        %mul3A_435 = arith.mulf %get3A_430, %exp3A_431 : vector<16xf32>
        %swap3A_436 = arith.index_cast %scan3A_397 : i32 to index
        %swap3A_437 = arith.constant 48 : index
        %swap3A_438 = tpu.vector_load %arg18[%swap3A_436, %swap3A_437] {strides = array<i32>} : memref<56x64xf32, #tpu.memory_space<vmem>>, vector<16xf32>,
        tpu.vector_store %arg18[%swap3A_436, %swap3A_437], %mul3A_435 {strides = array<i32>} : memref<56x64xf32, #tpu.memory_space<vmem>>, vector<16xf32>,
      }
      %scan3A_352 = arith.constant 56 : i32
      %dma_wait3A_353 = arith.constant 2 : i32
      %dma_wait3A_354 = arith.constant 0 : i32
      %dma_wait3A_355 = tpu.memref_slice %arg14[%dma_wait3A_353, %dma_wait3A_354] : memref<3x56xi32, #tpu.memory_space<vmem>> -> memref<1x56xi32, #tpu.memory_space<vmem>>
      %dma_wait3A_356 = tpu.memref_squeeze %dma_wait3A_355 : memref<1x56xi32, #tpu.memory_space<vmem>> -> memref<56xi32, #tpu.memory_space<vmem>>
      %dma_wait3A_357 = arith.constant 0 : i32
      %dma_wait3A_358 = arith.constant 0 : i32
      %dma_wait3A_359 = tpu.memref_slice %arg3[%arg0, %dma_wait3A_357, %dma_wait3A_358] : memref<2x3976x64xf32, #tpu.memory_space<hbm>> -> memref<1x3976x64xf32, #tpu.memory_space<hbm>>
      %dma_wait3A_360 = tpu.memref_squeeze %dma_wait3A_359 : memref<1x3976x64xf32, #tpu.memory_space<hbm>> -> memref<3976x64xf32, #tpu.memory_space<hbm>>
      %dma_wait3A_361 = arith.constant 0 : i32
      %dma_wait3A_362 = arith.constant 0 : i32
      %dma_wait3A_363 = tpu.memref_slice %dma_wait3A_360[%dma_wait3A_361, %dma_wait3A_362] : memref<3976x64xf32, #tpu.memory_space<hbm>> -> memref<3976x64xf32, #tpu.memory_space<hbm>>
      tpu.wait_indirect_dma semaphore(%arg35 : memref<!tpu.dma_semaphore, #tpu.memory_space<semaphore_mem>>) src(%dma_wait3A_363 : memref<3976x64xf32, #tpu.memory_space<hbm>>) dst(%arg26 : memref<56x64xf32, #tpu.memory_space<vmem>>)
      %dma_start3A_364 = arith.constant 0 : i32
      %dma_start3A_365 = arith.constant 0 : i32
      %dma_start3A_366 = tpu.memref_slice %arg14[%dma_start3A_364, %dma_start3A_365] : memref<3x56xi32, #tpu.memory_space<vmem>> -> memref<1x56xi32, #tpu.memory_space<vmem>>
      %dma_start3A_367 = tpu.memref_squeeze %dma_start3A_366 : memref<1x56xi32, #tpu.memory_space<vmem>> -> memref<56xi32, #tpu.memory_space<vmem>>
      %dma_start3A_368 = arith.constant 0 : i32
      %dma_start3A_369 = arith.constant 0 : i32
      %dma_start3A_370 = tpu.memref_slice %arg8[%dma_start3A_368, %dma_start3A_369] : memref<4096x64xf32, #tpu.memory_space<vmem_shared>> -> memref<4096x64xf32, #tpu.memory_space<vmem_shared>>
      tpu.enqueue_indirect_dma source(%arg22 : memref<56x64xf32, #tpu.memory_space<vmem>>) target(%dma_start3A_370 : memref<4096x64xf32, #tpu.memory_space<vmem_shared>>) offsets(%dma_start3A_367 : memref<56xi32, #tpu.memory_space<vmem>>) semaphore(%arg39 : memref<!tpu.dma_semaphore, #tpu.memory_space<semaphore_mem>>) {add = true}
      %dma_start3A_371 = arith.constant 0 : i32
      %dma_start3A_372 = arith.constant 0 : i32
      %dma_start3A_373 = tpu.memref_slice %arg14[%dma_start3A_371, %dma_start3A_372] : memref<3x56xi32, #tpu.memory_space<vmem>> -> memref<1x56xi32, #tpu.memory_space<vmem>>
      %dma_start3A_374 = tpu.memref_squeeze %dma_start3A_373 : memref<1x56xi32, #tpu.memory_space<vmem>> -> memref<56xi32, #tpu.memory_space<vmem>>
      %dma_start3A_375 = arith.constant 0 : i32
      %dma_start3A_376 = arith.constant 0 : i32
      %dma_start3A_377 = tpu.memref_slice %arg9[%dma_start3A_375, %dma_start3A_376] : memref<4096x64xf32, #tpu.memory_space<vmem_shared>> -> memref<4096x64xf32, #tpu.memory_space<vmem_shared>>
      tpu.enqueue_indirect_dma source(%arg18 : memref<56x64xf32, #tpu.memory_space<vmem>>) target(%dma_start3A_377 : memref<4096x64xf32, #tpu.memory_space<vmem_shared>>) offsets(%dma_start3A_374 : memref<56xi32, #tpu.memory_space<vmem>>) semaphore(%arg39 : memref<!tpu.dma_semaphore, #tpu.memory_space<semaphore_mem>>) {add = true}
      %dma_start3A_378 = arith.constant 0 : i32
      %dma_start3A_379 = arith.constant 0 : i32
      %dma_start3A_380 = tpu.memref_slice %arg14[%dma_start3A_378, %dma_start3A_379] : memref<3x56xi32, #tpu.memory_space<vmem>> -> memref<1x56xi32, #tpu.memory_space<vmem>>
      %dma_start3A_381 = tpu.memref_squeeze %dma_start3A_380 : memref<1x56xi32, #tpu.memory_space<vmem>> -> memref<56xi32, #tpu.memory_space<vmem>>
      %dma_start3A_382 = arith.constant 0 : i32
      %dma_start3A_383 = arith.constant 0 : i32
      %dma_start3A_384 = tpu.memref_slice %arg10[%dma_start3A_382, %dma_start3A_383] : memref<4096x64xf32, #tpu.memory_space<vmem_shared>> -> memref<4096x64xf32, #tpu.memory_space<vmem_shared>>
      tpu.enqueue_indirect_dma source(%arg26 : memref<56x64xf32, #tpu.memory_space<vmem>>) target(%dma_start3A_384 : memref<4096x64xf32, #tpu.memory_space<vmem_shared>>) offsets(%dma_start3A_381 : memref<56xi32, #tpu.memory_space<vmem>>) semaphore(%arg39 : memref<!tpu.dma_semaphore, #tpu.memory_space<semaphore_mem>>) {add = true}
      %ge3A_385 = arith.constant 2 : i32
      %ge3A_386 = arith.cmpi sge, %add3A_335, %ge3A_385 : i32
      %convert_element_type3A_387 = arith.extui %ge3A_386 : i1 to i32
      %cond3A_388 = arith.constant 0 : i32
      %cond3A_389 = arith.cmpi ne, %convert_element_type3A_387, %cond3A_388 : i32
      scf.if %cond3A_389 {
        %dma_wait3A_397 = arith.constant 0 : i32
        %dma_wait3A_398 = arith.constant 0 : i32
        %dma_wait3A_399 = tpu.memref_slice %arg12[%dma_wait3A_397, %dma_wait3A_398] : memref<3x56xi32, #tpu.memory_space<vmem>> -> memref<1x56xi32, #tpu.memory_space<vmem>>
        %dma_wait3A_400 = tpu.memref_squeeze %dma_wait3A_399 : memref<1x56xi32, #tpu.memory_space<vmem>> -> memref<56xi32, #tpu.memory_space<vmem>>
        %dma_wait3A_401 = arith.constant 0 : i32
        %dma_wait3A_402 = arith.constant 0 : i32
        %dma_wait3A_403 = tpu.memref_slice %arg8[%dma_wait3A_401, %dma_wait3A_402] : memref<4096x64xf32, #tpu.memory_space<vmem_shared>> -> memref<4096x64xf32, #tpu.memory_space<vmem_shared>>
        tpu.wait_indirect_dma semaphore(%arg37 : memref<!tpu.dma_semaphore, #tpu.memory_space<semaphore_mem>>) src(%arg20 : memref<56x64xf32, #tpu.memory_space<vmem>>) dst(%dma_wait3A_403 : memref<4096x64xf32, #tpu.memory_space<vmem_shared>>)
        %dma_wait3A_404 = arith.constant 0 : i32
        %dma_wait3A_405 = arith.constant 0 : i32
        %dma_wait3A_406 = tpu.memref_slice %arg12[%dma_wait3A_404, %dma_wait3A_405] : memref<3x56xi32, #tpu.memory_space<vmem>> -> memref<1x56xi32, #tpu.memory_space<vmem>>
        %dma_wait3A_407 = tpu.memref_squeeze %dma_wait3A_406 : memref<1x56xi32, #tpu.memory_space<vmem>> -> memref<56xi32, #tpu.memory_space<vmem>>
        %dma_wait3A_408 = arith.constant 0 : i32
        %dma_wait3A_409 = arith.constant 0 : i32
        %dma_wait3A_410 = tpu.memref_slice %arg9[%dma_wait3A_408, %dma_wait3A_409] : memref<4096x64xf32, #tpu.memory_space<vmem_shared>> -> memref<4096x64xf32, #tpu.memory_space<vmem_shared>>
        tpu.wait_indirect_dma semaphore(%arg37 : memref<!tpu.dma_semaphore, #tpu.memory_space<semaphore_mem>>) src(%arg16 : memref<56x64xf32, #tpu.memory_space<vmem>>) dst(%dma_wait3A_410 : memref<4096x64xf32, #tpu.memory_space<vmem_shared>>)
        %dma_wait3A_411 = arith.constant 0 : i32
        %dma_wait3A_412 = arith.constant 0 : i32
        %dma_wait3A_413 = tpu.memref_slice %arg12[%dma_wait3A_411, %dma_wait3A_412] : memref<3x56xi32, #tpu.memory_space<vmem>> -> memref<1x56xi32, #tpu.memory_space<vmem>>
        %dma_wait3A_414 = tpu.memref_squeeze %dma_wait3A_413 : memref<1x56xi32, #tpu.memory_space<vmem>> -> memref<56xi32, #tpu.memory_space<vmem>>
        %dma_wait3A_415 = arith.constant 0 : i32
        %dma_wait3A_416 = arith.constant 0 : i32
        %dma_wait3A_417 = tpu.memref_slice %arg10[%dma_wait3A_415, %dma_wait3A_416] : memref<4096x64xf32, #tpu.memory_space<vmem_shared>> -> memref<4096x64xf32, #tpu.memory_space<vmem_shared>>
        tpu.wait_indirect_dma semaphore(%arg37 : memref<!tpu.dma_semaphore, #tpu.memory_space<semaphore_mem>>) src(%arg24 : memref<56x64xf32, #tpu.memory_space<vmem>>) dst(%dma_wait3A_417 : memref<4096x64xf32, #tpu.memory_space<vmem_shared>>)
      } else {
      }
      %add3A_390 = arith.constant 2 : i32
      %add3A_391 = arith.addi %add3A_335, %add3A_390 : i32
      %lt3A_392 = arith.constant 284 : i32
      %lt3A_393 = arith.cmpi slt, %add3A_391, %lt3A_392 : i32
      %convert_element_type3A_394 = arith.extui %lt3A_393 : i1 to i32
      %cond3A_395 = arith.constant 0 : i32
      %cond3A_396 = arith.cmpi ne, %convert_element_type3A_394, %cond3A_395 : i32
      scf.if %cond3A_396 {
        %add3A_397 = arith.constant 2 : i32
        %add3A_398 = arith.addi %add3A_335, %add3A_397 : i32
        "tpu.region"() ({
          %run_scoped3A_421 = tpu.sem_alloc : memref<!tpu.dma_semaphore, #tpu.memory_space<semaphore_mem>>
          %dma_start3A_422 = arith.constant 0 : i32
          %dma_start3A_423 = arith.constant 0 : i32
          %dma_start3A_424 = tpu.memref_slice %arg4[%arg1, %add3A_398, %dma_start3A_422, %dma_start3A_423] : memref<16x284x3x56xi32, #tpu.memory_space<hbm>> -> memref<1x1x3x56xi32, #tpu.memory_space<hbm>>
          %dma_start3A_425 = tpu.memref_squeeze %dma_start3A_424 : memref<1x1x3x56xi32, #tpu.memory_space<hbm>> -> memref<3x56xi32, #tpu.memory_space<hbm>>
          %dma_start3A_426 = arith.constant 0 : i32
          %dma_start3A_427 = arith.constant 0 : i32
          %dma_start3A_428 = tpu.memref_slice %arg4[%arg1, %add3A_398, %dma_start3A_426, %dma_start3A_427] : memref<16x284x3x56xi32, #tpu.memory_space<hbm>> -> memref<1x1x3x56xi32, #tpu.memory_space<hbm>>
          %dma_start3A_429 = tpu.memref_squeeze %dma_start3A_428 : memref<1x1x3x56xi32, #tpu.memory_space<hbm>> -> memref<3x56xi32, #tpu.memory_space<hbm>>
          tpu.enqueue_dma source(%dma_start3A_429 : memref<3x56xi32, #tpu.memory_space<hbm>>) target(%arg12 : memref<3x56xi32, #tpu.memory_space<vmem>>) target_semaphore(%run_scoped3A_421 : memref<!tpu.dma_semaphore, #tpu.memory_space<semaphore_mem>>)
          %dma_wait3A_430 = arith.constant 0 : i32
          %dma_wait3A_431 = arith.constant 0 : i32
          %dma_wait3A_432 = tpu.memref_slice %arg4[%arg1, %add3A_398, %dma_wait3A_430, %dma_wait3A_431] : memref<16x284x3x56xi32, #tpu.memory_space<hbm>> -> memref<1x1x3x56xi32, #tpu.memory_space<hbm>>
          %dma_wait3A_433 = tpu.memref_squeeze %dma_wait3A_432 : memref<1x1x3x56xi32, #tpu.memory_space<hbm>> -> memref<3x56xi32, #tpu.memory_space<hbm>>
          %dma_wait3A_434 = arith.constant 0 : i32
          %dma_wait3A_435 = arith.constant 0 : i32
          %dma_wait3A_436 = tpu.memref_slice %arg4[%arg1, %add3A_398, %dma_wait3A_434, %dma_wait3A_435] : memref<16x284x3x56xi32, #tpu.memory_space<hbm>> -> memref<1x1x3x56xi32, #tpu.memory_space<hbm>>
          %dma_wait3A_437 = tpu.memref_squeeze %dma_wait3A_436 : memref<1x1x3x56xi32, #tpu.memory_space<hbm>> -> memref<3x56xi32, #tpu.memory_space<hbm>>
          tpu.wait_dma2 semaphore(%run_scoped3A_421 : memref<!tpu.dma_semaphore, #tpu.memory_space<semaphore_mem>>) src(%dma_wait3A_437 : memref<3x56xi32, #tpu.memory_space<hbm>>) dst(%arg12 : memref<3x56xi32, #tpu.memory_space<vmem>>)
          tpu.yield
        }) : () -> ()
        %dma_start3A_399 = arith.constant 1 : i32
        %dma_start3A_400 = arith.constant 0 : i32
        %dma_start3A_401 = tpu.memref_slice %arg12[%dma_start3A_399, %dma_start3A_400] : memref<3x56xi32, #tpu.memory_space<vmem>> -> memref<1x56xi32, #tpu.memory_space<vmem>>
        %dma_start3A_402 = tpu.memref_squeeze %dma_start3A_401 : memref<1x56xi32, #tpu.memory_space<vmem>> -> memref<56xi32, #tpu.memory_space<vmem>>
        %dma_start3A_403 = arith.constant 0 : i32
        %dma_start3A_404 = arith.constant 0 : i32
        %dma_start3A_405 = tpu.memref_slice %arg2[%arg0, %dma_start3A_403, %dma_start3A_404] : memref<2x15904x64xf32, #tpu.memory_space<hbm>> -> memref<1x15904x64xf32, #tpu.memory_space<hbm>>
        %dma_start3A_406 = tpu.memref_squeeze %dma_start3A_405 : memref<1x15904x64xf32, #tpu.memory_space<hbm>> -> memref<15904x64xf32, #tpu.memory_space<hbm>>
        %dma_start3A_407 = arith.constant 0 : i32
        %dma_start3A_408 = arith.constant 0 : i32
        %dma_start3A_409 = tpu.memref_slice %dma_start3A_406[%dma_start3A_407, %dma_start3A_408] : memref<15904x64xf32, #tpu.memory_space<hbm>> -> memref<15904x64xf32, #tpu.memory_space<hbm>>
        tpu.enqueue_indirect_dma source(%dma_start3A_409 : memref<15904x64xf32, #tpu.memory_space<hbm>>) target(%arg16 : memref<56x64xf32, #tpu.memory_space<vmem>>) offsets(%dma_start3A_402 : memref<56xi32, #tpu.memory_space<vmem>>) semaphore(%arg29 : memref<!tpu.dma_semaphore, #tpu.memory_space<semaphore_mem>>)
        %dma_start3A_410 = arith.constant 2 : i32
        %dma_start3A_411 = arith.constant 0 : i32
        %dma_start3A_412 = tpu.memref_slice %arg12[%dma_start3A_410, %dma_start3A_411] : memref<3x56xi32, #tpu.memory_space<vmem>> -> memref<1x56xi32, #tpu.memory_space<vmem>>
        %dma_start3A_413 = tpu.memref_squeeze %dma_start3A_412 : memref<1x56xi32, #tpu.memory_space<vmem>> -> memref<56xi32, #tpu.memory_space<vmem>>
        %dma_start3A_414 = arith.constant 0 : i32
        %dma_start3A_415 = arith.constant 0 : i32
        %dma_start3A_416 = tpu.memref_slice %arg3[%arg0, %dma_start3A_414, %dma_start3A_415] : memref<2x3976x64xf32, #tpu.memory_space<hbm>> -> memref<1x3976x64xf32, #tpu.memory_space<hbm>>
        %dma_start3A_417 = tpu.memref_squeeze %dma_start3A_416 : memref<1x3976x64xf32, #tpu.memory_space<hbm>> -> memref<3976x64xf32, #tpu.memory_space<hbm>>
        %dma_start3A_418 = arith.constant 0 : i32
        %dma_start3A_419 = arith.constant 0 : i32
        %dma_start3A_420 = tpu.memref_slice %dma_start3A_417[%dma_start3A_418, %dma_start3A_419] : memref<3976x64xf32, #tpu.memory_space<hbm>> -> memref<3976x64xf32, #tpu.memory_space<hbm>>
        tpu.enqueue_indirect_dma source(%dma_start3A_420 : memref<3976x64xf32, #tpu.memory_space<hbm>>) target(%arg24 : memref<56x64xf32, #tpu.memory_space<vmem>>) offsets(%dma_start3A_413 : memref<56xi32, #tpu.memory_space<vmem>>) semaphore(%arg33 : memref<!tpu.dma_semaphore, #tpu.memory_space<semaphore_mem>>)
      } else {
      }
    }
    %scan3A_103 = arith.constant 71 : i32
    %dma_wait3A = arith.constant 0 : i32
    %dma_wait3A_104 = arith.constant 0 : i32
    %dma_wait3A_105 = tpu.memref_slice %arg13[%dma_wait3A, %dma_wait3A_104] : memref<3x56xi32, #tpu.memory_space<vmem>> -> memref<1x56xi32, #tpu.memory_space<vmem>>
    %dma_wait3A_106 = tpu.memref_squeeze %dma_wait3A_105 : memref<1x56xi32, #tpu.memory_space<vmem>> -> memref<56xi32, #tpu.memory_space<vmem>>
    %dma_wait3A_107 = arith.constant 0 : i32
    %dma_wait3A_108 = arith.constant 0 : i32
    %dma_wait3A_109 = tpu.memref_slice %arg8[%dma_wait3A_107, %dma_wait3A_108] : memref<4096x64xf32, #tpu.memory_space<vmem_shared>> -> memref<4096x64xf32, #tpu.memory_space<vmem_shared>>
    tpu.wait_indirect_dma semaphore(%arg38 : memref<!tpu.dma_semaphore, #tpu.memory_space<semaphore_mem>>) src(%arg21 : memref<56x64xf32, #tpu.memory_space<vmem>>) dst(%dma_wait3A_109 : memref<4096x64xf32, #tpu.memory_space<vmem_shared>>)
    %dma_wait3A_110 = arith.constant 0 : i32
    %dma_wait3A_111 = arith.constant 0 : i32
    %dma_wait3A_112 = tpu.memref_slice %arg13[%dma_wait3A_110, %dma_wait3A_111] : memref<3x56xi32, #tpu.memory_space<vmem>> -> memref<1x56xi32, #tpu.memory_space<vmem>>
    %dma_wait3A_113 = tpu.memref_squeeze %dma_wait3A_112 : memref<1x56xi32, #tpu.memory_space<vmem>> -> memref<56xi32, #tpu.memory_space<vmem>>
    %dma_wait3A_114 = arith.constant 0 : i32
    %dma_wait3A_115 = arith.constant 0 : i32
    %dma_wait3A_116 = tpu.memref_slice %arg9[%dma_wait3A_114, %dma_wait3A_115] : memref<4096x64xf32, #tpu.memory_space<vmem_shared>> -> memref<4096x64xf32, #tpu.memory_space<vmem_shared>>
    tpu.wait_indirect_dma semaphore(%arg38 : memref<!tpu.dma_semaphore, #tpu.memory_space<semaphore_mem>>) src(%arg17 : memref<56x64xf32, #tpu.memory_space<vmem>>) dst(%dma_wait3A_116 : memref<4096x64xf32, #tpu.memory_space<vmem_shared>>)
    %dma_wait3A_117 = arith.constant 0 : i32
    %dma_wait3A_118 = arith.constant 0 : i32
    %dma_wait3A_119 = tpu.memref_slice %arg13[%dma_wait3A_117, %dma_wait3A_118] : memref<3x56xi32, #tpu.memory_space<vmem>> -> memref<1x56xi32, #tpu.memory_space<vmem>>
    %dma_wait3A_120 = tpu.memref_squeeze %dma_wait3A_119 : memref<1x56xi32, #tpu.memory_space<vmem>> -> memref<56xi32, #tpu.memory_space<vmem>>
    %dma_wait3A_121 = arith.constant 0 : i32
    %dma_wait3A_122 = arith.constant 0 : i32
    %dma_wait3A_123 = tpu.memref_slice %arg10[%dma_wait3A_121, %dma_wait3A_122] : memref<4096x64xf32, #tpu.memory_space<vmem_shared>> -> memref<4096x64xf32, #tpu.memory_space<vmem_shared>>
    tpu.wait_indirect_dma semaphore(%arg38 : memref<!tpu.dma_semaphore, #tpu.memory_space<semaphore_mem>>) src(%arg25 : memref<56x64xf32, #tpu.memory_space<vmem>>) dst(%dma_wait3A_123 : memref<4096x64xf32, #tpu.memory_space<vmem_shared>>)
    %dma_wait3A_124 = arith.constant 0 : i32
    %dma_wait3A_125 = arith.constant 0 : i32
    %dma_wait3A_126 = tpu.memref_slice %arg14[%dma_wait3A_124, %dma_wait3A_125] : memref<3x56xi32, #tpu.memory_space<vmem>> -> memref<1x56xi32, #tpu.memory_space<vmem>>
    %dma_wait3A_127 = tpu.memref_squeeze %dma_wait3A_126 : memref<1x56xi32, #tpu.memory_space<vmem>> -> memref<56xi32, #tpu.memory_space<vmem>>
    %dma_wait3A_128 = arith.constant 0 : i32
    %dma_wait3A_129 = arith.constant 0 : i32
    %dma_wait3A_130 = tpu.memref_slice %arg8[%dma_wait3A_128, %dma_wait3A_129] : memref<4096x64xf32, #tpu.memory_space<vmem_shared>> -> memref<4096x64xf32, #tpu.memory_space<vmem_shared>>
    tpu.wait_indirect_dma semaphore(%arg39 : memref<!tpu.dma_semaphore, #tpu.memory_space<semaphore_mem>>) src(%arg22 : memref<56x64xf32, #tpu.memory_space<vmem>>) dst(%dma_wait3A_130 : memref<4096x64xf32, #tpu.memory_space<vmem_shared>>)
    %dma_wait3A_131 = arith.constant 0 : i32
    %dma_wait3A_132 = arith.constant 0 : i32
    %dma_wait3A_133 = tpu.memref_slice %arg14[%dma_wait3A_131, %dma_wait3A_132] : memref<3x56xi32, #tpu.memory_space<vmem>> -> memref<1x56xi32, #tpu.memory_space<vmem>>
    %dma_wait3A_134 = tpu.memref_squeeze %dma_wait3A_133 : memref<1x56xi32, #tpu.memory_space<vmem>> -> memref<56xi32, #tpu.memory_space<vmem>>
    %dma_wait3A_135 = arith.constant 0 : i32
    %dma_wait3A_136 = arith.constant 0 : i32
    %dma_wait3A_137 = tpu.memref_slice %arg9[%dma_wait3A_135, %dma_wait3A_136] : memref<4096x64xf32, #tpu.memory_space<vmem_shared>> -> memref<4096x64xf32, #tpu.memory_space<vmem_shared>>
    tpu.wait_indirect_dma semaphore(%arg39 : memref<!tpu.dma_semaphore, #tpu.memory_space<semaphore_mem>>) src(%arg18 : memref<56x64xf32, #tpu.memory_space<vmem>>) dst(%dma_wait3A_137 : memref<4096x64xf32, #tpu.memory_space<vmem_shared>>)
    %dma_wait3A_138 = arith.constant 0 : i32
    %dma_wait3A_139 = arith.constant 0 : i32
    %dma_wait3A_140 = tpu.memref_slice %arg14[%dma_wait3A_138, %dma_wait3A_139] : memref<3x56xi32, #tpu.memory_space<vmem>> -> memref<1x56xi32, #tpu.memory_space<vmem>>
    %dma_wait3A_141 = tpu.memref_squeeze %dma_wait3A_140 : memref<1x56xi32, #tpu.memory_space<vmem>> -> memref<56xi32, #tpu.memory_space<vmem>>
    %dma_wait3A_142 = arith.constant 0 : i32
    %dma_wait3A_143 = arith.constant 0 : i32
    %dma_wait3A_144 = tpu.memref_slice %arg10[%dma_wait3A_142, %dma_wait3A_143] : memref<4096x64xf32, #tpu.memory_space<vmem_shared>> -> memref<4096x64xf32, #tpu.memory_space<vmem_shared>>
    tpu.wait_indirect_dma semaphore(%arg39 : memref<!tpu.dma_semaphore, #tpu.memory_space<semaphore_mem>>) src(%arg26 : memref<56x64xf32, #tpu.memory_space<vmem>>) dst(%dma_wait3A_144 : memref<4096x64xf32, #tpu.memory_space<vmem_shared>>)
    %barrier3A_145 = arith.constant 0 : index
    tpu.barrier barrier_id(%barrier3A_145)
    "tpu.region"() ({
      %run_scoped3A_146 = tpu.sem_alloc : memref<!tpu.dma_semaphore, #tpu.memory_space<semaphore_mem>>
      %dma_start3A_147 = arith.constant 0 : i32
      %dma_start3A_148 = tpu.memref_slice %arg5[%arg0, %mul3A_6, %dma_start3A_147] : memref<2x4096x64xf32, #tpu.memory_space<hbm>> -> memref<1x256x64xf32, #tpu.memory_space<hbm>>
      %dma_start3A_149 = tpu.memref_squeeze %dma_start3A_148 : memref<1x256x64xf32, #tpu.memory_space<hbm>> -> memref<256x64xf32, #tpu.memory_space<hbm>>
      %dma_start3A_150 = arith.constant 0 : i32
      %dma_start3A_151 = tpu.memref_slice %arg8[%mul3A_6, %dma_start3A_150] : memref<4096x64xf32, #tpu.memory_space<vmem_shared>> -> memref<256x64xf32, #tpu.memory_space<vmem_shared>>
      tpu.enqueue_dma source(%dma_start3A_151 : memref<256x64xf32, #tpu.memory_space<vmem_shared>>) target(%dma_start3A_149 : memref<256x64xf32, #tpu.memory_space<hbm>>) target_semaphore(%run_scoped3A_146 : memref<!tpu.dma_semaphore, #tpu.memory_space<semaphore_mem>>)
      %dma_wait3A_152 = arith.constant 0 : i32
      %dma_wait3A_153 = tpu.memref_slice %arg5[%arg0, %mul3A_6, %dma_wait3A_152] : memref<2x4096x64xf32, #tpu.memory_space<hbm>> -> memref<1x256x64xf32, #tpu.memory_space<hbm>>
      %dma_wait3A_154 = tpu.memref_squeeze %dma_wait3A_153 : memref<1x256x64xf32, #tpu.memory_space<hbm>> -> memref<256x64xf32, #tpu.memory_space<hbm>>
      %dma_wait3A_155 = arith.constant 0 : i32
      %dma_wait3A_156 = tpu.memref_slice %arg8[%mul3A_6, %dma_wait3A_155] : memref<4096x64xf32, #tpu.memory_space<vmem_shared>> -> memref<256x64xf32, #tpu.memory_space<vmem_shared>>
      tpu.wait_dma2 semaphore(%run_scoped3A_146 : memref<!tpu.dma_semaphore, #tpu.memory_space<semaphore_mem>>) src(%dma_wait3A_156 : memref<256x64xf32, #tpu.memory_space<vmem_shared>>) dst(%dma_wait3A_154 : memref<256x64xf32, #tpu.memory_space<hbm>>)
      tpu.yield
    }) : () -> ()
    "tpu.region"() ({
      %run_scoped3A_146 = tpu.sem_alloc : memref<!tpu.dma_semaphore, #tpu.memory_space<semaphore_mem>>
      %dma_start3A_147 = arith.constant 0 : i32
      %dma_start3A_148 = tpu.memref_slice %arg6[%arg0, %mul3A_6, %dma_start3A_147] : memref<2x4096x64xf32, #tpu.memory_space<hbm>> -> memref<1x256x64xf32, #tpu.memory_space<hbm>>
      %dma_start3A_149 = tpu.memref_squeeze %dma_start3A_148 : memref<1x256x64xf32, #tpu.memory_space<hbm>> -> memref<256x64xf32, #tpu.memory_space<hbm>>
      %dma_start3A_150 = arith.constant 0 : i32
      %dma_start3A_151 = tpu.memref_slice %arg9[%mul3A_6, %dma_start3A_150] : memref<4096x64xf32, #tpu.memory_space<vmem_shared>> -> memref<256x64xf32, #tpu.memory_space<vmem_shared>>
      tpu.enqueue_dma source(%dma_start3A_151 : memref<256x64xf32, #tpu.memory_space<vmem_shared>>) target(%dma_start3A_149 : memref<256x64xf32, #tpu.memory_space<hbm>>) target_semaphore(%run_scoped3A_146 : memref<!tpu.dma_semaphore, #tpu.memory_space<semaphore_mem>>)
      %dma_wait3A_152 = arith.constant 0 : i32
      %dma_wait3A_153 = tpu.memref_slice %arg6[%arg0, %mul3A_6, %dma_wait3A_152] : memref<2x4096x64xf32, #tpu.memory_space<hbm>> -> memref<1x256x64xf32, #tpu.memory_space<hbm>>
      %dma_wait3A_154 = tpu.memref_squeeze %dma_wait3A_153 : memref<1x256x64xf32, #tpu.memory_space<hbm>> -> memref<256x64xf32, #tpu.memory_space<hbm>>
      %dma_wait3A_155 = arith.constant 0 : i32
      %dma_wait3A_156 = tpu.memref_slice %arg9[%mul3A_6, %dma_wait3A_155] : memref<4096x64xf32, #tpu.memory_space<vmem_shared>> -> memref<256x64xf32, #tpu.memory_space<vmem_shared>>
      tpu.wait_dma2 semaphore(%run_scoped3A_146 : memref<!tpu.dma_semaphore, #tpu.memory_space<semaphore_mem>>) src(%dma_wait3A_156 : memref<256x64xf32, #tpu.memory_space<vmem_shared>>) dst(%dma_wait3A_154 : memref<256x64xf32, #tpu.memory_space<hbm>>)
      tpu.yield
    }) : () -> ()
    "tpu.region"() ({
      %run_scoped3A_146 = tpu.sem_alloc : memref<!tpu.dma_semaphore, #tpu.memory_space<semaphore_mem>>
      %dma_start3A_147 = arith.constant 0 : i32
      %dma_start3A_148 = tpu.memref_slice %arg7[%arg0, %mul3A_6, %dma_start3A_147] : memref<2x4096x64xf32, #tpu.memory_space<hbm>> -> memref<1x256x64xf32, #tpu.memory_space<hbm>>
      %dma_start3A_149 = tpu.memref_squeeze %dma_start3A_148 : memref<1x256x64xf32, #tpu.memory_space<hbm>> -> memref<256x64xf32, #tpu.memory_space<hbm>>
      %dma_start3A_150 = arith.constant 0 : i32
      %dma_start3A_151 = tpu.memref_slice %arg10[%mul3A_6, %dma_start3A_150] : memref<4096x64xf32, #tpu.memory_space<vmem_shared>> -> memref<256x64xf32, #tpu.memory_space<vmem_shared>>
      tpu.enqueue_dma source(%dma_start3A_151 : memref<256x64xf32, #tpu.memory_space<vmem_shared>>) target(%dma_start3A_149 : memref<256x64xf32, #tpu.memory_space<hbm>>) target_semaphore(%run_scoped3A_146 : memref<!tpu.dma_semaphore, #tpu.memory_space<semaphore_mem>>)
      %dma_wait3A_152 = arith.constant 0 : i32
      %dma_wait3A_153 = tpu.memref_slice %arg7[%arg0, %mul3A_6, %dma_wait3A_152] : memref<2x4096x64xf32, #tpu.memory_space<hbm>> -> memref<1x256x64xf32, #tpu.memory_space<hbm>>
      %dma_wait3A_154 = tpu.memref_squeeze %dma_wait3A_153 : memref<1x256x64xf32, #tpu.memory_space<hbm>> -> memref<256x64xf32, #tpu.memory_space<hbm>>
      %dma_wait3A_155 = arith.constant 0 : i32
      %dma_wait3A_156 = tpu.memref_slice %arg10[%mul3A_6, %dma_wait3A_155] : memref<4096x64xf32, #tpu.memory_space<vmem_shared>> -> memref<256x64xf32, #tpu.memory_space<vmem_shared>>
      tpu.wait_dma2 semaphore(%run_scoped3A_146 : memref<!tpu.dma_semaphore, #tpu.memory_space<semaphore_mem>>) src(%dma_wait3A_156 : memref<256x64xf32, #tpu.memory_space<vmem_shared>>) dst(%dma_wait3A_154 : memref<256x64xf32, #tpu.memory_space<hbm>>)
      tpu.yield
    }) : () -> ()
    return
  }
}

#map = affine_map<(d0, d1) -> (0, 0)>
#map1 = affine_map<(d0, d1) -> (0)>
module attributes {stable_mosaic.version = 14 : i64} {
  func.func @_gather_kernel(%arg0: i32, %arg1: i32, %arg2: memref<3976x128xf32, #tpu.memory_space<hbm>>, %arg3: memref<1024xi32, #tpu.memory_space<hbm>>, %arg4: memref<1024x128xf32, #tpu.memory_space<hbm>>, %arg5: memref<32xi32, #tpu.memory_space<vmem>>, %arg6: memref<32x128xf32, #tpu.memory_space<vmem>>, %arg7: memref<!tpu.dma_semaphore, #tpu.memory_space<semaphore_mem>>) attributes {dimension_semantics = [#tpu.dimension_semantics<core_parallel>, #tpu.dimension_semantics<subcore_parallel>], iteration_bounds = array<i64: 2, 16>, scalar_prefetch = 0 : i64, scratch_operands = 3 : i64, tpu.core_type = #tpu.core_type<sc_vector_subcore>, window_params = [{transform_indices = #map}, {transform_indices = #map1}, {transform_indices = #map}]} {
    %mul3A = arith.constant 2 : i32
    %mul3A_0 = arith.muli %arg1, %mul3A : i32
    %add3A = arith.addi %mul3A_0, %arg0 : i32
    %mul3A_1 = arith.constant 32 : i32
    %mul3A_2 = arith.muli %add3A, %mul3A_1 : i32
    "tpu.region"() ({
      %run_scoped3A = tpu.sem_alloc : memref<!tpu.dma_semaphore, #tpu.memory_space<semaphore_mem>>
      %dma_start3A_7 = tpu.memref_slice %arg3[%mul3A_2] : memref<1024xi32, #tpu.memory_space<hbm>> -> memref<32xi32, #tpu.memory_space<hbm>>
      %dma_start3A_8 = tpu.memref_slice %arg3[%mul3A_2] : memref<1024xi32, #tpu.memory_space<hbm>> -> memref<32xi32, #tpu.memory_space<hbm>>
      tpu.enqueue_dma source(%dma_start3A_8 : memref<32xi32, #tpu.memory_space<hbm>>) target(%arg5 : memref<32xi32, #tpu.memory_space<vmem>>) target_semaphore(%run_scoped3A : memref<!tpu.dma_semaphore, #tpu.memory_space<semaphore_mem>>)
      %dma_wait3A_9 = tpu.memref_slice %arg3[%mul3A_2] : memref<1024xi32, #tpu.memory_space<hbm>> -> memref<32xi32, #tpu.memory_space<hbm>>
      %dma_wait3A_10 = tpu.memref_slice %arg3[%mul3A_2] : memref<1024xi32, #tpu.memory_space<hbm>> -> memref<32xi32, #tpu.memory_space<hbm>>
      tpu.wait_dma2 semaphore(%run_scoped3A : memref<!tpu.dma_semaphore, #tpu.memory_space<semaphore_mem>>) src(%dma_wait3A_10 : memref<32xi32, #tpu.memory_space<hbm>>) dst(%arg5 : memref<32xi32, #tpu.memory_space<vmem>>)
      tpu.yield
    }) : () -> ()
    %dma_start3A = arith.constant 0 : i32
    %dma_start3A_3 = arith.constant 0 : i32
    %dma_start3A_4 = tpu.memref_slice %arg2[%dma_start3A, %dma_start3A_3] : memref<3976x128xf32, #tpu.memory_space<hbm>> -> memref<3976x128xf32, #tpu.memory_space<hbm>>
    tpu.enqueue_indirect_dma source(%dma_start3A_4 : memref<3976x128xf32, #tpu.memory_space<hbm>>) target(%arg6 : memref<32x128xf32, #tpu.memory_space<vmem>>) offsets(%arg5 : memref<32xi32, #tpu.memory_space<vmem>>) semaphore(%arg7 : memref<!tpu.dma_semaphore, #tpu.memory_space<semaphore_mem>>)
    %dma_wait3A = arith.constant 0 : i32
    %dma_wait3A_5 = arith.constant 0 : i32
    %dma_wait3A_6 = tpu.memref_slice %arg2[%dma_wait3A, %dma_wait3A_5] : memref<3976x128xf32, #tpu.memory_space<hbm>> -> memref<3976x128xf32, #tpu.memory_space<hbm>>
    tpu.wait_indirect_dma semaphore(%arg7 : memref<!tpu.dma_semaphore, #tpu.memory_space<semaphore_mem>>) src(%dma_wait3A_6 : memref<3976x128xf32, #tpu.memory_space<hbm>>) dst(%arg6 : memref<32x128xf32, #tpu.memory_space<vmem>>)
    "tpu.region"() ({
      %run_scoped3A = tpu.sem_alloc : memref<!tpu.dma_semaphore, #tpu.memory_space<semaphore_mem>>
      %dma_start3A_7 = arith.constant 0 : i32
      %dma_start3A_8 = tpu.memref_slice %arg4[%mul3A_2, %dma_start3A_7] : memref<1024x128xf32, #tpu.memory_space<hbm>> -> memref<32x128xf32, #tpu.memory_space<hbm>>
      %dma_start3A_9 = arith.constant 0 : i32
      %dma_start3A_10 = tpu.memref_slice %arg4[%mul3A_2, %dma_start3A_9] : memref<1024x128xf32, #tpu.memory_space<hbm>> -> memref<32x128xf32, #tpu.memory_space<hbm>>
      tpu.enqueue_dma source(%arg6 : memref<32x128xf32, #tpu.memory_space<vmem>>) target(%dma_start3A_10 : memref<32x128xf32, #tpu.memory_space<hbm>>) target_semaphore(%run_scoped3A : memref<!tpu.dma_semaphore, #tpu.memory_space<semaphore_mem>>)
      %dma_wait3A_11 = arith.constant 0 : i32
      %dma_wait3A_12 = tpu.memref_slice %arg4[%mul3A_2, %dma_wait3A_11] : memref<1024x128xf32, #tpu.memory_space<hbm>> -> memref<32x128xf32, #tpu.memory_space<hbm>>
      %dma_wait3A_13 = arith.constant 0 : i32
      %dma_wait3A_14 = tpu.memref_slice %arg4[%mul3A_2, %dma_wait3A_13] : memref<1024x128xf32, #tpu.memory_space<hbm>> -> memref<32x128xf32, #tpu.memory_space<hbm>>
      tpu.wait_dma2 semaphore(%run_scoped3A : memref<!tpu.dma_semaphore, #tpu.memory_space<semaphore_mem>>) src(%arg6 : memref<32x128xf32, #tpu.memory_space<vmem>>) dst(%dma_wait3A_14 : memref<32x128xf32, #tpu.memory_space<hbm>>)
      tpu.yield
    }) : () -> ()
    return
  }
}

module attributes {stable_mosaic.version = 14 : i64} {
  func.func @_pre_body(%arg0: memref<3976x128xf32, #tpu.memory_space<vmem>>, %arg1: memref<32x4096xf32, #tpu.memory_space<vmem>>, %arg2: memref<128x128xf32, #tpu.memory_space<vmem>>, %arg3: memref<1x128xf32, #tpu.memory_space<vmem>>, %arg4: memref<1x128xf32, #tpu.memory_space<vmem>>, %arg5: memref<1x128xf32, #tpu.memory_space<vmem>>, %arg6: memref<128x128xf32, #tpu.memory_space<vmem>>, %arg7: memref<1x128xf32, #tpu.memory_space<vmem>>, %arg8: memref<128x128xf32, #tpu.memory_space<vmem>>, %arg9: memref<1x128xf32, #tpu.memory_space<vmem>>, %arg10: memref<1x128xf32, #tpu.memory_space<vmem>>, %arg11: memref<1x128xf32, #tpu.memory_space<vmem>>, %arg12: memref<4x128x128xf32, #tpu.memory_space<vmem>>, %arg13: memref<3976x128xf32, #tpu.memory_space<vmem>>, %arg14: memref<3976x128xf32, #tpu.memory_space<vmem>>, %arg15: memref<3976x4x128xf32, #tpu.memory_space<vmem>>, %arg16: memref<1x128xf32, #tpu.memory_space<vmem>>) attributes {dimension_semantics = [], scalar_prefetch = 0 : i64, scratch_operands = 0 : i64, tpu.core_type = #tpu.core_type<tc>} {
    %get3A = arith.constant 0 : index
    %get3A_0 = arith.constant 0 : index
    %get3A_1 = vector.load %arg1[%get3A, %get3A_0] : memref<32x4096xf32, #tpu.memory_space<vmem>>, vector<32x4096xf32>
    %reduce_sum3A = arith.constant dense<0.000000e+00> : vector<4096xf32>
    %reduce_sum3A_2 = vector.multi_reduction <add>, %get3A_1, %reduce_sum3A [0] : vector<32x4096xf32> to vector<4096xf32>
    %slice3A = vector.extract_strided_slice %reduce_sum3A_2 {offsets = [0], sizes = [3976], strides = [1]} : vector<4096xf32> to vector<3976xf32>
    %gt3A = arith.constant 0.000000e+00 : f32
    %gt3A_3 = vector.broadcast %gt3A : f32 to vector<3976xf32>
    %gt3A_4 = arith.cmpf ogt, %slice3A, %gt3A_3 : vector<3976xf32>
    %max3A = arith.constant 1.000000e+00 : f32
    %max3A_5 = vector.broadcast %max3A : f32 to vector<3976xf32>
    %max3A_6 = arith.maximumf %slice3A, %max3A_5 : vector<3976xf32>
    %rsqrt3A = math.rsqrt %max3A_6 : vector<3976xf32>
    %jit3A = arith.constant 0.000000e+00 : f32
    %broadcast_in_dim3A = vector.broadcast %jit3A : f32 to vector<3976xf32>
    %select_n3A = arith.select %gt3A_4, %rsqrt3A, %broadcast_in_dim3A : vector<3976xi1>, vector<3976xf32>
    %broadcast_in_dim3A_7 = vector.shape_cast %select_n3A : vector<3976xf32> to vector<3976x1xf32>
    %get3A_8 = arith.constant 0 : index
    %get3A_9 = arith.constant 0 : index
    %get3A_10 = vector.load %arg0[%get3A_8, %get3A_9] : memref<3976x128xf32, #tpu.memory_space<vmem>>, vector<3976x128xf32>
    %get3A_11 = arith.constant 0 : index
    %get3A_12 = arith.constant 0 : index
    %get3A_13 = vector.load %arg2[%get3A_11, %get3A_12] : memref<128x128xf32, #tpu.memory_space<vmem>>, vector<128x128xf32>
    %dot_general3A = arith.constant dense<0.000000e+00> : vector<3976x128xf32>
    %dot_general3A_14 = tpu.matmul %get3A_10, %get3A_13, %dot_general3A {dimension_numbers = #tpu.dot_dimension_numbers<[1], [0], [0], [1], [0, 0, 1, 1], [], []>, transpose_lhs_hint = false} : vector<3976x128xf32>, vector<128x128xf32>, vector<3976x128xf32> -> vector<3976x128xf32>
    %get3A_15 = arith.constant 0 : index
    %get3A_16 = arith.constant 0 : index
    %get3A_17 = vector.load %arg3[%get3A_15, %get3A_16] : memref<1x128xf32, #tpu.memory_space<vmem>>, vector<1x128xf32>
    %add3A = vector.broadcast %get3A_17 : vector<1x128xf32> to vector<3976x128xf32>
    %add3A_18 = arith.addf %dot_general3A_14, %add3A : vector<3976x128xf32>
    %reduce_sum3A_19 = arith.constant dense<0.000000e+00> : vector<128xf32>
    %reduce_sum3A_20 = vector.multi_reduction <add>, %add3A_18, %reduce_sum3A_19 [0] : vector<3976x128xf32> to vector<128xf32>
    %broadcast_in_dim3A_21 = vector.shape_cast %reduce_sum3A_20 : vector<128xf32> to vector<1x128xf32>
    %div3A = arith.constant 3.976000e+03 : f32
    %div3A_22 = vector.broadcast %div3A : f32 to vector<1x128xf32>
    %div3A_23 = arith.divf %broadcast_in_dim3A_21, %div3A_22 : vector<1x128xf32>
    %sub3A = vector.broadcast %div3A_23 : vector<1x128xf32> to vector<3976x128xf32>
    %sub3A_24 = arith.subf %add3A_18, %sub3A : vector<3976x128xf32>
    %integer_pow3A = arith.mulf %sub3A_24, %sub3A_24 : vector<3976x128xf32>
    %reduce_sum3A_25 = arith.constant dense<0.000000e+00> : vector<128xf32>
    %reduce_sum3A_26 = vector.multi_reduction <add>, %integer_pow3A, %reduce_sum3A_25 [0] : vector<3976x128xf32> to vector<128xf32>
    %broadcast_in_dim3A_27 = vector.shape_cast %reduce_sum3A_26 : vector<128xf32> to vector<1x128xf32>
    %div3A_28 = arith.constant 3.976000e+03 : f32
    %div3A_29 = vector.broadcast %div3A_28 : f32 to vector<1x128xf32>
    %div3A_30 = arith.divf %broadcast_in_dim3A_27, %div3A_29 : vector<1x128xf32>
    %sub3A_31 = vector.broadcast %div3A_23 : vector<1x128xf32> to vector<3976x128xf32>
    %sub3A_32 = arith.subf %add3A_18, %sub3A_31 : vector<3976x128xf32>
    %add3A_33 = arith.constant 9.99999974E-6 : f32
    %add3A_34 = vector.broadcast %add3A_33 : f32 to vector<1x128xf32>
    %add3A_35 = arith.addf %div3A_30, %add3A_34 : vector<1x128xf32>
    %rsqrt3A_36 = math.rsqrt %add3A_35 : vector<1x128xf32>
    %mul3A = vector.broadcast %rsqrt3A_36 : vector<1x128xf32> to vector<3976x128xf32>
    %mul3A_37 = arith.mulf %sub3A_32, %mul3A : vector<3976x128xf32>
    %get3A_38 = arith.constant 0 : index
    %get3A_39 = arith.constant 0 : index
    %get3A_40 = vector.load %arg4[%get3A_38, %get3A_39] : memref<1x128xf32, #tpu.memory_space<vmem>>, vector<1x128xf32>
    %mul3A_41 = vector.broadcast %get3A_40 : vector<1x128xf32> to vector<3976x128xf32>
    %mul3A_42 = arith.mulf %mul3A_37, %mul3A_41 : vector<3976x128xf32>
    %get3A_43 = arith.constant 0 : index
    %get3A_44 = arith.constant 0 : index
    %get3A_45 = vector.load %arg5[%get3A_43, %get3A_44] : memref<1x128xf32, #tpu.memory_space<vmem>>, vector<1x128xf32>
    %add3A_46 = vector.broadcast %get3A_45 : vector<1x128xf32> to vector<3976x128xf32>
    %add3A_47 = arith.addf %mul3A_42, %add3A_46 : vector<3976x128xf32>
    %max3A_48 = arith.constant 0.000000e+00 : f32
    %max3A_49 = vector.broadcast %max3A_48 : f32 to vector<3976x128xf32>
    %max3A_50 = arith.maximumf %add3A_47, %max3A_49 : vector<3976x128xf32>
    %get3A_51 = arith.constant 0 : index
    %get3A_52 = arith.constant 0 : index
    %get3A_53 = vector.load %arg6[%get3A_51, %get3A_52] : memref<128x128xf32, #tpu.memory_space<vmem>>, vector<128x128xf32>
    %dot_general3A_54 = arith.constant dense<0.000000e+00> : vector<3976x128xf32>
    %dot_general3A_55 = tpu.matmul %max3A_50, %get3A_53, %dot_general3A_54 {dimension_numbers = #tpu.dot_dimension_numbers<[1], [0], [0], [1], [0, 0, 1, 1], [], []>, transpose_lhs_hint = false} : vector<3976x128xf32>, vector<128x128xf32>, vector<3976x128xf32> -> vector<3976x128xf32>
    %get3A_56 = arith.constant 0 : index
    %get3A_57 = arith.constant 0 : index
    %get3A_58 = vector.load %arg7[%get3A_56, %get3A_57] : memref<1x128xf32, #tpu.memory_space<vmem>>, vector<1x128xf32>
    %add3A_59 = vector.broadcast %get3A_58 : vector<1x128xf32> to vector<3976x128xf32>
    %add3A_60 = arith.addf %dot_general3A_55, %add3A_59 : vector<3976x128xf32>
    %get3A_61 = arith.constant 0 : index
    %get3A_62 = arith.constant 0 : index
    %get3A_63 = arith.constant 0 : index
    %get3A_64 = vector.load %arg12[%get3A_61, %get3A_62, %get3A_63] : memref<4x128x128xf32, #tpu.memory_space<vmem>>, vector<4x128x128xf32>
    %get3A_65 = arith.constant 0 : index
    %get3A_66 = arith.constant 0 : index
    %get3A_67 = vector.load %arg8[%get3A_65, %get3A_66] : memref<128x128xf32, #tpu.memory_space<vmem>>, vector<128x128xf32>
    %get3A_68 = arith.constant 0 : index
    %get3A_69 = arith.constant 0 : index
    %get3A_70 = vector.load %arg9[%get3A_68, %get3A_69] : memref<1x128xf32, #tpu.memory_space<vmem>>, vector<1x128xf32>
    %get3A_71 = arith.constant 0 : index
    %get3A_72 = arith.constant 0 : index
    %get3A_73 = vector.load %arg10[%get3A_71, %get3A_72] : memref<1x128xf32, #tpu.memory_space<vmem>>, vector<1x128xf32>
    %get3A_74 = arith.constant 0 : index
    %get3A_75 = arith.constant 0 : index
    %get3A_76 = vector.load %arg11[%get3A_74, %get3A_75] : memref<1x128xf32, #tpu.memory_space<vmem>>, vector<1x128xf32>
    %dot_general3A_77 = arith.constant dense<0.000000e+00> : vector<3976x128xf32>
    %dot_general3A_78 = tpu.matmul %add3A_60, %get3A_67, %dot_general3A_77 {dimension_numbers = #tpu.dot_dimension_numbers<[1], [0], [0], [1], [0, 0, 1, 1], [], []>, transpose_lhs_hint = false} : vector<3976x128xf32>, vector<128x128xf32>, vector<3976x128xf32> -> vector<3976x128xf32>
    %add3A_79 = vector.broadcast %get3A_70 : vector<1x128xf32> to vector<3976x128xf32>
    %add3A_80 = arith.addf %dot_general3A_78, %add3A_79 : vector<3976x128xf32>
    %max3A_81 = arith.constant 0.000000e+00 : f32
    %max3A_82 = vector.broadcast %max3A_81 : f32 to vector<3976x128xf32>
    %max3A_83 = arith.maximumf %add3A_80, %max3A_82 : vector<3976x128xf32>
    %reduce_sum3A_84 = arith.constant dense<0.000000e+00> : vector<3976xf32>
    %reduce_sum3A_85 = vector.multi_reduction <add>, %max3A_83, %reduce_sum3A_84 [1] : vector<3976x128xf32> to vector<3976xf32>
    %broadcast_in_dim3A_86 = vector.shape_cast %reduce_sum3A_85 : vector<3976xf32> to vector<3976x1xf32>
    %div3A_87 = arith.constant 1.280000e+02 : f32
    %div3A_88 = vector.broadcast %div3A_87 : f32 to vector<3976x1xf32>
    %div3A_89 = arith.divf %broadcast_in_dim3A_86, %div3A_88 : vector<3976x1xf32>
    %sub3A_90 = vector.broadcast %div3A_89 : vector<3976x1xf32> to vector<3976x128xf32>
    %sub3A_91 = arith.subf %max3A_83, %sub3A_90 : vector<3976x128xf32>
    %integer_pow3A_92 = arith.mulf %sub3A_91, %sub3A_91 : vector<3976x128xf32>
    %reduce_sum3A_93 = arith.constant dense<0.000000e+00> : vector<3976xf32>
    %reduce_sum3A_94 = vector.multi_reduction <add>, %integer_pow3A_92, %reduce_sum3A_93 [1] : vector<3976x128xf32> to vector<3976xf32>
    %broadcast_in_dim3A_95 = vector.shape_cast %reduce_sum3A_94 : vector<3976xf32> to vector<3976x1xf32>
    %div3A_96 = arith.constant 1.280000e+02 : f32
    %div3A_97 = vector.broadcast %div3A_96 : f32 to vector<3976x1xf32>
    %div3A_98 = arith.divf %broadcast_in_dim3A_95, %div3A_97 : vector<3976x1xf32>
    %sub3A_99 = vector.broadcast %div3A_89 : vector<3976x1xf32> to vector<3976x128xf32>
    %sub3A_100 = arith.subf %max3A_83, %sub3A_99 : vector<3976x128xf32>
    %add3A_101 = arith.constant 9.99999974E-6 : f32
    %add3A_102 = vector.broadcast %add3A_101 : f32 to vector<3976x1xf32>
    %add3A_103 = arith.addf %div3A_98, %add3A_102 : vector<3976x1xf32>
    %sqrt3A = math.sqrt %add3A_103 : vector<3976x1xf32>
    %div3A_104 = vector.broadcast %sqrt3A : vector<3976x1xf32> to vector<3976x128xf32>
    %div3A_105 = arith.divf %sub3A_100, %div3A_104 : vector<3976x128xf32>
    %mul3A_106 = vector.broadcast %get3A_73 : vector<1x128xf32> to vector<3976x128xf32>
    %mul3A_107 = arith.mulf %div3A_105, %mul3A_106 : vector<3976x128xf32>
    %add3A_108 = vector.broadcast %get3A_76 : vector<1x128xf32> to vector<3976x128xf32>
    %add3A_109 = arith.addf %mul3A_107, %add3A_108 : vector<3976x128xf32>
    %mul3A_110 = vector.broadcast %broadcast_in_dim3A_7 : vector<3976x1xf32> to vector<3976x128xf32>
    %mul3A_111 = arith.mulf %add3A_60, %mul3A_110 : vector<3976x128xf32>
    %swap3A = arith.constant 0 : index
    %swap3A_112 = arith.constant 0 : index
    %swap3A_113 = vector.load %arg14[%swap3A, %swap3A_112] : memref<3976x128xf32, #tpu.memory_space<vmem>>, vector<3976x128xf32>
    tpu.vector_store %arg14[%swap3A, %swap3A_112], %mul3A_111 {strides = array<i32>} : memref<3976x128xf32, #tpu.memory_space<vmem>>, vector<3976x128xf32>,
    %slice3A_114 = vector.extract_strided_slice %get3A_64 {offsets = [0, 0, 0], sizes = [1, 128, 128], strides = [1, 1, 1]} : vector<4x128x128xf32> to vector<1x128x128xf32>
    %squeeze3A = vector.shape_cast %slice3A_114 : vector<1x128x128xf32> to vector<128x128xf32>
    %dot_general3A_115 = arith.constant dense<0.000000e+00> : vector<3976x128xf32>
    %dot_general3A_116 = tpu.matmul %add3A_60, %squeeze3A, %dot_general3A_115 {dimension_numbers = #tpu.dot_dimension_numbers<[1], [0], [0], [1], [0, 0, 1, 1], [], []>, transpose_lhs_hint = false} : vector<3976x128xf32>, vector<128x128xf32>, vector<3976x128xf32> -> vector<3976x128xf32>
    %slice3A_117 = vector.extract_strided_slice %get3A_64 {offsets = [1, 0, 0], sizes = [1, 128, 128], strides = [1, 1, 1]} : vector<4x128x128xf32> to vector<1x128x128xf32>
    %squeeze3A_118 = vector.shape_cast %slice3A_117 : vector<1x128x128xf32> to vector<128x128xf32>
    %dot_general3A_119 = arith.constant dense<0.000000e+00> : vector<3976x128xf32>
    %dot_general3A_120 = tpu.matmul %add3A_60, %squeeze3A_118, %dot_general3A_119 {dimension_numbers = #tpu.dot_dimension_numbers<[1], [0], [0], [1], [0, 0, 1, 1], [], []>, transpose_lhs_hint = false} : vector<3976x128xf32>, vector<128x128xf32>, vector<3976x128xf32> -> vector<3976x128xf32>
    %slice3A_121 = vector.extract_strided_slice %get3A_64 {offsets = [2, 0, 0], sizes = [1, 128, 128], strides = [1, 1, 1]} : vector<4x128x128xf32> to vector<1x128x128xf32>
    %squeeze3A_122 = vector.shape_cast %slice3A_121 : vector<1x128x128xf32> to vector<128x128xf32>
    %dot_general3A_123 = arith.constant dense<0.000000e+00> : vector<3976x128xf32>
    %dot_general3A_124 = tpu.matmul %add3A_60, %squeeze3A_122, %dot_general3A_123 {dimension_numbers = #tpu.dot_dimension_numbers<[1], [0], [0], [1], [0, 0, 1, 1], [], []>, transpose_lhs_hint = false} : vector<3976x128xf32>, vector<128x128xf32>, vector<3976x128xf32> -> vector<3976x128xf32>
    %slice3A_125 = vector.extract_strided_slice %get3A_64 {offsets = [3, 0, 0], sizes = [1, 128, 128], strides = [1, 1, 1]} : vector<4x128x128xf32> to vector<1x128x128xf32>
    %squeeze3A_126 = vector.shape_cast %slice3A_125 : vector<1x128x128xf32> to vector<128x128xf32>
    %dot_general3A_127 = arith.constant dense<0.000000e+00> : vector<3976x128xf32>
    %dot_general3A_128 = tpu.matmul %add3A_60, %squeeze3A_126, %dot_general3A_127 {dimension_numbers = #tpu.dot_dimension_numbers<[1], [0], [0], [1], [0, 0, 1, 1], [], []>, transpose_lhs_hint = false} : vector<3976x128xf32>, vector<128x128xf32>, vector<3976x128xf32> -> vector<3976x128xf32>
    %reduce_max3A = arith.constant dense<0xFF800000> : vector<128xf32>
    %reduce_max3A_129 = vector.multi_reduction <maximumf>, %dot_general3A_116, %reduce_max3A [0] : vector<3976x128xf32> to vector<128xf32>
    %broadcast_in_dim3A_130 = vector.shape_cast %reduce_max3A_129 : vector<128xf32> to vector<1x128xf32>
    %reduce_max3A_131 = arith.constant dense<0xFF800000> : vector<128xf32>
    %reduce_max3A_132 = vector.multi_reduction <maximumf>, %dot_general3A_120, %reduce_max3A_131 [0] : vector<3976x128xf32> to vector<128xf32>
    %broadcast_in_dim3A_133 = vector.shape_cast %reduce_max3A_132 : vector<128xf32> to vector<1x128xf32>
    %max3A_134 = arith.maximumf %broadcast_in_dim3A_130, %broadcast_in_dim3A_133 : vector<1x128xf32>
    %reduce_max3A_135 = arith.constant dense<0xFF800000> : vector<128xf32>
    %reduce_max3A_136 = vector.multi_reduction <maximumf>, %dot_general3A_124, %reduce_max3A_135 [0] : vector<3976x128xf32> to vector<128xf32>
    %broadcast_in_dim3A_137 = vector.shape_cast %reduce_max3A_136 : vector<128xf32> to vector<1x128xf32>
    %max3A_138 = arith.maximumf %max3A_134, %broadcast_in_dim3A_137 : vector<1x128xf32>
    %reduce_max3A_139 = arith.constant dense<0xFF800000> : vector<128xf32>
    %reduce_max3A_140 = vector.multi_reduction <maximumf>, %dot_general3A_128, %reduce_max3A_139 [0] : vector<3976x128xf32> to vector<128xf32>
    %broadcast_in_dim3A_141 = vector.shape_cast %reduce_max3A_140 : vector<128xf32> to vector<1x128xf32>
    %max3A_142 = arith.maximumf %max3A_138, %broadcast_in_dim3A_141 : vector<1x128xf32>
    %sub3A_143 = vector.broadcast %max3A_142 : vector<1x128xf32> to vector<3976x128xf32>
    %sub3A_144 = arith.subf %dot_general3A_116, %sub3A_143 : vector<3976x128xf32>
    %swap3A_145 = arith.constant 0 : index
    %swap3A_146 = arith.constant 0 : index
    %swap3A_147 = arith.constant 0 : index
    %swap3A_148 = vector.load %arg15[%swap3A_145, %swap3A_146, %swap3A_147] : memref<3976x4x128xf32, #tpu.memory_space<vmem>>, vector<3976x1x128xf32>
    %swap3A_149 = vector.shape_cast %swap3A_148 : vector<3976x1x128xf32> to vector<3976x128xf32>
    %swap3A_150 = vector.shape_cast %sub3A_144 : vector<3976x128xf32> to vector<3976x1x128xf32>
    tpu.vector_store %arg15[%swap3A_145, %swap3A_146, %swap3A_147], %swap3A_150 {strides = array<i32>} : memref<3976x4x128xf32, #tpu.memory_space<vmem>>, vector<3976x1x128xf32>,
    %sub3A_151 = vector.broadcast %max3A_142 : vector<1x128xf32> to vector<3976x128xf32>
    %sub3A_152 = arith.subf %dot_general3A_120, %sub3A_151 : vector<3976x128xf32>
    %swap3A_153 = arith.constant 0 : index
    %swap3A_154 = arith.constant 1 : index
    %swap3A_155 = arith.constant 0 : index
    %swap3A_156 = vector.load %arg15[%swap3A_153, %swap3A_154, %swap3A_155] : memref<3976x4x128xf32, #tpu.memory_space<vmem>>, vector<3976x1x128xf32>
    %swap3A_157 = vector.shape_cast %swap3A_156 : vector<3976x1x128xf32> to vector<3976x128xf32>
    %swap3A_158 = vector.shape_cast %sub3A_152 : vector<3976x128xf32> to vector<3976x1x128xf32>
    tpu.vector_store %arg15[%swap3A_153, %swap3A_154, %swap3A_155], %swap3A_158 {strides = array<i32>} : memref<3976x4x128xf32, #tpu.memory_space<vmem>>, vector<3976x1x128xf32>,
    %sub3A_159 = vector.broadcast %max3A_142 : vector<1x128xf32> to vector<3976x128xf32>
    %sub3A_160 = arith.subf %dot_general3A_124, %sub3A_159 : vector<3976x128xf32>
    %swap3A_161 = arith.constant 0 : index
    %swap3A_162 = arith.constant 2 : index
    %swap3A_163 = arith.constant 0 : index
    %swap3A_164 = vector.load %arg15[%swap3A_161, %swap3A_162, %swap3A_163] : memref<3976x4x128xf32, #tpu.memory_space<vmem>>, vector<3976x1x128xf32>
    %swap3A_165 = vector.shape_cast %swap3A_164 : vector<3976x1x128xf32> to vector<3976x128xf32>
    %swap3A_166 = vector.shape_cast %sub3A_160 : vector<3976x128xf32> to vector<3976x1x128xf32>
    tpu.vector_store %arg15[%swap3A_161, %swap3A_162, %swap3A_163], %swap3A_166 {strides = array<i32>} : memref<3976x4x128xf32, #tpu.memory_space<vmem>>, vector<3976x1x128xf32>,
    %sub3A_167 = vector.broadcast %max3A_142 : vector<1x128xf32> to vector<3976x128xf32>
    %sub3A_168 = arith.subf %dot_general3A_128, %sub3A_167 : vector<3976x128xf32>
    %swap3A_169 = arith.constant 0 : index
    %swap3A_170 = arith.constant 3 : index
    %swap3A_171 = arith.constant 0 : index
    %swap3A_172 = vector.load %arg15[%swap3A_169, %swap3A_170, %swap3A_171] : memref<3976x4x128xf32, #tpu.memory_space<vmem>>, vector<3976x1x128xf32>
    %swap3A_173 = vector.shape_cast %swap3A_172 : vector<3976x1x128xf32> to vector<3976x128xf32>
    %swap3A_174 = vector.shape_cast %sub3A_168 : vector<3976x128xf32> to vector<3976x1x128xf32>
    tpu.vector_store %arg15[%swap3A_169, %swap3A_170, %swap3A_171], %swap3A_174 {strides = array<i32>} : memref<3976x4x128xf32, #tpu.memory_space<vmem>>, vector<3976x1x128xf32>,
    %swap3A_175 = arith.constant 0 : index
    %swap3A_176 = arith.constant 0 : index
    %swap3A_177 = vector.load %arg13[%swap3A_175, %swap3A_176] : memref<3976x128xf32, #tpu.memory_space<vmem>>, vector<3976x128xf32>
    tpu.vector_store %arg13[%swap3A_175, %swap3A_176], %add3A_109 {strides = array<i32>} : memref<3976x128xf32, #tpu.memory_space<vmem>>, vector<3976x128xf32>,
    %swap3A_178 = arith.constant 0 : index
    %swap3A_179 = arith.constant 0 : index
    %swap3A_180 = vector.load %arg16[%swap3A_178, %swap3A_179] : memref<1x128xf32, #tpu.memory_space<vmem>>, vector<1x128xf32>
    tpu.vector_store %arg16[%swap3A_178, %swap3A_179], %max3A_142 {strides = array<i32>} : memref<1x128xf32, #tpu.memory_space<vmem>>, vector<1x128xf32>,
    return
  }
}

module attributes {stable_mosaic.version = 14 : i64} {
  func.func @_mid_body(%arg0: memref<3976x128xf32, #tpu.memory_space<vmem>>, %arg1: memref<2x4096x64xf32, #tpu.memory_space<vmem>>, %arg2: memref<2x4096x64xf32, #tpu.memory_space<vmem>>, %arg3: memref<2x4096x64xf32, #tpu.memory_space<vmem>>, %arg4: memref<1x128xf32, #tpu.memory_space<vmem>>, %arg5: memref<32x4096xf32, #tpu.memory_space<vmem>>, %arg6: memref<128x128xf32, #tpu.memory_space<vmem>>, %arg7: memref<1x128xf32, #tpu.memory_space<vmem>>, %arg8: memref<1x128xf32, #tpu.memory_space<vmem>>, %arg9: memref<1x128xf32, #tpu.memory_space<vmem>>, %arg10: memref<128x128xf32, #tpu.memory_space<vmem>>, %arg11: memref<1x128xf32, #tpu.memory_space<vmem>>, %arg12: memref<128x128xf32, #tpu.memory_space<vmem>>, %arg13: memref<1x128xf32, #tpu.memory_space<vmem>>, %arg14: memref<1x128xf32, #tpu.memory_space<vmem>>, %arg15: memref<1x128xf32, #tpu.memory_space<vmem>>, %arg16: memref<4x128x128xf32, #tpu.memory_space<vmem>>, %arg17: memref<3976x128xf32, #tpu.memory_space<vmem>>, %arg18: memref<3976x128xf32, #tpu.memory_space<vmem>>, %arg19: memref<3976x4x128xf32, #tpu.memory_space<vmem>>, %arg20: memref<1x128xf32, #tpu.memory_space<vmem>>) attributes {dimension_semantics = [], scalar_prefetch = 0 : i64, scratch_operands = 0 : i64, tpu.core_type = #tpu.core_type<tc>} {
    %get3A = arith.constant 0 : index
    %get3A_0 = arith.constant 0 : index
    %get3A_1 = vector.load %arg5[%get3A, %get3A_0] : memref<32x4096xf32, #tpu.memory_space<vmem>>, vector<32x4096xf32>
    %reduce_sum3A = arith.constant dense<0.000000e+00> : vector<4096xf32>
    %reduce_sum3A_2 = vector.multi_reduction <add>, %get3A_1, %reduce_sum3A [0] : vector<32x4096xf32> to vector<4096xf32>
    %slice3A = vector.extract_strided_slice %reduce_sum3A_2 {offsets = [0], sizes = [3976], strides = [1]} : vector<4096xf32> to vector<3976xf32>
    %gt3A = arith.constant 0.000000e+00 : f32
    %gt3A_3 = vector.broadcast %gt3A : f32 to vector<3976xf32>
    %gt3A_4 = arith.cmpf ogt, %slice3A, %gt3A_3 : vector<3976xf32>
    %max3A = arith.constant 1.000000e+00 : f32
    %max3A_5 = vector.broadcast %max3A : f32 to vector<3976xf32>
    %max3A_6 = arith.maximumf %slice3A, %max3A_5 : vector<3976xf32>
    %rsqrt3A = math.rsqrt %max3A_6 : vector<3976xf32>
    %jit3A = arith.constant 0.000000e+00 : f32
    %broadcast_in_dim3A = vector.broadcast %jit3A : f32 to vector<3976xf32>
    %select_n3A = arith.select %gt3A_4, %rsqrt3A, %broadcast_in_dim3A : vector<3976xi1>, vector<3976xf32>
    %broadcast_in_dim3A_7 = vector.shape_cast %select_n3A : vector<3976xf32> to vector<3976x1xf32>
    %get3A_8 = arith.constant 0 : index
    %get3A_9 = arith.constant 0 : index
    %get3A_10 = vector.load %arg0[%get3A_8, %get3A_9] : memref<3976x128xf32, #tpu.memory_space<vmem>>, vector<3976x128xf32>
    %get3A_11 = arith.constant 0 : index
    %get3A_12 = arith.constant 0 : index
    %get3A_13 = arith.constant 0 : index
    %get3A_14 = vector.load %arg1[%get3A_11, %get3A_12, %get3A_13] : memref<2x4096x64xf32, #tpu.memory_space<vmem>>, vector<2x4096x64xf32>
    %get3A_15 = arith.constant 0 : index
    %get3A_16 = arith.constant 0 : index
    %get3A_17 = arith.constant 0 : index
    %get3A_18 = vector.load %arg2[%get3A_15, %get3A_16, %get3A_17] : memref<2x4096x64xf32, #tpu.memory_space<vmem>>, vector<2x4096x64xf32>
    %get3A_19 = arith.constant 0 : index
    %get3A_20 = arith.constant 0 : index
    %get3A_21 = arith.constant 0 : index
    %get3A_22 = vector.load %arg3[%get3A_19, %get3A_20, %get3A_21] : memref<2x4096x64xf32, #tpu.memory_space<vmem>>, vector<2x4096x64xf32>
    %get3A_23 = arith.constant 0 : index
    %get3A_24 = arith.constant 0 : index
    %get3A_25 = vector.load %arg4[%get3A_23, %get3A_24] : memref<1x128xf32, #tpu.memory_space<vmem>>, vector<1x128xf32>
    %get3A_26 = arith.constant 0 : index
    %get3A_27 = arith.constant 0 : index
    %get3A_28 = vector.load %arg6[%get3A_26, %get3A_27] : memref<128x128xf32, #tpu.memory_space<vmem>>, vector<128x128xf32>
    %get3A_29 = arith.constant 0 : index
    %get3A_30 = arith.constant 0 : index
    %get3A_31 = vector.load %arg7[%get3A_29, %get3A_30] : memref<1x128xf32, #tpu.memory_space<vmem>>, vector<1x128xf32>
    %get3A_32 = arith.constant 0 : index
    %get3A_33 = arith.constant 0 : index
    %get3A_34 = vector.load %arg8[%get3A_32, %get3A_33] : memref<1x128xf32, #tpu.memory_space<vmem>>, vector<1x128xf32>
    %get3A_35 = arith.constant 0 : index
    %get3A_36 = arith.constant 0 : index
    %get3A_37 = vector.load %arg9[%get3A_35, %get3A_36] : memref<1x128xf32, #tpu.memory_space<vmem>>, vector<1x128xf32>
    %slice3A_38 = vector.extract_strided_slice %get3A_14 {offsets = [0, 0, 0], sizes = [1, 3976, 64], strides = [1, 1, 1]} : vector<2x4096x64xf32> to vector<1x3976x64xf32>
    %squeeze3A = vector.shape_cast %slice3A_38 : vector<1x3976x64xf32> to vector<3976x64xf32>
    %slice3A_39 = vector.extract_strided_slice %get3A_14 {offsets = [1, 0, 0], sizes = [1, 3976, 64], strides = [1, 1, 1]} : vector<2x4096x64xf32> to vector<1x3976x64xf32>
    %squeeze3A_40 = vector.shape_cast %slice3A_39 : vector<1x3976x64xf32> to vector<3976x64xf32>
    %concatenate3A = tpu.concatenate %squeeze3A, %squeeze3A_40 in 1 : vector<3976x64xf32>, vector<3976x64xf32> -> vector<3976x128xf32>
    %slice3A_41 = vector.extract_strided_slice %get3A_18 {offsets = [0, 0, 0], sizes = [1, 3976, 64], strides = [1, 1, 1]} : vector<2x4096x64xf32> to vector<1x3976x64xf32>
    %squeeze3A_42 = vector.shape_cast %slice3A_41 : vector<1x3976x64xf32> to vector<3976x64xf32>
    %slice3A_43 = vector.extract_strided_slice %get3A_18 {offsets = [1, 0, 0], sizes = [1, 3976, 64], strides = [1, 1, 1]} : vector<2x4096x64xf32> to vector<1x3976x64xf32>
    %squeeze3A_44 = vector.shape_cast %slice3A_43 : vector<1x3976x64xf32> to vector<3976x64xf32>
    %concatenate3A_45 = tpu.concatenate %squeeze3A_42, %squeeze3A_44 in 1 : vector<3976x64xf32>, vector<3976x64xf32> -> vector<3976x128xf32>
    %slice3A_46 = vector.extract_strided_slice %get3A_22 {offsets = [0, 0, 0], sizes = [1, 3976, 64], strides = [1, 1, 1]} : vector<2x4096x64xf32> to vector<1x3976x64xf32>
    %squeeze3A_47 = vector.shape_cast %slice3A_46 : vector<1x3976x64xf32> to vector<3976x64xf32>
    %slice3A_48 = vector.extract_strided_slice %get3A_22 {offsets = [1, 0, 0], sizes = [1, 3976, 64], strides = [1, 1, 1]} : vector<2x4096x64xf32> to vector<1x3976x64xf32>
    %squeeze3A_49 = vector.shape_cast %slice3A_48 : vector<1x3976x64xf32> to vector<3976x64xf32>
    %concatenate3A_50 = tpu.concatenate %squeeze3A_47, %squeeze3A_49 in 1 : vector<3976x64xf32>, vector<3976x64xf32> -> vector<3976x128xf32>
    %gt3A_51 = arith.constant 0.000000e+00 : f32
    %gt3A_52 = vector.broadcast %gt3A_51 : f32 to vector<3976x128xf32>
    %gt3A_53 = arith.cmpf ogt, %concatenate3A, %gt3A_52 : vector<3976x128xf32>
    %max3A_54 = arith.constant 9.99999991E-38 : f32
    %max3A_55 = vector.broadcast %max3A_54 : f32 to vector<3976x128xf32>
    %max3A_56 = arith.maximumf %concatenate3A, %max3A_55 : vector<3976x128xf32>
    %div3A = arith.divf %concatenate3A_45, %max3A_56 : vector<3976x128xf32>
    %add3A = vector.broadcast %get3A_25 : vector<1x128xf32> to vector<3976x128xf32>
    %add3A_57 = arith.addf %div3A, %add3A : vector<3976x128xf32>
    %jit3A_58 = arith.constant 0.000000e+00 : f32
    %broadcast_in_dim3A_59 = vector.broadcast %jit3A_58 : f32 to vector<3976x128xf32>
    %select_n3A_60 = arith.select %gt3A_53, %add3A_57, %broadcast_in_dim3A_59 : vector<3976x128xi1>, vector<3976x128xf32>
    %mul3A = vector.broadcast %broadcast_in_dim3A_7 : vector<3976x1xf32> to vector<3976x128xf32>
    %mul3A_61 = arith.mulf %concatenate3A_50, %mul3A : vector<3976x128xf32>
    %add3A_62 = arith.addf %get3A_10, %mul3A_61 : vector<3976x128xf32>
    %max3A_63 = arith.constant 0.000000e+00 : f32
    %max3A_64 = vector.broadcast %max3A_63 : f32 to vector<3976x128xf32>
    %max3A_65 = arith.maximumf %select_n3A_60, %max3A_64 : vector<3976x128xf32>
    %mul3A_66 = arith.constant 1.000000e-01 : f32
    %mul3A_67 = vector.broadcast %mul3A_66 : f32 to vector<3976x128xf32>
    %mul3A_68 = arith.mulf %mul3A_67, %max3A_65 : vector<3976x128xf32>
    %add3A_69 = arith.addf %add3A_62, %mul3A_68 : vector<3976x128xf32>
    %dot_general3A = arith.constant dense<0.000000e+00> : vector<3976x128xf32>
    %dot_general3A_70 = tpu.matmul %add3A_69, %get3A_28, %dot_general3A {dimension_numbers = #tpu.dot_dimension_numbers<[1], [0], [0], [1], [0, 0, 1, 1], [], []>, transpose_lhs_hint = false} : vector<3976x128xf32>, vector<128x128xf32>, vector<3976x128xf32> -> vector<3976x128xf32>
    %add3A_71 = vector.broadcast %get3A_31 : vector<1x128xf32> to vector<3976x128xf32>
    %add3A_72 = arith.addf %dot_general3A_70, %add3A_71 : vector<3976x128xf32>
    %reduce_sum3A_73 = arith.constant dense<0.000000e+00> : vector<3976xf32>
    %reduce_sum3A_74 = vector.multi_reduction <add>, %add3A_72, %reduce_sum3A_73 [1] : vector<3976x128xf32> to vector<3976xf32>
    %broadcast_in_dim3A_75 = vector.shape_cast %reduce_sum3A_74 : vector<3976xf32> to vector<3976x1xf32>
    %div3A_76 = arith.constant 1.280000e+02 : f32
    %div3A_77 = vector.broadcast %div3A_76 : f32 to vector<3976x1xf32>
    %div3A_78 = arith.divf %broadcast_in_dim3A_75, %div3A_77 : vector<3976x1xf32>
    %sub3A = vector.broadcast %div3A_78 : vector<3976x1xf32> to vector<3976x128xf32>
    %sub3A_79 = arith.subf %add3A_72, %sub3A : vector<3976x128xf32>
    %integer_pow3A = arith.mulf %sub3A_79, %sub3A_79 : vector<3976x128xf32>
    %reduce_sum3A_80 = arith.constant dense<0.000000e+00> : vector<3976xf32>
    %reduce_sum3A_81 = vector.multi_reduction <add>, %integer_pow3A, %reduce_sum3A_80 [1] : vector<3976x128xf32> to vector<3976xf32>
    %broadcast_in_dim3A_82 = vector.shape_cast %reduce_sum3A_81 : vector<3976xf32> to vector<3976x1xf32>
    %div3A_83 = arith.constant 1.280000e+02 : f32
    %div3A_84 = vector.broadcast %div3A_83 : f32 to vector<3976x1xf32>
    %div3A_85 = arith.divf %broadcast_in_dim3A_82, %div3A_84 : vector<3976x1xf32>
    %sub3A_86 = vector.broadcast %div3A_78 : vector<3976x1xf32> to vector<3976x128xf32>
    %sub3A_87 = arith.subf %add3A_72, %sub3A_86 : vector<3976x128xf32>
    %add3A_88 = arith.constant 9.99999974E-6 : f32
    %add3A_89 = vector.broadcast %add3A_88 : f32 to vector<3976x1xf32>
    %add3A_90 = arith.addf %div3A_85, %add3A_89 : vector<3976x1xf32>
    %sqrt3A = math.sqrt %add3A_90 : vector<3976x1xf32>
    %div3A_91 = vector.broadcast %sqrt3A : vector<3976x1xf32> to vector<3976x128xf32>
    %div3A_92 = arith.divf %sub3A_87, %div3A_91 : vector<3976x128xf32>
    %mul3A_93 = vector.broadcast %get3A_34 : vector<1x128xf32> to vector<3976x128xf32>
    %mul3A_94 = arith.mulf %div3A_92, %mul3A_93 : vector<3976x128xf32>
    %add3A_95 = vector.broadcast %get3A_37 : vector<1x128xf32> to vector<3976x128xf32>
    %add3A_96 = arith.addf %mul3A_94, %add3A_95 : vector<3976x128xf32>
    %get3A_97 = arith.constant 0 : index
    %get3A_98 = arith.constant 0 : index
    %get3A_99 = vector.load %arg10[%get3A_97, %get3A_98] : memref<128x128xf32, #tpu.memory_space<vmem>>, vector<128x128xf32>
    %dot_general3A_100 = arith.constant dense<0.000000e+00> : vector<3976x128xf32>
    %dot_general3A_101 = tpu.matmul %add3A_96, %get3A_99, %dot_general3A_100 {dimension_numbers = #tpu.dot_dimension_numbers<[1], [0], [0], [1], [0, 0, 1, 1], [], []>, transpose_lhs_hint = false} : vector<3976x128xf32>, vector<128x128xf32>, vector<3976x128xf32> -> vector<3976x128xf32>
    %get3A_102 = arith.constant 0 : index
    %get3A_103 = arith.constant 0 : index
    %get3A_104 = vector.load %arg11[%get3A_102, %get3A_103] : memref<1x128xf32, #tpu.memory_space<vmem>>, vector<1x128xf32>
    %add3A_105 = vector.broadcast %get3A_104 : vector<1x128xf32> to vector<3976x128xf32>
    %add3A_106 = arith.addf %dot_general3A_101, %add3A_105 : vector<3976x128xf32>
    %get3A_107 = arith.constant 0 : index
    %get3A_108 = arith.constant 0 : index
    %get3A_109 = arith.constant 0 : index
    %get3A_110 = vector.load %arg16[%get3A_107, %get3A_108, %get3A_109] : memref<4x128x128xf32, #tpu.memory_space<vmem>>, vector<4x128x128xf32>
    %get3A_111 = arith.constant 0 : index
    %get3A_112 = arith.constant 0 : index
    %get3A_113 = vector.load %arg12[%get3A_111, %get3A_112] : memref<128x128xf32, #tpu.memory_space<vmem>>, vector<128x128xf32>
    %get3A_114 = arith.constant 0 : index
    %get3A_115 = arith.constant 0 : index
    %get3A_116 = vector.load %arg13[%get3A_114, %get3A_115] : memref<1x128xf32, #tpu.memory_space<vmem>>, vector<1x128xf32>
    %get3A_117 = arith.constant 0 : index
    %get3A_118 = arith.constant 0 : index
    %get3A_119 = vector.load %arg14[%get3A_117, %get3A_118] : memref<1x128xf32, #tpu.memory_space<vmem>>, vector<1x128xf32>
    %get3A_120 = arith.constant 0 : index
    %get3A_121 = arith.constant 0 : index
    %get3A_122 = vector.load %arg15[%get3A_120, %get3A_121] : memref<1x128xf32, #tpu.memory_space<vmem>>, vector<1x128xf32>
    %dot_general3A_123 = arith.constant dense<0.000000e+00> : vector<3976x128xf32>
    %dot_general3A_124 = tpu.matmul %add3A_106, %get3A_113, %dot_general3A_123 {dimension_numbers = #tpu.dot_dimension_numbers<[1], [0], [0], [1], [0, 0, 1, 1], [], []>, transpose_lhs_hint = false} : vector<3976x128xf32>, vector<128x128xf32>, vector<3976x128xf32> -> vector<3976x128xf32>
    %add3A_125 = vector.broadcast %get3A_116 : vector<1x128xf32> to vector<3976x128xf32>
    %add3A_126 = arith.addf %dot_general3A_124, %add3A_125 : vector<3976x128xf32>
    %max3A_127 = arith.constant 0.000000e+00 : f32
    %max3A_128 = vector.broadcast %max3A_127 : f32 to vector<3976x128xf32>
    %max3A_129 = arith.maximumf %add3A_126, %max3A_128 : vector<3976x128xf32>
    %reduce_sum3A_130 = arith.constant dense<0.000000e+00> : vector<3976xf32>
    %reduce_sum3A_131 = vector.multi_reduction <add>, %max3A_129, %reduce_sum3A_130 [1] : vector<3976x128xf32> to vector<3976xf32>
    %broadcast_in_dim3A_132 = vector.shape_cast %reduce_sum3A_131 : vector<3976xf32> to vector<3976x1xf32>
    %div3A_133 = arith.constant 1.280000e+02 : f32
    %div3A_134 = vector.broadcast %div3A_133 : f32 to vector<3976x1xf32>
    %div3A_135 = arith.divf %broadcast_in_dim3A_132, %div3A_134 : vector<3976x1xf32>
    %sub3A_136 = vector.broadcast %div3A_135 : vector<3976x1xf32> to vector<3976x128xf32>
    %sub3A_137 = arith.subf %max3A_129, %sub3A_136 : vector<3976x128xf32>
    %integer_pow3A_138 = arith.mulf %sub3A_137, %sub3A_137 : vector<3976x128xf32>
    %reduce_sum3A_139 = arith.constant dense<0.000000e+00> : vector<3976xf32>
    %reduce_sum3A_140 = vector.multi_reduction <add>, %integer_pow3A_138, %reduce_sum3A_139 [1] : vector<3976x128xf32> to vector<3976xf32>
    %broadcast_in_dim3A_141 = vector.shape_cast %reduce_sum3A_140 : vector<3976xf32> to vector<3976x1xf32>
    %div3A_142 = arith.constant 1.280000e+02 : f32
    %div3A_143 = vector.broadcast %div3A_142 : f32 to vector<3976x1xf32>
    %div3A_144 = arith.divf %broadcast_in_dim3A_141, %div3A_143 : vector<3976x1xf32>
    %sub3A_145 = vector.broadcast %div3A_135 : vector<3976x1xf32> to vector<3976x128xf32>
    %sub3A_146 = arith.subf %max3A_129, %sub3A_145 : vector<3976x128xf32>
    %add3A_147 = arith.constant 9.99999974E-6 : f32
    %add3A_148 = vector.broadcast %add3A_147 : f32 to vector<3976x1xf32>
    %add3A_149 = arith.addf %div3A_144, %add3A_148 : vector<3976x1xf32>
    %sqrt3A_150 = math.sqrt %add3A_149 : vector<3976x1xf32>
    %div3A_151 = vector.broadcast %sqrt3A_150 : vector<3976x1xf32> to vector<3976x128xf32>
    %div3A_152 = arith.divf %sub3A_146, %div3A_151 : vector<3976x128xf32>
    %mul3A_153 = vector.broadcast %get3A_119 : vector<1x128xf32> to vector<3976x128xf32>
    %mul3A_154 = arith.mulf %div3A_152, %mul3A_153 : vector<3976x128xf32>
    %add3A_155 = vector.broadcast %get3A_122 : vector<1x128xf32> to vector<3976x128xf32>
    %add3A_156 = arith.addf %mul3A_154, %add3A_155 : vector<3976x128xf32>
    %mul3A_157 = vector.broadcast %broadcast_in_dim3A_7 : vector<3976x1xf32> to vector<3976x128xf32>
    %mul3A_158 = arith.mulf %add3A_106, %mul3A_157 : vector<3976x128xf32>
    %swap3A = arith.constant 0 : index
    %swap3A_159 = arith.constant 0 : index
    %swap3A_160 = vector.load %arg18[%swap3A, %swap3A_159] : memref<3976x128xf32, #tpu.memory_space<vmem>>, vector<3976x128xf32>
    tpu.vector_store %arg18[%swap3A, %swap3A_159], %mul3A_158 {strides = array<i32>} : memref<3976x128xf32, #tpu.memory_space<vmem>>, vector<3976x128xf32>,
    %slice3A_161 = vector.extract_strided_slice %get3A_110 {offsets = [0, 0, 0], sizes = [1, 128, 128], strides = [1, 1, 1]} : vector<4x128x128xf32> to vector<1x128x128xf32>
    %squeeze3A_162 = vector.shape_cast %slice3A_161 : vector<1x128x128xf32> to vector<128x128xf32>
    %dot_general3A_163 = arith.constant dense<0.000000e+00> : vector<3976x128xf32>
    %dot_general3A_164 = tpu.matmul %add3A_106, %squeeze3A_162, %dot_general3A_163 {dimension_numbers = #tpu.dot_dimension_numbers<[1], [0], [0], [1], [0, 0, 1, 1], [], []>, transpose_lhs_hint = false} : vector<3976x128xf32>, vector<128x128xf32>, vector<3976x128xf32> -> vector<3976x128xf32>
    %slice3A_165 = vector.extract_strided_slice %get3A_110 {offsets = [1, 0, 0], sizes = [1, 128, 128], strides = [1, 1, 1]} : vector<4x128x128xf32> to vector<1x128x128xf32>
    %squeeze3A_166 = vector.shape_cast %slice3A_165 : vector<1x128x128xf32> to vector<128x128xf32>
    %dot_general3A_167 = arith.constant dense<0.000000e+00> : vector<3976x128xf32>
    %dot_general3A_168 = tpu.matmul %add3A_106, %squeeze3A_166, %dot_general3A_167 {dimension_numbers = #tpu.dot_dimension_numbers<[1], [0], [0], [1], [0, 0, 1, 1], [], []>, transpose_lhs_hint = false} : vector<3976x128xf32>, vector<128x128xf32>, vector<3976x128xf32> -> vector<3976x128xf32>
    %slice3A_169 = vector.extract_strided_slice %get3A_110 {offsets = [2, 0, 0], sizes = [1, 128, 128], strides = [1, 1, 1]} : vector<4x128x128xf32> to vector<1x128x128xf32>
    %squeeze3A_170 = vector.shape_cast %slice3A_169 : vector<1x128x128xf32> to vector<128x128xf32>
    %dot_general3A_171 = arith.constant dense<0.000000e+00> : vector<3976x128xf32>
    %dot_general3A_172 = tpu.matmul %add3A_106, %squeeze3A_170, %dot_general3A_171 {dimension_numbers = #tpu.dot_dimension_numbers<[1], [0], [0], [1], [0, 0, 1, 1], [], []>, transpose_lhs_hint = false} : vector<3976x128xf32>, vector<128x128xf32>, vector<3976x128xf32> -> vector<3976x128xf32>
    %slice3A_173 = vector.extract_strided_slice %get3A_110 {offsets = [3, 0, 0], sizes = [1, 128, 128], strides = [1, 1, 1]} : vector<4x128x128xf32> to vector<1x128x128xf32>
    %squeeze3A_174 = vector.shape_cast %slice3A_173 : vector<1x128x128xf32> to vector<128x128xf32>
    %dot_general3A_175 = arith.constant dense<0.000000e+00> : vector<3976x128xf32>
    %dot_general3A_176 = tpu.matmul %add3A_106, %squeeze3A_174, %dot_general3A_175 {dimension_numbers = #tpu.dot_dimension_numbers<[1], [0], [0], [1], [0, 0, 1, 1], [], []>, transpose_lhs_hint = false} : vector<3976x128xf32>, vector<128x128xf32>, vector<3976x128xf32> -> vector<3976x128xf32>
    %reduce_max3A = arith.constant dense<0xFF800000> : vector<128xf32>
    %reduce_max3A_177 = vector.multi_reduction <maximumf>, %dot_general3A_164, %reduce_max3A [0] : vector<3976x128xf32> to vector<128xf32>
    %broadcast_in_dim3A_178 = vector.shape_cast %reduce_max3A_177 : vector<128xf32> to vector<1x128xf32>
    %reduce_max3A_179 = arith.constant dense<0xFF800000> : vector<128xf32>
    %reduce_max3A_180 = vector.multi_reduction <maximumf>, %dot_general3A_168, %reduce_max3A_179 [0] : vector<3976x128xf32> to vector<128xf32>
    %broadcast_in_dim3A_181 = vector.shape_cast %reduce_max3A_180 : vector<128xf32> to vector<1x128xf32>
    %max3A_182 = arith.maximumf %broadcast_in_dim3A_178, %broadcast_in_dim3A_181 : vector<1x128xf32>
    %reduce_max3A_183 = arith.constant dense<0xFF800000> : vector<128xf32>
    %reduce_max3A_184 = vector.multi_reduction <maximumf>, %dot_general3A_172, %reduce_max3A_183 [0] : vector<3976x128xf32> to vector<128xf32>
    %broadcast_in_dim3A_185 = vector.shape_cast %reduce_max3A_184 : vector<128xf32> to vector<1x128xf32>
    %max3A_186 = arith.maximumf %max3A_182, %broadcast_in_dim3A_185 : vector<1x128xf32>
    %reduce_max3A_187 = arith.constant dense<0xFF800000> : vector<128xf32>
    %reduce_max3A_188 = vector.multi_reduction <maximumf>, %dot_general3A_176, %reduce_max3A_187 [0] : vector<3976x128xf32> to vector<128xf32>
    %broadcast_in_dim3A_189 = vector.shape_cast %reduce_max3A_188 : vector<128xf32> to vector<1x128xf32>
    %max3A_190 = arith.maximumf %max3A_186, %broadcast_in_dim3A_189 : vector<1x128xf32>
    %sub3A_191 = vector.broadcast %max3A_190 : vector<1x128xf32> to vector<3976x128xf32>
    %sub3A_192 = arith.subf %dot_general3A_164, %sub3A_191 : vector<3976x128xf32>
    %swap3A_193 = arith.constant 0 : index
    %swap3A_194 = arith.constant 0 : index
    %swap3A_195 = arith.constant 0 : index
    %swap3A_196 = vector.load %arg19[%swap3A_193, %swap3A_194, %swap3A_195] : memref<3976x4x128xf32, #tpu.memory_space<vmem>>, vector<3976x1x128xf32>
    %swap3A_197 = vector.shape_cast %swap3A_196 : vector<3976x1x128xf32> to vector<3976x128xf32>
    %swap3A_198 = vector.shape_cast %sub3A_192 : vector<3976x128xf32> to vector<3976x1x128xf32>
    tpu.vector_store %arg19[%swap3A_193, %swap3A_194, %swap3A_195], %swap3A_198 {strides = array<i32>} : memref<3976x4x128xf32, #tpu.memory_space<vmem>>, vector<3976x1x128xf32>,
    %sub3A_199 = vector.broadcast %max3A_190 : vector<1x128xf32> to vector<3976x128xf32>
    %sub3A_200 = arith.subf %dot_general3A_168, %sub3A_199 : vector<3976x128xf32>
    %swap3A_201 = arith.constant 0 : index
    %swap3A_202 = arith.constant 1 : index
    %swap3A_203 = arith.constant 0 : index
    %swap3A_204 = vector.load %arg19[%swap3A_201, %swap3A_202, %swap3A_203] : memref<3976x4x128xf32, #tpu.memory_space<vmem>>, vector<3976x1x128xf32>
    %swap3A_205 = vector.shape_cast %swap3A_204 : vector<3976x1x128xf32> to vector<3976x128xf32>
    %swap3A_206 = vector.shape_cast %sub3A_200 : vector<3976x128xf32> to vector<3976x1x128xf32>
    tpu.vector_store %arg19[%swap3A_201, %swap3A_202, %swap3A_203], %swap3A_206 {strides = array<i32>} : memref<3976x4x128xf32, #tpu.memory_space<vmem>>, vector<3976x1x128xf32>,
    %sub3A_207 = vector.broadcast %max3A_190 : vector<1x128xf32> to vector<3976x128xf32>
    %sub3A_208 = arith.subf %dot_general3A_172, %sub3A_207 : vector<3976x128xf32>
    %swap3A_209 = arith.constant 0 : index
    %swap3A_210 = arith.constant 2 : index
    %swap3A_211 = arith.constant 0 : index
    %swap3A_212 = vector.load %arg19[%swap3A_209, %swap3A_210, %swap3A_211] : memref<3976x4x128xf32, #tpu.memory_space<vmem>>, vector<3976x1x128xf32>
    %swap3A_213 = vector.shape_cast %swap3A_212 : vector<3976x1x128xf32> to vector<3976x128xf32>
    %swap3A_214 = vector.shape_cast %sub3A_208 : vector<3976x128xf32> to vector<3976x1x128xf32>
    tpu.vector_store %arg19[%swap3A_209, %swap3A_210, %swap3A_211], %swap3A_214 {strides = array<i32>} : memref<3976x4x128xf32, #tpu.memory_space<vmem>>, vector<3976x1x128xf32>,
    %sub3A_215 = vector.broadcast %max3A_190 : vector<1x128xf32> to vector<3976x128xf32>
    %sub3A_216 = arith.subf %dot_general3A_176, %sub3A_215 : vector<3976x128xf32>
    %swap3A_217 = arith.constant 0 : index
    %swap3A_218 = arith.constant 3 : index
    %swap3A_219 = arith.constant 0 : index
    %swap3A_220 = vector.load %arg19[%swap3A_217, %swap3A_218, %swap3A_219] : memref<3976x4x128xf32, #tpu.memory_space<vmem>>, vector<3976x1x128xf32>
    %swap3A_221 = vector.shape_cast %swap3A_220 : vector<3976x1x128xf32> to vector<3976x128xf32>
    %swap3A_222 = vector.shape_cast %sub3A_216 : vector<3976x128xf32> to vector<3976x1x128xf32>
    tpu.vector_store %arg19[%swap3A_217, %swap3A_218, %swap3A_219], %swap3A_222 {strides = array<i32>} : memref<3976x4x128xf32, #tpu.memory_space<vmem>>, vector<3976x1x128xf32>,
    %swap3A_223 = arith.constant 0 : index
    %swap3A_224 = arith.constant 0 : index
    %swap3A_225 = vector.load %arg17[%swap3A_223, %swap3A_224] : memref<3976x128xf32, #tpu.memory_space<vmem>>, vector<3976x128xf32>
    tpu.vector_store %arg17[%swap3A_223, %swap3A_224], %add3A_156 {strides = array<i32>} : memref<3976x128xf32, #tpu.memory_space<vmem>>, vector<3976x128xf32>,
    %swap3A_226 = arith.constant 0 : index
    %swap3A_227 = arith.constant 0 : index
    %swap3A_228 = vector.load %arg20[%swap3A_226, %swap3A_227] : memref<1x128xf32, #tpu.memory_space<vmem>>, vector<1x128xf32>
    tpu.vector_store %arg20[%swap3A_226, %swap3A_227], %max3A_190 {strides = array<i32>} : memref<1x128xf32, #tpu.memory_space<vmem>>, vector<1x128xf32>,
    return
  }
}

module attributes {stable_mosaic.version = 14 : i64} {
  func.func @_post_body(%arg0: memref<3976x128xf32, #tpu.memory_space<vmem>>, %arg1: memref<2x4096x64xf32, #tpu.memory_space<vmem>>, %arg2: memref<2x4096x64xf32, #tpu.memory_space<vmem>>, %arg3: memref<2x4096x64xf32, #tpu.memory_space<vmem>>, %arg4: memref<1x128xf32, #tpu.memory_space<vmem>>, %arg5: memref<32x4096xf32, #tpu.memory_space<vmem>>, %arg6: memref<128x128xf32, #tpu.memory_space<vmem>>, %arg7: memref<1x128xf32, #tpu.memory_space<vmem>>, %arg8: memref<1x128xf32, #tpu.memory_space<vmem>>, %arg9: memref<1x128xf32, #tpu.memory_space<vmem>>, %arg10: memref<3976x128xf32, #tpu.memory_space<vmem>>) attributes {dimension_semantics = [], scalar_prefetch = 0 : i64, scratch_operands = 0 : i64, tpu.core_type = #tpu.core_type<tc>} {
    %get3A = arith.constant 0 : index
    %get3A_0 = arith.constant 0 : index
    %get3A_1 = vector.load %arg5[%get3A, %get3A_0] : memref<32x4096xf32, #tpu.memory_space<vmem>>, vector<32x4096xf32>
    %reduce_sum3A = arith.constant dense<0.000000e+00> : vector<4096xf32>
    %reduce_sum3A_2 = vector.multi_reduction <add>, %get3A_1, %reduce_sum3A [0] : vector<32x4096xf32> to vector<4096xf32>
    %slice3A = vector.extract_strided_slice %reduce_sum3A_2 {offsets = [0], sizes = [3976], strides = [1]} : vector<4096xf32> to vector<3976xf32>
    %gt3A = arith.constant 0.000000e+00 : f32
    %gt3A_3 = vector.broadcast %gt3A : f32 to vector<3976xf32>
    %gt3A_4 = arith.cmpf ogt, %slice3A, %gt3A_3 : vector<3976xf32>
    %max3A = arith.constant 1.000000e+00 : f32
    %max3A_5 = vector.broadcast %max3A : f32 to vector<3976xf32>
    %max3A_6 = arith.maximumf %slice3A, %max3A_5 : vector<3976xf32>
    %rsqrt3A = math.rsqrt %max3A_6 : vector<3976xf32>
    %jit3A = arith.constant 0.000000e+00 : f32
    %broadcast_in_dim3A = vector.broadcast %jit3A : f32 to vector<3976xf32>
    %select_n3A = arith.select %gt3A_4, %rsqrt3A, %broadcast_in_dim3A : vector<3976xi1>, vector<3976xf32>
    %broadcast_in_dim3A_7 = vector.shape_cast %select_n3A : vector<3976xf32> to vector<3976x1xf32>
    %get3A_8 = arith.constant 0 : index
    %get3A_9 = arith.constant 0 : index
    %get3A_10 = vector.load %arg0[%get3A_8, %get3A_9] : memref<3976x128xf32, #tpu.memory_space<vmem>>, vector<3976x128xf32>
    %get3A_11 = arith.constant 0 : index
    %get3A_12 = arith.constant 0 : index
    %get3A_13 = arith.constant 0 : index
    %get3A_14 = vector.load %arg1[%get3A_11, %get3A_12, %get3A_13] : memref<2x4096x64xf32, #tpu.memory_space<vmem>>, vector<2x4096x64xf32>
    %get3A_15 = arith.constant 0 : index
    %get3A_16 = arith.constant 0 : index
    %get3A_17 = arith.constant 0 : index
    %get3A_18 = vector.load %arg2[%get3A_15, %get3A_16, %get3A_17] : memref<2x4096x64xf32, #tpu.memory_space<vmem>>, vector<2x4096x64xf32>
    %get3A_19 = arith.constant 0 : index
    %get3A_20 = arith.constant 0 : index
    %get3A_21 = arith.constant 0 : index
    %get3A_22 = vector.load %arg3[%get3A_19, %get3A_20, %get3A_21] : memref<2x4096x64xf32, #tpu.memory_space<vmem>>, vector<2x4096x64xf32>
    %get3A_23 = arith.constant 0 : index
    %get3A_24 = arith.constant 0 : index
    %get3A_25 = vector.load %arg4[%get3A_23, %get3A_24] : memref<1x128xf32, #tpu.memory_space<vmem>>, vector<1x128xf32>
    %get3A_26 = arith.constant 0 : index
    %get3A_27 = arith.constant 0 : index
    %get3A_28 = vector.load %arg6[%get3A_26, %get3A_27] : memref<128x128xf32, #tpu.memory_space<vmem>>, vector<128x128xf32>
    %get3A_29 = arith.constant 0 : index
    %get3A_30 = arith.constant 0 : index
    %get3A_31 = vector.load %arg7[%get3A_29, %get3A_30] : memref<1x128xf32, #tpu.memory_space<vmem>>, vector<1x128xf32>
    %get3A_32 = arith.constant 0 : index
    %get3A_33 = arith.constant 0 : index
    %get3A_34 = vector.load %arg8[%get3A_32, %get3A_33] : memref<1x128xf32, #tpu.memory_space<vmem>>, vector<1x128xf32>
    %get3A_35 = arith.constant 0 : index
    %get3A_36 = arith.constant 0 : index
    %get3A_37 = vector.load %arg9[%get3A_35, %get3A_36] : memref<1x128xf32, #tpu.memory_space<vmem>>, vector<1x128xf32>
    %slice3A_38 = vector.extract_strided_slice %get3A_14 {offsets = [0, 0, 0], sizes = [1, 3976, 64], strides = [1, 1, 1]} : vector<2x4096x64xf32> to vector<1x3976x64xf32>
    %squeeze3A = vector.shape_cast %slice3A_38 : vector<1x3976x64xf32> to vector<3976x64xf32>
    %slice3A_39 = vector.extract_strided_slice %get3A_14 {offsets = [1, 0, 0], sizes = [1, 3976, 64], strides = [1, 1, 1]} : vector<2x4096x64xf32> to vector<1x3976x64xf32>
    %squeeze3A_40 = vector.shape_cast %slice3A_39 : vector<1x3976x64xf32> to vector<3976x64xf32>
    %concatenate3A = tpu.concatenate %squeeze3A, %squeeze3A_40 in 1 : vector<3976x64xf32>, vector<3976x64xf32> -> vector<3976x128xf32>
    %slice3A_41 = vector.extract_strided_slice %get3A_18 {offsets = [0, 0, 0], sizes = [1, 3976, 64], strides = [1, 1, 1]} : vector<2x4096x64xf32> to vector<1x3976x64xf32>
    %squeeze3A_42 = vector.shape_cast %slice3A_41 : vector<1x3976x64xf32> to vector<3976x64xf32>
    %slice3A_43 = vector.extract_strided_slice %get3A_18 {offsets = [1, 0, 0], sizes = [1, 3976, 64], strides = [1, 1, 1]} : vector<2x4096x64xf32> to vector<1x3976x64xf32>
    %squeeze3A_44 = vector.shape_cast %slice3A_43 : vector<1x3976x64xf32> to vector<3976x64xf32>
    %concatenate3A_45 = tpu.concatenate %squeeze3A_42, %squeeze3A_44 in 1 : vector<3976x64xf32>, vector<3976x64xf32> -> vector<3976x128xf32>
    %slice3A_46 = vector.extract_strided_slice %get3A_22 {offsets = [0, 0, 0], sizes = [1, 3976, 64], strides = [1, 1, 1]} : vector<2x4096x64xf32> to vector<1x3976x64xf32>
    %squeeze3A_47 = vector.shape_cast %slice3A_46 : vector<1x3976x64xf32> to vector<3976x64xf32>
    %slice3A_48 = vector.extract_strided_slice %get3A_22 {offsets = [1, 0, 0], sizes = [1, 3976, 64], strides = [1, 1, 1]} : vector<2x4096x64xf32> to vector<1x3976x64xf32>
    %squeeze3A_49 = vector.shape_cast %slice3A_48 : vector<1x3976x64xf32> to vector<3976x64xf32>
    %concatenate3A_50 = tpu.concatenate %squeeze3A_47, %squeeze3A_49 in 1 : vector<3976x64xf32>, vector<3976x64xf32> -> vector<3976x128xf32>
    %gt3A_51 = arith.constant 0.000000e+00 : f32
    %gt3A_52 = vector.broadcast %gt3A_51 : f32 to vector<3976x128xf32>
    %gt3A_53 = arith.cmpf ogt, %concatenate3A, %gt3A_52 : vector<3976x128xf32>
    %max3A_54 = arith.constant 9.99999991E-38 : f32
    %max3A_55 = vector.broadcast %max3A_54 : f32 to vector<3976x128xf32>
    %max3A_56 = arith.maximumf %concatenate3A, %max3A_55 : vector<3976x128xf32>
    %div3A = arith.divf %concatenate3A_45, %max3A_56 : vector<3976x128xf32>
    %add3A = vector.broadcast %get3A_25 : vector<1x128xf32> to vector<3976x128xf32>
    %add3A_57 = arith.addf %div3A, %add3A : vector<3976x128xf32>
    %jit3A_58 = arith.constant 0.000000e+00 : f32
    %broadcast_in_dim3A_59 = vector.broadcast %jit3A_58 : f32 to vector<3976x128xf32>
    %select_n3A_60 = arith.select %gt3A_53, %add3A_57, %broadcast_in_dim3A_59 : vector<3976x128xi1>, vector<3976x128xf32>
    %mul3A = vector.broadcast %broadcast_in_dim3A_7 : vector<3976x1xf32> to vector<3976x128xf32>
    %mul3A_61 = arith.mulf %concatenate3A_50, %mul3A : vector<3976x128xf32>
    %add3A_62 = arith.addf %get3A_10, %mul3A_61 : vector<3976x128xf32>
    %max3A_63 = arith.constant 0.000000e+00 : f32
    %max3A_64 = vector.broadcast %max3A_63 : f32 to vector<3976x128xf32>
    %max3A_65 = arith.maximumf %select_n3A_60, %max3A_64 : vector<3976x128xf32>
    %mul3A_66 = arith.constant 1.000000e-01 : f32
    %mul3A_67 = vector.broadcast %mul3A_66 : f32 to vector<3976x128xf32>
    %mul3A_68 = arith.mulf %mul3A_67, %max3A_65 : vector<3976x128xf32>
    %add3A_69 = arith.addf %add3A_62, %mul3A_68 : vector<3976x128xf32>
    %dot_general3A = arith.constant dense<0.000000e+00> : vector<3976x128xf32>
    %dot_general3A_70 = tpu.matmul %add3A_69, %get3A_28, %dot_general3A {dimension_numbers = #tpu.dot_dimension_numbers<[1], [0], [0], [1], [0, 0, 1, 1], [], []>, transpose_lhs_hint = false} : vector<3976x128xf32>, vector<128x128xf32>, vector<3976x128xf32> -> vector<3976x128xf32>
    %add3A_71 = vector.broadcast %get3A_31 : vector<1x128xf32> to vector<3976x128xf32>
    %add3A_72 = arith.addf %dot_general3A_70, %add3A_71 : vector<3976x128xf32>
    %reduce_sum3A_73 = arith.constant dense<0.000000e+00> : vector<3976xf32>
    %reduce_sum3A_74 = vector.multi_reduction <add>, %add3A_72, %reduce_sum3A_73 [1] : vector<3976x128xf32> to vector<3976xf32>
    %broadcast_in_dim3A_75 = vector.shape_cast %reduce_sum3A_74 : vector<3976xf32> to vector<3976x1xf32>
    %div3A_76 = arith.constant 1.280000e+02 : f32
    %div3A_77 = vector.broadcast %div3A_76 : f32 to vector<3976x1xf32>
    %div3A_78 = arith.divf %broadcast_in_dim3A_75, %div3A_77 : vector<3976x1xf32>
    %sub3A = vector.broadcast %div3A_78 : vector<3976x1xf32> to vector<3976x128xf32>
    %sub3A_79 = arith.subf %add3A_72, %sub3A : vector<3976x128xf32>
    %integer_pow3A = arith.mulf %sub3A_79, %sub3A_79 : vector<3976x128xf32>
    %reduce_sum3A_80 = arith.constant dense<0.000000e+00> : vector<3976xf32>
    %reduce_sum3A_81 = vector.multi_reduction <add>, %integer_pow3A, %reduce_sum3A_80 [1] : vector<3976x128xf32> to vector<3976xf32>
    %broadcast_in_dim3A_82 = vector.shape_cast %reduce_sum3A_81 : vector<3976xf32> to vector<3976x1xf32>
    %div3A_83 = arith.constant 1.280000e+02 : f32
    %div3A_84 = vector.broadcast %div3A_83 : f32 to vector<3976x1xf32>
    %div3A_85 = arith.divf %broadcast_in_dim3A_82, %div3A_84 : vector<3976x1xf32>
    %sub3A_86 = vector.broadcast %div3A_78 : vector<3976x1xf32> to vector<3976x128xf32>
    %sub3A_87 = arith.subf %add3A_72, %sub3A_86 : vector<3976x128xf32>
    %add3A_88 = arith.constant 9.99999974E-6 : f32
    %add3A_89 = vector.broadcast %add3A_88 : f32 to vector<3976x1xf32>
    %add3A_90 = arith.addf %div3A_85, %add3A_89 : vector<3976x1xf32>
    %sqrt3A = math.sqrt %add3A_90 : vector<3976x1xf32>
    %div3A_91 = vector.broadcast %sqrt3A : vector<3976x1xf32> to vector<3976x128xf32>
    %div3A_92 = arith.divf %sub3A_87, %div3A_91 : vector<3976x128xf32>
    %mul3A_93 = vector.broadcast %get3A_34 : vector<1x128xf32> to vector<3976x128xf32>
    %mul3A_94 = arith.mulf %div3A_92, %mul3A_93 : vector<3976x128xf32>
    %add3A_95 = vector.broadcast %get3A_37 : vector<1x128xf32> to vector<3976x128xf32>
    %add3A_96 = arith.addf %mul3A_94, %add3A_95 : vector<3976x128xf32>
    %mul3A_97 = arith.constant 5.000000e-01 : f32
    %mul3A_98 = vector.broadcast %mul3A_97 : f32 to vector<3976x128xf32>
    %mul3A_99 = arith.mulf %add3A_96, %mul3A_98 : vector<3976x128xf32>
    %mul3A_100 = arith.constant 0.707106769 : f32
    %mul3A_101 = vector.broadcast %mul3A_100 : f32 to vector<3976x128xf32>
    %mul3A_102 = arith.mulf %add3A_96, %mul3A_101 : vector<3976x128xf32>
    %erf3A = math.erf %mul3A_102 : vector<3976x128xf32>
    %add3A_103 = arith.constant 1.000000e+00 : f32
    %add3A_104 = vector.broadcast %add3A_103 : f32 to vector<3976x128xf32>
    %add3A_105 = arith.addf %add3A_104, %erf3A : vector<3976x128xf32>
    %mul3A_106 = arith.mulf %mul3A_99, %add3A_105 : vector<3976x128xf32>
    %swap3A = arith.constant 0 : index
    %swap3A_107 = arith.constant 0 : index
    %swap3A_108 = vector.load %arg10[%swap3A, %swap3A_107] : memref<3976x128xf32, #tpu.memory_space<vmem>>, vector<3976x128xf32>
    tpu.vector_store %arg10[%swap3A, %swap3A_107], %mul3A_106 {strides = array<i32>} : memref<3976x128xf32, #tpu.memory_space<vmem>>, vector<3976x128xf32>,
    return
  }
}

</mosaic_0001>

<sc_bundles>
// kernel: kernel.12.cloned.1.call-start
scs
__scs_entry_jumppad:
0x0: {  	(pc) =	sbr.rel $0x88, $3  }
0x1: {  	(tag) =	ssettag $0x0;
	lr =	simm.s32 $0x1  }
0x2: {  	[smem:$0x3F83] =	sst lr;
	_ =	strace $0xD0000000  }
0x3: {  	_ = 	snop  }
0x4: {  	_ = 	snop  }
0x5: {  	_ = 	snop  }
0x6: {  	_ = 	snop  }
0x7: {  	_ = 	snop  }
__scs_overlays_trampoline_lowered:
0x8: {  	[smem:$0x3F92] =	sst s0  }
0x9: {  	[smem:$0x3F93] =	sst s1  }
0xa: {  	[smem:$0x3F94] =	sst s2  }
0xb: {  	[smem:$0x3F95] =	sst s3  }
0xc: {  	[smem:$0x3F96] =	sst s4  }
0xd: {  	[smem:$0x3F97] =	sst s5  }
0xe: {  	[smem:$0x3F98] =	sst s6  }
0xf: {  	[smem:$0x3F99] =	sst s7  }
0x10: {  	[smem:$0x3F9A] =	sst s8  }
0x11: {  	[smem:$0x3F9B] =	sst s9;
	s0 =	simm.s32 @!p0 $0x0  }
0x12: {  	s1 =	sld [smem:$0x3F81];
	s0 =	simm.s32 @p0 $0x1  }
0x13: {  	[smem:$0x3F9C] =	sst s0;
	s0 =	simm.s32 @!p1 $0x0  }
0x14: {  	s2 =	sld [smem:$0x3F80];
	s0 =	simm.s32 @p1 $0x1  }
0x15: {  	[smem:$0x3F9D] =	sst s0;
	s0 =	simm.s32 @!p2 $0x0  }
0x16: {  	s3 =	sld [smem:$0x3FDB];
	s0 =	simm.s32 @p2 $0x1  }
0x17: {  	s4 =	simm.s32 $0x1BF5;
	[smem:$0x3F9F] =	sst s0  }
0x18: {  	s0 =	sld [smem:$0x3F82];
	_ =	swait.ge [sflag:s4], $0x0  }
0x19: {  	s7 =	sld [smem:$0x3F83]  }
0x1a: {  	s8 =	sadd.s32 $0xFFFFE003, lr  }
0x1b: {  	s9 =	sadd.s32 $0xFFFFFEF7, lr;
	s5 =	simm.s32 $0xFFFFFFFF;
	p2 =	slt.u32 s8, $0xFFFFF086  }
0x1c: {  	p1 =	slt.u32 s9, $0xF7A;
	s5 =	simm.s32 @!p2 $0x0  }
0x1d: {  	s5 =	simm.s32 @p1 $0x1;
	p0 =	seq.s32 s7, s2  }
0x1e: {  	s7 =	smul.u32 @!p0 $0xF7A, s2;
	p2 =	seq.s32 @!p0 s5, $0x0  }
0x1f: {  	s9 =	smul.u32 $0xF7A, s1;
	s8 =	simm.s32 @!p0 $0x1BF5;
	p2 =	por !p2, p0  }
0x20: {  	[sflag:s8] =	ssyncset.s32 @!p0 $0xFFFFF086;
	s6 =	sadd.s32 @!p0 s3, s7;
	s7 =	simm.s32 @!p0 $0x108  }
0x21: {  	s3 =	sadd.s32 s3, s9;
	s6 =	sadd.s32 @!p0 $0x88, s6;
	s7 =	simm.s32 @p2 $0x1082  }
0x22: {  	[simem:s7], [sflag:s8] =	dma.local @!p0 [hbm:s6], $0xF7A  }
0x23: {  	s9 =	sor.u32 $0xD0000000, s2;
	s6 =	simm.s32 $0x108;
	_ =	swait.ge @!p0 [sflag:s8], $0x0  }
0x24: {  	s3 =	sadd.s32 $0x88, s3;
	s6 =	simm.s32 @!p1 $0x1082;
	[sflag:s4] =	ssyncset.s32 $0xFFFFF086  }
0x25: {  	[simem:s6], [sflag:s4] =	dma.local [hbm:s3], $0xF7A  }
0x26: {  	[smem:$0x3F83] =	sst s1;
	(tag) =	ssettag s2;
	_ =	strace s9  }
0x27: {  	s1 =	sld [smem:$0x3F93]  }
0x28: {  	s2 =	sld [smem:$0x3F94]  }
0x29: {  	s4 =	sld [smem:$0x3F96]  }
0x2a: {  	p0 =	seq.s32 s5, $0x0;
	s5 =	sld [smem:$0x3F97]  }
0x2b: {  	s6 =	sld [smem:$0x3F98]  }
0x2c: {  	s7 =	sld [smem:$0x3F99]  }
0x2d: {  	s3 =	simm.s32 $0x108;
	s8 =	sld [smem:$0x3F9A]  }
0x2e: {  	s3 =	simm.s32 @!p0 $0x1082;
	s9 =	sld [smem:$0x3F9B]  }
0x2f: {  	lr =	sadd.s32 s0, s3;
	s0 =	sld [smem:$0x3F92]  }
0x30: {  	s3 =	sld [smem:$0x3F95]  }
0x31: {  	[smem:$0x3F9E] =	sst s10  }
0x32: {  	s10 =	sld [smem:$0x3F9C];
	_ =	sdelay $0x3  }
0x33: {  	p0 =	seq.s32 s10, $0x1;
	s10 =	sld [smem:$0x3F9E];
	_ =	sdelay $0x3  }
0x34: {  	[smem:$0x3F9E] =	sst s10  }
0x35: {  	s10 =	sld [smem:$0x3F9D];
	_ =	sdelay $0x3  }
0x36: {  	p1 =	seq.s32 s10, $0x1;
	s10 =	sld [smem:$0x3F9E];
	_ =	sdelay $0x3  }
0x37: {  	[smem:$0x3F9E] =	sst s10  }
0x38: {  	s10 =	sld [smem:$0x3F9F]  }
0x39: {  	_ = 	snop;
	(pc) =	sbr.ind lr, $3  }
0x3a: {  	_ = 	snop  }
0x3b: {  	_ = 	snop  }
0x3c: {  	p2 =	seq.s32 s10, $0x1;
	s10 =	sld [smem:$0x3F9E]  }
0x3d: {  	_ =	shalt  }
0x3e: {  	_ =	shalt  }
0x3f: {  	_ =	shalt  }
0x40: {  	_ =	shalt  }
0x41: {  	_ =	shalt  }
0x42: {  	_ =	shalt  }
0x43: {  	_ =	shalt  }
0x44: {  	_ =	shalt  }
0x45: {  	_ =	shalt  }
0x46: {  	_ =	shalt  }
0x47: {  	_ =	shalt  }
0x48: {  	_ =	shalt  }
0x49: {  	_ =	shalt  }
0x4a: {  	_ =	shalt  }
0x4b: {  	_ =	shalt  }
0x4c: {  	_ =	shalt  }
0x4d: {  	_ =	shalt  }
0x4e: {  	_ =	shalt  }
0x4f: {  	_ =	shalt  }
0x50: {  	_ =	shalt  }
0x51: {  	_ =	shalt  }
0x52: {  	_ =	shalt  }
0x53: {  	_ =	shalt  }
0x54: {  	_ =	shalt  }
0x55: {  	_ =	shalt  }
0x56: {  	_ =	shalt  }
0x57: {  	_ =	shalt  }
0x58: {  	_ =	shalt  }
0x59: {  	_ =	shalt  }
0x5a: {  	_ =	shalt  }
0x5b: {  	_ =	shalt  }
0x5c: {  	_ =	shalt  }
0x5d: {  	_ =	shalt  }
0x5e: {  	_ =	shalt  }
0x5f: {  	_ =	shalt  }
0x60: {  	_ =	shalt  }
0x61: {  	_ =	shalt  }
0x62: {  	_ =	shalt  }
0x63: {  	_ =	shalt  }
0x64: {  	_ =	shalt  }
0x65: {  	_ =	shalt  }
0x66: {  	_ =	shalt  }
0x67: {  	_ =	shalt  }
0x68: {  	_ =	shalt  }
0x69: {  	_ =	shalt  }
0x6a: {  	_ =	shalt  }
0x6b: {  	_ =	shalt  }
0x6c: {  	_ =	shalt  }
0x6d: {  	_ =	shalt  }
0x6e: {  	_ =	shalt  }
0x6f: {  	_ =	shalt  }
0x70: {  	_ =	shalt  }
0x71: {  	_ =	shalt  }
0x72: {  	_ =	shalt  }
0x73: {  	_ =	shalt  }
0x74: {  	_ =	shalt  }
0x75: {  	_ =	shalt  }
0x76: {  	_ =	shalt  }
0x77: {  	_ =	shalt  }
0x78: {  	_ =	shalt  }
0x79: {  	_ =	shalt  }
0x7a: {  	_ =	shalt  }
0x7b: {  	_ =	shalt  }
0x7c: {  	_ =	shalt  }
0x7d: {  	_ =	shalt  }
0x7e: {  	_ =	shalt  }
0x7f: {  	_ =	shalt  }
0x80: {  	_ =	shalt  }
0x81: {  	_ =	shalt  }
0x82: {  	_ =	shalt  }
0x83: {  	_ =	shalt  }
0x84: {  	_ =	shalt  }
0x85: {  	_ =	shalt  }
0x86: {  	_ =	shalt  }
0x87: {  	_ =	shalt  }
.Lfunc_end0:
.L_simem_size_0:
called_computation.1_lowered:
.L_overlay_start_0:
0x88: {  	s2 =	sld [smem:$0x3FD9]  }
0x89: {  	s3 =	sld [smem:$0x3FFE];
	_ =	sdelay $0x1  }
0x8a: {  	s1 =	srdreg.scid  }
0x8b: {  	s0 =	sand.u32 $0x1, s1  }
0x8c: {  	s16 =	sshll.u32 s0, $0xA;
	s2 =	sadd.s32 s3, s2  }
0x8d: {  	s2 =	sadd.s32 s2, s16  }
0x8e: {  	[smem:$0x3FAA] =	sst s2  }
0x8f: {  	_ = 	snop  }
0x90: {  	(tm) =	ssettm $0x1  }
0x91: {  	s17 =	sld [smem:$0x3FFB];
	_ =	sdelay $0x3  }
0x92: {  	_ =	strace s17  }
0x93: {  	s2 =	sld [smem:$0x3FFC];
	_ =	sdelay $0x3  }
0x94: {  	_ =	strace s2  }
0x95: {  	s2 =	sld [smem:$0x3FFD];
	_ =	sdelay $0x3  }
0x96: {  	_ =	strace s2  }
0x97: {  	_ =	strace $0x8FFFFFFF  }
0x98: {  	s18 =	sld [smem:$0x3FDB];
	_ =	sdelay $0x1  }
0x99: {  	s19 =	simm.s32 $_scs_section_size  }
0x9a: {  	s4 =	simm.s32 $_size__tile_overlayer_lowered;
	s5 =	simm.s32 $_tile_overlayer_lowered  }
0x9b: {  	s22 =	simm.s32 $0x1BFF;
	s21 =	sshll.u32 s5, $0x1;
	s2 =	sadd.s32 s19, s18  }
0x9c: {  	s6 =	simm.s32 $0x0;
	s20 =	sshll.u32 s4, $0x1;
	s4 =	sadd.s32 s21, s2  }
0x9d: {  	[timem:s6], [sflag:s22] =	dma.local [hbm:s4], s20  }
0x9e: {  	_ =	swait.ge [sflag:s22], s20  }
0x9f: {  	s3 =	ssub.s32 $0x0, s20;
	[sflag:s22] =	ssyncset.done $0x0  }
0xa0: {  	[sflag:s22] =	ssyncadd.s32 s3;
	_ =	sdelay $0x1  }
0xa1: {  	s23 =	simm.s32 $0x1B8B  }
0xa2: {  	_ =	swait.ge [sflag:s23], $0x1  }
0xa3: {  	[sflag:s23] =	ssyncset.done $0x0  }
0xa4: {  	s25 =	simm.s32 $0x1B8E;
	s24 =	sld [smem:$0x3FFE];
	[sflag:s23] =	ssyncadd.s32 $0xFFFFFFFF  }
0xa5: {  	s26 =	simm.s32 $execute0_lowered;
	[smem:$0x3FD2] =	sst s25  }
0xa6: {  	s4 =	sshll.u32 s26, $0x1;
	_ =	strace $0x80000049;
	[dreg:$0x1] =	wrdreg $0xFFFFFFFF  }
0xa7: {  	s28 =	simm.s32 $_size_execute0_lowered;
	s2 =	sadd.s32 s2, s4;
	[dreg:$0x0] =	wrdreg $0x0  }
0xa8: {  	s4 =	sshll.u32 s28, $0x1;
	[dreg:$0x2] =	wrdreg s2  }
0xa9: {  	[dreg:$0x3] =	wrdreg s4  }
0xaa: {  	[dreg:$0x4] =	wrdreg $0xC0  }
0xab: {  	_ =	task [dreg:s6], $0x5FFFF  }
0xac: {  	[dreg:$0x1] =	wrdreg $0xFFFFFFFF  }
0xad: {  	[dreg:$0x0] =	wrdreg $0x60  }
0xae: {  	[dreg:$0x2] =	wrdreg s24  }
0xaf: {  	[dreg:$0x3] =	wrdreg $0x0  }
0xb0: {  	[dreg:$0x4] =	wrdreg $0x40000  }
0xb1: {  	[dreg:$0x5] =	wrdreg $0x80000  }
0xb2: {  	[dreg:$0x6] =	wrdreg $0x9  }
0xb3: {  	_ =	task.clear_ibuf [dreg:s6], $0x7FFFF;
	_ =	strace $0x90000049  }
0xb4: {  	s29 =	simm.s32 $0x9;
	_ =	strace $0x8000004B  }
0xb5: {  	_ =	swait.ge [sflag:s29], $0x1  }
0xb6: {  	[sflag:s29] =	ssyncadd.s32 $0xFFFFFFFF  }
0xb7: {  	_ =	strace $0x9000004B  }
0xb8: {  	_ =	sfence  }
0xb9: {  	s30 =	sld [smem:$0x0];
	_ =	sdelay $0x2  }
0xba: {  	s31 =	sshll.u32 s1, $0xD;
	s1 =	sshrl.u32 s1, $0x2  }
0xbb: {  	s3 =	sand.u32 $0x4000, s31;
	s1 =	sadd.s32 s1, s30  }
0xbc: {  	s0 =	sor.u32 s3, s0;
	s1 =	sshll.u32 s1, $0x11  }
0xbd: {  	s0 =	sor.u32 s1, s0  }
0xbe: {  	s0 =	sadd.s32 $0x8F2B, s0  }
0xbf: {  	[sflag:s0] =	ssyncadd.remote.s32 $0x1  }
0xc0: {  	_ =	sfence.sel $0xFFFF  }
0xc1: {  	[dreg:$0x0] =	wrdreg $0xFFFFFFFF;
	(pc) =	sbr.abs _section_cstart, $3  }
0xc2: {  	[dreg:$0x1] =	wrdreg $0xFFFFFFFF  }
0xc3: {  	_ =	task.clear_ibuf [dreg:s6], $0x2FFFF;
	_ =	strace $0x9FFFFFFF  }
0xc4: {  	(tm) =	ssettm $0x7FFFFFFF  }
0xc5: {  	_ =	shalt  }
tec
execute0_lowered:
.L_overlay_start_1:
0x0: {  	(tag) =	ssettag $0x1  }
0x1: {  	s0 =	rddreg [dreg:$0x0]  }
0x2: {  	s1 =	rddreg [dreg:$0x1]  }
0x3: {  	s2 =	rddreg [dreg:$0x2]  }
0x4: {  	s3 =	rddreg [dreg:$0x3];
	s4 =	srdreg.scid;
	s5 =	simm.s32 $0x0  }
0x5: {  	s11 =	stileid.u32;
	s28 =	simm.s32 $0xC1F8;
	s4 =	sand.u32 $0x1, s4  }
0x6: {  	s30 =	simm.s32 $0x7;
	[smem:$0x7FF] =	sst s5;
	s26 =	smul.u32 $0x1F100, s4  }
0x7: {  	s7 =	sshll.u32 s11, $0xE;
	s6 =	smul.u32 $0x7C40, s4;
	_ =	strace $0x8000004A  }
0x8: {  	s8 =	sshll.u32 s4, $0x12;
	s4 =	ssub.s32 $0x2, s4;
	s25 =	sadd.s32 s7, s2  }
0x9: {  	s10 =	sor.u32 $0x800, s7;
	s29 =	sadd.s32 s7, s1;
	[dreg:$0x15] =	wrdreg s25  }
0xa: {  	s13 =	sor.u32 $0x1000, s7;
	s12 =	sadd.s32 s10, s1;
	[dreg:$0x14] =	wrdreg s29  }
0xb: {  	s16 =	sor.u32 $0x1800, s7;
	s14 =	sadd.s32 s13, s1;
	[dreg:$0x5] =	wrdreg s12  }
0xc: {  	s19 =	sor.u32 $0x2000, s7;
	s15 =	sadd.s32 s13, s2;
	[dreg:$0x8] =	wrdreg s14  }
0xd: {  	s21 =	sor.u32 $0x2800, s7;
	s17 =	sadd.s32 s16, s1;
	[dreg:$0x9] =	wrdreg s15  }
0xe: {  	s8 =	sor.u32 s7, s8;
	s18 =	sadd.s32 s16, s2;
	[dreg:$0xb] =	wrdreg s17  }
0xf: {  	s31 =	sshrl.u32 s4, $0x1;
	s20 =	sadd.s32 s19, s1;
	[dreg:$0xc] =	wrdreg s18  }
0x10: {  	s22 =	sadd.s32 s19, s2;
	s23 =	sadd.s32 s21, s1;
	[dreg:$0xe] =	wrdreg s20  }
0x11: {  	s24 =	sadd.s32 s21, s2;
	s5 =	sadd.s32 s26, s0;
	[dreg:$0xf] =	wrdreg s22  }
0x12: {  	s9 =	sadd.s32 s6, s0;
	s6 =	sadd.s32 $0xF600, s0;
	[dreg:$0x11] =	wrdreg s23  }
0x13: {  	s8 =	sshrl.u32 s8, $0x3;
	s12 =	sadd.s32 s10, s2;
	[dreg:$0x12] =	wrdreg s24  }
0x14: {  	s4 =	ssub.s32 s4, s31;
	s10 =	sadd.s32 s10, s3;
	[dreg:$0x6] =	wrdreg s12  }
0x15: {  	s26 =	sadd.s32 s7, s3;
	s31 =	sor.u32 $0x3000, s7;
	[dreg:$0x7] =	wrdreg s10  }
0x16: {  	s0 =	sadd.s32 s8, s0;
	s8 =	sadd.s32 s13, s3;
	[dreg:$0x16] =	wrdreg s26  }
0x17: {  	s7 =	sor.u32 $0x3800, s7;
	s10 =	sadd.s32 s19, s3;
	[dreg:$0xa] =	wrdreg s8  }
0x18: {  	s12 =	sadd.s32 s31, s1;
	s13 =	smul.u32 $0xBA60, s11;
	[dreg:$0x10] =	wrdreg s10  }
0x19: {  	s14 =	sadd.s32 s31, s2;
	s15 =	sadd.s32 s7, s1;
	[dreg:$0x17] =	wrdreg s12  }
0x1a: {  	s5 =	sadd.s32 $0x36600, s5;
	s8 =	sadd.s32 s16, s3;
	[dreg:$0x18] =	wrdreg s14  }
0x1b: {  	[dreg:$0x1a] =	wrdreg s15;
	s16 =	sadd.s32 s7, s2;
	s7 =	sadd.s32 s7, s3  }
0x1c: {  	s25 =	sadd.s32 $0x94200, s0;
	s26 =	sadd.s32 $0x84200, s0;
	s0 =	sadd.s32 $0xA4200, s0  }
0x1d: {  	s14 =	simm.s32 $0xC150;
	s15 =	simm.s32 $0x4;
	[dreg:$0xd] =	wrdreg s8  }
0x1e: {  	s12 =	simm.s32 $0xA;
	s10 =	simm.s32 $0x0;
	[dreg:$0x1b] =	wrdreg s16  }
0x1f: {  	s8 =	sadd.s32 s21, s3;
	s17 =	sshrl.u32 s13, $0x3;
	[dreg:$0x1c] =	wrdreg s7  }
0x20: {  	s18 =	sadd.s32 $0xA8, s13;
	s7 =	sadd.s32 $0x26C00, s9;
	[smem:$0x7FA] =	sst s25  }
0x21: {  	s21 =	sadd.s32 $0x150, s13;
	s22 =	sadd.s32 $0x1F8, s13;
	[smem:$0x7FB] =	sst s26  }
0x22: {  	s23 =	sadd.s32 $0x2A0, s13;
	s24 =	sadd.s32 $0x348, s13;
	[smem:$0x7FC] =	sst s0  }
0x23: {  	s26 =	simm.s32 $0xC0A8;
	s0 =	simm.s32 $0x1;
	[dreg:$0x13] =	wrdreg s8  }
0x24: {  	s16 =	simm.s32 $0xDEA0;
	s13 =	simm.s32 $0xECA0;
	[dreg:$0x1f] =	wrdreg s21  }
0x25: {  	s25 =	simm.s32 $0x8;
	s8 =	sadd.s32 s31, s3;
	[smem:$0x7F7] =	sst s22  }
0x26: {  	s19 =	sadd.s32 s6, s17;
	s20 =	sshrl.u32 s18, $0x3;
	[smem:$0x7F8] =	sst s23  }
0x27: {  	[smem:$0x7F9] =	sst s24;
	s31 =	smax.u32 s4, $0x1;
	s18 =	simm.s32 $0xD  }
.Ltmp0:
0x28: {  	s23 =	simm.s32 $0x14EA0;
	s24 =	simm.s32 $0x2;
	(pc) =	sbr.rel .LBB2_1-.Ltmp0, $4  }
0x29: {  	s17 =	simm.s32 $0x6;
	s22 =	simm.s32 $0x15CA0;
	[dreg:$0x19] =	wrdreg s8  }
0x2a: {  	s4 =	simm.s32 $0x3;
	s21 =	simm.s32 $0x9;
	[dreg:$0x1d] =	wrdreg s19  }
0x2b: {  	s8 =	sadd.s32 s6, s20;
	[smem:$0x7FD] =	sst s31;
	s19 =	simm.s32 $0xC000  }
0x2c: {  	v0 =	vimm.f32 $0.0e+00;
	s20 =	simm.s32 $0x38;
	[dreg:$0x1e] =	wrdreg s8;
	s8 =	simm.s32 $0x5  }
.LBB2_14:
0x2d: {  	s9 =	simm.s32 $0xB  }
0x2e: {  	_ =	swait.ge [sflag:s9], $0xE00  }
0x2f: {  	[sflag:s9] =	ssyncset.done $0x0  }
0x30: {  	[sflag:s9] =	ssyncadd.s32 $0xFFFFF200  }
0x31: {  	_ =	swait.ge [sflag:s9], $0xE00  }
0x32: {  	[sflag:s9] =	ssyncset.done $0x0  }
0x33: {  	[sflag:s9] =	ssyncadd.s32 $0xFFFFF200  }
0x34: {  	_ =	swait.ge [sflag:s9], $0xE00  }
0x35: {  	[sflag:s9] =	ssyncset.done $0x0  }
0x36: {  	s31 =	simm.s32 $0xC;
	[sflag:s9] =	ssyncadd.s32 $0xFFFFF200  }
0x37: {  	_ =	swait.ge [sflag:s31], $0xE00  }
0x38: {  	[sflag:s31] =	ssyncset.done $0x0  }
0x39: {  	[sflag:s31] =	ssyncadd.s32 $0xFFFFF200  }
0x3a: {  	_ =	swait.ge [sflag:s31], $0xE00  }
0x3b: {  	[sflag:s31] =	ssyncset.done $0x0  }
0x3c: {  	[sflag:s31] =	ssyncadd.s32 $0xFFFFF200  }
0x3d: {  	_ =	swait.ge [sflag:s31], $0xE00  }
0x3e: {  	[sflag:s31] =	ssyncset.done $0x0  }
0x3f: {  	[sflag:s31] =	ssyncadd.s32 $0xFFFFF200  }
0x40: {  	[bflag:$0x0] =	sbarrier.arrive $0xFFFF  }
0x41: {  	s10 =	stileid.u32;
	s11 =	sld [smem:$0x7FA]  }
0x42: {  	s9 =	sshll.u32 s10, $0x6;
	s29 =	rddreg [dreg:$0x14]  }
0x43: {  	s9 =	sor.u32 $0x1C0D, s9;
	s10 =	sshrl.u32 s29, $0x3  }
0x44: {  	[hbm:s11], [sflag:s9] =	dma.local [spmem:s10], $0x800  }
0x45: {  	_ =	swait.ge [sflag:s18], $0x800  }
0x46: {  	s31 =	sld [smem:$0x7FB]  }
0x47: {  	[sflag:s18] =	ssyncset.done $0x0;
	s11 =	rddreg [dreg:$0x15]  }
0x48: {  	[sflag:s18] =	ssyncadd.s32 $0xFFFFF800;
	s10 =	sshrl.u32 s11, $0x3  }
0x49: {  	[hbm:s31], [sflag:s9] =	dma.local [spmem:s10], $0x800  }
0x4a: {  	_ =	swait.ge [sflag:s18], $0x800  }
0x4b: {  	s31 =	sld [smem:$0x7FC]  }
0x4c: {  	[sflag:s18] =	ssyncset.done $0x0;
	s11 =	rddreg [dreg:$0x16]  }
0x4d: {  	[sflag:s18] =	ssyncadd.s32 $0xFFFFF800;
	s10 =	sshrl.u32 s11, $0x3  }
0x4e: {  	[hbm:s31], [sflag:s9] =	dma.local [spmem:s10], $0x800  }
0x4f: {  	_ =	swait.ge [sflag:s18], $0x800  }
0x50: {  	s11 =	sld [smem:$0x7F6]  }
0x51: {  	s31 =	sld [smem:$0x7FD];
	_ =	sdelay $0x1  }
0x52: {  	s10 =	sadd.s32 $0x1, s11  }
0x53: {  	p0 =	sne.s32 s10, s31  }
.Ltmp1:
0x54: {  	_ = 	snop;
	(pc) =	sbr.rel @!p0 .LBB2_15-.Ltmp1, $3  }
0x55: {  	_ =	sdelay $0x1  }
0x56: {  	[sflag:s18] =	ssyncset.done $0x0  }
0x57: {  	[sflag:s18] =	ssyncadd.s32 $0xFFFFF800  }
.LBB2_1:
0x58: {  	[smem:$0x7F6] =	sst s10;
	s10 =	simm.s32 $0x100;
	s9 =	simm.s32 $0x0  }
.LBB2_2:
0x59: {  	p0 =	sne.s32 s10, $0x1F00;
	[tilespmem:s9+$0x16AD0] =	vst v0;
	s11 =	smov.u32 s10;
	s10 =	sadd.s32 $0x100, s10  }
.Ltmp2:
0x5a: {  	[tilespmem:s9+$0x16AC0] =	vst v0;
	(pc) =	sbr.rel @p0 .LBB2_2-.Ltmp2, $3  }
0x5b: {  	[tilespmem:s9+$0x16AA0] =	vst v0  }
0x5c: {  	[tilespmem:s9+$0x16AB0] =	vst v0;
	_ =	sdelay $0x1  }
0x5d: {  	s9 =	sshra.s32 s11, $0x2  }
0x5e: {  	[tilespmem:s9+$0x16AD0] =	vst v0  }
0x5f: {  	[tilespmem:s9+$0x16AC0] =	vst v0  }
0x60: {  	[tilespmem:s9+$0x16AA0] =	vst v0  }
0x61: {  	[tilespmem:s9+$0x16AB0] =	vst v0;
	s10 =	simm.s32 $0x16AA0  }
0x62: {  	[spmem:s29] =	stream.linear.scatter [tilespmem:s10], [sflag:$0xD], $0x800, $0x38;
	[tilespmem:$0x172A0] =	vst v63  }
0x63: {  	_ =	swait.ge [sflag:s18], $0x800  }
0x64: {  	[sflag:s18] =	ssyncset.done $0x0  }
0x65: {  	s31 =	rddreg [dreg:$0x15];
	[sflag:s18] =	ssyncadd.s32 $0xFFFFF800  }
0x66: {  	[spmem:s31] =	stream.linear.scatter [tilespmem:s10], [sflag:$0xD], $0x800, $0x38;
	[tilespmem:$0x172A0] =	vst v63  }
0x67: {  	_ =	swait.ge [sflag:s18], $0x800  }
0x68: {  	[sflag:s18] =	ssyncset.done $0x0  }
0x69: {  	s11 =	rddreg [dreg:$0x16];
	[sflag:s18] =	ssyncadd.s32 $0xFFFFF800  }
0x6a: {  	[spmem:s11] =	stream.linear.scatter [tilespmem:s10], [sflag:$0xD], $0x800, $0x38;
	[tilespmem:$0x172A0] =	vst v63  }
0x6b: {  	_ =	swait.ge [sflag:s18], $0x800  }
0x6c: {  	[sflag:s18] =	ssyncset.done $0x0  }
0x6d: {  	s29 =	rddreg [dreg:$0x5];
	[sflag:s18] =	ssyncadd.s32 $0xFFFFF800  }
0x6e: {  	[spmem:s29] =	stream.linear.scatter [tilespmem:s10], [sflag:$0xD], $0x800, $0x38;
	[tilespmem:$0x172A0] =	vst v63  }
0x6f: {  	_ =	swait.ge [sflag:s18], $0x800  }
0x70: {  	[sflag:s18] =	ssyncset.done $0x0  }
0x71: {  	s31 =	rddreg [dreg:$0x6];
	[sflag:s18] =	ssyncadd.s32 $0xFFFFF800  }
0x72: {  	[spmem:s31] =	stream.linear.scatter [tilespmem:s10], [sflag:$0xD], $0x800, $0x38;
	[tilespmem:$0x172A0] =	vst v63  }
0x73: {  	_ =	swait.ge [sflag:s18], $0x800  }
0x74: {  	[sflag:s18] =	ssyncset.done $0x0  }
0x75: {  	s11 =	rddreg [dreg:$0x7];
	[sflag:s18] =	ssyncadd.s32 $0xFFFFF800  }
0x76: {  	[spmem:s11] =	stream.linear.scatter [tilespmem:s10], [sflag:$0xD], $0x800, $0x38;
	[tilespmem:$0x172A0] =	vst v63  }
0x77: {  	_ =	swait.ge [sflag:s18], $0x800  }
0x78: {  	[sflag:s18] =	ssyncset.done $0x0  }
0x79: {  	s29 =	rddreg [dreg:$0x8];
	[sflag:s18] =	ssyncadd.s32 $0xFFFFF800  }
0x7a: {  	[spmem:s29] =	stream.linear.scatter [tilespmem:s10], [sflag:$0xD], $0x800, $0x38;
	[tilespmem:$0x172A0] =	vst v63  }
0x7b: {  	_ =	swait.ge [sflag:s18], $0x800  }
0x7c: {  	[sflag:s18] =	ssyncset.done $0x0  }
0x7d: {  	s31 =	rddreg [dreg:$0x9];
	[sflag:s18] =	ssyncadd.s32 $0xFFFFF800  }
0x7e: {  	[spmem:s31] =	stream.linear.scatter [tilespmem:s10], [sflag:$0xD], $0x800, $0x38;
	[tilespmem:$0x172A0] =	vst v63  }
0x7f: {  	_ =	swait.ge [sflag:s18], $0x800  }
0x80: {  	[sflag:s18] =	ssyncset.done $0x0  }
0x81: {  	s11 =	rddreg [dreg:$0xa];
	[sflag:s18] =	ssyncadd.s32 $0xFFFFF800  }
0x82: {  	[spmem:s11] =	stream.linear.scatter [tilespmem:s10], [sflag:$0xD], $0x800, $0x38;
	[tilespmem:$0x172A0] =	vst v63  }
0x83: {  	_ =	swait.ge [sflag:s18], $0x800  }
0x84: {  	[sflag:s18] =	ssyncset.done $0x0  }
0x85: {  	s29 =	rddreg [dreg:$0xb];
	[sflag:s18] =	ssyncadd.s32 $0xFFFFF800  }
0x86: {  	[spmem:s29] =	stream.linear.scatter [tilespmem:s10], [sflag:$0xD], $0x800, $0x38;
	[tilespmem:$0x172A0] =	vst v63  }
0x87: {  	_ =	swait.ge [sflag:s18], $0x800  }
0x88: {  	[sflag:s18] =	ssyncset.done $0x0  }
0x89: {  	s31 =	rddreg [dreg:$0xc];
	[sflag:s18] =	ssyncadd.s32 $0xFFFFF800  }
0x8a: {  	[spmem:s31] =	stream.linear.scatter [tilespmem:s10], [sflag:$0xD], $0x800, $0x38;
	[tilespmem:$0x172A0] =	vst v63  }
0x8b: {  	_ =	swait.ge [sflag:s18], $0x800  }
0x8c: {  	[sflag:s18] =	ssyncset.done $0x0  }
0x8d: {  	s11 =	rddreg [dreg:$0xd];
	[sflag:s18] =	ssyncadd.s32 $0xFFFFF800  }
0x8e: {  	[spmem:s11] =	stream.linear.scatter [tilespmem:s10], [sflag:$0xD], $0x800, $0x38;
	[tilespmem:$0x172A0] =	vst v63  }
0x8f: {  	_ =	swait.ge [sflag:s18], $0x800  }
0x90: {  	[sflag:s18] =	ssyncset.done $0x0  }
0x91: {  	s29 =	rddreg [dreg:$0xe];
	[sflag:s18] =	ssyncadd.s32 $0xFFFFF800  }
0x92: {  	[spmem:s29] =	stream.linear.scatter [tilespmem:s10], [sflag:$0xD], $0x800, $0x38;
	[tilespmem:$0x172A0] =	vst v63  }
0x93: {  	_ =	swait.ge [sflag:s18], $0x800  }
0x94: {  	[sflag:s18] =	ssyncset.done $0x0  }
0x95: {  	s31 =	rddreg [dreg:$0xf];
	[sflag:s18] =	ssyncadd.s32 $0xFFFFF800  }
0x96: {  	[spmem:s31] =	stream.linear.scatter [tilespmem:s10], [sflag:$0xD], $0x800, $0x38;
	[tilespmem:$0x172A0] =	vst v63  }
0x97: {  	_ =	swait.ge [sflag:s18], $0x800  }
0x98: {  	[sflag:s18] =	ssyncset.done $0x0  }
0x99: {  	s11 =	rddreg [dreg:$0x10];
	[sflag:s18] =	ssyncadd.s32 $0xFFFFF800  }
0x9a: {  	[spmem:s11] =	stream.linear.scatter [tilespmem:s10], [sflag:$0xD], $0x800, $0x38;
	[tilespmem:$0x172A0] =	vst v63  }
0x9b: {  	_ =	swait.ge [sflag:s18], $0x800  }
0x9c: {  	[sflag:s18] =	ssyncset.done $0x0  }
0x9d: {  	s29 =	rddreg [dreg:$0x11];
	[sflag:s18] =	ssyncadd.s32 $0xFFFFF800  }
0x9e: {  	[spmem:s29] =	stream.linear.scatter [tilespmem:s10], [sflag:$0xD], $0x800, $0x38;
	[tilespmem:$0x172A0] =	vst v63  }
0x9f: {  	_ =	swait.ge [sflag:s18], $0x800  }
0xa0: {  	[sflag:s18] =	ssyncset.done $0x0  }
0xa1: {  	s31 =	rddreg [dreg:$0x12];
	[sflag:s18] =	ssyncadd.s32 $0xFFFFF800  }
0xa2: {  	[spmem:s31] =	stream.linear.scatter [tilespmem:s10], [sflag:$0xD], $0x800, $0x38;
	[tilespmem:$0x172A0] =	vst v63  }
0xa3: {  	_ =	swait.ge [sflag:s18], $0x800  }
0xa4: {  	[sflag:s18] =	ssyncset.done $0x0  }
0xa5: {  	s11 =	rddreg [dreg:$0x13];
	[sflag:s18] =	ssyncadd.s32 $0xFFFFF800  }
0xa6: {  	[spmem:s11] =	stream.linear.scatter [tilespmem:s10], [sflag:$0xD], $0x800, $0x38;
	[tilespmem:$0x172A0] =	vst v63  }
0xa7: {  	_ =	swait.ge [sflag:s18], $0x800  }
0xa8: {  	[sflag:s18] =	ssyncset.done $0x0  }
0xa9: {  	s29 =	rddreg [dreg:$0x17];
	[sflag:s18] =	ssyncadd.s32 $0xFFFFF800  }
0xaa: {  	[spmem:s29] =	stream.linear.scatter [tilespmem:s10], [sflag:$0xD], $0x800, $0x38;
	[tilespmem:$0x172A0] =	vst v63  }
0xab: {  	_ =	swait.ge [sflag:s18], $0x800  }
0xac: {  	[sflag:s18] =	ssyncset.done $0x0  }
0xad: {  	s31 =	rddreg [dreg:$0x18];
	[sflag:s18] =	ssyncadd.s32 $0xFFFFF800  }
0xae: {  	[spmem:s31] =	stream.linear.scatter [tilespmem:s10], [sflag:$0xD], $0x800, $0x38;
	[tilespmem:$0x172A0] =	vst v63  }
0xaf: {  	_ =	swait.ge [sflag:s18], $0x800  }
0xb0: {  	[sflag:s18] =	ssyncset.done $0x0  }
0xb1: {  	s11 =	rddreg [dreg:$0x19];
	[sflag:s18] =	ssyncadd.s32 $0xFFFFF800  }
0xb2: {  	[spmem:s11] =	stream.linear.scatter [tilespmem:s10], [sflag:$0xD], $0x800, $0x38;
	[tilespmem:$0x172A0] =	vst v63  }
0xb3: {  	_ =	swait.ge [sflag:s18], $0x800  }
0xb4: {  	[sflag:s18] =	ssyncset.done $0x0  }
0xb5: {  	s29 =	rddreg [dreg:$0x1a];
	[sflag:s18] =	ssyncadd.s32 $0xFFFFF800  }
0xb6: {  	[spmem:s29] =	stream.linear.scatter [tilespmem:s10], [sflag:$0xD], $0x800, $0x38;
	[tilespmem:$0x172A0] =	vst v63  }
0xb7: {  	_ =	swait.ge [sflag:s18], $0x800  }
0xb8: {  	[sflag:s18] =	ssyncset.done $0x0  }
0xb9: {  	s31 =	rddreg [dreg:$0x1b];
	[sflag:s18] =	ssyncadd.s32 $0xFFFFF800  }
0xba: {  	[spmem:s31] =	stream.linear.scatter [tilespmem:s10], [sflag:$0xD], $0x800, $0x38;
	[tilespmem:$0x172A0] =	vst v63  }
0xbb: {  	_ =	swait.ge [sflag:s18], $0x800  }
0xbc: {  	[sflag:s18] =	ssyncset.done $0x0  }
0xbd: {  	s11 =	rddreg [dreg:$0x1c];
	[sflag:s18] =	ssyncadd.s32 $0xFFFFF800  }
0xbe: {  	[spmem:s11] =	stream.linear.scatter [tilespmem:s10], [sflag:$0xD], $0x800, $0x38;
	[tilespmem:$0x172A0] =	vst v63  }
0xbf: {  	_ =	swait.ge [sflag:s18], $0x800  }
0xc0: {  	[sflag:s18] =	ssyncset.done $0x0  }
0xc1: {  	[sflag:s18] =	ssyncadd.s32 $0xFFFFF800  }
0xc2: {  	[bflag:$0x0] =	sbarrier.arrive $0xFFFF  }
0xc3: {  	s9 =	simm.s32 $0x0;
	s29 =	rddreg [dreg:$0x1d]  }
0xc4: {  	[tilespmem:s19], [sflag:$0xD] =	stream.linear.gather [hbm4b:s29+s9], $0xA8, $0x38;
	[tilespmem:$0x172A0] =	vst v63  }
0xc5: {  	_ =	swait.ge [sflag:s18], $0xA8  }
0xc6: {  	[sflag:s18] =	ssyncset.done $0x0  }
0xc7: {  	s31 =	simm.s32 $0xC038;
	s11 =	simm.s32 $0xC2A0;
	[sflag:s18] =	ssyncadd.s32 $0xFFFFFF58  }
0xc8: {  	[tilespmem:s11], [sflag:$0x1] =	stream.indirect.gather [hbm4b:s5+s20], $0x40, s31, s20, $0xb8;
	[tilespmem:$0x172A0] =	vst v63  }
0xc9: {  	s29 =	simm.s32 $0xC070;
	s31 =	simm.s32 $0x132A0  }
0xca: {  	[tilespmem:s31], [sflag:$0x5] =	stream.indirect.gather [hbm4b:s7+s20], $0x40, s29, s20, $0xb8;
	[tilespmem:$0x172A0] =	vst v63  }
0xcb: {  	s11 =	rddreg [dreg:$0x1e]  }
0xcc: {  	[tilespmem:s26], [sflag:$0xD] =	stream.linear.gather [hbm4b:s11+s9], $0xA8, $0x38;
	[tilespmem:$0x172A0] =	vst v63  }
0xcd: {  	_ =	swait.ge [sflag:s18], $0xA8  }
0xce: {  	[sflag:s18] =	ssyncset.done $0x0  }
0xcf: {  	s29 =	simm.s32 $0xC0E0;
	s31 =	simm.s32 $0xD0A0;
	[sflag:s18] =	ssyncadd.s32 $0xFFFFFF58  }
0xd0: {  	[tilespmem:s31], [sflag:$0x2] =	stream.indirect.gather [hbm4b:s5+s20], $0x40, s29, s20, $0xb8;
	[tilespmem:$0x172A0] =	vst v63  }
0xd1: {  	s29 =	simm.s32 $0xC118;
	s31 =	simm.s32 $0x140A0  }
0xd2: {  	[tilespmem:s31], [sflag:$0x6] =	stream.indirect.gather [hbm4b:s7+s20], $0x40, s29, s20, $0xb8;
	[tilespmem:$0x172A0] =	vst v63  }
.LBB2_4:
0xd3: {  	_ =	swait.ge [sflag:s0], $0xE00  }
0xd4: {  	[sflag:s0] =	ssyncset.done $0x0  }
0xd5: {  	s10 =	simm.s32 $0x0;
	[sflag:s0] =	ssyncadd.s32 $0xFFFFF200  }
0xd6: {  	v1 =	vld [tilespmem:s10+$0xC2A0]  }
0xd7: {  	v2 =	vld [tilespmem:s10+$0xC2B0];
	_ =	sdelay $0x3  }
0xd8: {  	v3 =	vld [tilespmem:s10+$0xC2C0];
	v4 =	vmul.f32 $1.442695020e+00, v1  }
0xd9: {  	v6 =	vld [tilespmem:s10+$0xC2D0];
	v5 =	vmul.f32 $1.442695020e+00, v2  }
0xda: {  	(erf) = vpow2.f32 v4  }
0xdb: {  	(erf) = vpow2.f32 v5;
	_ =	sdelay $0x1  }
0xdc: {  	v4 =	vmul.f32 $1.442695020e+00, v3  }
0xdd: {  	v5 =	vmul.f32 $1.442695020e+00, v6  }
0xde: {  	(erf) = vpow2.f32 v4  }
0xdf: {  	(erf) = vpow2.f32 v5;
	_ =	sdelay $0x2  }
0xe0: {  	v4 =	vpop (erf)  }
0xe1: {  	[tilespmem:s10+$0xFAA0] =	vst v4;
	v1 =	vmul.f32 v4, v1;
	v4 =	vpop (erf)  }
0xe2: {  	v5 =	vmul.f32 v4, v2;
	_ =	sdelay $0x1  }
0xe3: {  	[tilespmem:s10+$0xFAB0] =	vst v4  }
0xe4: {  	s11 =	simm.s32 $0x40;
	v4 =	vpop (erf);
	[tilespmem:s10+$0xC2A0] =	vst v1  }
0xe5: {  	v1 =	vmul.f32 v4, v3;
	v2 =	vld [tilespmem:s11+$0xC2A0];
	[tilespmem:s10+$0xC2B0] =	vst v5;
	v5 =	vpop (erf)  }
0xe6: {  	v6 =	vmul.f32 v5, v6  }
0xe7: {  	v3 =	vld [tilespmem:s11+$0xC2B0];
	[tilespmem:s10+$0xC2C0] =	vst v1  }
0xe8: {  	s29 =	simm.s32 $0x200;
	v1 =	vld [tilespmem:s11+$0xC2C0];
	[tilespmem:s10+$0xC2D0] =	vst v6  }
.LBB2_5:
0xe9: {  	p0 =	sne.s32 s29, $0x3700;
	v6 =	vld [tilespmem:s11+$0xC2D0];
	[tilespmem:s10+$0xFAC0] =	vst v4  }
0xea: {  	[tilespmem:s10+$0xFAD0] =	vst v5;
	s10 =	smov.u32 s11  }
0xeb: {  	v4 =	vmul.f32 $1.442695020e+00, v2  }
0xec: {  	v5 =	vmul.f32 $1.442695020e+00, v3  }
0xed: {  	v7 =	vmul.f32 $1.442695020e+00, v1;
	(erf) = vpow2.f32 v4  }
0xee: {  	v4 =	vmul.f32 $1.442695020e+00, v6;
	(erf) = vpow2.f32 v5  }
0xef: {  	(erf) = vpow2.f32 v7  }
0xf0: {  	(erf) = vpow2.f32 v4;
	_ =	sdelay $0x5  }
0xf1: {  	v4 =	vpop (erf)  }
0xf2: {  	[tilespmem:s10+$0xFAA0] =	vst v4;
	v2 =	vmul.f32 v4, v2;
	v4 =	vpop (erf)  }
.Ltmp3:
0xf3: {  	[tilespmem:s10+$0xFAB0] =	vst v4;
	v3 =	vmul.f32 v4, v3;
	v4 =	vpop (erf);
	(pc) =	sbr.rel @p0 .LBB2_5-.Ltmp3, $4  }
0xf4: {  	s11 =	sshra.s32 s29, $0x2;
	[tilespmem:s10+$0xC2A0] =	vst v2;
	v1 =	vmul.f32 v4, v1;
	v5 =	vpop (erf)  }
0xf5: {  	v2 =	vld [tilespmem:s11+$0xC2A0];
	[tilespmem:s10+$0xC2B0] =	vst v3;
	v6 =	vmul.f32 v5, v6  }
0xf6: {  	v3 =	vld [tilespmem:s11+$0xC2B0];
	[tilespmem:s10+$0xC2C0] =	vst v1  }
0xf7: {  	s29 =	sadd.s32 $0x100, s29;
	v1 =	vld [tilespmem:s11+$0xC2C0];
	[tilespmem:s10+$0xC2D0] =	vst v6  }
0xf8: {  	_ =	sdelay $0x1  }
0xf9: {  	v6 =	vld [tilespmem:s11+$0xC2D0];
	v7 =	vmul.f32 $1.442695020e+00, v2  }
0xfa: {  	v8 =	vmul.f32 $1.442695020e+00, v3  }
0xfb: {  	(erf) = vpow2.f32 v7  }
0xfc: {  	v7 =	vmul.f32 $1.442695020e+00, v1;
	(erf) = vpow2.f32 v8;
	_ =	sdelay $0x1  }
0xfd: {  	v63 =	vmul.f32 $1.442695020e+00, v6;
	(erf) = vpow2.f32 v7;
	_ =	sdelay $0x1  }
0xfe: {  	(erf) = vpow2.f32 v63;
	_ =	sdelay $0x2  }
0xff: {  	[tilespmem:s10+$0xFAC0] =	vst v4  }
0x100: {  	[tilespmem:s10+$0xFAD0] =	vst v5;
	v4 =	vpop (erf)  }
0x101: {  	[tilespmem:s11+$0xFAA0] =	vst v4;
	v2 =	vmul.f32 v4, v2;
	v4 =	vpop (erf)  }
0x102: {  	[tilespmem:s11+$0xFAB0] =	vst v4  }
0x103: {  	v3 =	vmul.f32 v4, v3;
	v4 =	vpop (erf);
	[tilespmem:s11+$0xC2A0] =	vst v2  }
0x104: {  	v1 =	vmul.f32 v4, v1;
	[tilespmem:s11+$0xFAC0] =	vst v4  }
0x105: {  	[tilespmem:s11+$0xC2B0] =	vst v3;
	v2 =	vpop (erf)  }
0x106: {  	[tilespmem:s11+$0xC2C0] =	vst v1;
	v3 =	vmul.f32 v2, v6  }
0x107: {  	[tilespmem:s11+$0xFAD0] =	vst v2  }
0x108: {  	[tilespmem:s11+$0xC2D0] =	vst v3  }
0x109: {  	_ =	swait.ge [sflag:s8], $0xE00  }
0x10a: {  	[sflag:s8] =	ssyncset.done $0x0  }
0x10b: {  	s11 =	simm.s32 $0xFAA0;
	[sflag:s8] =	ssyncadd.s32 $0xFFFFF200  }
0x10c: {  	[spmem:s1] =	stream.indirect.scatter.add.f32 [tilespmem:s11], [sflag:$0x9], $0x40, s19, s20, $0xb8;
	[tilespmem:$0x172A0] =	vst v63  }
0x10d: {  	s11 =	simm.s32 $0xC2A0  }
0x10e: {  	[spmem:s2] =	stream.indirect.scatter.add.f32 [tilespmem:s11], [sflag:$0x9], $0x40, s19, s20, $0xb8;
	[tilespmem:$0x172A0] =	vst v63  }
0x10f: {  	p0 =	seq.s32 s9, $0x0;
	s11 =	simm.s32 $0x132A0  }
0x110: {  	[spmem:s3] =	stream.indirect.scatter.add.f32 [tilespmem:s11], [sflag:$0x9], $0x40, s19, s20, $0xb8;
	[tilespmem:$0x172A0] =	vst v63  }
0x111: {  	s11 =	simm.s32 @!p0 $0xB  }
0x112: {  	_ =	swait.ge @!p0 [sflag:s11], $0xE00  }
0x113: {  	[sflag:s11] =	ssyncset.done @!p0 $0x0  }
0x114: {  	[sflag:s11] =	ssyncadd.s32 @!p0 $0xFFFFF200  }
0x115: {  	_ =	swait.ge @!p0 [sflag:s11], $0xE00  }
0x116: {  	[sflag:s11] =	ssyncset.done @!p0 $0x0  }
0x117: {  	[sflag:s11] =	ssyncadd.s32 @!p0 $0xFFFFF200  }
0x118: {  	s10 =	smul.u32 $0x2A0, s9;
	_ =	swait.ge @!p0 [sflag:s11], $0xE00  }
0x119: {  	s29 =	rddreg [dreg:$0x1f]  }
0x11a: {  	s29 =	sadd.s32 s10, s29  }
0x11b: {  	[sflag:s11] =	ssyncset.done @!p0 $0x0;
	s29 =	sshrl.u32 s29, $0x3  }
0x11c: {  	[sflag:s11] =	ssyncadd.s32 @!p0 $0xFFFFF200;
	s11 =	sadd.s32 s6, s29;
	s29 =	simm.s32 $0x0  }
0x11d: {  	[tilespmem:s14], [sflag:$0xD] =	stream.linear.gather [hbm4b:s11+s29], $0xA8, $0x38;
	[tilespmem:$0x172A0] =	vst v63  }
0x11e: {  	_ =	swait.ge [sflag:s18], $0xA8  }
0x11f: {  	[sflag:s18] =	ssyncset.done $0x0  }
0x120: {  	s11 =	simm.s32 $0xC188;
	[sflag:s18] =	ssyncadd.s32 $0xFFFFFF58  }
0x121: {  	[tilespmem:s16], [sflag:$0x3] =	stream.indirect.gather [hbm4b:s5+s20], $0x40, s11, s20, $0xb8;
	[tilespmem:$0x172A0] =	vst v63  }
0x122: {  	s11 =	simm.s32 $0xC1C0  }
0x123: {  	[tilespmem:s23], [sflag:$0x7] =	stream.indirect.gather [hbm4b:s7+s20], $0x40, s11, s20, $0xb8;
	[tilespmem:$0x172A0] =	vst v63  }
0x124: {  	_ =	swait.ge [sflag:s24], $0xE00  }
0x125: {  	[sflag:s24] =	ssyncset.done $0x0  }
0x126: {  	s11 =	simm.s32 $0x0;
	[sflag:s24] =	ssyncadd.s32 $0xFFFFF200  }
0x127: {  	v1 =	vld [tilespmem:s11+$0xD0A0]  }
0x128: {  	v2 =	vld [tilespmem:s11+$0xD0B0];
	_ =	sdelay $0x3  }
0x129: {  	v3 =	vld [tilespmem:s11+$0xD0C0];
	v4 =	vmul.f32 $1.442695020e+00, v1  }
0x12a: {  	v6 =	vld [tilespmem:s11+$0xD0D0];
	v5 =	vmul.f32 $1.442695020e+00, v2  }
0x12b: {  	(erf) = vpow2.f32 v4  }
0x12c: {  	(erf) = vpow2.f32 v5;
	_ =	sdelay $0x1  }
0x12d: {  	v4 =	vmul.f32 $1.442695020e+00, v3  }
0x12e: {  	v5 =	vmul.f32 $1.442695020e+00, v6  }
0x12f: {  	(erf) = vpow2.f32 v4  }
0x130: {  	(erf) = vpow2.f32 v5;
	_ =	sdelay $0x2  }
0x131: {  	v4 =	vpop (erf)  }
0x132: {  	[tilespmem:s11+$0x108A0] =	vst v4;
	v1 =	vmul.f32 v4, v1;
	v4 =	vpop (erf)  }
0x133: {  	v5 =	vmul.f32 v4, v2;
	_ =	sdelay $0x1  }
0x134: {  	[tilespmem:s11+$0x108B0] =	vst v4  }
0x135: {  	s29 =	simm.s32 $0x40;
	v4 =	vpop (erf);
	[tilespmem:s11+$0xD0A0] =	vst v1  }
0x136: {  	v1 =	vmul.f32 v4, v3;
	v2 =	vld [tilespmem:s29+$0xD0A0];
	[tilespmem:s11+$0xD0B0] =	vst v5;
	v5 =	vpop (erf)  }
0x137: {  	v6 =	vmul.f32 v5, v6  }
0x138: {  	v3 =	vld [tilespmem:s29+$0xD0B0];
	[tilespmem:s11+$0xD0C0] =	vst v1  }
0x139: {  	s31 =	simm.s32 $0x200;
	v1 =	vld [tilespmem:s29+$0xD0C0];
	[tilespmem:s11+$0xD0D0] =	vst v6  }
.LBB2_7:
0x13a: {  	p1 =	sne.s32 s31, $0x3700;
	v6 =	vld [tilespmem:s29+$0xD0D0];
	[tilespmem:s11+$0x108C0] =	vst v4  }
0x13b: {  	[tilespmem:s11+$0x108D0] =	vst v5;
	s11 =	smov.u32 s29  }
0x13c: {  	v4 =	vmul.f32 $1.442695020e+00, v2  }
0x13d: {  	v5 =	vmul.f32 $1.442695020e+00, v3  }
0x13e: {  	v7 =	vmul.f32 $1.442695020e+00, v1;
	(erf) = vpow2.f32 v4  }
0x13f: {  	v4 =	vmul.f32 $1.442695020e+00, v6;
	(erf) = vpow2.f32 v5  }
0x140: {  	(erf) = vpow2.f32 v7  }
0x141: {  	(erf) = vpow2.f32 v4;
	_ =	sdelay $0x5  }
0x142: {  	v4 =	vpop (erf)  }
0x143: {  	[tilespmem:s11+$0x108A0] =	vst v4;
	v2 =	vmul.f32 v4, v2;
	v4 =	vpop (erf)  }
.Ltmp4:
0x144: {  	[tilespmem:s11+$0x108B0] =	vst v4;
	v3 =	vmul.f32 v4, v3;
	v4 =	vpop (erf);
	(pc) =	sbr.rel @p1 .LBB2_7-.Ltmp4, $4  }
0x145: {  	s29 =	sshra.s32 s31, $0x2;
	[tilespmem:s11+$0xD0A0] =	vst v2;
	v1 =	vmul.f32 v4, v1;
	v5 =	vpop (erf)  }
0x146: {  	v2 =	vld [tilespmem:s29+$0xD0A0];
	[tilespmem:s11+$0xD0B0] =	vst v3;
	v6 =	vmul.f32 v5, v6  }
0x147: {  	v3 =	vld [tilespmem:s29+$0xD0B0];
	[tilespmem:s11+$0xD0C0] =	vst v1  }
0x148: {  	s31 =	sadd.s32 $0x100, s31;
	v1 =	vld [tilespmem:s29+$0xD0C0];
	[tilespmem:s11+$0xD0D0] =	vst v6  }
0x149: {  	_ =	sdelay $0x1  }
0x14a: {  	v6 =	vld [tilespmem:s29+$0xD0D0];
	v7 =	vmul.f32 $1.442695020e+00, v2  }
0x14b: {  	v8 =	vmul.f32 $1.442695020e+00, v3  }
0x14c: {  	(erf) = vpow2.f32 v7  }
0x14d: {  	v7 =	vmul.f32 $1.442695020e+00, v1;
	(erf) = vpow2.f32 v8;
	_ =	sdelay $0x1  }
0x14e: {  	v63 =	vmul.f32 $1.442695020e+00, v6;
	(erf) = vpow2.f32 v7;
	_ =	sdelay $0x1  }
0x14f: {  	(erf) = vpow2.f32 v63;
	_ =	sdelay $0x2  }
0x150: {  	[tilespmem:s11+$0x108C0] =	vst v4  }
0x151: {  	[tilespmem:s11+$0x108D0] =	vst v5;
	v4 =	vpop (erf)  }
0x152: {  	[tilespmem:s29+$0x108A0] =	vst v4;
	v2 =	vmul.f32 v4, v2;
	v4 =	vpop (erf)  }
0x153: {  	[tilespmem:s29+$0x108B0] =	vst v4  }
0x154: {  	v3 =	vmul.f32 v4, v3;
	v4 =	vpop (erf);
	[tilespmem:s29+$0xD0A0] =	vst v2  }
0x155: {  	v1 =	vmul.f32 v4, v1;
	[tilespmem:s29+$0x108C0] =	vst v4  }
0x156: {  	[tilespmem:s29+$0xD0B0] =	vst v3;
	v2 =	vpop (erf)  }
0x157: {  	[tilespmem:s29+$0xD0C0] =	vst v1;
	v3 =	vmul.f32 v2, v6  }
0x158: {  	[tilespmem:s29+$0x108D0] =	vst v2  }
0x159: {  	[tilespmem:s29+$0xD0D0] =	vst v3  }
0x15a: {  	_ =	swait.ge [sflag:s17], $0xE00  }
0x15b: {  	[sflag:s17] =	ssyncset.done $0x0  }
0x15c: {  	s11 =	simm.s32 $0x108A0;
	[sflag:s17] =	ssyncadd.s32 $0xFFFFF200  }
0x15d: {  	[spmem:s1] =	stream.indirect.scatter.add.f32 [tilespmem:s11], [sflag:$0xA], $0x40, s26, s20, $0xb8;
	[tilespmem:$0x172A0] =	vst v63  }
0x15e: {  	s11 =	simm.s32 $0xD0A0  }
0x15f: {  	[spmem:s2] =	stream.indirect.scatter.add.f32 [tilespmem:s11], [sflag:$0xA], $0x40, s26, s20, $0xb8;
	[tilespmem:$0x172A0] =	vst v63  }
0x160: {  	s11 =	simm.s32 $0x140A0  }
0x161: {  	[spmem:s3] =	stream.indirect.scatter.add.f32 [tilespmem:s11], [sflag:$0xA], $0x40, s26, s20, $0xb8;
	[tilespmem:$0x172A0] =	vst v63  }
0x162: {  	s11 =	simm.s32 @!p0 $0xC  }
0x163: {  	_ =	swait.ge @!p0 [sflag:s11], $0xE00  }
0x164: {  	[sflag:s11] =	ssyncset.done @!p0 $0x0  }
0x165: {  	[sflag:s11] =	ssyncadd.s32 @!p0 $0xFFFFF200  }
0x166: {  	_ =	swait.ge @!p0 [sflag:s11], $0xE00  }
0x167: {  	[sflag:s11] =	ssyncset.done @!p0 $0x0  }
0x168: {  	[sflag:s11] =	ssyncadd.s32 @!p0 $0xFFFFF200  }
0x169: {  	_ =	swait.ge @!p0 [sflag:s11], $0xE00  }
0x16a: {  	s29 =	sld [smem:$0x7F7];
	_ =	sdelay $0x2  }
0x16b: {  	s29 =	sadd.s32 s10, s29  }
0x16c: {  	[sflag:s11] =	ssyncset.done @!p0 $0x0;
	s29 =	sshrl.u32 s29, $0x3  }
0x16d: {  	[sflag:s11] =	ssyncadd.s32 @!p0 $0xFFFFF200;
	s11 =	sadd.s32 s6, s29;
	s29 =	simm.s32 $0x0  }
0x16e: {  	[tilespmem:s28], [sflag:$0xD] =	stream.linear.gather [hbm4b:s11+s29], $0xA8, $0x38;
	[tilespmem:$0x172A0] =	vst v63  }
0x16f: {  	_ =	swait.ge [sflag:s18], $0xA8  }
0x170: {  	[sflag:s18] =	ssyncset.done $0x0  }
0x171: {  	s11 =	simm.s32 $0xC230;
	[sflag:s18] =	ssyncadd.s32 $0xFFFFFF58  }
0x172: {  	[tilespmem:s13], [sflag:$0x4] =	stream.indirect.gather [hbm4b:s5+s20], $0x40, s11, s20, $0xb8;
	[tilespmem:$0x172A0] =	vst v63  }
0x173: {  	s11 =	simm.s32 $0xC268  }
0x174: {  	[tilespmem:s22], [sflag:$0x8] =	stream.indirect.gather [hbm4b:s7+s20], $0x40, s11, s20, $0xb8;
	[tilespmem:$0x172A0] =	vst v63  }
0x175: {  	_ =	swait.ge [sflag:s4], $0xE00  }
0x176: {  	[sflag:s4] =	ssyncset.done $0x0  }
0x177: {  	s11 =	simm.s32 $0x0;
	[sflag:s4] =	ssyncadd.s32 $0xFFFFF200  }
0x178: {  	v1 =	vld [tilespmem:s11+$0xDEA0]  }
0x179: {  	v2 =	vld [tilespmem:s11+$0xDEB0];
	_ =	sdelay $0x3  }
0x17a: {  	v3 =	vld [tilespmem:s11+$0xDEC0];
	v4 =	vmul.f32 $1.442695020e+00, v1  }
0x17b: {  	v6 =	vld [tilespmem:s11+$0xDED0];
	v5 =	vmul.f32 $1.442695020e+00, v2  }
0x17c: {  	(erf) = vpow2.f32 v4  }
0x17d: {  	(erf) = vpow2.f32 v5;
	_ =	sdelay $0x1  }
0x17e: {  	v4 =	vmul.f32 $1.442695020e+00, v3  }
0x17f: {  	v5 =	vmul.f32 $1.442695020e+00, v6  }
0x180: {  	(erf) = vpow2.f32 v4  }
0x181: {  	(erf) = vpow2.f32 v5;
	_ =	sdelay $0x2  }
0x182: {  	v4 =	vpop (erf)  }
0x183: {  	[tilespmem:s11+$0x116A0] =	vst v4;
	v1 =	vmul.f32 v4, v1;
	v4 =	vpop (erf)  }
0x184: {  	v5 =	vmul.f32 v4, v2;
	_ =	sdelay $0x1  }
0x185: {  	[tilespmem:s11+$0x116B0] =	vst v4  }
0x186: {  	s29 =	simm.s32 $0x40;
	v4 =	vpop (erf);
	[tilespmem:s11+$0xDEA0] =	vst v1  }
0x187: {  	v1 =	vmul.f32 v4, v3;
	v2 =	vld [tilespmem:s29+$0xDEA0];
	[tilespmem:s11+$0xDEB0] =	vst v5;
	v5 =	vpop (erf)  }
0x188: {  	v6 =	vmul.f32 v5, v6  }
0x189: {  	v3 =	vld [tilespmem:s29+$0xDEB0];
	[tilespmem:s11+$0xDEC0] =	vst v1  }
0x18a: {  	s31 =	simm.s32 $0x200;
	v1 =	vld [tilespmem:s29+$0xDEC0];
	[tilespmem:s11+$0xDED0] =	vst v6  }
.LBB2_9:
0x18b: {  	p0 =	sne.s32 s31, $0x3700;
	v6 =	vld [tilespmem:s29+$0xDED0];
	[tilespmem:s11+$0x116C0] =	vst v4  }
0x18c: {  	[tilespmem:s11+$0x116D0] =	vst v5;
	s11 =	smov.u32 s29  }
0x18d: {  	v4 =	vmul.f32 $1.442695020e+00, v2  }
0x18e: {  	v5 =	vmul.f32 $1.442695020e+00, v3  }
0x18f: {  	v7 =	vmul.f32 $1.442695020e+00, v1;
	(erf) = vpow2.f32 v4  }
0x190: {  	v4 =	vmul.f32 $1.442695020e+00, v6;
	(erf) = vpow2.f32 v5  }
0x191: {  	(erf) = vpow2.f32 v7  }
0x192: {  	(erf) = vpow2.f32 v4;
	_ =	sdelay $0x5  }
0x193: {  	v4 =	vpop (erf)  }
0x194: {  	[tilespmem:s11+$0x116A0] =	vst v4;
	v2 =	vmul.f32 v4, v2;
	v4 =	vpop (erf)  }
.Ltmp5:
0x195: {  	[tilespmem:s11+$0x116B0] =	vst v4;
	v3 =	vmul.f32 v4, v3;
	v4 =	vpop (erf);
	(pc) =	sbr.rel @p0 .LBB2_9-.Ltmp5, $4  }
0x196: {  	s29 =	sshra.s32 s31, $0x2;
	[tilespmem:s11+$0xDEA0] =	vst v2;
	v1 =	vmul.f32 v4, v1;
	v5 =	vpop (erf)  }
0x197: {  	v2 =	vld [tilespmem:s29+$0xDEA0];
	[tilespmem:s11+$0xDEB0] =	vst v3;
	v6 =	vmul.f32 v5, v6  }
0x198: {  	v3 =	vld [tilespmem:s29+$0xDEB0];
	[tilespmem:s11+$0xDEC0] =	vst v1  }
0x199: {  	s31 =	sadd.s32 $0x100, s31;
	v1 =	vld [tilespmem:s29+$0xDEC0];
	[tilespmem:s11+$0xDED0] =	vst v6  }
0x19a: {  	_ =	sdelay $0x1  }
0x19b: {  	v6 =	vld [tilespmem:s29+$0xDED0];
	v7 =	vmul.f32 $1.442695020e+00, v2  }
0x19c: {  	v8 =	vmul.f32 $1.442695020e+00, v3  }
0x19d: {  	(erf) = vpow2.f32 v7  }
0x19e: {  	v7 =	vmul.f32 $1.442695020e+00, v1;
	(erf) = vpow2.f32 v8;
	_ =	sdelay $0x1  }
0x19f: {  	v63 =	vmul.f32 $1.442695020e+00, v6;
	(erf) = vpow2.f32 v7;
	_ =	sdelay $0x1  }
0x1a0: {  	(erf) = vpow2.f32 v63;
	_ =	sdelay $0x2  }
0x1a1: {  	[tilespmem:s11+$0x116C0] =	vst v4  }
0x1a2: {  	[tilespmem:s11+$0x116D0] =	vst v5;
	v4 =	vpop (erf)  }
0x1a3: {  	[tilespmem:s29+$0x116A0] =	vst v4;
	v2 =	vmul.f32 v4, v2;
	v4 =	vpop (erf)  }
0x1a4: {  	[tilespmem:s29+$0x116B0] =	vst v4  }
0x1a5: {  	v3 =	vmul.f32 v4, v3;
	v4 =	vpop (erf);
	[tilespmem:s29+$0xDEA0] =	vst v2  }
0x1a6: {  	v1 =	vmul.f32 v4, v1;
	[tilespmem:s29+$0x116C0] =	vst v4  }
0x1a7: {  	[tilespmem:s29+$0xDEB0] =	vst v3;
	v2 =	vpop (erf)  }
0x1a8: {  	[tilespmem:s29+$0xDEC0] =	vst v1;
	v3 =	vmul.f32 v2, v6  }
0x1a9: {  	[tilespmem:s29+$0x116D0] =	vst v2  }
0x1aa: {  	[tilespmem:s29+$0xDED0] =	vst v3  }
0x1ab: {  	_ =	swait.ge [sflag:s30], $0xE00  }
0x1ac: {  	[sflag:s30] =	ssyncset.done $0x0  }
0x1ad: {  	s11 =	simm.s32 $0x116A0;
	[sflag:s30] =	ssyncadd.s32 $0xFFFFF200  }
0x1ae: {  	[spmem:s1] =	stream.indirect.scatter.add.f32 [tilespmem:s11], [sflag:$0xB], $0x40, s14, s20, $0xb8;
	[tilespmem:$0x172A0] =	vst v63  }
0x1af: {  	_ = 	snop  }
0x1b0: {  	[spmem:s2] =	stream.indirect.scatter.add.f32 [tilespmem:s16], [sflag:$0xB], $0x40, s14, s20, $0xb8;
	[tilespmem:$0x172A0] =	vst v63  }
0x1b1: {  	_ = 	snop  }
0x1b2: {  	[spmem:s3] =	stream.indirect.scatter.add.f32 [tilespmem:s23], [sflag:$0xB], $0x40, s14, s20, $0xb8;
	[tilespmem:$0x172A0] =	vst v63  }
0x1b3: {  	_ =	swait.ge [sflag:s21], $0xE00  }
0x1b4: {  	[sflag:s21] =	ssyncset.done $0x0  }
0x1b5: {  	[sflag:s21] =	ssyncadd.s32 $0xFFFFF200  }
0x1b6: {  	_ =	swait.ge [sflag:s21], $0xE00  }
0x1b7: {  	[sflag:s21] =	ssyncset.done $0x0  }
0x1b8: {  	[sflag:s21] =	ssyncadd.s32 $0xFFFFF200  }
0x1b9: {  	_ =	swait.ge [sflag:s21], $0xE00  }
0x1ba: {  	s11 =	sld [smem:$0x7F8];
	_ =	sdelay $0x1  }
0x1bb: {  	p0 =	seq.s32 s9, $0x46  }
0x1bc: {  	s11 =	sadd.s32 @!p0 s10, s11  }
0x1bd: {  	s31 =	simm.s32 @!p0 $0xC000;
	[sflag:s21] =	ssyncset.done $0x0;
	s11 =	sshrl.u32 @!p0 s11, $0x3  }
0x1be: {  	s29 =	simm.s32 @!p0 $0x0;
	[sflag:s21] =	ssyncadd.s32 $0xFFFFF200;
	s11 =	sadd.s32 @!p0 s6, s11  }
0x1bf: {  	[tilespmem:s31], [sflag:$0xD] =	stream.linear.gather @!p0 [hbm4b:s11+s29], $0xA8, $0x38;
	[tilespmem:$0x172A0] =	vst v63  }
0x1c0: {  	s11 =	simm.s32 @!p0 $0xD  }
0x1c1: {  	_ =	swait.ge @!p0 [sflag:s11], $0xA8  }
0x1c2: {  	s29 =	simm.s32 @!p0 $0xC038;
	[sflag:s11] =	ssyncset.done @!p0 $0x0  }
0x1c3: {  	s31 =	simm.s32 @!p0 $0xC2A0;
	[sflag:s11] =	ssyncadd.s32 @!p0 $0xFFFFFF58;
	s11 =	simm.s32 @!p0 $0x38  }
0x1c4: {  	[tilespmem:s31], [sflag:$0x1] =	stream.indirect.gather @!p0 [hbm4b:s5+s11], $0x40, s29, s11, $0xb8;
	[tilespmem:$0x172A0] =	vst v63  }
0x1c5: {  	s29 =	simm.s32 @!p0 $0xC070;
	s31 =	simm.s32 @!p0 $0x132A0  }
0x1c6: {  	[tilespmem:s31], [sflag:$0x5] =	stream.indirect.gather @!p0 [hbm4b:s7+s11], $0x40, s29, s11, $0xb8;
	[tilespmem:$0x172A0] =	vst v63  }
0x1c7: {  	_ =	swait.ge [sflag:s15], $0xE00  }
0x1c8: {  	[sflag:s15] =	ssyncset.done $0x0  }
0x1c9: {  	s11 =	simm.s32 $0x0;
	[sflag:s15] =	ssyncadd.s32 $0xFFFFF200  }
0x1ca: {  	v1 =	vld [tilespmem:s11+$0xECA0]  }
0x1cb: {  	v2 =	vld [tilespmem:s11+$0xECB0];
	_ =	sdelay $0x3  }
0x1cc: {  	v3 =	vld [tilespmem:s11+$0xECC0];
	v4 =	vmul.f32 $1.442695020e+00, v1  }
0x1cd: {  	v6 =	vld [tilespmem:s11+$0xECD0];
	v5 =	vmul.f32 $1.442695020e+00, v2  }
0x1ce: {  	(erf) = vpow2.f32 v4  }
0x1cf: {  	(erf) = vpow2.f32 v5;
	_ =	sdelay $0x1  }
0x1d0: {  	v4 =	vmul.f32 $1.442695020e+00, v3  }
0x1d1: {  	v5 =	vmul.f32 $1.442695020e+00, v6  }
0x1d2: {  	(erf) = vpow2.f32 v4  }
0x1d3: {  	(erf) = vpow2.f32 v5;
	_ =	sdelay $0x2  }
0x1d4: {  	v4 =	vpop (erf)  }
0x1d5: {  	[tilespmem:s11+$0x124A0] =	vst v4;
	v1 =	vmul.f32 v4, v1;
	v4 =	vpop (erf)  }
0x1d6: {  	v5 =	vmul.f32 v4, v2;
	_ =	sdelay $0x1  }
0x1d7: {  	[tilespmem:s11+$0x124B0] =	vst v4  }
0x1d8: {  	s29 =	simm.s32 $0x40;
	v4 =	vpop (erf);
	[tilespmem:s11+$0xECA0] =	vst v1  }
0x1d9: {  	v1 =	vmul.f32 v4, v3;
	v2 =	vld [tilespmem:s29+$0xECA0];
	[tilespmem:s11+$0xECB0] =	vst v5;
	v5 =	vpop (erf)  }
0x1da: {  	v6 =	vmul.f32 v5, v6  }
0x1db: {  	v3 =	vld [tilespmem:s29+$0xECB0];
	[tilespmem:s11+$0xECC0] =	vst v1  }
0x1dc: {  	s31 =	simm.s32 $0x200;
	v1 =	vld [tilespmem:s29+$0xECC0];
	[tilespmem:s11+$0xECD0] =	vst v6  }
.LBB2_11:
0x1dd: {  	p1 =	sne.s32 s31, $0x3700;
	v6 =	vld [tilespmem:s29+$0xECD0];
	[tilespmem:s11+$0x124C0] =	vst v4  }
0x1de: {  	[tilespmem:s11+$0x124D0] =	vst v5;
	s11 =	smov.u32 s29  }
0x1df: {  	v4 =	vmul.f32 $1.442695020e+00, v2  }
0x1e0: {  	v5 =	vmul.f32 $1.442695020e+00, v3  }
0x1e1: {  	v7 =	vmul.f32 $1.442695020e+00, v1;
	(erf) = vpow2.f32 v4  }
0x1e2: {  	v4 =	vmul.f32 $1.442695020e+00, v6;
	(erf) = vpow2.f32 v5  }
0x1e3: {  	(erf) = vpow2.f32 v7  }
0x1e4: {  	(erf) = vpow2.f32 v4;
	_ =	sdelay $0x5  }
0x1e5: {  	v4 =	vpop (erf)  }
0x1e6: {  	[tilespmem:s11+$0x124A0] =	vst v4;
	v2 =	vmul.f32 v4, v2;
	v4 =	vpop (erf)  }
.Ltmp6:
0x1e7: {  	[tilespmem:s11+$0x124B0] =	vst v4;
	v3 =	vmul.f32 v4, v3;
	v4 =	vpop (erf);
	(pc) =	sbr.rel @p1 .LBB2_11-.Ltmp6, $4  }
0x1e8: {  	s29 =	sshra.s32 s31, $0x2;
	[tilespmem:s11+$0xECA0] =	vst v2;
	v1 =	vmul.f32 v4, v1;
	v5 =	vpop (erf)  }
0x1e9: {  	v2 =	vld [tilespmem:s29+$0xECA0];
	[tilespmem:s11+$0xECB0] =	vst v3;
	v6 =	vmul.f32 v5, v6  }
0x1ea: {  	v3 =	vld [tilespmem:s29+$0xECB0];
	[tilespmem:s11+$0xECC0] =	vst v1  }
0x1eb: {  	s31 =	sadd.s32 $0x100, s31;
	v1 =	vld [tilespmem:s29+$0xECC0];
	[tilespmem:s11+$0xECD0] =	vst v6  }
0x1ec: {  	_ =	sdelay $0x1  }
0x1ed: {  	v6 =	vld [tilespmem:s29+$0xECD0];
	v7 =	vmul.f32 $1.442695020e+00, v2  }
0x1ee: {  	v8 =	vmul.f32 $1.442695020e+00, v3  }
0x1ef: {  	(erf) = vpow2.f32 v7  }
0x1f0: {  	v59 =	vmul.f32 $1.442695020e+00, v1;
	(erf) = vpow2.f32 v8;
	_ =	sdelay $0x1  }
0x1f1: {  	v60 =	vmul.f32 $1.442695020e+00, v6;
	(erf) = vpow2.f32 v59;
	_ =	sdelay $0x1  }
0x1f2: {  	(erf) = vpow2.f32 v60;
	_ =	sdelay $0x2  }
0x1f3: {  	[tilespmem:s11+$0x124C0] =	vst v4  }
0x1f4: {  	[tilespmem:s11+$0x124D0] =	vst v5;
	v61 =	vpop (erf)  }
0x1f5: {  	[tilespmem:s29+$0x124A0] =	vst v61;
	v2 =	vmul.f32 v61, v2;
	v62 =	vpop (erf)  }
0x1f6: {  	[tilespmem:s29+$0x124B0] =	vst v62  }
0x1f7: {  	v3 =	vmul.f32 v62, v3;
	v63 =	vpop (erf);
	[tilespmem:s29+$0xECA0] =	vst v2  }
0x1f8: {  	v1 =	vmul.f32 v63, v1;
	[tilespmem:s29+$0x124C0] =	vst v63  }
0x1f9: {  	[tilespmem:s29+$0xECB0] =	vst v3;
	v2 =	vpop (erf)  }
0x1fa: {  	[tilespmem:s29+$0xECC0] =	vst v1;
	v3 =	vmul.f32 v2, v6  }
0x1fb: {  	[tilespmem:s29+$0x124D0] =	vst v2  }
0x1fc: {  	[tilespmem:s29+$0xECD0] =	vst v3  }
0x1fd: {  	_ =	swait.ge [sflag:s25], $0xE00  }
0x1fe: {  	[sflag:s25] =	ssyncset.done $0x0  }
0x1ff: {  	s31 =	simm.s32 $0x124A0;
	[sflag:s25] =	ssyncadd.s32 $0xFFFFF200  }
0x200: {  	[spmem:s1] =	stream.indirect.scatter.add.f32 [tilespmem:s31], [sflag:$0xC], $0x40, s28, s20, $0xb8;
	[tilespmem:$0x172A0] =	vst v63  }
0x201: {  	_ = 	snop  }
0x202: {  	[spmem:s2] =	stream.indirect.scatter.add.f32 [tilespmem:s13], [sflag:$0xC], $0x40, s28, s20, $0xb8;
	[tilespmem:$0x172A0] =	vst v63  }
0x203: {  	_ = 	snop  }
0x204: {  	[spmem:s3] =	stream.indirect.scatter.add.f32 [tilespmem:s22], [sflag:$0xC], $0x40, s28, s20, $0xb8;
	[tilespmem:$0x172A0] =	vst v63  }
0x205: {  	_ =	swait.ge [sflag:s12], $0xE00  }
0x206: {  	[sflag:s12] =	ssyncset.done $0x0  }
0x207: {  	[sflag:s12] =	ssyncadd.s32 $0xFFFFF200  }
0x208: {  	_ =	swait.ge [sflag:s12], $0xE00  }
.Ltmp7:
0x209: {  	[sflag:s12] =	ssyncset.done $0x0;
	(pc) =	sbr.rel @p0 .LBB2_14-.Ltmp7, $4  }
0x20a: {  	[sflag:s12] =	ssyncadd.s32 $0xFFFFF200  }
0x20b: {  	_ =	swait.ge [sflag:s12], $0xE00  }
0x20c: {  	[sflag:s12] =	ssyncset.done $0x0  }
0x20d: {  	[sflag:s12] =	ssyncadd.s32 $0xFFFFF200  }
0x20e: {  	s11 =	sld [smem:$0x7F9];
	_ =	sdelay $0x2  }
0x20f: {  	s10 =	sadd.s32 s10, s11  }
0x210: {  	s10 =	sshrl.u32 s10, $0x3  }
0x211: {  	s31 =	simm.s32 $0x0;
	s10 =	sadd.s32 s6, s10  }
0x212: {  	[tilespmem:s26], [sflag:$0xD] =	stream.linear.gather [hbm4b:s10+s31], $0xA8, $0x38;
	[tilespmem:$0x172A0] =	vst v63  }
0x213: {  	_ =	swait.ge [sflag:s18], $0xA8  }
.Ltmp8:
0x214: {  	[sflag:s18] =	ssyncset.done $0x0;
	(pc) =	sbr.rel .LBB2_4-.Ltmp8, $4  }
0x215: {  	s29 =	simm.s32 $0xC0E0;
	s31 =	simm.s32 $0xD0A0;
	[sflag:s18] =	ssyncadd.s32 $0xFFFFFF58  }
0x216: {  	[tilespmem:s31], [sflag:$0x2] =	stream.indirect.gather [hbm4b:s5+s20], $0x40, s29, s20, $0xb8;
	[tilespmem:$0x172A0] =	vst v63  }
0x217: {  	s9 =	sadd.s32 $0x1, s9;
	s29 =	simm.s32 $0xC118;
	s31 =	simm.s32 $0x140A0  }
0x218: {  	[tilespmem:s31], [sflag:$0x6] =	stream.indirect.gather [hbm4b:s7+s20], $0x40, s29, s20, $0xb8;
	[tilespmem:$0x172A0] =	vst v63  }
.LBB2_15:
0x219: {  	_ =	sfence.sel $0x180000  }
0x21a: {  	[bflag:$0x0] =	sbarrier.arrive $0xFFFF  }
0x21b: {  	_ =	strace $0x9000004A  }
0x21c: {  	s0 =	stileid.u32;
	[bflag:$0x2] =	sbarrier.arrive $0xFFFF  }
0x21d: {  	p0 =	sne.s32 s0, $0x0;
	s0 =	rddreg [dreg:$0x4]  }
0x21e: {  	s0 =	sadd.s32 @!p0 $0x100000, s0  }
0x21f: {  	[sflag:s0] =	ssyncadd.tile.s32 @!p0 $0x1;
	_ =	shalt  }
.Lfunc_end2:
_tile_overlayer_lowered:
.L_overlay_start_2:
0x220: {  	(tag) =	ssettag $0x2  }
0x221: {  	s0 =	rddreg [dreg:$0x0];
	s2 =	stileid.u32  }
0x222: {  	s1 =	rddreg [dreg:$0x1];
	p0 =	sne.s32 s2, $0x0  }
0x223: {  	s3 =	rddreg [dreg:$0x2];
	[bflag:$0x3] =	sbarrier.arrive $0xFFFF;
	s2 =	simm.s32 @!p0 $0x1C0D  }
0x224: {  	[timem:s3], [sflag:s2] =	dma.local @!p0 [hbm:s0], s1  }
0x225: {  	s0 =	simm.s32 @!p0 $0xD  }
0x226: {  	_ =	swait.ge @!p0 [sflag:s0], s1  }
0x227: {  	s1 =	ssub.s32 @!p0 $0x0, s1;
	[sflag:s0] =	ssyncset.done @!p0 $0x0  }
0x228: {  	[sflag:s0] =	ssyncadd.s32 @!p0 s1  }
0x229: {  	[bflag:$0x3] =	sbarrier.arrive $0xFFFF  }
0x22a: {  	_ =	shalt  }

// kernel: kernel.15.cloned.1.call-start
scs
__scs_entry_jumppad:
0x0: {  	(pc) =	sbr.rel $0x88, $3  }
0x1: {  	(tag) =	ssettag $0x0;
	lr =	simm.s32 $0x1  }
0x2: {  	[smem:$0x3F83] =	sst lr;
	_ =	strace $0xD0000000  }
0x3: {  	_ = 	snop  }
0x4: {  	_ = 	snop  }
0x5: {  	_ = 	snop  }
0x6: {  	_ = 	snop  }
0x7: {  	_ = 	snop  }
__scs_overlays_trampoline_lowered:
0x8: {  	[smem:$0x3F92] =	sst s0  }
0x9: {  	[smem:$0x3F93] =	sst s1  }
0xa: {  	[smem:$0x3F94] =	sst s2  }
0xb: {  	[smem:$0x3F95] =	sst s3  }
0xc: {  	[smem:$0x3F96] =	sst s4  }
0xd: {  	[smem:$0x3F97] =	sst s5  }
0xe: {  	[smem:$0x3F98] =	sst s6  }
0xf: {  	[smem:$0x3F99] =	sst s7  }
0x10: {  	[smem:$0x3F9A] =	sst s8  }
0x11: {  	[smem:$0x3F9B] =	sst s9;
	s0 =	simm.s32 @!p0 $0x0  }
0x12: {  	s1 =	sld [smem:$0x3F81];
	s0 =	simm.s32 @p0 $0x1  }
0x13: {  	[smem:$0x3F9C] =	sst s0;
	s0 =	simm.s32 @!p1 $0x0  }
0x14: {  	s2 =	sld [smem:$0x3F80];
	s0 =	simm.s32 @p1 $0x1  }
0x15: {  	[smem:$0x3F9D] =	sst s0;
	s0 =	simm.s32 @!p2 $0x0  }
0x16: {  	s3 =	sld [smem:$0x3FDB];
	s0 =	simm.s32 @p2 $0x1  }
0x17: {  	s4 =	simm.s32 $0x1BF5;
	[smem:$0x3F9F] =	sst s0  }
0x18: {  	s0 =	sld [smem:$0x3F82];
	_ =	swait.ge [sflag:s4], $0x0  }
0x19: {  	s7 =	sld [smem:$0x3F83]  }
0x1a: {  	s8 =	sadd.s32 $0xFFFFE003, lr  }
0x1b: {  	s9 =	sadd.s32 $0xFFFFFEF7, lr;
	s5 =	simm.s32 $0xFFFFFFFF;
	p2 =	slt.u32 s8, $0xFFFFF086  }
0x1c: {  	p1 =	slt.u32 s9, $0xF7A;
	s5 =	simm.s32 @!p2 $0x0  }
0x1d: {  	s5 =	simm.s32 @p1 $0x1;
	p0 =	seq.s32 s7, s2  }
0x1e: {  	s7 =	smul.u32 @!p0 $0xF7A, s2;
	p2 =	seq.s32 @!p0 s5, $0x0  }
0x1f: {  	s9 =	smul.u32 $0xF7A, s1;
	s8 =	simm.s32 @!p0 $0x1BF5;
	p2 =	por !p2, p0  }
0x20: {  	[sflag:s8] =	ssyncset.s32 @!p0 $0xFFFFF086;
	s6 =	sadd.s32 @!p0 s3, s7;
	s7 =	simm.s32 @!p0 $0x108  }
0x21: {  	s3 =	sadd.s32 s3, s9;
	s6 =	sadd.s32 @!p0 $0x88, s6;
	s7 =	simm.s32 @p2 $0x1082  }
0x22: {  	[simem:s7], [sflag:s8] =	dma.local @!p0 [hbm:s6], $0xF7A  }
0x23: {  	s9 =	sor.u32 $0xD0000000, s2;
	s6 =	simm.s32 $0x108;
	_ =	swait.ge @!p0 [sflag:s8], $0x0  }
0x24: {  	s3 =	sadd.s32 $0x88, s3;
	s6 =	simm.s32 @!p1 $0x1082;
	[sflag:s4] =	ssyncset.s32 $0xFFFFF086  }
0x25: {  	[simem:s6], [sflag:s4] =	dma.local [hbm:s3], $0xF7A  }
0x26: {  	[smem:$0x3F83] =	sst s1;
	(tag) =	ssettag s2;
	_ =	strace s9  }
0x27: {  	s1 =	sld [smem:$0x3F93]  }
0x28: {  	s2 =	sld [smem:$0x3F94]  }
0x29: {  	s4 =	sld [smem:$0x3F96]  }
0x2a: {  	p0 =	seq.s32 s5, $0x0;
	s5 =	sld [smem:$0x3F97]  }
0x2b: {  	s6 =	sld [smem:$0x3F98]  }
0x2c: {  	s7 =	sld [smem:$0x3F99]  }
0x2d: {  	s3 =	simm.s32 $0x108;
	s8 =	sld [smem:$0x3F9A]  }
0x2e: {  	s3 =	simm.s32 @!p0 $0x1082;
	s9 =	sld [smem:$0x3F9B]  }
0x2f: {  	lr =	sadd.s32 s0, s3;
	s0 =	sld [smem:$0x3F92]  }
0x30: {  	s3 =	sld [smem:$0x3F95]  }
0x31: {  	[smem:$0x3F9E] =	sst s10  }
0x32: {  	s10 =	sld [smem:$0x3F9C];
	_ =	sdelay $0x3  }
0x33: {  	p0 =	seq.s32 s10, $0x1;
	s10 =	sld [smem:$0x3F9E];
	_ =	sdelay $0x3  }
0x34: {  	[smem:$0x3F9E] =	sst s10  }
0x35: {  	s10 =	sld [smem:$0x3F9D];
	_ =	sdelay $0x3  }
0x36: {  	p1 =	seq.s32 s10, $0x1;
	s10 =	sld [smem:$0x3F9E];
	_ =	sdelay $0x3  }
0x37: {  	[smem:$0x3F9E] =	sst s10  }
0x38: {  	s10 =	sld [smem:$0x3F9F]  }
0x39: {  	_ = 	snop;
	(pc) =	sbr.ind lr, $3  }
0x3a: {  	_ = 	snop  }
0x3b: {  	_ = 	snop  }
0x3c: {  	p2 =	seq.s32 s10, $0x1;
	s10 =	sld [smem:$0x3F9E]  }
0x3d: {  	_ =	shalt  }
0x3e: {  	_ =	shalt  }
0x3f: {  	_ =	shalt  }
0x40: {  	_ =	shalt  }
0x41: {  	_ =	shalt  }
0x42: {  	_ =	shalt  }
0x43: {  	_ =	shalt  }
0x44: {  	_ =	shalt  }
0x45: {  	_ =	shalt  }
0x46: {  	_ =	shalt  }
0x47: {  	_ =	shalt  }
0x48: {  	_ =	shalt  }
0x49: {  	_ =	shalt  }
0x4a: {  	_ =	shalt  }
0x4b: {  	_ =	shalt  }
0x4c: {  	_ =	shalt  }
0x4d: {  	_ =	shalt  }
0x4e: {  	_ =	shalt  }
0x4f: {  	_ =	shalt  }
0x50: {  	_ =	shalt  }
0x51: {  	_ =	shalt  }
0x52: {  	_ =	shalt  }
0x53: {  	_ =	shalt  }
0x54: {  	_ =	shalt  }
0x55: {  	_ =	shalt  }
0x56: {  	_ =	shalt  }
0x57: {  	_ =	shalt  }
0x58: {  	_ =	shalt  }
0x59: {  	_ =	shalt  }
0x5a: {  	_ =	shalt  }
0x5b: {  	_ =	shalt  }
0x5c: {  	_ =	shalt  }
0x5d: {  	_ =	shalt  }
0x5e: {  	_ =	shalt  }
0x5f: {  	_ =	shalt  }
0x60: {  	_ =	shalt  }
0x61: {  	_ =	shalt  }
0x62: {  	_ =	shalt  }
0x63: {  	_ =	shalt  }
0x64: {  	_ =	shalt  }
0x65: {  	_ =	shalt  }
0x66: {  	_ =	shalt  }
0x67: {  	_ =	shalt  }
0x68: {  	_ =	shalt  }
0x69: {  	_ =	shalt  }
0x6a: {  	_ =	shalt  }
0x6b: {  	_ =	shalt  }
0x6c: {  	_ =	shalt  }
0x6d: {  	_ =	shalt  }
0x6e: {  	_ =	shalt  }
0x6f: {  	_ =	shalt  }
0x70: {  	_ =	shalt  }
0x71: {  	_ =	shalt  }
0x72: {  	_ =	shalt  }
0x73: {  	_ =	shalt  }
0x74: {  	_ =	shalt  }
0x75: {  	_ =	shalt  }
0x76: {  	_ =	shalt  }
0x77: {  	_ =	shalt  }
0x78: {  	_ =	shalt  }
0x79: {  	_ =	shalt  }
0x7a: {  	_ =	shalt  }
0x7b: {  	_ =	shalt  }
0x7c: {  	_ =	shalt  }
0x7d: {  	_ =	shalt  }
0x7e: {  	_ =	shalt  }
0x7f: {  	_ =	shalt  }
0x80: {  	_ =	shalt  }
0x81: {  	_ =	shalt  }
0x82: {  	_ =	shalt  }
0x83: {  	_ =	shalt  }
0x84: {  	_ =	shalt  }
0x85: {  	_ =	shalt  }
0x86: {  	_ =	shalt  }
0x87: {  	_ =	shalt  }
.Lfunc_end0:
.L_simem_size_0:
called_computation.2_lowered:
.L_overlay_start_0:
0x88: {  	s2 =	sld [smem:$0x3FD9]  }
0x89: {  	s3 =	sld [smem:$0x3FFE];
	_ =	sdelay $0x1  }
0x8a: {  	s1 =	srdreg.scid  }
0x8b: {  	s0 =	sand.u32 $0x1, s1  }
0x8c: {  	s16 =	sshll.u32 s0, $0xA;
	s2 =	sadd.s32 s3, s2  }
0x8d: {  	s2 =	sadd.s32 s2, s16  }
0x8e: {  	[smem:$0x3FAA] =	sst s2  }
0x8f: {  	_ = 	snop  }
0x90: {  	(tm) =	ssettm $0x1  }
0x91: {  	s17 =	sld [smem:$0x3FFB];
	_ =	sdelay $0x3  }
0x92: {  	_ =	strace s17  }
0x93: {  	s2 =	sld [smem:$0x3FFC];
	_ =	sdelay $0x3  }
0x94: {  	_ =	strace s2  }
0x95: {  	s2 =	sld [smem:$0x3FFD];
	_ =	sdelay $0x3  }
0x96: {  	_ =	strace s2  }
0x97: {  	_ =	strace $0x8FFFFFFF  }
0x98: {  	s18 =	sld [smem:$0x3FDB];
	_ =	sdelay $0x1  }
0x99: {  	s19 =	simm.s32 $_scs_section_size  }
0x9a: {  	s4 =	simm.s32 $_size__tile_overlayer_lowered;
	s5 =	simm.s32 $_tile_overlayer_lowered  }
0x9b: {  	s22 =	simm.s32 $0x1BFF;
	s21 =	sshll.u32 s5, $0x1;
	s2 =	sadd.s32 s19, s18  }
0x9c: {  	s6 =	simm.s32 $0x0;
	s20 =	sshll.u32 s4, $0x1;
	s4 =	sadd.s32 s21, s2  }
0x9d: {  	[timem:s6], [sflag:s22] =	dma.local [hbm:s4], s20  }
0x9e: {  	_ =	swait.ge [sflag:s22], s20  }
0x9f: {  	s3 =	ssub.s32 $0x0, s20;
	[sflag:s22] =	ssyncset.done $0x0  }
0xa0: {  	[sflag:s22] =	ssyncadd.s32 s3;
	_ =	sdelay $0x1  }
0xa1: {  	s23 =	simm.s32 $0x1B8B  }
0xa2: {  	_ =	swait.ge [sflag:s23], $0x1  }
0xa3: {  	[sflag:s23] =	ssyncset.done $0x0  }
0xa4: {  	s25 =	simm.s32 $0x1B8E;
	s24 =	sld [smem:$0x3FFE];
	[sflag:s23] =	ssyncadd.s32 $0xFFFFFFFF  }
0xa5: {  	s26 =	simm.s32 $execute0_lowered;
	[smem:$0x3FD2] =	sst s25  }
0xa6: {  	s4 =	sshll.u32 s26, $0x1;
	_ =	strace $0x8000004C;
	[dreg:$0x1] =	wrdreg $0xFFFFFFFF  }
0xa7: {  	s28 =	simm.s32 $_size_execute0_lowered;
	s2 =	sadd.s32 s2, s4;
	[dreg:$0x0] =	wrdreg $0x0  }
0xa8: {  	s4 =	sshll.u32 s28, $0x1;
	[dreg:$0x2] =	wrdreg s2  }
0xa9: {  	[dreg:$0x3] =	wrdreg s4  }
0xaa: {  	[dreg:$0x4] =	wrdreg $0xC0  }
0xab: {  	_ =	task [dreg:s6], $0x5FFFF  }
0xac: {  	[dreg:$0x1] =	wrdreg $0xFFFFFFFF  }
0xad: {  	[dreg:$0x0] =	wrdreg $0x60  }
0xae: {  	[dreg:$0x2] =	wrdreg s24  }
0xaf: {  	[dreg:$0x3] =	wrdreg $0x0  }
0xb0: {  	[dreg:$0x4] =	wrdreg $0x40000  }
0xb1: {  	[dreg:$0x5] =	wrdreg $0x80000  }
0xb2: {  	[dreg:$0x6] =	wrdreg $0x9  }
0xb3: {  	_ =	task.clear_ibuf [dreg:s6], $0x7FFFF;
	_ =	strace $0x9000004C  }
0xb4: {  	s29 =	simm.s32 $0x9;
	_ =	strace $0x8000004E  }
0xb5: {  	_ =	swait.ge [sflag:s29], $0x1  }
0xb6: {  	[sflag:s29] =	ssyncadd.s32 $0xFFFFFFFF  }
0xb7: {  	_ =	strace $0x9000004E  }
0xb8: {  	_ =	sfence  }
0xb9: {  	s30 =	sld [smem:$0x0];
	_ =	sdelay $0x2  }
0xba: {  	s31 =	sshll.u32 s1, $0xD;
	s1 =	sshrl.u32 s1, $0x2  }
0xbb: {  	s3 =	sand.u32 $0x4000, s31;
	s1 =	sadd.s32 s1, s30  }
0xbc: {  	s0 =	sor.u32 s3, s0;
	s1 =	sshll.u32 s1, $0x11  }
0xbd: {  	s0 =	sor.u32 s1, s0  }
0xbe: {  	s0 =	sadd.s32 $0x8F2B, s0  }
0xbf: {  	[sflag:s0] =	ssyncadd.remote.s32 $0x1  }
0xc0: {  	_ =	sfence.sel $0xFFFF  }
0xc1: {  	[dreg:$0x0] =	wrdreg $0xFFFFFFFF;
	(pc) =	sbr.abs _section_cstart, $3  }
0xc2: {  	[dreg:$0x1] =	wrdreg $0xFFFFFFFF  }
0xc3: {  	_ =	task.clear_ibuf [dreg:s6], $0x2FFFF;
	_ =	strace $0x9FFFFFFF  }
0xc4: {  	(tm) =	ssettm $0x7FFFFFFF  }
0xc5: {  	_ =	shalt  }
tec
execute0_lowered:
.L_overlay_start_1:
0x0: {  	(tag) =	ssettag $0x1  }
0x1: {  	s0 =	rddreg [dreg:$0x0]  }
0x2: {  	s1 =	rddreg [dreg:$0x1]  }
0x3: {  	s2 =	rddreg [dreg:$0x2]  }
0x4: {  	s3 =	rddreg [dreg:$0x3];
	s4 =	srdreg.scid;
	s5 =	simm.s32 $0x0  }
0x5: {  	s11 =	stileid.u32;
	s28 =	simm.s32 $0xC1F8;
	s4 =	sand.u32 $0x1, s4  }
0x6: {  	s30 =	simm.s32 $0x7;
	[smem:$0x7FF] =	sst s5;
	s26 =	smul.u32 $0x1F100, s4  }
0x7: {  	s7 =	sshll.u32 s11, $0xE;
	s6 =	smul.u32 $0x7C40, s4;
	_ =	strace $0x8000004D  }
0x8: {  	s8 =	sshll.u32 s4, $0x12;
	s4 =	ssub.s32 $0x2, s4;
	s25 =	sadd.s32 s7, s2  }
0x9: {  	s10 =	sor.u32 $0x800, s7;
	s29 =	sadd.s32 s7, s1;
	[dreg:$0x15] =	wrdreg s25  }
0xa: {  	s13 =	sor.u32 $0x1000, s7;
	s12 =	sadd.s32 s10, s1;
	[dreg:$0x14] =	wrdreg s29  }
0xb: {  	s16 =	sor.u32 $0x1800, s7;
	s14 =	sadd.s32 s13, s1;
	[dreg:$0x5] =	wrdreg s12  }
0xc: {  	s19 =	sor.u32 $0x2000, s7;
	s15 =	sadd.s32 s13, s2;
	[dreg:$0x8] =	wrdreg s14  }
0xd: {  	s21 =	sor.u32 $0x2800, s7;
	s17 =	sadd.s32 s16, s1;
	[dreg:$0x9] =	wrdreg s15  }
0xe: {  	s8 =	sor.u32 s7, s8;
	s18 =	sadd.s32 s16, s2;
	[dreg:$0xb] =	wrdreg s17  }
0xf: {  	s31 =	sshrl.u32 s4, $0x1;
	s20 =	sadd.s32 s19, s1;
	[dreg:$0xc] =	wrdreg s18  }
0x10: {  	s22 =	sadd.s32 s19, s2;
	s23 =	sadd.s32 s21, s1;
	[dreg:$0xe] =	wrdreg s20  }
0x11: {  	s24 =	sadd.s32 s21, s2;
	s5 =	sadd.s32 s26, s0;
	[dreg:$0xf] =	wrdreg s22  }
0x12: {  	s9 =	sadd.s32 s6, s0;
	s6 =	sadd.s32 $0xF600, s0;
	[dreg:$0x11] =	wrdreg s23  }
0x13: {  	s8 =	sshrl.u32 s8, $0x3;
	s12 =	sadd.s32 s10, s2;
	[dreg:$0x12] =	wrdreg s24  }
0x14: {  	s4 =	ssub.s32 s4, s31;
	s10 =	sadd.s32 s10, s3;
	[dreg:$0x6] =	wrdreg s12  }
0x15: {  	s26 =	sadd.s32 s7, s3;
	s31 =	sor.u32 $0x3000, s7;
	[dreg:$0x7] =	wrdreg s10  }
0x16: {  	s0 =	sadd.s32 s8, s0;
	s8 =	sadd.s32 s13, s3;
	[dreg:$0x16] =	wrdreg s26  }
0x17: {  	s7 =	sor.u32 $0x3800, s7;
	s10 =	sadd.s32 s19, s3;
	[dreg:$0xa] =	wrdreg s8  }
0x18: {  	s12 =	sadd.s32 s31, s1;
	s13 =	smul.u32 $0xBA60, s11;
	[dreg:$0x10] =	wrdreg s10  }
0x19: {  	s14 =	sadd.s32 s31, s2;
	s15 =	sadd.s32 s7, s1;
	[dreg:$0x17] =	wrdreg s12  }
0x1a: {  	s5 =	sadd.s32 $0x36600, s5;
	s8 =	sadd.s32 s16, s3;
	[dreg:$0x18] =	wrdreg s14  }
0x1b: {  	[dreg:$0x1a] =	wrdreg s15;
	s16 =	sadd.s32 s7, s2;
	s7 =	sadd.s32 s7, s3  }
0x1c: {  	s25 =	sadd.s32 $0x84800, s0;
	s26 =	sadd.s32 $0x74800, s0;
	s0 =	sadd.s32 $0x94800, s0  }
0x1d: {  	s14 =	simm.s32 $0xC150;
	s15 =	simm.s32 $0x4;
	[dreg:$0xd] =	wrdreg s8  }
0x1e: {  	s12 =	simm.s32 $0xA;
	s10 =	simm.s32 $0x0;
	[dreg:$0x1b] =	wrdreg s16  }
0x1f: {  	s8 =	sadd.s32 s21, s3;
	s17 =	sshrl.u32 s13, $0x3;
	[dreg:$0x1c] =	wrdreg s7  }
0x20: {  	s18 =	sadd.s32 $0xA8, s13;
	s7 =	sadd.s32 $0x26C00, s9;
	[smem:$0x7FA] =	sst s25  }
0x21: {  	s21 =	sadd.s32 $0x150, s13;
	s22 =	sadd.s32 $0x1F8, s13;
	[smem:$0x7FB] =	sst s26  }
0x22: {  	s23 =	sadd.s32 $0x2A0, s13;
	s24 =	sadd.s32 $0x348, s13;
	[smem:$0x7FC] =	sst s0  }
0x23: {  	s26 =	simm.s32 $0xC0A8;
	s0 =	simm.s32 $0x1;
	[dreg:$0x13] =	wrdreg s8  }
0x24: {  	s16 =	simm.s32 $0xDEA0;
	s13 =	simm.s32 $0xECA0;
	[dreg:$0x1f] =	wrdreg s21  }
0x25: {  	s25 =	simm.s32 $0x8;
	s8 =	sadd.s32 s31, s3;
	[smem:$0x7F7] =	sst s22  }
0x26: {  	s19 =	sadd.s32 s6, s17;
	s20 =	sshrl.u32 s18, $0x3;
	[smem:$0x7F8] =	sst s23  }
0x27: {  	[smem:$0x7F9] =	sst s24;
	s31 =	smax.u32 s4, $0x1;
	s18 =	simm.s32 $0xD  }
.Ltmp0:
0x28: {  	s23 =	simm.s32 $0x14EA0;
	s24 =	simm.s32 $0x2;
	(pc) =	sbr.rel .LBB2_1-.Ltmp0, $4  }
0x29: {  	s17 =	simm.s32 $0x6;
	s22 =	simm.s32 $0x15CA0;
	[dreg:$0x19] =	wrdreg s8  }
0x2a: {  	s4 =	simm.s32 $0x3;
	s21 =	simm.s32 $0x9;
	[dreg:$0x1d] =	wrdreg s19  }
0x2b: {  	s8 =	sadd.s32 s6, s20;
	[smem:$0x7FD] =	sst s31;
	s19 =	simm.s32 $0xC000  }
0x2c: {  	v0 =	vimm.f32 $0.0e+00;
	s20 =	simm.s32 $0x38;
	[dreg:$0x1e] =	wrdreg s8;
	s8 =	simm.s32 $0x5  }
.LBB2_14:
0x2d: {  	s9 =	simm.s32 $0xB  }
0x2e: {  	_ =	swait.ge [sflag:s9], $0xE00  }
0x2f: {  	[sflag:s9] =	ssyncset.done $0x0  }
0x30: {  	[sflag:s9] =	ssyncadd.s32 $0xFFFFF200  }
0x31: {  	_ =	swait.ge [sflag:s9], $0xE00  }
0x32: {  	[sflag:s9] =	ssyncset.done $0x0  }
0x33: {  	[sflag:s9] =	ssyncadd.s32 $0xFFFFF200  }
0x34: {  	_ =	swait.ge [sflag:s9], $0xE00  }
0x35: {  	[sflag:s9] =	ssyncset.done $0x0  }
0x36: {  	s31 =	simm.s32 $0xC;
	[sflag:s9] =	ssyncadd.s32 $0xFFFFF200  }
0x37: {  	_ =	swait.ge [sflag:s31], $0xE00  }
0x38: {  	[sflag:s31] =	ssyncset.done $0x0  }
0x39: {  	[sflag:s31] =	ssyncadd.s32 $0xFFFFF200  }
0x3a: {  	_ =	swait.ge [sflag:s31], $0xE00  }
0x3b: {  	[sflag:s31] =	ssyncset.done $0x0  }
0x3c: {  	[sflag:s31] =	ssyncadd.s32 $0xFFFFF200  }
0x3d: {  	_ =	swait.ge [sflag:s31], $0xE00  }
0x3e: {  	[sflag:s31] =	ssyncset.done $0x0  }
0x3f: {  	[sflag:s31] =	ssyncadd.s32 $0xFFFFF200  }
0x40: {  	[bflag:$0x0] =	sbarrier.arrive $0xFFFF  }
0x41: {  	s10 =	stileid.u32;
	s11 =	sld [smem:$0x7FA]  }
0x42: {  	s9 =	sshll.u32 s10, $0x6;
	s29 =	rddreg [dreg:$0x14]  }
0x43: {  	s9 =	sor.u32 $0x1C0D, s9;
	s10 =	sshrl.u32 s29, $0x3  }
0x44: {  	[hbm:s11], [sflag:s9] =	dma.local [spmem:s10], $0x800  }
0x45: {  	_ =	swait.ge [sflag:s18], $0x800  }
0x46: {  	s31 =	sld [smem:$0x7FB]  }
0x47: {  	[sflag:s18] =	ssyncset.done $0x0;
	s11 =	rddreg [dreg:$0x15]  }
0x48: {  	[sflag:s18] =	ssyncadd.s32 $0xFFFFF800;
	s10 =	sshrl.u32 s11, $0x3  }
0x49: {  	[hbm:s31], [sflag:s9] =	dma.local [spmem:s10], $0x800  }
0x4a: {  	_ =	swait.ge [sflag:s18], $0x800  }
0x4b: {  	s31 =	sld [smem:$0x7FC]  }
0x4c: {  	[sflag:s18] =	ssyncset.done $0x0;
	s11 =	rddreg [dreg:$0x16]  }
0x4d: {  	[sflag:s18] =	ssyncadd.s32 $0xFFFFF800;
	s10 =	sshrl.u32 s11, $0x3  }
0x4e: {  	[hbm:s31], [sflag:s9] =	dma.local [spmem:s10], $0x800  }
0x4f: {  	_ =	swait.ge [sflag:s18], $0x800  }
0x50: {  	s11 =	sld [smem:$0x7F6]  }
0x51: {  	s31 =	sld [smem:$0x7FD];
	_ =	sdelay $0x1  }
0x52: {  	s10 =	sadd.s32 $0x1, s11  }
0x53: {  	p0 =	sne.s32 s10, s31  }
.Ltmp1:
0x54: {  	_ = 	snop;
	(pc) =	sbr.rel @!p0 .LBB2_15-.Ltmp1, $3  }
0x55: {  	_ =	sdelay $0x1  }
0x56: {  	[sflag:s18] =	ssyncset.done $0x0  }
0x57: {  	[sflag:s18] =	ssyncadd.s32 $0xFFFFF800  }
.LBB2_1:
0x58: {  	[smem:$0x7F6] =	sst s10;
	s10 =	simm.s32 $0x100;
	s9 =	simm.s32 $0x0  }
.LBB2_2:
0x59: {  	p0 =	sne.s32 s10, $0x1F00;
	[tilespmem:s9+$0x16AD0] =	vst v0;
	s11 =	smov.u32 s10;
	s10 =	sadd.s32 $0x100, s10  }
.Ltmp2:
0x5a: {  	[tilespmem:s9+$0x16AC0] =	vst v0;
	(pc) =	sbr.rel @p0 .LBB2_2-.Ltmp2, $3  }
0x5b: {  	[tilespmem:s9+$0x16AA0] =	vst v0  }
0x5c: {  	[tilespmem:s9+$0x16AB0] =	vst v0;
	_ =	sdelay $0x1  }
0x5d: {  	s9 =	sshra.s32 s11, $0x2  }
0x5e: {  	[tilespmem:s9+$0x16AD0] =	vst v0  }
0x5f: {  	[tilespmem:s9+$0x16AC0] =	vst v0  }
0x60: {  	[tilespmem:s9+$0x16AA0] =	vst v0  }
0x61: {  	[tilespmem:s9+$0x16AB0] =	vst v0;
	s10 =	simm.s32 $0x16AA0  }
0x62: {  	[spmem:s29] =	stream.linear.scatter [tilespmem:s10], [sflag:$0xD], $0x800, $0x38;
	[tilespmem:$0x172A0] =	vst v63  }
0x63: {  	_ =	swait.ge [sflag:s18], $0x800  }
0x64: {  	[sflag:s18] =	ssyncset.done $0x0  }
0x65: {  	s31 =	rddreg [dreg:$0x15];
	[sflag:s18] =	ssyncadd.s32 $0xFFFFF800  }
0x66: {  	[spmem:s31] =	stream.linear.scatter [tilespmem:s10], [sflag:$0xD], $0x800, $0x38;
	[tilespmem:$0x172A0] =	vst v63  }
0x67: {  	_ =	swait.ge [sflag:s18], $0x800  }
0x68: {  	[sflag:s18] =	ssyncset.done $0x0  }
0x69: {  	s11 =	rddreg [dreg:$0x16];
	[sflag:s18] =	ssyncadd.s32 $0xFFFFF800  }
0x6a: {  	[spmem:s11] =	stream.linear.scatter [tilespmem:s10], [sflag:$0xD], $0x800, $0x38;
	[tilespmem:$0x172A0] =	vst v63  }
0x6b: {  	_ =	swait.ge [sflag:s18], $0x800  }
0x6c: {  	[sflag:s18] =	ssyncset.done $0x0  }
0x6d: {  	s29 =	rddreg [dreg:$0x5];
	[sflag:s18] =	ssyncadd.s32 $0xFFFFF800  }
0x6e: {  	[spmem:s29] =	stream.linear.scatter [tilespmem:s10], [sflag:$0xD], $0x800, $0x38;
	[tilespmem:$0x172A0] =	vst v63  }
0x6f: {  	_ =	swait.ge [sflag:s18], $0x800  }
0x70: {  	[sflag:s18] =	ssyncset.done $0x0  }
0x71: {  	s31 =	rddreg [dreg:$0x6];
	[sflag:s18] =	ssyncadd.s32 $0xFFFFF800  }
0x72: {  	[spmem:s31] =	stream.linear.scatter [tilespmem:s10], [sflag:$0xD], $0x800, $0x38;
	[tilespmem:$0x172A0] =	vst v63  }
0x73: {  	_ =	swait.ge [sflag:s18], $0x800  }
0x74: {  	[sflag:s18] =	ssyncset.done $0x0  }
0x75: {  	s11 =	rddreg [dreg:$0x7];
	[sflag:s18] =	ssyncadd.s32 $0xFFFFF800  }
0x76: {  	[spmem:s11] =	stream.linear.scatter [tilespmem:s10], [sflag:$0xD], $0x800, $0x38;
	[tilespmem:$0x172A0] =	vst v63  }
0x77: {  	_ =	swait.ge [sflag:s18], $0x800  }
0x78: {  	[sflag:s18] =	ssyncset.done $0x0  }
0x79: {  	s29 =	rddreg [dreg:$0x8];
	[sflag:s18] =	ssyncadd.s32 $0xFFFFF800  }
0x7a: {  	[spmem:s29] =	stream.linear.scatter [tilespmem:s10], [sflag:$0xD], $0x800, $0x38;
	[tilespmem:$0x172A0] =	vst v63  }
0x7b: {  	_ =	swait.ge [sflag:s18], $0x800  }
0x7c: {  	[sflag:s18] =	ssyncset.done $0x0  }
0x7d: {  	s31 =	rddreg [dreg:$0x9];
	[sflag:s18] =	ssyncadd.s32 $0xFFFFF800  }
0x7e: {  	[spmem:s31] =	stream.linear.scatter [tilespmem:s10], [sflag:$0xD], $0x800, $0x38;
	[tilespmem:$0x172A0] =	vst v63  }
0x7f: {  	_ =	swait.ge [sflag:s18], $0x800  }
0x80: {  	[sflag:s18] =	ssyncset.done $0x0  }
0x81: {  	s11 =	rddreg [dreg:$0xa];
	[sflag:s18] =	ssyncadd.s32 $0xFFFFF800  }
0x82: {  	[spmem:s11] =	stream.linear.scatter [tilespmem:s10], [sflag:$0xD], $0x800, $0x38;
	[tilespmem:$0x172A0] =	vst v63  }
0x83: {  	_ =	swait.ge [sflag:s18], $0x800  }
0x84: {  	[sflag:s18] =	ssyncset.done $0x0  }
0x85: {  	s29 =	rddreg [dreg:$0xb];
	[sflag:s18] =	ssyncadd.s32 $0xFFFFF800  }
0x86: {  	[spmem:s29] =	stream.linear.scatter [tilespmem:s10], [sflag:$0xD], $0x800, $0x38;
	[tilespmem:$0x172A0] =	vst v63  }
0x87: {  	_ =	swait.ge [sflag:s18], $0x800  }
0x88: {  	[sflag:s18] =	ssyncset.done $0x0  }
0x89: {  	s31 =	rddreg [dreg:$0xc];
	[sflag:s18] =	ssyncadd.s32 $0xFFFFF800  }
0x8a: {  	[spmem:s31] =	stream.linear.scatter [tilespmem:s10], [sflag:$0xD], $0x800, $0x38;
	[tilespmem:$0x172A0] =	vst v63  }
0x8b: {  	_ =	swait.ge [sflag:s18], $0x800  }
0x8c: {  	[sflag:s18] =	ssyncset.done $0x0  }
0x8d: {  	s11 =	rddreg [dreg:$0xd];
	[sflag:s18] =	ssyncadd.s32 $0xFFFFF800  }
0x8e: {  	[spmem:s11] =	stream.linear.scatter [tilespmem:s10], [sflag:$0xD], $0x800, $0x38;
	[tilespmem:$0x172A0] =	vst v63  }
0x8f: {  	_ =	swait.ge [sflag:s18], $0x800  }
0x90: {  	[sflag:s18] =	ssyncset.done $0x0  }
0x91: {  	s29 =	rddreg [dreg:$0xe];
	[sflag:s18] =	ssyncadd.s32 $0xFFFFF800  }
0x92: {  	[spmem:s29] =	stream.linear.scatter [tilespmem:s10], [sflag:$0xD], $0x800, $0x38;
	[tilespmem:$0x172A0] =	vst v63  }
0x93: {  	_ =	swait.ge [sflag:s18], $0x800  }
0x94: {  	[sflag:s18] =	ssyncset.done $0x0  }
0x95: {  	s31 =	rddreg [dreg:$0xf];
	[sflag:s18] =	ssyncadd.s32 $0xFFFFF800  }
0x96: {  	[spmem:s31] =	stream.linear.scatter [tilespmem:s10], [sflag:$0xD], $0x800, $0x38;
	[tilespmem:$0x172A0] =	vst v63  }
0x97: {  	_ =	swait.ge [sflag:s18], $0x800  }
0x98: {  	[sflag:s18] =	ssyncset.done $0x0  }
0x99: {  	s11 =	rddreg [dreg:$0x10];
	[sflag:s18] =	ssyncadd.s32 $0xFFFFF800  }
0x9a: {  	[spmem:s11] =	stream.linear.scatter [tilespmem:s10], [sflag:$0xD], $0x800, $0x38;
	[tilespmem:$0x172A0] =	vst v63  }
0x9b: {  	_ =	swait.ge [sflag:s18], $0x800  }
0x9c: {  	[sflag:s18] =	ssyncset.done $0x0  }
0x9d: {  	s29 =	rddreg [dreg:$0x11];
	[sflag:s18] =	ssyncadd.s32 $0xFFFFF800  }
0x9e: {  	[spmem:s29] =	stream.linear.scatter [tilespmem:s10], [sflag:$0xD], $0x800, $0x38;
	[tilespmem:$0x172A0] =	vst v63  }
0x9f: {  	_ =	swait.ge [sflag:s18], $0x800  }
0xa0: {  	[sflag:s18] =	ssyncset.done $0x0  }
0xa1: {  	s31 =	rddreg [dreg:$0x12];
	[sflag:s18] =	ssyncadd.s32 $0xFFFFF800  }
0xa2: {  	[spmem:s31] =	stream.linear.scatter [tilespmem:s10], [sflag:$0xD], $0x800, $0x38;
	[tilespmem:$0x172A0] =	vst v63  }
0xa3: {  	_ =	swait.ge [sflag:s18], $0x800  }
0xa4: {  	[sflag:s18] =	ssyncset.done $0x0  }
0xa5: {  	s11 =	rddreg [dreg:$0x13];
	[sflag:s18] =	ssyncadd.s32 $0xFFFFF800  }
0xa6: {  	[spmem:s11] =	stream.linear.scatter [tilespmem:s10], [sflag:$0xD], $0x800, $0x38;
	[tilespmem:$0x172A0] =	vst v63  }
0xa7: {  	_ =	swait.ge [sflag:s18], $0x800  }
0xa8: {  	[sflag:s18] =	ssyncset.done $0x0  }
0xa9: {  	s29 =	rddreg [dreg:$0x17];
	[sflag:s18] =	ssyncadd.s32 $0xFFFFF800  }
0xaa: {  	[spmem:s29] =	stream.linear.scatter [tilespmem:s10], [sflag:$0xD], $0x800, $0x38;
	[tilespmem:$0x172A0] =	vst v63  }
0xab: {  	_ =	swait.ge [sflag:s18], $0x800  }
0xac: {  	[sflag:s18] =	ssyncset.done $0x0  }
0xad: {  	s31 =	rddreg [dreg:$0x18];
	[sflag:s18] =	ssyncadd.s32 $0xFFFFF800  }
0xae: {  	[spmem:s31] =	stream.linear.scatter [tilespmem:s10], [sflag:$0xD], $0x800, $0x38;
	[tilespmem:$0x172A0] =	vst v63  }
0xaf: {  	_ =	swait.ge [sflag:s18], $0x800  }
0xb0: {  	[sflag:s18] =	ssyncset.done $0x0  }
0xb1: {  	s11 =	rddreg [dreg:$0x19];
	[sflag:s18] =	ssyncadd.s32 $0xFFFFF800  }
0xb2: {  	[spmem:s11] =	stream.linear.scatter [tilespmem:s10], [sflag:$0xD], $0x800, $0x38;
	[tilespmem:$0x172A0] =	vst v63  }
0xb3: {  	_ =	swait.ge [sflag:s18], $0x800  }
0xb4: {  	[sflag:s18] =	ssyncset.done $0x0  }
0xb5: {  	s29 =	rddreg [dreg:$0x1a];
	[sflag:s18] =	ssyncadd.s32 $0xFFFFF800  }
0xb6: {  	[spmem:s29] =	stream.linear.scatter [tilespmem:s10], [sflag:$0xD], $0x800, $0x38;
	[tilespmem:$0x172A0] =	vst v63  }
0xb7: {  	_ =	swait.ge [sflag:s18], $0x800  }
0xb8: {  	[sflag:s18] =	ssyncset.done $0x0  }
0xb9: {  	s31 =	rddreg [dreg:$0x1b];
	[sflag:s18] =	ssyncadd.s32 $0xFFFFF800  }
0xba: {  	[spmem:s31] =	stream.linear.scatter [tilespmem:s10], [sflag:$0xD], $0x800, $0x38;
	[tilespmem:$0x172A0] =	vst v63  }
0xbb: {  	_ =	swait.ge [sflag:s18], $0x800  }
0xbc: {  	[sflag:s18] =	ssyncset.done $0x0  }
0xbd: {  	s11 =	rddreg [dreg:$0x1c];
	[sflag:s18] =	ssyncadd.s32 $0xFFFFF800  }
0xbe: {  	[spmem:s11] =	stream.linear.scatter [tilespmem:s10], [sflag:$0xD], $0x800, $0x38;
	[tilespmem:$0x172A0] =	vst v63  }
0xbf: {  	_ =	swait.ge [sflag:s18], $0x800  }
0xc0: {  	[sflag:s18] =	ssyncset.done $0x0  }
0xc1: {  	[sflag:s18] =	ssyncadd.s32 $0xFFFFF800  }
0xc2: {  	[bflag:$0x0] =	sbarrier.arrive $0xFFFF  }
0xc3: {  	s9 =	simm.s32 $0x0;
	s29 =	rddreg [dreg:$0x1d]  }
0xc4: {  	[tilespmem:s19], [sflag:$0xD] =	stream.linear.gather [hbm4b:s29+s9], $0xA8, $0x38;
	[tilespmem:$0x172A0] =	vst v63  }
0xc5: {  	_ =	swait.ge [sflag:s18], $0xA8  }
0xc6: {  	[sflag:s18] =	ssyncset.done $0x0  }
0xc7: {  	s31 =	simm.s32 $0xC038;
	s11 =	simm.s32 $0xC2A0;
	[sflag:s18] =	ssyncadd.s32 $0xFFFFFF58  }
0xc8: {  	[tilespmem:s11], [sflag:$0x1] =	stream.indirect.gather [hbm4b:s5+s20], $0x40, s31, s20, $0xb8;
	[tilespmem:$0x172A0] =	vst v63  }
0xc9: {  	s29 =	simm.s32 $0xC070;
	s31 =	simm.s32 $0x132A0  }
0xca: {  	[tilespmem:s31], [sflag:$0x5] =	stream.indirect.gather [hbm4b:s7+s20], $0x40, s29, s20, $0xb8;
	[tilespmem:$0x172A0] =	vst v63  }
0xcb: {  	s11 =	rddreg [dreg:$0x1e]  }
0xcc: {  	[tilespmem:s26], [sflag:$0xD] =	stream.linear.gather [hbm4b:s11+s9], $0xA8, $0x38;
	[tilespmem:$0x172A0] =	vst v63  }
0xcd: {  	_ =	swait.ge [sflag:s18], $0xA8  }
0xce: {  	[sflag:s18] =	ssyncset.done $0x0  }
0xcf: {  	s29 =	simm.s32 $0xC0E0;
	s31 =	simm.s32 $0xD0A0;
	[sflag:s18] =	ssyncadd.s32 $0xFFFFFF58  }
0xd0: {  	[tilespmem:s31], [sflag:$0x2] =	stream.indirect.gather [hbm4b:s5+s20], $0x40, s29, s20, $0xb8;
	[tilespmem:$0x172A0] =	vst v63  }
0xd1: {  	s29 =	simm.s32 $0xC118;
	s31 =	simm.s32 $0x140A0  }
0xd2: {  	[tilespmem:s31], [sflag:$0x6] =	stream.indirect.gather [hbm4b:s7+s20], $0x40, s29, s20, $0xb8;
	[tilespmem:$0x172A0] =	vst v63  }
.LBB2_4:
0xd3: {  	_ =	swait.ge [sflag:s0], $0xE00  }
0xd4: {  	[sflag:s0] =	ssyncset.done $0x0  }
0xd5: {  	s10 =	simm.s32 $0x0;
	[sflag:s0] =	ssyncadd.s32 $0xFFFFF200  }
0xd6: {  	v1 =	vld [tilespmem:s10+$0xC2A0]  }
0xd7: {  	v2 =	vld [tilespmem:s10+$0xC2B0];
	_ =	sdelay $0x3  }
0xd8: {  	v3 =	vld [tilespmem:s10+$0xC2C0];
	v4 =	vmul.f32 $1.442695020e+00, v1  }
0xd9: {  	v6 =	vld [tilespmem:s10+$0xC2D0];
	v5 =	vmul.f32 $1.442695020e+00, v2  }
0xda: {  	(erf) = vpow2.f32 v4  }
0xdb: {  	(erf) = vpow2.f32 v5;
	_ =	sdelay $0x1  }
0xdc: {  	v4 =	vmul.f32 $1.442695020e+00, v3  }
0xdd: {  	v5 =	vmul.f32 $1.442695020e+00, v6  }
0xde: {  	(erf) = vpow2.f32 v4  }
0xdf: {  	(erf) = vpow2.f32 v5;
	_ =	sdelay $0x2  }
0xe0: {  	v4 =	vpop (erf)  }
0xe1: {  	[tilespmem:s10+$0xFAA0] =	vst v4;
	v1 =	vmul.f32 v4, v1;
	v4 =	vpop (erf)  }
0xe2: {  	v5 =	vmul.f32 v4, v2;
	_ =	sdelay $0x1  }
0xe3: {  	[tilespmem:s10+$0xFAB0] =	vst v4  }
0xe4: {  	s11 =	simm.s32 $0x40;
	v4 =	vpop (erf);
	[tilespmem:s10+$0xC2A0] =	vst v1  }
0xe5: {  	v1 =	vmul.f32 v4, v3;
	v2 =	vld [tilespmem:s11+$0xC2A0];
	[tilespmem:s10+$0xC2B0] =	vst v5;
	v5 =	vpop (erf)  }
0xe6: {  	v6 =	vmul.f32 v5, v6  }
0xe7: {  	v3 =	vld [tilespmem:s11+$0xC2B0];
	[tilespmem:s10+$0xC2C0] =	vst v1  }
0xe8: {  	s29 =	simm.s32 $0x200;
	v1 =	vld [tilespmem:s11+$0xC2C0];
	[tilespmem:s10+$0xC2D0] =	vst v6  }
.LBB2_5:
0xe9: {  	p0 =	sne.s32 s29, $0x3700;
	v6 =	vld [tilespmem:s11+$0xC2D0];
	[tilespmem:s10+$0xFAC0] =	vst v4  }
0xea: {  	[tilespmem:s10+$0xFAD0] =	vst v5;
	s10 =	smov.u32 s11  }
0xeb: {  	v4 =	vmul.f32 $1.442695020e+00, v2  }
0xec: {  	v5 =	vmul.f32 $1.442695020e+00, v3  }
0xed: {  	v7 =	vmul.f32 $1.442695020e+00, v1;
	(erf) = vpow2.f32 v4  }
0xee: {  	v4 =	vmul.f32 $1.442695020e+00, v6;
	(erf) = vpow2.f32 v5  }
0xef: {  	(erf) = vpow2.f32 v7  }
0xf0: {  	(erf) = vpow2.f32 v4;
	_ =	sdelay $0x5  }
0xf1: {  	v4 =	vpop (erf)  }
0xf2: {  	[tilespmem:s10+$0xFAA0] =	vst v4;
	v2 =	vmul.f32 v4, v2;
	v4 =	vpop (erf)  }
.Ltmp3:
0xf3: {  	[tilespmem:s10+$0xFAB0] =	vst v4;
	v3 =	vmul.f32 v4, v3;
	v4 =	vpop (erf);
	(pc) =	sbr.rel @p0 .LBB2_5-.Ltmp3, $4  }
0xf4: {  	s11 =	sshra.s32 s29, $0x2;
	[tilespmem:s10+$0xC2A0] =	vst v2;
	v1 =	vmul.f32 v4, v1;
	v5 =	vpop (erf)  }
0xf5: {  	v2 =	vld [tilespmem:s11+$0xC2A0];
	[tilespmem:s10+$0xC2B0] =	vst v3;
	v6 =	vmul.f32 v5, v6  }
0xf6: {  	v3 =	vld [tilespmem:s11+$0xC2B0];
	[tilespmem:s10+$0xC2C0] =	vst v1  }
0xf7: {  	s29 =	sadd.s32 $0x100, s29;
	v1 =	vld [tilespmem:s11+$0xC2C0];
	[tilespmem:s10+$0xC2D0] =	vst v6  }
0xf8: {  	_ =	sdelay $0x1  }
0xf9: {  	v6 =	vld [tilespmem:s11+$0xC2D0];
	v7 =	vmul.f32 $1.442695020e+00, v2  }
0xfa: {  	v8 =	vmul.f32 $1.442695020e+00, v3  }
0xfb: {  	(erf) = vpow2.f32 v7  }
0xfc: {  	v7 =	vmul.f32 $1.442695020e+00, v1;
	(erf) = vpow2.f32 v8;
	_ =	sdelay $0x1  }
0xfd: {  	v63 =	vmul.f32 $1.442695020e+00, v6;
	(erf) = vpow2.f32 v7;
	_ =	sdelay $0x1  }
0xfe: {  	(erf) = vpow2.f32 v63;
	_ =	sdelay $0x2  }
0xff: {  	[tilespmem:s10+$0xFAC0] =	vst v4  }
0x100: {  	[tilespmem:s10+$0xFAD0] =	vst v5;
	v4 =	vpop (erf)  }
0x101: {  	[tilespmem:s11+$0xFAA0] =	vst v4;
	v2 =	vmul.f32 v4, v2;
	v4 =	vpop (erf)  }
0x102: {  	[tilespmem:s11+$0xFAB0] =	vst v4  }
0x103: {  	v3 =	vmul.f32 v4, v3;
	v4 =	vpop (erf);
	[tilespmem:s11+$0xC2A0] =	vst v2  }
0x104: {  	v1 =	vmul.f32 v4, v1;
	[tilespmem:s11+$0xFAC0] =	vst v4  }
0x105: {  	[tilespmem:s11+$0xC2B0] =	vst v3;
	v2 =	vpop (erf)  }
0x106: {  	[tilespmem:s11+$0xC2C0] =	vst v1;
	v3 =	vmul.f32 v2, v6  }
0x107: {  	[tilespmem:s11+$0xFAD0] =	vst v2  }
0x108: {  	[tilespmem:s11+$0xC2D0] =	vst v3  }
0x109: {  	_ =	swait.ge [sflag:s8], $0xE00  }
0x10a: {  	[sflag:s8] =	ssyncset.done $0x0  }
0x10b: {  	s11 =	simm.s32 $0xFAA0;
	[sflag:s8] =	ssyncadd.s32 $0xFFFFF200  }
0x10c: {  	[spmem:s1] =	stream.indirect.scatter.add.f32 [tilespmem:s11], [sflag:$0x9], $0x40, s19, s20, $0xb8;
	[tilespmem:$0x172A0] =	vst v63  }
0x10d: {  	s11 =	simm.s32 $0xC2A0  }
0x10e: {  	[spmem:s2] =	stream.indirect.scatter.add.f32 [tilespmem:s11], [sflag:$0x9], $0x40, s19, s20, $0xb8;
	[tilespmem:$0x172A0] =	vst v63  }
0x10f: {  	p0 =	seq.s32 s9, $0x0;
	s11 =	simm.s32 $0x132A0  }
0x110: {  	[spmem:s3] =	stream.indirect.scatter.add.f32 [tilespmem:s11], [sflag:$0x9], $0x40, s19, s20, $0xb8;
	[tilespmem:$0x172A0] =	vst v63  }
0x111: {  	s11 =	simm.s32 @!p0 $0xB  }
0x112: {  	_ =	swait.ge @!p0 [sflag:s11], $0xE00  }
0x113: {  	[sflag:s11] =	ssyncset.done @!p0 $0x0  }
0x114: {  	[sflag:s11] =	ssyncadd.s32 @!p0 $0xFFFFF200  }
0x115: {  	_ =	swait.ge @!p0 [sflag:s11], $0xE00  }
0x116: {  	[sflag:s11] =	ssyncset.done @!p0 $0x0  }
0x117: {  	[sflag:s11] =	ssyncadd.s32 @!p0 $0xFFFFF200  }
0x118: {  	s10 =	smul.u32 $0x2A0, s9;
	_ =	swait.ge @!p0 [sflag:s11], $0xE00  }
0x119: {  	s29 =	rddreg [dreg:$0x1f]  }
0x11a: {  	s29 =	sadd.s32 s10, s29  }
0x11b: {  	[sflag:s11] =	ssyncset.done @!p0 $0x0;
	s29 =	sshrl.u32 s29, $0x3  }
0x11c: {  	[sflag:s11] =	ssyncadd.s32 @!p0 $0xFFFFF200;
	s11 =	sadd.s32 s6, s29;
	s29 =	simm.s32 $0x0  }
0x11d: {  	[tilespmem:s14], [sflag:$0xD] =	stream.linear.gather [hbm4b:s11+s29], $0xA8, $0x38;
	[tilespmem:$0x172A0] =	vst v63  }
0x11e: {  	_ =	swait.ge [sflag:s18], $0xA8  }
0x11f: {  	[sflag:s18] =	ssyncset.done $0x0  }
0x120: {  	s11 =	simm.s32 $0xC188;
	[sflag:s18] =	ssyncadd.s32 $0xFFFFFF58  }
0x121: {  	[tilespmem:s16], [sflag:$0x3] =	stream.indirect.gather [hbm4b:s5+s20], $0x40, s11, s20, $0xb8;
	[tilespmem:$0x172A0] =	vst v63  }
0x122: {  	s11 =	simm.s32 $0xC1C0  }
0x123: {  	[tilespmem:s23], [sflag:$0x7] =	stream.indirect.gather [hbm4b:s7+s20], $0x40, s11, s20, $0xb8;
	[tilespmem:$0x172A0] =	vst v63  }
0x124: {  	_ =	swait.ge [sflag:s24], $0xE00  }
0x125: {  	[sflag:s24] =	ssyncset.done $0x0  }
0x126: {  	s11 =	simm.s32 $0x0;
	[sflag:s24] =	ssyncadd.s32 $0xFFFFF200  }
0x127: {  	v1 =	vld [tilespmem:s11+$0xD0A0]  }
0x128: {  	v2 =	vld [tilespmem:s11+$0xD0B0];
	_ =	sdelay $0x3  }
0x129: {  	v3 =	vld [tilespmem:s11+$0xD0C0];
	v4 =	vmul.f32 $1.442695020e+00, v1  }
0x12a: {  	v6 =	vld [tilespmem:s11+$0xD0D0];
	v5 =	vmul.f32 $1.442695020e+00, v2  }
0x12b: {  	(erf) = vpow2.f32 v4  }
0x12c: {  	(erf) = vpow2.f32 v5;
	_ =	sdelay $0x1  }
0x12d: {  	v4 =	vmul.f32 $1.442695020e+00, v3  }
0x12e: {  	v5 =	vmul.f32 $1.442695020e+00, v6  }
0x12f: {  	(erf) = vpow2.f32 v4  }
0x130: {  	(erf) = vpow2.f32 v5;
	_ =	sdelay $0x2  }
0x131: {  	v4 =	vpop (erf)  }
0x132: {  	[tilespmem:s11+$0x108A0] =	vst v4;
	v1 =	vmul.f32 v4, v1;
	v4 =	vpop (erf)  }
0x133: {  	v5 =	vmul.f32 v4, v2;
	_ =	sdelay $0x1  }
0x134: {  	[tilespmem:s11+$0x108B0] =	vst v4  }
0x135: {  	s29 =	simm.s32 $0x40;
	v4 =	vpop (erf);
	[tilespmem:s11+$0xD0A0] =	vst v1  }
0x136: {  	v1 =	vmul.f32 v4, v3;
	v2 =	vld [tilespmem:s29+$0xD0A0];
	[tilespmem:s11+$0xD0B0] =	vst v5;
	v5 =	vpop (erf)  }
0x137: {  	v6 =	vmul.f32 v5, v6  }
0x138: {  	v3 =	vld [tilespmem:s29+$0xD0B0];
	[tilespmem:s11+$0xD0C0] =	vst v1  }
0x139: {  	s31 =	simm.s32 $0x200;
	v1 =	vld [tilespmem:s29+$0xD0C0];
	[tilespmem:s11+$0xD0D0] =	vst v6  }
.LBB2_7:
0x13a: {  	p1 =	sne.s32 s31, $0x3700;
	v6 =	vld [tilespmem:s29+$0xD0D0];
	[tilespmem:s11+$0x108C0] =	vst v4  }
0x13b: {  	[tilespmem:s11+$0x108D0] =	vst v5;
	s11 =	smov.u32 s29  }
0x13c: {  	v4 =	vmul.f32 $1.442695020e+00, v2  }
0x13d: {  	v5 =	vmul.f32 $1.442695020e+00, v3  }
0x13e: {  	v7 =	vmul.f32 $1.442695020e+00, v1;
	(erf) = vpow2.f32 v4  }
0x13f: {  	v4 =	vmul.f32 $1.442695020e+00, v6;
	(erf) = vpow2.f32 v5  }
0x140: {  	(erf) = vpow2.f32 v7  }
0x141: {  	(erf) = vpow2.f32 v4;
	_ =	sdelay $0x5  }
0x142: {  	v4 =	vpop (erf)  }
0x143: {  	[tilespmem:s11+$0x108A0] =	vst v4;
	v2 =	vmul.f32 v4, v2;
	v4 =	vpop (erf)  }
.Ltmp4:
0x144: {  	[tilespmem:s11+$0x108B0] =	vst v4;
	v3 =	vmul.f32 v4, v3;
	v4 =	vpop (erf);
	(pc) =	sbr.rel @p1 .LBB2_7-.Ltmp4, $4  }
0x145: {  	s29 =	sshra.s32 s31, $0x2;
	[tilespmem:s11+$0xD0A0] =	vst v2;
	v1 =	vmul.f32 v4, v1;
	v5 =	vpop (erf)  }
0x146: {  	v2 =	vld [tilespmem:s29+$0xD0A0];
	[tilespmem:s11+$0xD0B0] =	vst v3;
	v6 =	vmul.f32 v5, v6  }
0x147: {  	v3 =	vld [tilespmem:s29+$0xD0B0];
	[tilespmem:s11+$0xD0C0] =	vst v1  }
0x148: {  	s31 =	sadd.s32 $0x100, s31;
	v1 =	vld [tilespmem:s29+$0xD0C0];
	[tilespmem:s11+$0xD0D0] =	vst v6  }
0x149: {  	_ =	sdelay $0x1  }
0x14a: {  	v6 =	vld [tilespmem:s29+$0xD0D0];
	v7 =	vmul.f32 $1.442695020e+00, v2  }
0x14b: {  	v8 =	vmul.f32 $1.442695020e+00, v3  }
0x14c: {  	(erf) = vpow2.f32 v7  }
0x14d: {  	v7 =	vmul.f32 $1.442695020e+00, v1;
	(erf) = vpow2.f32 v8;
	_ =	sdelay $0x1  }
0x14e: {  	v63 =	vmul.f32 $1.442695020e+00, v6;
	(erf) = vpow2.f32 v7;
	_ =	sdelay $0x1  }
0x14f: {  	(erf) = vpow2.f32 v63;
	_ =	sdelay $0x2  }
0x150: {  	[tilespmem:s11+$0x108C0] =	vst v4  }
0x151: {  	[tilespmem:s11+$0x108D0] =	vst v5;
	v4 =	vpop (erf)  }
0x152: {  	[tilespmem:s29+$0x108A0] =	vst v4;
	v2 =	vmul.f32 v4, v2;
	v4 =	vpop (erf)  }
0x153: {  	[tilespmem:s29+$0x108B0] =	vst v4  }
0x154: {  	v3 =	vmul.f32 v4, v3;
	v4 =	vpop (erf);
	[tilespmem:s29+$0xD0A0] =	vst v2  }
0x155: {  	v1 =	vmul.f32 v4, v1;
	[tilespmem:s29+$0x108C0] =	vst v4  }
0x156: {  	[tilespmem:s29+$0xD0B0] =	vst v3;
	v2 =	vpop (erf)  }
0x157: {  	[tilespmem:s29+$0xD0C0] =	vst v1;
	v3 =	vmul.f32 v2, v6  }
0x158: {  	[tilespmem:s29+$0x108D0] =	vst v2  }
0x159: {  	[tilespmem:s29+$0xD0D0] =	vst v3  }
0x15a: {  	_ =	swait.ge [sflag:s17], $0xE00  }
0x15b: {  	[sflag:s17] =	ssyncset.done $0x0  }
0x15c: {  	s11 =	simm.s32 $0x108A0;
	[sflag:s17] =	ssyncadd.s32 $0xFFFFF200  }
0x15d: {  	[spmem:s1] =	stream.indirect.scatter.add.f32 [tilespmem:s11], [sflag:$0xA], $0x40, s26, s20, $0xb8;
	[tilespmem:$0x172A0] =	vst v63  }
0x15e: {  	s11 =	simm.s32 $0xD0A0  }
0x15f: {  	[spmem:s2] =	stream.indirect.scatter.add.f32 [tilespmem:s11], [sflag:$0xA], $0x40, s26, s20, $0xb8;
	[tilespmem:$0x172A0] =	vst v63  }
0x160: {  	s11 =	simm.s32 $0x140A0  }
0x161: {  	[spmem:s3] =	stream.indirect.scatter.add.f32 [tilespmem:s11], [sflag:$0xA], $0x40, s26, s20, $0xb8;
	[tilespmem:$0x172A0] =	vst v63  }
0x162: {  	s11 =	simm.s32 @!p0 $0xC  }
0x163: {  	_ =	swait.ge @!p0 [sflag:s11], $0xE00  }
0x164: {  	[sflag:s11] =	ssyncset.done @!p0 $0x0  }
0x165: {  	[sflag:s11] =	ssyncadd.s32 @!p0 $0xFFFFF200  }
0x166: {  	_ =	swait.ge @!p0 [sflag:s11], $0xE00  }
0x167: {  	[sflag:s11] =	ssyncset.done @!p0 $0x0  }
0x168: {  	[sflag:s11] =	ssyncadd.s32 @!p0 $0xFFFFF200  }
0x169: {  	_ =	swait.ge @!p0 [sflag:s11], $0xE00  }
0x16a: {  	s29 =	sld [smem:$0x7F7];
	_ =	sdelay $0x2  }
0x16b: {  	s29 =	sadd.s32 s10, s29  }
0x16c: {  	[sflag:s11] =	ssyncset.done @!p0 $0x0;
	s29 =	sshrl.u32 s29, $0x3  }
0x16d: {  	[sflag:s11] =	ssyncadd.s32 @!p0 $0xFFFFF200;
	s11 =	sadd.s32 s6, s29;
	s29 =	simm.s32 $0x0  }
0x16e: {  	[tilespmem:s28], [sflag:$0xD] =	stream.linear.gather [hbm4b:s11+s29], $0xA8, $0x38;
	[tilespmem:$0x172A0] =	vst v63  }
0x16f: {  	_ =	swait.ge [sflag:s18], $0xA8  }
0x170: {  	[sflag:s18] =	ssyncset.done $0x0  }
0x171: {  	s11 =	simm.s32 $0xC230;
	[sflag:s18] =	ssyncadd.s32 $0xFFFFFF58  }
0x172: {  	[tilespmem:s13], [sflag:$0x4] =	stream.indirect.gather [hbm4b:s5+s20], $0x40, s11, s20, $0xb8;
	[tilespmem:$0x172A0] =	vst v63  }
0x173: {  	s11 =	simm.s32 $0xC268  }
0x174: {  	[tilespmem:s22], [sflag:$0x8] =	stream.indirect.gather [hbm4b:s7+s20], $0x40, s11, s20, $0xb8;
	[tilespmem:$0x172A0] =	vst v63  }
0x175: {  	_ =	swait.ge [sflag:s4], $0xE00  }
0x176: {  	[sflag:s4] =	ssyncset.done $0x0  }
0x177: {  	s11 =	simm.s32 $0x0;
	[sflag:s4] =	ssyncadd.s32 $0xFFFFF200  }
0x178: {  	v1 =	vld [tilespmem:s11+$0xDEA0]  }
0x179: {  	v2 =	vld [tilespmem:s11+$0xDEB0];
	_ =	sdelay $0x3  }
0x17a: {  	v3 =	vld [tilespmem:s11+$0xDEC0];
	v4 =	vmul.f32 $1.442695020e+00, v1  }
0x17b: {  	v6 =	vld [tilespmem:s11+$0xDED0];
	v5 =	vmul.f32 $1.442695020e+00, v2  }
0x17c: {  	(erf) = vpow2.f32 v4  }
0x17d: {  	(erf) = vpow2.f32 v5;
	_ =	sdelay $0x1  }
0x17e: {  	v4 =	vmul.f32 $1.442695020e+00, v3  }
0x17f: {  	v5 =	vmul.f32 $1.442695020e+00, v6  }
0x180: {  	(erf) = vpow2.f32 v4  }
0x181: {  	(erf) = vpow2.f32 v5;
	_ =	sdelay $0x2  }
0x182: {  	v4 =	vpop (erf)  }
0x183: {  	[tilespmem:s11+$0x116A0] =	vst v4;
	v1 =	vmul.f32 v4, v1;
	v4 =	vpop (erf)  }
0x184: {  	v5 =	vmul.f32 v4, v2;
	_ =	sdelay $0x1  }
0x185: {  	[tilespmem:s11+$0x116B0] =	vst v4  }
0x186: {  	s29 =	simm.s32 $0x40;
	v4 =	vpop (erf);
	[tilespmem:s11+$0xDEA0] =	vst v1  }
0x187: {  	v1 =	vmul.f32 v4, v3;
	v2 =	vld [tilespmem:s29+$0xDEA0];
	[tilespmem:s11+$0xDEB0] =	vst v5;
	v5 =	vpop (erf)  }
0x188: {  	v6 =	vmul.f32 v5, v6  }
0x189: {  	v3 =	vld [tilespmem:s29+$0xDEB0];
	[tilespmem:s11+$0xDEC0] =	vst v1  }
0x18a: {  	s31 =	simm.s32 $0x200;
	v1 =	vld [tilespmem:s29+$0xDEC0];
	[tilespmem:s11+$0xDED0] =	vst v6  }
.LBB2_9:
0x18b: {  	p0 =	sne.s32 s31, $0x3700;
	v6 =	vld [tilespmem:s29+$0xDED0];
	[tilespmem:s11+$0x116C0] =	vst v4  }
0x18c: {  	[tilespmem:s11+$0x116D0] =	vst v5;
	s11 =	smov.u32 s29  }
0x18d: {  	v4 =	vmul.f32 $1.442695020e+00, v2  }
0x18e: {  	v5 =	vmul.f32 $1.442695020e+00, v3  }
0x18f: {  	v7 =	vmul.f32 $1.442695020e+00, v1;
	(erf) = vpow2.f32 v4  }
0x190: {  	v4 =	vmul.f32 $1.442695020e+00, v6;
	(erf) = vpow2.f32 v5  }
0x191: {  	(erf) = vpow2.f32 v7  }
0x192: {  	(erf) = vpow2.f32 v4;
	_ =	sdelay $0x5  }
0x193: {  	v4 =	vpop (erf)  }
0x194: {  	[tilespmem:s11+$0x116A0] =	vst v4;
	v2 =	vmul.f32 v4, v2;
	v4 =	vpop (erf)  }
.Ltmp5:
0x195: {  	[tilespmem:s11+$0x116B0] =	vst v4;
	v3 =	vmul.f32 v4, v3;
	v4 =	vpop (erf);
	(pc) =	sbr.rel @p0 .LBB2_9-.Ltmp5, $4  }
0x196: {  	s29 =	sshra.s32 s31, $0x2;
	[tilespmem:s11+$0xDEA0] =	vst v2;
	v1 =	vmul.f32 v4, v1;
	v5 =	vpop (erf)  }
0x197: {  	v2 =	vld [tilespmem:s29+$0xDEA0];
	[tilespmem:s11+$0xDEB0] =	vst v3;
	v6 =	vmul.f32 v5, v6  }
0x198: {  	v3 =	vld [tilespmem:s29+$0xDEB0];
	[tilespmem:s11+$0xDEC0] =	vst v1  }
0x199: {  	s31 =	sadd.s32 $0x100, s31;
	v1 =	vld [tilespmem:s29+$0xDEC0];
	[tilespmem:s11+$0xDED0] =	vst v6  }
0x19a: {  	_ =	sdelay $0x1  }
0x19b: {  	v6 =	vld [tilespmem:s29+$0xDED0];
	v7 =	vmul.f32 $1.442695020e+00, v2  }
0x19c: {  	v8 =	vmul.f32 $1.442695020e+00, v3  }
0x19d: {  	(erf) = vpow2.f32 v7  }
0x19e: {  	v7 =	vmul.f32 $1.442695020e+00, v1;
	(erf) = vpow2.f32 v8;
	_ =	sdelay $0x1  }
0x19f: {  	v63 =	vmul.f32 $1.442695020e+00, v6;
	(erf) = vpow2.f32 v7;
	_ =	sdelay $0x1  }
0x1a0: {  	(erf) = vpow2.f32 v63;
	_ =	sdelay $0x2  }
0x1a1: {  	[tilespmem:s11+$0x116C0] =	vst v4  }
0x1a2: {  	[tilespmem:s11+$0x116D0] =	vst v5;
	v4 =	vpop (erf)  }
0x1a3: {  	[tilespmem:s29+$0x116A0] =	vst v4;
	v2 =	vmul.f32 v4, v2;
	v4 =	vpop (erf)  }
0x1a4: {  	[tilespmem:s29+$0x116B0] =	vst v4  }
0x1a5: {  	v3 =	vmul.f32 v4, v3;
	v4 =	vpop (erf);
	[tilespmem:s29+$0xDEA0] =	vst v2  }
0x1a6: {  	v1 =	vmul.f32 v4, v1;
	[tilespmem:s29+$0x116C0] =	vst v4  }
0x1a7: {  	[tilespmem:s29+$0xDEB0] =	vst v3;
	v2 =	vpop (erf)  }
0x1a8: {  	[tilespmem:s29+$0xDEC0] =	vst v1;
	v3 =	vmul.f32 v2, v6  }
0x1a9: {  	[tilespmem:s29+$0x116D0] =	vst v2  }
0x1aa: {  	[tilespmem:s29+$0xDED0] =	vst v3  }
0x1ab: {  	_ =	swait.ge [sflag:s30], $0xE00  }
0x1ac: {  	[sflag:s30] =	ssyncset.done $0x0  }
0x1ad: {  	s11 =	simm.s32 $0x116A0;
	[sflag:s30] =	ssyncadd.s32 $0xFFFFF200  }
0x1ae: {  	[spmem:s1] =	stream.indirect.scatter.add.f32 [tilespmem:s11], [sflag:$0xB], $0x40, s14, s20, $0xb8;
	[tilespmem:$0x172A0] =	vst v63  }
0x1af: {  	_ = 	snop  }
0x1b0: {  	[spmem:s2] =	stream.indirect.scatter.add.f32 [tilespmem:s16], [sflag:$0xB], $0x40, s14, s20, $0xb8;
	[tilespmem:$0x172A0] =	vst v63  }
0x1b1: {  	_ = 	snop  }
0x1b2: {  	[spmem:s3] =	stream.indirect.scatter.add.f32 [tilespmem:s23], [sflag:$0xB], $0x40, s14, s20, $0xb8;
	[tilespmem:$0x172A0] =	vst v63  }
0x1b3: {  	_ =	swait.ge [sflag:s21], $0xE00  }
0x1b4: {  	[sflag:s21] =	ssyncset.done $0x0  }
0x1b5: {  	[sflag:s21] =	ssyncadd.s32 $0xFFFFF200  }
0x1b6: {  	_ =	swait.ge [sflag:s21], $0xE00  }
0x1b7: {  	[sflag:s21] =	ssyncset.done $0x0  }
0x1b8: {  	[sflag:s21] =	ssyncadd.s32 $0xFFFFF200  }
0x1b9: {  	_ =	swait.ge [sflag:s21], $0xE00  }
0x1ba: {  	s11 =	sld [smem:$0x7F8];
	_ =	sdelay $0x1  }
0x1bb: {  	p0 =	seq.s32 s9, $0x46  }
0x1bc: {  	s11 =	sadd.s32 @!p0 s10, s11  }
0x1bd: {  	s31 =	simm.s32 @!p0 $0xC000;
	[sflag:s21] =	ssyncset.done $0x0;
	s11 =	sshrl.u32 @!p0 s11, $0x3  }
0x1be: {  	s29 =	simm.s32 @!p0 $0x0;
	[sflag:s21] =	ssyncadd.s32 $0xFFFFF200;
	s11 =	sadd.s32 @!p0 s6, s11  }
0x1bf: {  	[tilespmem:s31], [sflag:$0xD] =	stream.linear.gather @!p0 [hbm4b:s11+s29], $0xA8, $0x38;
	[tilespmem:$0x172A0] =	vst v63  }
0x1c0: {  	s11 =	simm.s32 @!p0 $0xD  }
0x1c1: {  	_ =	swait.ge @!p0 [sflag:s11], $0xA8  }
0x1c2: {  	s29 =	simm.s32 @!p0 $0xC038;
	[sflag:s11] =	ssyncset.done @!p0 $0x0  }
0x1c3: {  	s31 =	simm.s32 @!p0 $0xC2A0;
	[sflag:s11] =	ssyncadd.s32 @!p0 $0xFFFFFF58;
	s11 =	simm.s32 @!p0 $0x38  }
0x1c4: {  	[tilespmem:s31], [sflag:$0x1] =	stream.indirect.gather @!p0 [hbm4b:s5+s11], $0x40, s29, s11, $0xb8;
	[tilespmem:$0x172A0] =	vst v63  }
0x1c5: {  	s29 =	simm.s32 @!p0 $0xC070;
	s31 =	simm.s32 @!p0 $0x132A0  }
0x1c6: {  	[tilespmem:s31], [sflag:$0x5] =	stream.indirect.gather @!p0 [hbm4b:s7+s11], $0x40, s29, s11, $0xb8;
	[tilespmem:$0x172A0] =	vst v63  }
0x1c7: {  	_ =	swait.ge [sflag:s15], $0xE00  }
0x1c8: {  	[sflag:s15] =	ssyncset.done $0x0  }
0x1c9: {  	s11 =	simm.s32 $0x0;
	[sflag:s15] =	ssyncadd.s32 $0xFFFFF200  }
0x1ca: {  	v1 =	vld [tilespmem:s11+$0xECA0]  }
0x1cb: {  	v2 =	vld [tilespmem:s11+$0xECB0];
	_ =	sdelay $0x3  }
0x1cc: {  	v3 =	vld [tilespmem:s11+$0xECC0];
	v4 =	vmul.f32 $1.442695020e+00, v1  }
0x1cd: {  	v6 =	vld [tilespmem:s11+$0xECD0];
	v5 =	vmul.f32 $1.442695020e+00, v2  }
0x1ce: {  	(erf) = vpow2.f32 v4  }
0x1cf: {  	(erf) = vpow2.f32 v5;
	_ =	sdelay $0x1  }
0x1d0: {  	v4 =	vmul.f32 $1.442695020e+00, v3  }
0x1d1: {  	v5 =	vmul.f32 $1.442695020e+00, v6  }
0x1d2: {  	(erf) = vpow2.f32 v4  }
0x1d3: {  	(erf) = vpow2.f32 v5;
	_ =	sdelay $0x2  }
0x1d4: {  	v4 =	vpop (erf)  }
0x1d5: {  	[tilespmem:s11+$0x124A0] =	vst v4;
	v1 =	vmul.f32 v4, v1;
	v4 =	vpop (erf)  }
0x1d6: {  	v5 =	vmul.f32 v4, v2;
	_ =	sdelay $0x1  }
0x1d7: {  	[tilespmem:s11+$0x124B0] =	vst v4  }
0x1d8: {  	s29 =	simm.s32 $0x40;
	v4 =	vpop (erf);
	[tilespmem:s11+$0xECA0] =	vst v1  }
0x1d9: {  	v1 =	vmul.f32 v4, v3;
	v2 =	vld [tilespmem:s29+$0xECA0];
	[tilespmem:s11+$0xECB0] =	vst v5;
	v5 =	vpop (erf)  }
0x1da: {  	v6 =	vmul.f32 v5, v6  }
0x1db: {  	v3 =	vld [tilespmem:s29+$0xECB0];
	[tilespmem:s11+$0xECC0] =	vst v1  }
0x1dc: {  	s31 =	simm.s32 $0x200;
	v1 =	vld [tilespmem:s29+$0xECC0];
	[tilespmem:s11+$0xECD0] =	vst v6  }
.LBB2_11:
0x1dd: {  	p1 =	sne.s32 s31, $0x3700;
	v6 =	vld [tilespmem:s29+$0xECD0];
	[tilespmem:s11+$0x124C0] =	vst v4  }
0x1de: {  	[tilespmem:s11+$0x124D0] =	vst v5;
	s11 =	smov.u32 s29  }
0x1df: {  	v4 =	vmul.f32 $1.442695020e+00, v2  }
0x1e0: {  	v5 =	vmul.f32 $1.442695020e+00, v3  }
0x1e1: {  	v7 =	vmul.f32 $1.442695020e+00, v1;
	(erf) = vpow2.f32 v4  }
0x1e2: {  	v4 =	vmul.f32 $1.442695020e+00, v6;
	(erf) = vpow2.f32 v5  }
0x1e3: {  	(erf) = vpow2.f32 v7  }
0x1e4: {  	(erf) = vpow2.f32 v4;
	_ =	sdelay $0x5  }
0x1e5: {  	v4 =	vpop (erf)  }
0x1e6: {  	[tilespmem:s11+$0x124A0] =	vst v4;
	v2 =	vmul.f32 v4, v2;
	v4 =	vpop (erf)  }
.Ltmp6:
0x1e7: {  	[tilespmem:s11+$0x124B0] =	vst v4;
	v3 =	vmul.f32 v4, v3;
	v4 =	vpop (erf);
	(pc) =	sbr.rel @p1 .LBB2_11-.Ltmp6, $4  }
0x1e8: {  	s29 =	sshra.s32 s31, $0x2;
	[tilespmem:s11+$0xECA0] =	vst v2;
	v1 =	vmul.f32 v4, v1;
	v5 =	vpop (erf)  }
0x1e9: {  	v2 =	vld [tilespmem:s29+$0xECA0];
	[tilespmem:s11+$0xECB0] =	vst v3;
	v6 =	vmul.f32 v5, v6  }
0x1ea: {  	v3 =	vld [tilespmem:s29+$0xECB0];
	[tilespmem:s11+$0xECC0] =	vst v1  }
0x1eb: {  	s31 =	sadd.s32 $0x100, s31;
	v1 =	vld [tilespmem:s29+$0xECC0];
	[tilespmem:s11+$0xECD0] =	vst v6  }
0x1ec: {  	_ =	sdelay $0x1  }
0x1ed: {  	v6 =	vld [tilespmem:s29+$0xECD0];
	v7 =	vmul.f32 $1.442695020e+00, v2  }
0x1ee: {  	v8 =	vmul.f32 $1.442695020e+00, v3  }
0x1ef: {  	(erf) = vpow2.f32 v7  }
0x1f0: {  	v59 =	vmul.f32 $1.442695020e+00, v1;
	(erf) = vpow2.f32 v8;
	_ =	sdelay $0x1  }
0x1f1: {  	v60 =	vmul.f32 $1.442695020e+00, v6;
	(erf) = vpow2.f32 v59;
	_ =	sdelay $0x1  }
0x1f2: {  	(erf) = vpow2.f32 v60;
	_ =	sdelay $0x2  }
0x1f3: {  	[tilespmem:s11+$0x124C0] =	vst v4  }
0x1f4: {  	[tilespmem:s11+$0x124D0] =	vst v5;
	v61 =	vpop (erf)  }
0x1f5: {  	[tilespmem:s29+$0x124A0] =	vst v61;
	v2 =	vmul.f32 v61, v2;
	v62 =	vpop (erf)  }
0x1f6: {  	[tilespmem:s29+$0x124B0] =	vst v62  }
0x1f7: {  	v3 =	vmul.f32 v62, v3;
	v63 =	vpop (erf);
	[tilespmem:s29+$0xECA0] =	vst v2  }
0x1f8: {  	v1 =	vmul.f32 v63, v1;
	[tilespmem:s29+$0x124C0] =	vst v63  }
0x1f9: {  	[tilespmem:s29+$0xECB0] =	vst v3;
	v2 =	vpop (erf)  }
0x1fa: {  	[tilespmem:s29+$0xECC0] =	vst v1;
	v3 =	vmul.f32 v2, v6  }
0x1fb: {  	[tilespmem:s29+$0x124D0] =	vst v2  }
0x1fc: {  	[tilespmem:s29+$0xECD0] =	vst v3  }
0x1fd: {  	_ =	swait.ge [sflag:s25], $0xE00  }
0x1fe: {  	[sflag:s25] =	ssyncset.done $0x0  }
0x1ff: {  	s31 =	simm.s32 $0x124A0;
	[sflag:s25] =	ssyncadd.s32 $0xFFFFF200  }
0x200: {  	[spmem:s1] =	stream.indirect.scatter.add.f32 [tilespmem:s31], [sflag:$0xC], $0x40, s28, s20, $0xb8;
	[tilespmem:$0x172A0] =	vst v63  }
0x201: {  	_ = 	snop  }
0x202: {  	[spmem:s2] =	stream.indirect.scatter.add.f32 [tilespmem:s13], [sflag:$0xC], $0x40, s28, s20, $0xb8;
	[tilespmem:$0x172A0] =	vst v63  }
0x203: {  	_ = 	snop  }
0x204: {  	[spmem:s3] =	stream.indirect.scatter.add.f32 [tilespmem:s22], [sflag:$0xC], $0x40, s28, s20, $0xb8;
	[tilespmem:$0x172A0] =	vst v63  }
0x205: {  	_ =	swait.ge [sflag:s12], $0xE00  }
0x206: {  	[sflag:s12] =	ssyncset.done $0x0  }
0x207: {  	[sflag:s12] =	ssyncadd.s32 $0xFFFFF200  }
0x208: {  	_ =	swait.ge [sflag:s12], $0xE00  }
.Ltmp7:
0x209: {  	[sflag:s12] =	ssyncset.done $0x0;
	(pc) =	sbr.rel @p0 .LBB2_14-.Ltmp7, $4  }
0x20a: {  	[sflag:s12] =	ssyncadd.s32 $0xFFFFF200  }
0x20b: {  	_ =	swait.ge [sflag:s12], $0xE00  }
0x20c: {  	[sflag:s12] =	ssyncset.done $0x0  }
0x20d: {  	[sflag:s12] =	ssyncadd.s32 $0xFFFFF200  }
0x20e: {  	s11 =	sld [smem:$0x7F9];
	_ =	sdelay $0x2  }
0x20f: {  	s10 =	sadd.s32 s10, s11  }
0x210: {  	s10 =	sshrl.u32 s10, $0x3  }
0x211: {  	s31 =	simm.s32 $0x0;
	s10 =	sadd.s32 s6, s10  }
0x212: {  	[tilespmem:s26], [sflag:$0xD] =	stream.linear.gather [hbm4b:s10+s31], $0xA8, $0x38;
	[tilespmem:$0x172A0] =	vst v63  }
0x213: {  	_ =	swait.ge [sflag:s18], $0xA8  }
.Ltmp8:
0x214: {  	[sflag:s18] =	ssyncset.done $0x0;
	(pc) =	sbr.rel .LBB2_4-.Ltmp8, $4  }
0x215: {  	s29 =	simm.s32 $0xC0E0;
	s31 =	simm.s32 $0xD0A0;
	[sflag:s18] =	ssyncadd.s32 $0xFFFFFF58  }
0x216: {  	[tilespmem:s31], [sflag:$0x2] =	stream.indirect.gather [hbm4b:s5+s20], $0x40, s29, s20, $0xb8;
	[tilespmem:$0x172A0] =	vst v63  }
0x217: {  	s9 =	sadd.s32 $0x1, s9;
	s29 =	simm.s32 $0xC118;
	s31 =	simm.s32 $0x140A0  }
0x218: {  	[tilespmem:s31], [sflag:$0x6] =	stream.indirect.gather [hbm4b:s7+s20], $0x40, s29, s20, $0xb8;
	[tilespmem:$0x172A0] =	vst v63  }
.LBB2_15:
0x219: {  	_ =	sfence.sel $0x180000  }
0x21a: {  	[bflag:$0x0] =	sbarrier.arrive $0xFFFF  }
0x21b: {  	_ =	strace $0x9000004D  }
0x21c: {  	s0 =	stileid.u32;
	[bflag:$0x2] =	sbarrier.arrive $0xFFFF  }
0x21d: {  	p0 =	sne.s32 s0, $0x0;
	s0 =	rddreg [dreg:$0x4]  }
0x21e: {  	s0 =	sadd.s32 @!p0 $0x100000, s0  }
0x21f: {  	[sflag:s0] =	ssyncadd.tile.s32 @!p0 $0x1;
	_ =	shalt  }
.Lfunc_end2:
_tile_overlayer_lowered:
.L_overlay_start_2:
0x220: {  	(tag) =	ssettag $0x2  }
0x221: {  	s0 =	rddreg [dreg:$0x0];
	s2 =	stileid.u32  }
0x222: {  	s1 =	rddreg [dreg:$0x1];
	p0 =	sne.s32 s2, $0x0  }
0x223: {  	s3 =	rddreg [dreg:$0x2];
	[bflag:$0x3] =	sbarrier.arrive $0xFFFF;
	s2 =	simm.s32 @!p0 $0x1C0D  }
0x224: {  	[timem:s3], [sflag:s2] =	dma.local @!p0 [hbm:s0], s1  }
0x225: {  	s0 =	simm.s32 @!p0 $0xD  }
0x226: {  	_ =	swait.ge @!p0 [sflag:s0], s1  }
0x227: {  	s1 =	ssub.s32 @!p0 $0x0, s1;
	[sflag:s0] =	ssyncset.done @!p0 $0x0  }
0x228: {  	[sflag:s0] =	ssyncadd.s32 @!p0 s1  }
0x229: {  	[bflag:$0x3] =	sbarrier.arrive $0xFFFF  }
0x22a: {  	_ =	shalt  }

// kernel: kernel.18.cloned.1.call-start
scs
__scs_entry_jumppad:
0x0: {  	(pc) =	sbr.rel $0x88, $3  }
0x1: {  	(tag) =	ssettag $0x0;
	lr =	simm.s32 $0x1  }
0x2: {  	[smem:$0x3F83] =	sst lr;
	_ =	strace $0xD0000000  }
0x3: {  	_ = 	snop  }
0x4: {  	_ = 	snop  }
0x5: {  	_ = 	snop  }
0x6: {  	_ = 	snop  }
0x7: {  	_ = 	snop  }
__scs_overlays_trampoline_lowered:
0x8: {  	[smem:$0x3F92] =	sst s0  }
0x9: {  	[smem:$0x3F93] =	sst s1  }
0xa: {  	[smem:$0x3F94] =	sst s2  }
0xb: {  	[smem:$0x3F95] =	sst s3  }
0xc: {  	[smem:$0x3F96] =	sst s4  }
0xd: {  	[smem:$0x3F97] =	sst s5  }
0xe: {  	[smem:$0x3F98] =	sst s6  }
0xf: {  	[smem:$0x3F99] =	sst s7  }
0x10: {  	[smem:$0x3F9A] =	sst s8  }
0x11: {  	[smem:$0x3F9B] =	sst s9;
	s0 =	simm.s32 @!p0 $0x0  }
0x12: {  	s1 =	sld [smem:$0x3F81];
	s0 =	simm.s32 @p0 $0x1  }
0x13: {  	[smem:$0x3F9C] =	sst s0;
	s0 =	simm.s32 @!p1 $0x0  }
0x14: {  	s2 =	sld [smem:$0x3F80];
	s0 =	simm.s32 @p1 $0x1  }
0x15: {  	[smem:$0x3F9D] =	sst s0;
	s0 =	simm.s32 @!p2 $0x0  }
0x16: {  	s3 =	sld [smem:$0x3FDB];
	s0 =	simm.s32 @p2 $0x1  }
0x17: {  	s4 =	simm.s32 $0x1BF5;
	[smem:$0x3F9F] =	sst s0  }
0x18: {  	s0 =	sld [smem:$0x3F82];
	_ =	swait.ge [sflag:s4], $0x0  }
0x19: {  	s7 =	sld [smem:$0x3F83]  }
0x1a: {  	s8 =	sadd.s32 $0xFFFFE003, lr  }
0x1b: {  	s9 =	sadd.s32 $0xFFFFFEF7, lr;
	s5 =	simm.s32 $0xFFFFFFFF;
	p2 =	slt.u32 s8, $0xFFFFF086  }
0x1c: {  	p1 =	slt.u32 s9, $0xF7A;
	s5 =	simm.s32 @!p2 $0x0  }
0x1d: {  	s5 =	simm.s32 @p1 $0x1;
	p0 =	seq.s32 s7, s2  }
0x1e: {  	s7 =	smul.u32 @!p0 $0xF7A, s2;
	p2 =	seq.s32 @!p0 s5, $0x0  }
0x1f: {  	s9 =	smul.u32 $0xF7A, s1;
	s8 =	simm.s32 @!p0 $0x1BF5;
	p2 =	por !p2, p0  }
0x20: {  	[sflag:s8] =	ssyncset.s32 @!p0 $0xFFFFF086;
	s6 =	sadd.s32 @!p0 s3, s7;
	s7 =	simm.s32 @!p0 $0x108  }
0x21: {  	s3 =	sadd.s32 s3, s9;
	s6 =	sadd.s32 @!p0 $0x88, s6;
	s7 =	simm.s32 @p2 $0x1082  }
0x22: {  	[simem:s7], [sflag:s8] =	dma.local @!p0 [hbm:s6], $0xF7A  }
0x23: {  	s9 =	sor.u32 $0xD0000000, s2;
	s6 =	simm.s32 $0x108;
	_ =	swait.ge @!p0 [sflag:s8], $0x0  }
0x24: {  	s3 =	sadd.s32 $0x88, s3;
	s6 =	simm.s32 @!p1 $0x1082;
	[sflag:s4] =	ssyncset.s32 $0xFFFFF086  }
0x25: {  	[simem:s6], [sflag:s4] =	dma.local [hbm:s3], $0xF7A  }
0x26: {  	[smem:$0x3F83] =	sst s1;
	(tag) =	ssettag s2;
	_ =	strace s9  }
0x27: {  	s1 =	sld [smem:$0x3F93]  }
0x28: {  	s2 =	sld [smem:$0x3F94]  }
0x29: {  	s4 =	sld [smem:$0x3F96]  }
0x2a: {  	p0 =	seq.s32 s5, $0x0;
	s5 =	sld [smem:$0x3F97]  }
0x2b: {  	s6 =	sld [smem:$0x3F98]  }
0x2c: {  	s7 =	sld [smem:$0x3F99]  }
0x2d: {  	s3 =	simm.s32 $0x108;
	s8 =	sld [smem:$0x3F9A]  }
0x2e: {  	s3 =	simm.s32 @!p0 $0x1082;
	s9 =	sld [smem:$0x3F9B]  }
0x2f: {  	lr =	sadd.s32 s0, s3;
	s0 =	sld [smem:$0x3F92]  }
0x30: {  	s3 =	sld [smem:$0x3F95]  }
0x31: {  	[smem:$0x3F9E] =	sst s10  }
0x32: {  	s10 =	sld [smem:$0x3F9C];
	_ =	sdelay $0x3  }
0x33: {  	p0 =	seq.s32 s10, $0x1;
	s10 =	sld [smem:$0x3F9E];
	_ =	sdelay $0x3  }
0x34: {  	[smem:$0x3F9E] =	sst s10  }
0x35: {  	s10 =	sld [smem:$0x3F9D];
	_ =	sdelay $0x3  }
0x36: {  	p1 =	seq.s32 s10, $0x1;
	s10 =	sld [smem:$0x3F9E];
	_ =	sdelay $0x3  }
0x37: {  	[smem:$0x3F9E] =	sst s10  }
0x38: {  	s10 =	sld [smem:$0x3F9F]  }
0x39: {  	_ = 	snop;
	(pc) =	sbr.ind lr, $3  }
0x3a: {  	_ = 	snop  }
0x3b: {  	_ = 	snop  }
0x3c: {  	p2 =	seq.s32 s10, $0x1;
	s10 =	sld [smem:$0x3F9E]  }
0x3d: {  	_ =	shalt  }
0x3e: {  	_ =	shalt  }
0x3f: {  	_ =	shalt  }
0x40: {  	_ =	shalt  }
0x41: {  	_ =	shalt  }
0x42: {  	_ =	shalt  }
0x43: {  	_ =	shalt  }
0x44: {  	_ =	shalt  }
0x45: {  	_ =	shalt  }
0x46: {  	_ =	shalt  }
0x47: {  	_ =	shalt  }
0x48: {  	_ =	shalt  }
0x49: {  	_ =	shalt  }
0x4a: {  	_ =	shalt  }
0x4b: {  	_ =	shalt  }
0x4c: {  	_ =	shalt  }
0x4d: {  	_ =	shalt  }
0x4e: {  	_ =	shalt  }
0x4f: {  	_ =	shalt  }
0x50: {  	_ =	shalt  }
0x51: {  	_ =	shalt  }
0x52: {  	_ =	shalt  }
0x53: {  	_ =	shalt  }
0x54: {  	_ =	shalt  }
0x55: {  	_ =	shalt  }
0x56: {  	_ =	shalt  }
0x57: {  	_ =	shalt  }
0x58: {  	_ =	shalt  }
0x59: {  	_ =	shalt  }
0x5a: {  	_ =	shalt  }
0x5b: {  	_ =	shalt  }
0x5c: {  	_ =	shalt  }
0x5d: {  	_ =	shalt  }
0x5e: {  	_ =	shalt  }
0x5f: {  	_ =	shalt  }
0x60: {  	_ =	shalt  }
0x61: {  	_ =	shalt  }
0x62: {  	_ =	shalt  }
0x63: {  	_ =	shalt  }
0x64: {  	_ =	shalt  }
0x65: {  	_ =	shalt  }
0x66: {  	_ =	shalt  }
0x67: {  	_ =	shalt  }
0x68: {  	_ =	shalt  }
0x69: {  	_ =	shalt  }
0x6a: {  	_ =	shalt  }
0x6b: {  	_ =	shalt  }
0x6c: {  	_ =	shalt  }
0x6d: {  	_ =	shalt  }
0x6e: {  	_ =	shalt  }
0x6f: {  	_ =	shalt  }
0x70: {  	_ =	shalt  }
0x71: {  	_ =	shalt  }
0x72: {  	_ =	shalt  }
0x73: {  	_ =	shalt  }
0x74: {  	_ =	shalt  }
0x75: {  	_ =	shalt  }
0x76: {  	_ =	shalt  }
0x77: {  	_ =	shalt  }
0x78: {  	_ =	shalt  }
0x79: {  	_ =	shalt  }
0x7a: {  	_ =	shalt  }
0x7b: {  	_ =	shalt  }
0x7c: {  	_ =	shalt  }
0x7d: {  	_ =	shalt  }
0x7e: {  	_ =	shalt  }
0x7f: {  	_ =	shalt  }
0x80: {  	_ =	shalt  }
0x81: {  	_ =	shalt  }
0x82: {  	_ =	shalt  }
0x83: {  	_ =	shalt  }
0x84: {  	_ =	shalt  }
0x85: {  	_ =	shalt  }
0x86: {  	_ =	shalt  }
0x87: {  	_ =	shalt  }
.Lfunc_end0:
.L_simem_size_0:
called_computation.3_lowered:
.L_overlay_start_0:
0x88: {  	s2 =	sld [smem:$0x3FD9]  }
0x89: {  	s3 =	sld [smem:$0x3FFE];
	_ =	sdelay $0x1  }
0x8a: {  	s1 =	srdreg.scid  }
0x8b: {  	s0 =	sand.u32 $0x1, s1  }
0x8c: {  	s17 =	sshll.u32 s0, $0xA;
	s2 =	sadd.s32 s3, s2  }
0x8d: {  	s2 =	sadd.s32 s2, s17  }
0x8e: {  	[smem:$0x3FAA] =	sst s2  }
0x8f: {  	_ = 	snop  }
0x90: {  	s2 =	sld [smem:$0x3FC7]  }
0x91: {  	s18 =	sld [smem:$0x3FD0];
	(tm) =	ssettm $0x1  }
0x92: {  	s4 =	sld [smem:$0x3FFB];
	_ =	sdelay $0x3  }
0x93: {  	_ =	strace s4  }
0x94: {  	s4 =	sld [smem:$0x3FFC];
	_ =	sdelay $0x3  }
0x95: {  	_ =	strace s4  }
0x96: {  	s4 =	sld [smem:$0x3FFD];
	_ =	sdelay $0x3  }
0x97: {  	_ =	strace s4  }
0x98: {  	_ =	strace $0x8FFFFFFF  }
0x99: {  	s19 =	sld [smem:$0x3FDB];
	_ =	sdelay $0x1  }
0x9a: {  	s5 =	simm.s32 $_scs_section_size  }
0x9b: {  	s6 =	simm.s32 $_size__tile_overlayer_lowered;
	s7 =	simm.s32 $_tile_overlayer_lowered  }
0x9c: {  	s22 =	simm.s32 $0x1BFF;
	s21 =	sshll.u32 s7, $0x1;
	s4 =	sadd.s32 s5, s19  }
0x9d: {  	s8 =	simm.s32 $0x0;
	s20 =	sshll.u32 s6, $0x1;
	s6 =	sadd.s32 s21, s4  }
0x9e: {  	[timem:s8], [sflag:s22] =	dma.local [hbm:s6], s20  }
0x9f: {  	_ =	swait.ge [sflag:s22], s20  }
0xa0: {  	s5 =	ssub.s32 $0x0, s20;
	[sflag:s22] =	ssyncset.done $0x0  }
0xa1: {  	[sflag:s22] =	ssyncadd.s32 s5;
	_ =	sdelay $0x1  }
0xa2: {  	s23 =	simm.s32 $0x1B8B  }
0xa3: {  	_ =	swait.ge [sflag:s23], $0x1  }
0xa4: {  	[sflag:s23] =	ssyncset.done $0x0  }
0xa5: {  	s25 =	simm.s32 $0x1B8E;
	s24 =	sld [smem:$0x3FFE];
	[sflag:s23] =	ssyncadd.s32 $0xFFFFFFFF  }
0xa6: {  	s26 =	simm.s32 $execute0_lowered;
	[smem:$0x3FD2] =	sst s25  }
0xa7: {  	s6 =	sshll.u32 s26, $0x1;
	_ =	strace $0x8000004F;
	[dreg:$0x1] =	wrdreg $0xFFFFFFFF  }
0xa8: {  	s28 =	simm.s32 $_size_execute0_lowered;
	s4 =	sadd.s32 s4, s6;
	[dreg:$0x0] =	wrdreg $0x0  }
0xa9: {  	s6 =	sshll.u32 s28, $0x1;
	[dreg:$0x2] =	wrdreg s4  }
0xaa: {  	[dreg:$0x3] =	wrdreg s6  }
0xab: {  	[dreg:$0x4] =	wrdreg $0xC0  }
0xac: {  	_ =	task [dreg:s8], $0x5FFFF  }
0xad: {  	[dreg:$0x1] =	wrdreg $0xFFFFFFFF  }
0xae: {  	[dreg:$0x0] =	wrdreg $0x60  }
0xaf: {  	[dreg:$0x2] =	wrdreg s24  }
0xb0: {  	[dreg:$0x3] =	wrdreg s2  }
0xb1: {  	[dreg:$0x4] =	wrdreg s18  }
0xb2: {  	[dreg:$0x5] =	wrdreg $0x9  }
0xb3: {  	_ =	task.clear_ibuf [dreg:s8], $0x6FFFF;
	_ =	strace $0x9000004F  }
0xb4: {  	s29 =	simm.s32 $0x9;
	_ =	strace $0x80000051  }
0xb5: {  	_ =	swait.ge [sflag:s29], $0x1  }
0xb6: {  	[sflag:s29] =	ssyncadd.s32 $0xFFFFFFFF  }
0xb7: {  	_ =	strace $0x90000051  }
0xb8: {  	_ =	sfence  }
0xb9: {  	s30 =	sld [smem:$0x0];
	_ =	sdelay $0x2  }
0xba: {  	s31 =	sshll.u32 s1, $0xD;
	s1 =	sshrl.u32 s1, $0x2  }
0xbb: {  	s3 =	sand.u32 $0x4000, s31;
	s1 =	sadd.s32 s1, s30  }
0xbc: {  	s0 =	sor.u32 s3, s0;
	s1 =	sshll.u32 s1, $0x11  }
0xbd: {  	s0 =	sor.u32 s1, s0  }
0xbe: {  	s0 =	sadd.s32 $0x8F2B, s0  }
0xbf: {  	[sflag:s0] =	ssyncadd.remote.s32 $0x1  }
0xc0: {  	_ =	sfence.sel $0xFFFF  }
0xc1: {  	[dreg:$0x0] =	wrdreg $0xFFFFFFFF;
	(pc) =	sbr.abs _section_cstart, $3  }
0xc2: {  	[dreg:$0x1] =	wrdreg $0xFFFFFFFF  }
0xc3: {  	_ =	task.clear_ibuf [dreg:s8], $0x2FFFF;
	_ =	strace $0x9FFFFFFF  }
0xc4: {  	(tm) =	ssettm $0x7FFFFFFF  }
0xc5: {  	_ =	shalt  }
tec
execute0_lowered:
.L_overlay_start_1:
0x0: {  	(tag) =	ssettag $0x1  }
0x1: {  	s5 =	rddreg [dreg:$0x0]  }
0x2: {  	s1 =	srdreg.scid;
	s3 =	rddreg [dreg:$0x1]  }
0x3: {  	s0 =	stileid.u32;
	s8 =	rddreg [dreg:$0x2];
	s6 =	sand.u32 $0x1, s1  }
0x4: {  	s2 =	simm.s32 $0x0;
	s4 =	sshll.u32 s0, $0x6;
	s7 =	sshll.u32 s6, $0x5  }
0x5: {  	[smem:$0x7FF] =	sst s2;
	s9 =	sor.u32 s7, s4  }
0x6: {  	s1 =	rddreg [dreg:$0x3];
	_ =	strace $0x80000050;
	s4 =	sshrl.u32 s9, $0x3  }
0x7: {  	s10 =	ssub.s32 $0x2, s6;
	s4 =	sadd.s32 s3, s4;
	s3 =	simm.s32 $0x2  }
0x8: {  	[tilespmem:s2], [sflag:$0x2] =	stream.linear.gather [hbm4b:s4+s2], $0x20, $0x38;
	[tilespmem:$0x1020] =	vst v63  }
0x9: {  	s5 =	sadd.s32 $0x23C00, s5;
	s11 =	sshrl.u32 s10, $0x1;
	_ =	swait.ge [sflag:s3], $0x20  }
0xa: {  	s6 =	simm.s32 $0x20;
	s10 =	ssub.s32 s10, s11;
	[sflag:s3] =	ssyncset.done $0x0  }
0xb: {  	s7 =	simm.s32 $0x1;
	s31 =	smax.u32 s10, $0x1;
	[sflag:s3] =	ssyncadd.s32 $0xFFFFFFE0  }
0xc: {  	[tilespmem:s6], [sflag:$0x1] =	stream.indirect.gather [hbm4b:s5+s6], $0x80, s2, s6, $0xb8;
	[tilespmem:$0x1020] =	vst v63  }
0xd: {  	p0 =	sne.s32 s31, $0x1;
	_ =	swait.ge [sflag:s7], $0x1000  }
.Ltmp0:
0xe: {  	s9 =	sshll.u32 s9, $0x4;
	[sflag:s7] =	ssyncset.done $0x0;
	(pc) =	sbr.rel @!p0 .LBB2_2-.Ltmp0, $4  }
0xf: {  	s8 =	sadd.s32 s8, s9;
	[sflag:s7] =	ssyncadd.s32 $0xFFFFF000  }
0x10: {  	[hbm4b:s8+s2] =	stream.linear.scatter [tilespmem:s6], [sflag:$0x2], $0x1000, $0x38;
	[tilespmem:$0x1020] =	vst v63  }
0x11: {  	_ =	swait.ge [sflag:s3], $0x1000  }
0x12: {  	s9 =	sadd.s32 $0xFFFFFFFF, s31;
	[sflag:s3] =	ssyncset.done $0x0  }
.LBB2_1:
0x13: {  	p0 =	sne.s32 s9, $0x1;
	s9 =	sadd.s32 $0xFFFFFFFF, s9;
	[sflag:s3] =	ssyncadd.s32 $0xFFFFF000  }
0x14: {  	[tilespmem:s2], [sflag:$0x2] =	stream.linear.gather [hbm4b:s4+s2], $0x20, $0x38;
	[tilespmem:$0x1020] =	vst v63  }
0x15: {  	_ =	swait.ge [sflag:s3], $0x20  }
0x16: {  	[sflag:s3] =	ssyncset.done $0x0  }
0x17: {  	[sflag:s3] =	ssyncadd.s32 $0xFFFFFFE0  }
0x18: {  	[tilespmem:s6], [sflag:$0x1] =	stream.indirect.gather [hbm4b:s5+s6], $0x80, s2, s6, $0xb8;
	[tilespmem:$0x1020] =	vst v63  }
0x19: {  	_ =	swait.ge [sflag:s7], $0x1000  }
.Ltmp1:
0x1a: {  	[sflag:s7] =	ssyncset.done $0x0;
	(pc) =	sbr.rel @p0 .LBB2_1-.Ltmp1, $4  }
0x1b: {  	[sflag:s7] =	ssyncadd.s32 $0xFFFFF000  }
0x1c: {  	[hbm4b:s8+s2] =	stream.linear.scatter [tilespmem:s6], [sflag:$0x2], $0x1000, $0x38;
	[tilespmem:$0x1020] =	vst v63  }
0x1d: {  	_ =	swait.ge [sflag:s3], $0x1000  }
0x1e: {  	[sflag:s3] =	ssyncset.done $0x0  }
.LBB2_2:
0x1f: {  	[sflag:s3] =	ssyncadd.s32 $0xFFFFF000  }
0x20: {  	_ =	sfence.sel $0x180000  }
0x21: {  	[bflag:$0x0] =	sbarrier.arrive $0xFFFF  }
0x22: {  	p0 =	sne.s32 s0, $0x0;
	_ =	strace $0x90000050  }
0x23: {  	s0 =	sadd.s32 @!p0 $0x100000, s1;
	[bflag:$0x2] =	sbarrier.arrive $0xFFFF  }
0x24: {  	[sflag:s0] =	ssyncadd.tile.s32 @!p0 $0x1;
	_ =	shalt  }
.Lfunc_end2:
_tile_overlayer_lowered:
.L_overlay_start_2:
0x25: {  	(tag) =	ssettag $0x2  }
0x26: {  	s0 =	rddreg [dreg:$0x0];
	s2 =	stileid.u32  }
0x27: {  	s1 =	rddreg [dreg:$0x1];
	p0 =	sne.s32 s2, $0x0  }
0x28: {  	s3 =	rddreg [dreg:$0x2];
	[bflag:$0x3] =	sbarrier.arrive $0xFFFF;
	s2 =	simm.s32 @!p0 $0x1C02  }
0x29: {  	[timem:s3], [sflag:s2] =	dma.local @!p0 [hbm:s0], s1  }
0x2a: {  	s0 =	simm.s32 @!p0 $0x2  }
0x2b: {  	_ =	swait.ge @!p0 [sflag:s0], s1  }
0x2c: {  	s1 =	ssub.s32 @!p0 $0x0, s1;
	[sflag:s0] =	ssyncset.done @!p0 $0x0  }
0x2d: {  	[sflag:s0] =	ssyncadd.s32 @!p0 s1  }
0x2e: {  	[bflag:$0x3] =	sbarrier.arrive $0xFFFF  }
0x2f: {  	_ =	shalt  }

// kernel: kernel.9.cloned.1.call-start
scs
__scs_entry_jumppad:
0x0: {  	(pc) =	sbr.rel $0x88, $3  }
0x1: {  	(tag) =	ssettag $0x0;
	lr =	simm.s32 $0x1  }
0x2: {  	[smem:$0x3F83] =	sst lr;
	_ =	strace $0xD0000000  }
0x3: {  	_ = 	snop  }
0x4: {  	_ = 	snop  }
0x5: {  	_ = 	snop  }
0x6: {  	_ = 	snop  }
0x7: {  	_ = 	snop  }
__scs_overlays_trampoline_lowered:
0x8: {  	[smem:$0x3F92] =	sst s0  }
0x9: {  	[smem:$0x3F93] =	sst s1  }
0xa: {  	[smem:$0x3F94] =	sst s2  }
0xb: {  	[smem:$0x3F95] =	sst s3  }
0xc: {  	[smem:$0x3F96] =	sst s4  }
0xd: {  	[smem:$0x3F97] =	sst s5  }
0xe: {  	[smem:$0x3F98] =	sst s6  }
0xf: {  	[smem:$0x3F99] =	sst s7  }
0x10: {  	[smem:$0x3F9A] =	sst s8  }
0x11: {  	[smem:$0x3F9B] =	sst s9;
	s0 =	simm.s32 @!p0 $0x0  }
0x12: {  	s1 =	sld [smem:$0x3F81];
	s0 =	simm.s32 @p0 $0x1  }
0x13: {  	[smem:$0x3F9C] =	sst s0;
	s0 =	simm.s32 @!p1 $0x0  }
0x14: {  	s2 =	sld [smem:$0x3F80];
	s0 =	simm.s32 @p1 $0x1  }
0x15: {  	[smem:$0x3F9D] =	sst s0;
	s0 =	simm.s32 @!p2 $0x0  }
0x16: {  	s3 =	sld [smem:$0x3FDB];
	s0 =	simm.s32 @p2 $0x1  }
0x17: {  	s4 =	simm.s32 $0x1BF5;
	[smem:$0x3F9F] =	sst s0  }
0x18: {  	s0 =	sld [smem:$0x3F82];
	_ =	swait.ge [sflag:s4], $0x0  }
0x19: {  	s7 =	sld [smem:$0x3F83]  }
0x1a: {  	s8 =	sadd.s32 $0xFFFFE003, lr  }
0x1b: {  	s9 =	sadd.s32 $0xFFFFFEF7, lr;
	s5 =	simm.s32 $0xFFFFFFFF;
	p2 =	slt.u32 s8, $0xFFFFF086  }
0x1c: {  	p1 =	slt.u32 s9, $0xF7A;
	s5 =	simm.s32 @!p2 $0x0  }
0x1d: {  	s5 =	simm.s32 @p1 $0x1;
	p0 =	seq.s32 s7, s2  }
0x1e: {  	s7 =	smul.u32 @!p0 $0xF7A, s2;
	p2 =	seq.s32 @!p0 s5, $0x0  }
0x1f: {  	s9 =	smul.u32 $0xF7A, s1;
	s8 =	simm.s32 @!p0 $0x1BF5;
	p2 =	por !p2, p0  }
0x20: {  	[sflag:s8] =	ssyncset.s32 @!p0 $0xFFFFF086;
	s6 =	sadd.s32 @!p0 s3, s7;
	s7 =	simm.s32 @!p0 $0x108  }
0x21: {  	s3 =	sadd.s32 s3, s9;
	s6 =	sadd.s32 @!p0 $0x88, s6;
	s7 =	simm.s32 @p2 $0x1082  }
0x22: {  	[simem:s7], [sflag:s8] =	dma.local @!p0 [hbm:s6], $0xF7A  }
0x23: {  	s9 =	sor.u32 $0xD0000000, s2;
	s6 =	simm.s32 $0x108;
	_ =	swait.ge @!p0 [sflag:s8], $0x0  }
0x24: {  	s3 =	sadd.s32 $0x88, s3;
	s6 =	simm.s32 @!p1 $0x1082;
	[sflag:s4] =	ssyncset.s32 $0xFFFFF086  }
0x25: {  	[simem:s6], [sflag:s4] =	dma.local [hbm:s3], $0xF7A  }
0x26: {  	[smem:$0x3F83] =	sst s1;
	(tag) =	ssettag s2;
	_ =	strace s9  }
0x27: {  	s1 =	sld [smem:$0x3F93]  }
0x28: {  	s2 =	sld [smem:$0x3F94]  }
0x29: {  	s4 =	sld [smem:$0x3F96]  }
0x2a: {  	p0 =	seq.s32 s5, $0x0;
	s5 =	sld [smem:$0x3F97]  }
0x2b: {  	s6 =	sld [smem:$0x3F98]  }
0x2c: {  	s7 =	sld [smem:$0x3F99]  }
0x2d: {  	s3 =	simm.s32 $0x108;
	s8 =	sld [smem:$0x3F9A]  }
0x2e: {  	s3 =	simm.s32 @!p0 $0x1082;
	s9 =	sld [smem:$0x3F9B]  }
0x2f: {  	lr =	sadd.s32 s0, s3;
	s0 =	sld [smem:$0x3F92]  }
0x30: {  	s3 =	sld [smem:$0x3F95]  }
0x31: {  	[smem:$0x3F9E] =	sst s10  }
0x32: {  	s10 =	sld [smem:$0x3F9C];
	_ =	sdelay $0x3  }
0x33: {  	p0 =	seq.s32 s10, $0x1;
	s10 =	sld [smem:$0x3F9E];
	_ =	sdelay $0x3  }
0x34: {  	[smem:$0x3F9E] =	sst s10  }
0x35: {  	s10 =	sld [smem:$0x3F9D];
	_ =	sdelay $0x3  }
0x36: {  	p1 =	seq.s32 s10, $0x1;
	s10 =	sld [smem:$0x3F9E];
	_ =	sdelay $0x3  }
0x37: {  	[smem:$0x3F9E] =	sst s10  }
0x38: {  	s10 =	sld [smem:$0x3F9F]  }
0x39: {  	_ = 	snop;
	(pc) =	sbr.ind lr, $3  }
0x3a: {  	_ = 	snop  }
0x3b: {  	_ = 	snop  }
0x3c: {  	p2 =	seq.s32 s10, $0x1;
	s10 =	sld [smem:$0x3F9E]  }
0x3d: {  	_ =	shalt  }
0x3e: {  	_ =	shalt  }
0x3f: {  	_ =	shalt  }
0x40: {  	_ =	shalt  }
0x41: {  	_ =	shalt  }
0x42: {  	_ =	shalt  }
0x43: {  	_ =	shalt  }
0x44: {  	_ =	shalt  }
0x45: {  	_ =	shalt  }
0x46: {  	_ =	shalt  }
0x47: {  	_ =	shalt  }
0x48: {  	_ =	shalt  }
0x49: {  	_ =	shalt  }
0x4a: {  	_ =	shalt  }
0x4b: {  	_ =	shalt  }
0x4c: {  	_ =	shalt  }
0x4d: {  	_ =	shalt  }
0x4e: {  	_ =	shalt  }
0x4f: {  	_ =	shalt  }
0x50: {  	_ =	shalt  }
0x51: {  	_ =	shalt  }
0x52: {  	_ =	shalt  }
0x53: {  	_ =	shalt  }
0x54: {  	_ =	shalt  }
0x55: {  	_ =	shalt  }
0x56: {  	_ =	shalt  }
0x57: {  	_ =	shalt  }
0x58: {  	_ =	shalt  }
0x59: {  	_ =	shalt  }
0x5a: {  	_ =	shalt  }
0x5b: {  	_ =	shalt  }
0x5c: {  	_ =	shalt  }
0x5d: {  	_ =	shalt  }
0x5e: {  	_ =	shalt  }
0x5f: {  	_ =	shalt  }
0x60: {  	_ =	shalt  }
0x61: {  	_ =	shalt  }
0x62: {  	_ =	shalt  }
0x63: {  	_ =	shalt  }
0x64: {  	_ =	shalt  }
0x65: {  	_ =	shalt  }
0x66: {  	_ =	shalt  }
0x67: {  	_ =	shalt  }
0x68: {  	_ =	shalt  }
0x69: {  	_ =	shalt  }
0x6a: {  	_ =	shalt  }
0x6b: {  	_ =	shalt  }
0x6c: {  	_ =	shalt  }
0x6d: {  	_ =	shalt  }
0x6e: {  	_ =	shalt  }
0x6f: {  	_ =	shalt  }
0x70: {  	_ =	shalt  }
0x71: {  	_ =	shalt  }
0x72: {  	_ =	shalt  }
0x73: {  	_ =	shalt  }
0x74: {  	_ =	shalt  }
0x75: {  	_ =	shalt  }
0x76: {  	_ =	shalt  }
0x77: {  	_ =	shalt  }
0x78: {  	_ =	shalt  }
0x79: {  	_ =	shalt  }
0x7a: {  	_ =	shalt  }
0x7b: {  	_ =	shalt  }
0x7c: {  	_ =	shalt  }
0x7d: {  	_ =	shalt  }
0x7e: {  	_ =	shalt  }
0x7f: {  	_ =	shalt  }
0x80: {  	_ =	shalt  }
0x81: {  	_ =	shalt  }
0x82: {  	_ =	shalt  }
0x83: {  	_ =	shalt  }
0x84: {  	_ =	shalt  }
0x85: {  	_ =	shalt  }
0x86: {  	_ =	shalt  }
0x87: {  	_ =	shalt  }
.Lfunc_end0:
.L_simem_size_0:
called_computation_lowered:
.L_overlay_start_0:
0x88: {  	s2 =	sld [smem:$0x3FD9]  }
0x89: {  	s3 =	sld [smem:$0x3FFE];
	_ =	sdelay $0x1  }
0x8a: {  	s1 =	srdreg.scid  }
0x8b: {  	s0 =	sand.u32 $0x1, s1  }
0x8c: {  	s16 =	sshll.u32 s0, $0xA;
	s2 =	sadd.s32 s3, s2  }
0x8d: {  	s2 =	sadd.s32 s2, s16  }
0x8e: {  	[smem:$0x3FAA] =	sst s2  }
0x8f: {  	_ = 	snop  }
0x90: {  	(tm) =	ssettm $0x1  }
0x91: {  	s17 =	sld [smem:$0x3FFB];
	_ =	sdelay $0x3  }
0x92: {  	_ =	strace s17  }
0x93: {  	s2 =	sld [smem:$0x3FFC];
	_ =	sdelay $0x3  }
0x94: {  	_ =	strace s2  }
0x95: {  	s2 =	sld [smem:$0x3FFD];
	_ =	sdelay $0x3  }
0x96: {  	_ =	strace s2  }
0x97: {  	_ =	strace $0x8FFFFFFF  }
0x98: {  	s18 =	sld [smem:$0x3FDB];
	_ =	sdelay $0x1  }
0x99: {  	s19 =	simm.s32 $_scs_section_size  }
0x9a: {  	s4 =	simm.s32 $_size__tile_overlayer_lowered;
	s5 =	simm.s32 $_tile_overlayer_lowered  }
0x9b: {  	s22 =	simm.s32 $0x1BFF;
	s21 =	sshll.u32 s5, $0x1;
	s2 =	sadd.s32 s19, s18  }
0x9c: {  	s6 =	simm.s32 $0x0;
	s20 =	sshll.u32 s4, $0x1;
	s4 =	sadd.s32 s21, s2  }
0x9d: {  	[timem:s6], [sflag:s22] =	dma.local [hbm:s4], s20  }
0x9e: {  	_ =	swait.ge [sflag:s22], s20  }
0x9f: {  	s3 =	ssub.s32 $0x0, s20;
	[sflag:s22] =	ssyncset.done $0x0  }
0xa0: {  	[sflag:s22] =	ssyncadd.s32 s3;
	_ =	sdelay $0x1  }
0xa1: {  	s23 =	simm.s32 $0x1B8B  }
0xa2: {  	_ =	swait.ge [sflag:s23], $0x1  }
0xa3: {  	[sflag:s23] =	ssyncset.done $0x0  }
0xa4: {  	s25 =	simm.s32 $0x1B8E;
	s24 =	sld [smem:$0x3FFE];
	[sflag:s23] =	ssyncadd.s32 $0xFFFFFFFF  }
0xa5: {  	s26 =	simm.s32 $execute0_lowered;
	[smem:$0x3FD2] =	sst s25  }
0xa6: {  	s4 =	sshll.u32 s26, $0x1;
	_ =	strace $0x80000046;
	[dreg:$0x1] =	wrdreg $0xFFFFFFFF  }
0xa7: {  	s28 =	simm.s32 $_size_execute0_lowered;
	s2 =	sadd.s32 s2, s4;
	[dreg:$0x0] =	wrdreg $0x0  }
0xa8: {  	s4 =	sshll.u32 s28, $0x1;
	[dreg:$0x2] =	wrdreg s2  }
0xa9: {  	[dreg:$0x3] =	wrdreg s4  }
0xaa: {  	[dreg:$0x4] =	wrdreg $0xC0  }
0xab: {  	_ =	task [dreg:s6], $0x5FFFF  }
0xac: {  	[dreg:$0x1] =	wrdreg $0xFFFFFFFF  }
0xad: {  	[dreg:$0x0] =	wrdreg $0x60  }
0xae: {  	[dreg:$0x2] =	wrdreg s24  }
0xaf: {  	[dreg:$0x3] =	wrdreg $0x9  }
0xb0: {  	_ =	task.clear_ibuf [dreg:s6], $0x4FFFF;
	_ =	strace $0x90000046  }
0xb1: {  	s29 =	simm.s32 $0x9;
	_ =	strace $0x80000048  }
0xb2: {  	_ =	swait.ge [sflag:s29], $0x1  }
0xb3: {  	[sflag:s29] =	ssyncadd.s32 $0xFFFFFFFF  }
0xb4: {  	_ =	strace $0x90000048  }
0xb5: {  	_ =	sfence  }
0xb6: {  	s30 =	sld [smem:$0x0];
	_ =	sdelay $0x2  }
0xb7: {  	s31 =	sshll.u32 s1, $0xD;
	s1 =	sshrl.u32 s1, $0x2  }
0xb8: {  	s3 =	sand.u32 $0x4000, s31;
	s1 =	sadd.s32 s1, s30  }
0xb9: {  	s0 =	sor.u32 s3, s0;
	s1 =	sshll.u32 s1, $0x11  }
0xba: {  	s0 =	sor.u32 s1, s0  }
0xbb: {  	s0 =	sadd.s32 $0x8F2B, s0  }
0xbc: {  	[sflag:s0] =	ssyncadd.remote.s32 $0x1  }
0xbd: {  	_ =	sfence.sel $0xFFFF  }
0xbe: {  	[dreg:$0x0] =	wrdreg $0xFFFFFFFF;
	(pc) =	sbr.abs _section_cstart, $3  }
0xbf: {  	[dreg:$0x1] =	wrdreg $0xFFFFFFFF  }
0xc0: {  	_ =	task.clear_ibuf [dreg:s6], $0x2FFFF;
	_ =	strace $0x9FFFFFFF  }
0xc1: {  	(tm) =	ssettm $0x7FFFFFFF  }
tec
execute0_lowered:
.L_overlay_start_1:
0x0: {  	(tag) =	ssettag $0x1  }
0x1: {  	s1 =	srdreg.scid;
	s0 =	stileid.u32  }
0x2: {  	s3 =	rddreg [dreg:$0x0];
	s2 =	simm.s32 $0x0;
	s8 =	simm.s32 $0x0  }
0x3: {  	s4 =	sand.u32 $0x1, s1;
	s5 =	sshll.u32 s0, $0x1;
	s1 =	rddreg [dreg:$0x1]  }
0x4: {  	[smem:$0x7FF] =	sst s2;
	s5 =	sor.u32 s4, s5;
	s4 =	ssub.s32 $0x2, s4  }
0x5: {  	s6 =	smul.u32 $0x3E2, s5;
	s5 =	sshll.u32 s5, $0x9;
	s7 =	sshrl.u32 s4, $0x1  }
0x6: {  	_ =	strace $0x80000047;
	s5 =	sadd.s32 s5, s3;
	s7 =	ssub.s32 s4, s7  }
0x7: {  	s6 =	sadd.s32 s6, s3;
	s4 =	sadd.s32 $0xB600, s5;
	s5 =	smax.u32 s7, $0x1  }
0x8: {  	v0 =	vimm.f32 $0.0e+00;
	v1 =	vimm.f32 $1.000000000e+00;
	s7 =	simm.s32 $0x1;
	s3 =	sadd.s32 $0x3800, s6;
	s6 =	simm.s32 $0x1000  }
.LBB2_1:
0x9: {  	s9 =	simm.s32 $0x40;
	s10 =	simm.s32 $0x0  }
.LBB2_2:
0xa: {  	p0 =	sne.s32 s9, $0x3FC0;
	[tilespmem:s10+$0x0] =	vst v0;
	s10 =	smov.u32 s9;
	s9 =	sadd.s32 $0x40, s9  }
.Ltmp0:
0xb: {  	(pc) =	sbr.rel @p0 .LBB2_2-.Ltmp0, $2  }
0xc: {  	_ =	sdelay $0x2  }
0xd: {  	s10 =	sshra.s32 s10, $0x2  }
0xe: {  	[tilespmem:s10+$0x0] =	vst v0;
	s9 =	simm.s32 $0x0  }
0xf: {  	[tilespmem:s6], [sflag:$0x1] =	stream.linear.gather [hbm4b:s3+s9], $0x1F10, $0x38;
	[tilespmem:$0x2F10] =	vst v63  }
0x10: {  	_ =	swait.ge [sflag:s7], $0x1F10  }
0x11: {  	[sflag:s7] =	ssyncset.done $0x0  }
0x12: {  	s10 =	simm.s32 $0x0;
	s9 =	simm.s32 $0x40;
	[sflag:s7] =	ssyncadd.s32 $0xFFFFE0F0  }
.LBB2_4:
0x13: {  	p0 =	sne.s32 s9, $0x7C00;
	v2 =	vld [tilespmem:s10+$0x1000];
	_ =	sdelay $0x3  }
.Ltmp1:
0x14: {  	(pc) =	sbr.rel @p0 .LBB2_4-.Ltmp1, $2  }
0x15: {  	_ =	sdelay $0x2  }
0x16: {  	s10 =	sshra.s32 s9, $0x2;
	s9 =	sadd.s32 $0x40, s9;
	[tilespmem:v2+s2+$0x0] =	vst.idx.add.f32.msk $0xffff, v1  }
0x17: {  	v2 =	vld [tilespmem:s10+$0x1000];
	_ =	sdelay $0x5  }
0x18: {  	s8 =	sadd.s32 $0x1, s8  }
0x19: {  	p0 =	sne.s32 s8, s5  }
.Ltmp2:
0x1a: {  	[tilespmem:v2+s2+$0x0] =	vst.idx.add.f32.msk $0xffff, v1;
	(pc) =	sbr.rel @p0 .LBB2_1-.Ltmp2, $4  }
0x1b: {  	[hbm4b:s4+s2] =	stream.linear.scatter [tilespmem:s2], [sflag:$0x1], $0x1000, $0x38;
	[tilespmem:$0x2F10] =	vst v63  }
0x1c: {  	_ =	swait.ge [sflag:s7], $0x1000  }
0x1d: {  	[sflag:s7] =	ssyncset.done $0x0  }
0x1e: {  	[sflag:s7] =	ssyncadd.s32 $0xFFFFF000  }
0x1f: {  	_ =	sfence.sel $0x180000  }
0x20: {  	[bflag:$0x0] =	sbarrier.arrive $0xFFFF  }
0x21: {  	p0 =	sne.s32 s0, $0x0;
	_ =	strace $0x90000047  }
0x22: {  	s0 =	sadd.s32 @!p0 $0x100000, s1;
	[bflag:$0x2] =	sbarrier.arrive $0xFFFF  }
0x23: {  	[sflag:s0] =	ssyncadd.tile.s32 @!p0 $0x1;
	_ =	shalt  }
.Lfunc_end2:
_tile_overlayer_lowered:
.L_overlay_start_2:
0x24: {  	(tag) =	ssettag $0x2  }
0x25: {  	s0 =	rddreg [dreg:$0x0];
	s2 =	stileid.u32  }
0x26: {  	s1 =	rddreg [dreg:$0x1];
	p0 =	sne.s32 s2, $0x0  }
0x27: {  	s3 =	rddreg [dreg:$0x2];
	[bflag:$0x3] =	sbarrier.arrive $0xFFFF;
	s2 =	simm.s32 @!p0 $0x1C01  }
0x28: {  	[timem:s3], [sflag:s2] =	dma.local @!p0 [hbm:s0], s1  }
0x29: {  	s0 =	simm.s32 @!p0 $0x1  }
0x2a: {  	_ =	swait.ge @!p0 [sflag:s0], s1  }
0x2b: {  	s1 =	ssub.s32 @!p0 $0x0, s1;
	[sflag:s0] =	ssyncset.done @!p0 $0x0  }
0x2c: {  	[sflag:s0] =	ssyncadd.s32 @!p0 s1  }
0x2d: {  	[bflag:$0x3] =	sbarrier.arrive $0xFFFF  }
0x2e: {  	_ =	shalt  }

</sc_bundles>
